<compile_context>
chip_gen: v7x
topology: tpu7x:2x2x1
jax: 0.10.2.dev20260603
libtpu: 0.0.44.dev20260713+nightly
codegen_flags: <defaults>
</compile_context>

<pallas_src>
import functools

import jax
import jax.numpy as jnp
from jax import lax
from jax.experimental import pallas as pl
from jax.experimental.pallas import tpu as pltpu
from jax.experimental.pallas import tpu_sc as plsc

BATCH = 4096
SEQ = 200
D = 64
TABP = 1024

_info = plsc.get_sparse_core_info()
_NC, _NS = _info.num_cores, _info.num_subcores
NW = _NC * _NS
BBLK = BATCH // NW

_mesh = plsc.VectorSubcoreMesh(core_axis_name="c", subcore_axis_name="s")


@functools.partial(
    pl.kernel,
    out_type=jax.ShapeDtypeStruct((SEQ, 8, NW, 8, 128), jnp.float32),
    mesh=_mesh,
    scratch_types=[
        pltpu.VMEM((SEQ, BBLK), jnp.int32),
        pltpu.VMEM((D, TABP), jnp.float32),
        pltpu.VMEM((2, 8, 8, BBLK), jnp.float32),
        pltpu.VMEM((2, 8, 8, BBLK), jnp.float32),
        pltpu.SemaphoreType.DMA,
        pltpu.SemaphoreType.DMA,
    ],
    compiler_params=pltpu.CompilerParams(
        use_tc_tiling_on_sc=False, needs_layout_passes=False
    ),
)
def _embed(idx_hbm, table_hbm, out_hbm, idx_v, tab_v, ob0, ob1, sw0, sw1):
    wid = lax.axis_index("s") * _NC + lax.axis_index("c")
    obuf = (ob0, ob1)
    sw = (sw0, sw1)

    pltpu.sync_copy(idx_hbm.at[:, pl.ds(wid * BBLK, BBLK)], idx_v)
    pltpu.sync_copy(table_hbm, tab_v)

    def compute(p, b):
        ob = obuf[b]
        for j in range(2):
            s = 2 * p + j
            idxs = [idx_v[s, pl.ds(16 * k, 16)] for k in range(BBLK // 16)]

            @plsc.parallel_loop(0, D, unroll=4)
            def _d(d):
                dfull = jnp.full((16,), d, jnp.int32)
                for k in range(BBLK // 16):
                    v = plsc.load_gather(tab_v, [dfull, idxs[k]])
                    ob[j, d // 8, d % 8, pl.ds(16 * k, 16)] = v

    def wb_start(p, b):
        pltpu.async_copy(obuf[b], out_hbm.at[pl.ds(2 * p, 2), :, wid], sw[b])

    def wb_wait(p, b):
        pltpu.make_async_copy(obuf[b], out_hbm.at[pl.ds(2 * p, 2), :, wid], sw[b]).wait()

    NPAIR = SEQ // 2

    for b in range(2):
        compute(b, b)
        wb_start(b, b)

    def body(g, carry):
        for b in range(2):
            p = 2 * g + b
            wb_wait(p - 2, b)
            compute(p, b)
            wb_start(p, b)
        return carry

    lax.fori_loop(1, NPAIR // 2, body, 0)

    wb_wait(NPAIR - 2, 0)
    wb_wait(NPAIR - 1, 1)


def kernel(word_sequences, embedding_weight):
    idx_t = word_sequences.T
    tab_t = jnp.pad(embedding_weight.T, ((0, 0), (0, TABP - embedding_weight.shape[0])))
    out5 = _embed(idx_t, tab_t)
    return out5.transpose(2, 4, 0, 1, 3).reshape(BATCH, SEQ, D)

# --- scband reference (transcript-rebuilt; emitter-appended) ---
"""Pipeline reference for scband-word-embeddings-lexer-59863254172434 (READ-ONLY COPY).

The authoritative reference and input builder live on the scoring server;
editing this copy changes nothing except your own understanding.
"""

import jax, jax.numpy as jnp
import numpy as np

VOCAB = 1000
EMBED_DIM = 64
BATCH = 4096
SEQ = 200

def setup_inputs(seed: int = 0) -> dict:
    key = jax.random.key(seed)
    k1, k2 = jax.random.split(key)
    # token id 0 is the padding index; vocabulary ids are 1..VOCAB
    word_sequences = jax.random.randint(k1, (BATCH, SEQ), 0, VOCAB + 1, dtype=jnp.int32)
    embedding_weight = jax.random.normal(k2, (VOCAB + 1, EMBED_DIM), dtype=jnp.float32) * 0.02
    embedding_weight = embedding_weight.at[0].set(0.0)  # padding_idx=0 row is zero
    return {"word_sequences": word_sequences, "embedding_weight": embedding_weight}

def reference(word_sequences, embedding_weight):
    # Eval mode: self._dpout == 0.0, so integer_dropout is skipped.
    # Forward is exactly nn.Embedding(vocab+1, dim, padding_idx=0)(word_sequences).
    return jnp.take(embedding_weight, word_sequences, axis=0)

if __name__ == "__main__":
    import jax
    _d = setup_inputs()
    print(jax.jit(kernel)(*tuple(_d.values())))

</pallas_src>

<mosaic_0001>
#map = affine_map<(d0, d1) -> (0, 0)>
#map1 = affine_map<(d0, d1) -> (0, 0, 0, 0, 0)>
module attributes {stable_mosaic.version = 14 : i64} {
  func.func @_embed(%arg0: i32, %arg1: i32, %arg2: memref<200x4096xi32, #tpu.memory_space<hbm>>, %arg3: memref<64x1024xf32, #tpu.memory_space<hbm>>, %arg4: memref<200x8x32x8x128xf32, #tpu.memory_space<hbm>>, %arg5: memref<200x128xi32, #tpu.memory_space<vmem>>, %arg6: memref<64x1024xf32, #tpu.memory_space<vmem>>, %arg7: memref<2x8x8x128xf32, #tpu.memory_space<vmem>>, %arg8: memref<2x8x8x128xf32, #tpu.memory_space<vmem>>, %arg9: memref<!tpu.dma_semaphore, #tpu.memory_space<semaphore_mem>>, %arg10: memref<!tpu.dma_semaphore, #tpu.memory_space<semaphore_mem>>) attributes {dimension_semantics = [#tpu.dimension_semantics<core_parallel>, #tpu.dimension_semantics<subcore_parallel>], iteration_bounds = array<i64: 2, 16>, scalar_prefetch = 0 : i64, scratch_operands = 6 : i64, tpu.core_type = #tpu.core_type<sc_vector_subcore>, window_params = [{transform_indices = #map}, {transform_indices = #map}, {transform_indices = #map1}]} {
    %mul3A = arith.constant 2 : i32
    %mul3A_0 = arith.muli %arg1, %mul3A : i32
    %add3A = arith.addi %mul3A_0, %arg0 : i32
    %mul3A_1 = arith.constant 128 : i32
    %mul3A_2 = arith.muli %add3A, %mul3A_1 : i32
    "tpu.region"() ({
      %run_scoped3A = tpu.sem_alloc : memref<!tpu.dma_semaphore, #tpu.memory_space<semaphore_mem>>
      %dma_start3A_192 = arith.constant 0 : i32
      %dma_start3A_193 = tpu.memref_slice %arg2[%dma_start3A_192, %mul3A_2] : memref<200x4096xi32, #tpu.memory_space<hbm>> -> memref<200x128xi32, #tpu.memory_space<hbm>>
      %dma_start3A_194 = arith.constant 0 : i32
      %dma_start3A_195 = tpu.memref_slice %arg2[%dma_start3A_194, %mul3A_2] : memref<200x4096xi32, #tpu.memory_space<hbm>> -> memref<200x128xi32, #tpu.memory_space<hbm>>
      tpu.enqueue_dma source(%dma_start3A_195 : memref<200x128xi32, #tpu.memory_space<hbm>>) target(%arg5 : memref<200x128xi32, #tpu.memory_space<vmem>>) target_semaphore(%run_scoped3A : memref<!tpu.dma_semaphore, #tpu.memory_space<semaphore_mem>>)
      %dma_wait3A_196 = arith.constant 0 : i32
      %dma_wait3A_197 = tpu.memref_slice %arg2[%dma_wait3A_196, %mul3A_2] : memref<200x4096xi32, #tpu.memory_space<hbm>> -> memref<200x128xi32, #tpu.memory_space<hbm>>
      %dma_wait3A_198 = arith.constant 0 : i32
      %dma_wait3A_199 = tpu.memref_slice %arg2[%dma_wait3A_198, %mul3A_2] : memref<200x4096xi32, #tpu.memory_space<hbm>> -> memref<200x128xi32, #tpu.memory_space<hbm>>
      tpu.wait_dma2 semaphore(%run_scoped3A : memref<!tpu.dma_semaphore, #tpu.memory_space<semaphore_mem>>) src(%dma_wait3A_199 : memref<200x128xi32, #tpu.memory_space<hbm>>) dst(%arg5 : memref<200x128xi32, #tpu.memory_space<vmem>>)
      tpu.yield
    }) : () -> ()
    "tpu.region"() ({
      %run_scoped3A = tpu.sem_alloc : memref<!tpu.dma_semaphore, #tpu.memory_space<semaphore_mem>>
      tpu.enqueue_dma source(%arg3 : memref<64x1024xf32, #tpu.memory_space<hbm>>) target(%arg6 : memref<64x1024xf32, #tpu.memory_space<vmem>>) target_semaphore(%run_scoped3A : memref<!tpu.dma_semaphore, #tpu.memory_space<semaphore_mem>>)
      tpu.wait_dma2 semaphore(%run_scoped3A : memref<!tpu.dma_semaphore, #tpu.memory_space<semaphore_mem>>) src(%arg3 : memref<64x1024xf32, #tpu.memory_space<hbm>>) dst(%arg6 : memref<64x1024xf32, #tpu.memory_space<vmem>>)
      tpu.yield
    }) : () -> ()
    %get3A = arith.constant 0 : i32
    %get3A_3 = arith.index_cast %get3A : i32 to index
    %get3A_4 = arith.constant 0 : index
    %get3A_5 = tpu.vector_load %arg5[%get3A_3, %get3A_4] {strides = array<i32>} : memref<200x128xi32, #tpu.memory_space<vmem>>, vector<16xi32>,
    %get3A_6 = arith.constant 0 : i32
    %get3A_7 = arith.index_cast %get3A_6 : i32 to index
    %get3A_8 = arith.constant 16 : index
    %get3A_9 = tpu.vector_load %arg5[%get3A_7, %get3A_8] {strides = array<i32>} : memref<200x128xi32, #tpu.memory_space<vmem>>, vector<16xi32>,
    %get3A_10 = arith.constant 0 : i32
    %get3A_11 = arith.index_cast %get3A_10 : i32 to index
    %get3A_12 = arith.constant 32 : index
    %get3A_13 = tpu.vector_load %arg5[%get3A_11, %get3A_12] {strides = array<i32>} : memref<200x128xi32, #tpu.memory_space<vmem>>, vector<16xi32>,
    %get3A_14 = arith.constant 0 : i32
    %get3A_15 = arith.index_cast %get3A_14 : i32 to index
    %get3A_16 = arith.constant 48 : index
    %get3A_17 = tpu.vector_load %arg5[%get3A_15, %get3A_16] {strides = array<i32>} : memref<200x128xi32, #tpu.memory_space<vmem>>, vector<16xi32>,
    %get3A_18 = arith.constant 0 : i32
    %get3A_19 = arith.index_cast %get3A_18 : i32 to index
    %get3A_20 = arith.constant 64 : index
    %get3A_21 = tpu.vector_load %arg5[%get3A_19, %get3A_20] {strides = array<i32>} : memref<200x128xi32, #tpu.memory_space<vmem>>, vector<16xi32>,
    %get3A_22 = arith.constant 0 : i32
    %get3A_23 = arith.index_cast %get3A_22 : i32 to index
    %get3A_24 = arith.constant 80 : index
    %get3A_25 = tpu.vector_load %arg5[%get3A_23, %get3A_24] {strides = array<i32>} : memref<200x128xi32, #tpu.memory_space<vmem>>, vector<16xi32>,
    %get3A_26 = arith.constant 0 : i32
    %get3A_27 = arith.index_cast %get3A_26 : i32 to index
    %get3A_28 = arith.constant 96 : index
    %get3A_29 = tpu.vector_load %arg5[%get3A_27, %get3A_28] {strides = array<i32>} : memref<200x128xi32, #tpu.memory_space<vmem>>, vector<16xi32>,
    %get3A_30 = arith.constant 0 : i32
    %get3A_31 = arith.index_cast %get3A_30 : i32 to index
    %get3A_32 = arith.constant 112 : index
    %get3A_33 = tpu.vector_load %arg5[%get3A_31, %get3A_32] {strides = array<i32>} : memref<200x128xi32, #tpu.memory_space<vmem>>, vector<16xi32>,
    %parallel_loop3A = arith.constant 0 : i32
    %parallel_loop3A_34 = arith.constant 64 : i32
    %parallel_loop3A_35 = arith.constant 1 : i32
    scf.for %parallel_loop3A_192 = %parallel_loop3A to %parallel_loop3A_34 step %parallel_loop3A_35  : i32 {
      %parallel_loop3A_193 = vector.broadcast %parallel_loop3A_192 : i32 to vector<16xi32>
      %parallel_loop3A_194 = tpu.vector_load_idx %arg6[%parallel_loop3A_193, %get3A_5] : memref<64x1024xf32, #tpu.memory_space<vmem>>[vector<16xi32>, vector<16xi32>], vector<16xf32>,
      %parallel_loop3A_195 = arith.constant 8 : i32
      %parallel_loop3A_196 = arith.divsi %parallel_loop3A_192, %parallel_loop3A_195 : i32
      %parallel_loop3A_197 = arith.constant 0 : i32
      %parallel_loop3A_198 = arith.cmpi sgt, %parallel_loop3A_192, %parallel_loop3A_197 : i32
      %parallel_loop3A_199 = arith.extui %parallel_loop3A_198 : i1 to i32
      %parallel_loop3A_200 = arith.constant 0 : i32
      %parallel_loop3A_201 = arith.cmpi slt, %parallel_loop3A_192, %parallel_loop3A_200 : i32
      %parallel_loop3A_202 = arith.extui %parallel_loop3A_201 : i1 to i32
      %parallel_loop3A_203 = arith.subi %parallel_loop3A_199, %parallel_loop3A_202 : i32
      %parallel_loop3A_204 = arith.constant 0 : i32
      %parallel_loop3A_205 = arith.cmpi sgt, %parallel_loop3A_195, %parallel_loop3A_204 : i32
      %parallel_loop3A_206 = arith.extui %parallel_loop3A_205 : i1 to i32
      %parallel_loop3A_207 = arith.constant 0 : i32
      %parallel_loop3A_208 = arith.cmpi slt, %parallel_loop3A_195, %parallel_loop3A_207 : i32
      %parallel_loop3A_209 = arith.extui %parallel_loop3A_208 : i1 to i32
      %parallel_loop3A_210 = arith.subi %parallel_loop3A_206, %parallel_loop3A_209 : i32
      %parallel_loop3A_211 = arith.cmpi ne, %parallel_loop3A_203, %parallel_loop3A_210 : i32
      %parallel_loop3A_212 = arith.remsi %parallel_loop3A_192, %parallel_loop3A_195 : i32
      %parallel_loop3A_213 = arith.constant 0 : i32
      %parallel_loop3A_214 = arith.cmpi ne, %parallel_loop3A_212, %parallel_loop3A_213 : i32
      %parallel_loop3A_215 = arith.andi %parallel_loop3A_211, %parallel_loop3A_214 : i1
      %parallel_loop3A_216 = arith.constant 1 : i32
      %parallel_loop3A_217 = arith.subi %parallel_loop3A_196, %parallel_loop3A_216 : i32
      %parallel_loop3A_218 = arith.select %parallel_loop3A_215, %parallel_loop3A_217, %parallel_loop3A_196 : i32
      %parallel_loop3A_219 = arith.constant 8 : i32
      %parallel_loop3A_220 = arith.constant 0 : i32
      %parallel_loop3A_221 = arith.cmpi eq, %parallel_loop3A_219, %parallel_loop3A_220 : i32
      %parallel_loop3A_222 = arith.constant 1 : i32
      %parallel_loop3A_223 = arith.select %parallel_loop3A_221, %parallel_loop3A_222, %parallel_loop3A_219 : i32
      %parallel_loop3A_224 = arith.remsi %parallel_loop3A_192, %parallel_loop3A_223 : i32
      %parallel_loop3A_225 = arith.constant 0 : i32
      %parallel_loop3A_226 = arith.cmpi ne, %parallel_loop3A_224, %parallel_loop3A_225 : i32
      %parallel_loop3A_227 = arith.constant 0 : i32
      %parallel_loop3A_228 = arith.cmpi slt, %parallel_loop3A_224, %parallel_loop3A_227 : i32
      %parallel_loop3A_229 = arith.constant 0 : i32
      %parallel_loop3A_230 = arith.cmpi slt, %parallel_loop3A_223, %parallel_loop3A_229 : i32
      %parallel_loop3A_231 = arith.xori %parallel_loop3A_228, %parallel_loop3A_230 : i1
      %parallel_loop3A_232 = arith.andi %parallel_loop3A_231, %parallel_loop3A_226 : i1
      %parallel_loop3A_233 = arith.addi %parallel_loop3A_224, %parallel_loop3A_223 : i32
      %parallel_loop3A_234 = arith.select %parallel_loop3A_232, %parallel_loop3A_233, %parallel_loop3A_224 : i32
      %parallel_loop3A_235 = arith.constant 0 : i32
      %parallel_loop3A_236 = arith.index_cast %parallel_loop3A_235 : i32 to index
      %parallel_loop3A_237 = arith.index_cast %parallel_loop3A_218 : i32 to index
      %parallel_loop3A_238 = arith.index_cast %parallel_loop3A_234 : i32 to index
      %parallel_loop3A_239 = arith.constant 0 : index
      %parallel_loop3A_240 = tpu.vector_load %arg7[%parallel_loop3A_236, %parallel_loop3A_237, %parallel_loop3A_238, %parallel_loop3A_239] {strides = array<i32>} : memref<2x8x8x128xf32, #tpu.memory_space<vmem>>, vector<16xf32>,
      tpu.vector_store %arg7[%parallel_loop3A_236, %parallel_loop3A_237, %parallel_loop3A_238, %parallel_loop3A_239], %parallel_loop3A_194 {strides = array<i32>} : memref<2x8x8x128xf32, #tpu.memory_space<vmem>>, vector<16xf32>,
      %parallel_loop3A_241 = tpu.vector_load_idx %arg6[%parallel_loop3A_193, %get3A_9] : memref<64x1024xf32, #tpu.memory_space<vmem>>[vector<16xi32>, vector<16xi32>], vector<16xf32>,
      %parallel_loop3A_242 = arith.constant 8 : i32
      %parallel_loop3A_243 = arith.divsi %parallel_loop3A_192, %parallel_loop3A_242 : i32
      %parallel_loop3A_244 = arith.constant 0 : i32
      %parallel_loop3A_245 = arith.cmpi sgt, %parallel_loop3A_192, %parallel_loop3A_244 : i32
      %parallel_loop3A_246 = arith.extui %parallel_loop3A_245 : i1 to i32
      %parallel_loop3A_247 = arith.constant 0 : i32
      %parallel_loop3A_248 = arith.cmpi slt, %parallel_loop3A_192, %parallel_loop3A_247 : i32
      %parallel_loop3A_249 = arith.extui %parallel_loop3A_248 : i1 to i32
      %parallel_loop3A_250 = arith.subi %parallel_loop3A_246, %parallel_loop3A_249 : i32
      %parallel_loop3A_251 = arith.constant 0 : i32
      %parallel_loop3A_252 = arith.cmpi sgt, %parallel_loop3A_242, %parallel_loop3A_251 : i32
      %parallel_loop3A_253 = arith.extui %parallel_loop3A_252 : i1 to i32
      %parallel_loop3A_254 = arith.constant 0 : i32
      %parallel_loop3A_255 = arith.cmpi slt, %parallel_loop3A_242, %parallel_loop3A_254 : i32
      %parallel_loop3A_256 = arith.extui %parallel_loop3A_255 : i1 to i32
      %parallel_loop3A_257 = arith.subi %parallel_loop3A_253, %parallel_loop3A_256 : i32
      %parallel_loop3A_258 = arith.cmpi ne, %parallel_loop3A_250, %parallel_loop3A_257 : i32
      %parallel_loop3A_259 = arith.remsi %parallel_loop3A_192, %parallel_loop3A_242 : i32
      %parallel_loop3A_260 = arith.constant 0 : i32
      %parallel_loop3A_261 = arith.cmpi ne, %parallel_loop3A_259, %parallel_loop3A_260 : i32
      %parallel_loop3A_262 = arith.andi %parallel_loop3A_258, %parallel_loop3A_261 : i1
      %parallel_loop3A_263 = arith.constant 1 : i32
      %parallel_loop3A_264 = arith.subi %parallel_loop3A_243, %parallel_loop3A_263 : i32
      %parallel_loop3A_265 = arith.select %parallel_loop3A_262, %parallel_loop3A_264, %parallel_loop3A_243 : i32
      %parallel_loop3A_266 = arith.constant 8 : i32
      %parallel_loop3A_267 = arith.constant 0 : i32
      %parallel_loop3A_268 = arith.cmpi eq, %parallel_loop3A_266, %parallel_loop3A_267 : i32
      %parallel_loop3A_269 = arith.constant 1 : i32
      %parallel_loop3A_270 = arith.select %parallel_loop3A_268, %parallel_loop3A_269, %parallel_loop3A_266 : i32
      %parallel_loop3A_271 = arith.remsi %parallel_loop3A_192, %parallel_loop3A_270 : i32
      %parallel_loop3A_272 = arith.constant 0 : i32
      %parallel_loop3A_273 = arith.cmpi ne, %parallel_loop3A_271, %parallel_loop3A_272 : i32
      %parallel_loop3A_274 = arith.constant 0 : i32
      %parallel_loop3A_275 = arith.cmpi slt, %parallel_loop3A_271, %parallel_loop3A_274 : i32
      %parallel_loop3A_276 = arith.constant 0 : i32
      %parallel_loop3A_277 = arith.cmpi slt, %parallel_loop3A_270, %parallel_loop3A_276 : i32
      %parallel_loop3A_278 = arith.xori %parallel_loop3A_275, %parallel_loop3A_277 : i1
      %parallel_loop3A_279 = arith.andi %parallel_loop3A_278, %parallel_loop3A_273 : i1
      %parallel_loop3A_280 = arith.addi %parallel_loop3A_271, %parallel_loop3A_270 : i32
      %parallel_loop3A_281 = arith.select %parallel_loop3A_279, %parallel_loop3A_280, %parallel_loop3A_271 : i32
      %parallel_loop3A_282 = arith.constant 0 : i32
      %parallel_loop3A_283 = arith.index_cast %parallel_loop3A_282 : i32 to index
      %parallel_loop3A_284 = arith.index_cast %parallel_loop3A_265 : i32 to index
      %parallel_loop3A_285 = arith.index_cast %parallel_loop3A_281 : i32 to index
      %parallel_loop3A_286 = arith.constant 16 : index
      %parallel_loop3A_287 = tpu.vector_load %arg7[%parallel_loop3A_283, %parallel_loop3A_284, %parallel_loop3A_285, %parallel_loop3A_286] {strides = array<i32>} : memref<2x8x8x128xf32, #tpu.memory_space<vmem>>, vector<16xf32>,
      tpu.vector_store %arg7[%parallel_loop3A_283, %parallel_loop3A_284, %parallel_loop3A_285, %parallel_loop3A_286], %parallel_loop3A_241 {strides = array<i32>} : memref<2x8x8x128xf32, #tpu.memory_space<vmem>>, vector<16xf32>,
      %parallel_loop3A_288 = tpu.vector_load_idx %arg6[%parallel_loop3A_193, %get3A_13] : memref<64x1024xf32, #tpu.memory_space<vmem>>[vector<16xi32>, vector<16xi32>], vector<16xf32>,
      %parallel_loop3A_289 = arith.constant 8 : i32
      %parallel_loop3A_290 = arith.divsi %parallel_loop3A_192, %parallel_loop3A_289 : i32
      %parallel_loop3A_291 = arith.constant 0 : i32
      %parallel_loop3A_292 = arith.cmpi sgt, %parallel_loop3A_192, %parallel_loop3A_291 : i32
      %parallel_loop3A_293 = arith.extui %parallel_loop3A_292 : i1 to i32
      %parallel_loop3A_294 = arith.constant 0 : i32
      %parallel_loop3A_295 = arith.cmpi slt, %parallel_loop3A_192, %parallel_loop3A_294 : i32
      %parallel_loop3A_296 = arith.extui %parallel_loop3A_295 : i1 to i32
      %parallel_loop3A_297 = arith.subi %parallel_loop3A_293, %parallel_loop3A_296 : i32
      %parallel_loop3A_298 = arith.constant 0 : i32
      %parallel_loop3A_299 = arith.cmpi sgt, %parallel_loop3A_289, %parallel_loop3A_298 : i32
      %parallel_loop3A_300 = arith.extui %parallel_loop3A_299 : i1 to i32
      %parallel_loop3A_301 = arith.constant 0 : i32
      %parallel_loop3A_302 = arith.cmpi slt, %parallel_loop3A_289, %parallel_loop3A_301 : i32
      %parallel_loop3A_303 = arith.extui %parallel_loop3A_302 : i1 to i32
      %parallel_loop3A_304 = arith.subi %parallel_loop3A_300, %parallel_loop3A_303 : i32
      %parallel_loop3A_305 = arith.cmpi ne, %parallel_loop3A_297, %parallel_loop3A_304 : i32
      %parallel_loop3A_306 = arith.remsi %parallel_loop3A_192, %parallel_loop3A_289 : i32
      %parallel_loop3A_307 = arith.constant 0 : i32
      %parallel_loop3A_308 = arith.cmpi ne, %parallel_loop3A_306, %parallel_loop3A_307 : i32
      %parallel_loop3A_309 = arith.andi %parallel_loop3A_305, %parallel_loop3A_308 : i1
      %parallel_loop3A_310 = arith.constant 1 : i32
      %parallel_loop3A_311 = arith.subi %parallel_loop3A_290, %parallel_loop3A_310 : i32
      %parallel_loop3A_312 = arith.select %parallel_loop3A_309, %parallel_loop3A_311, %parallel_loop3A_290 : i32
      %parallel_loop3A_313 = arith.constant 8 : i32
      %parallel_loop3A_314 = arith.constant 0 : i32
      %parallel_loop3A_315 = arith.cmpi eq, %parallel_loop3A_313, %parallel_loop3A_314 : i32
      %parallel_loop3A_316 = arith.constant 1 : i32
      %parallel_loop3A_317 = arith.select %parallel_loop3A_315, %parallel_loop3A_316, %parallel_loop3A_313 : i32
      %parallel_loop3A_318 = arith.remsi %parallel_loop3A_192, %parallel_loop3A_317 : i32
      %parallel_loop3A_319 = arith.constant 0 : i32
      %parallel_loop3A_320 = arith.cmpi ne, %parallel_loop3A_318, %parallel_loop3A_319 : i32
      %parallel_loop3A_321 = arith.constant 0 : i32
      %parallel_loop3A_322 = arith.cmpi slt, %parallel_loop3A_318, %parallel_loop3A_321 : i32
      %parallel_loop3A_323 = arith.constant 0 : i32
      %parallel_loop3A_324 = arith.cmpi slt, %parallel_loop3A_317, %parallel_loop3A_323 : i32
      %parallel_loop3A_325 = arith.xori %parallel_loop3A_322, %parallel_loop3A_324 : i1
      %parallel_loop3A_326 = arith.andi %parallel_loop3A_325, %parallel_loop3A_320 : i1
      %parallel_loop3A_327 = arith.addi %parallel_loop3A_318, %parallel_loop3A_317 : i32
      %parallel_loop3A_328 = arith.select %parallel_loop3A_326, %parallel_loop3A_327, %parallel_loop3A_318 : i32
      %parallel_loop3A_329 = arith.constant 0 : i32
      %parallel_loop3A_330 = arith.index_cast %parallel_loop3A_329 : i32 to index
      %parallel_loop3A_331 = arith.index_cast %parallel_loop3A_312 : i32 to index
      %parallel_loop3A_332 = arith.index_cast %parallel_loop3A_328 : i32 to index
      %parallel_loop3A_333 = arith.constant 32 : index
      %parallel_loop3A_334 = tpu.vector_load %arg7[%parallel_loop3A_330, %parallel_loop3A_331, %parallel_loop3A_332, %parallel_loop3A_333] {strides = array<i32>} : memref<2x8x8x128xf32, #tpu.memory_space<vmem>>, vector<16xf32>,
      tpu.vector_store %arg7[%parallel_loop3A_330, %parallel_loop3A_331, %parallel_loop3A_332, %parallel_loop3A_333], %parallel_loop3A_288 {strides = array<i32>} : memref<2x8x8x128xf32, #tpu.memory_space<vmem>>, vector<16xf32>,
      %parallel_loop3A_335 = tpu.vector_load_idx %arg6[%parallel_loop3A_193, %get3A_17] : memref<64x1024xf32, #tpu.memory_space<vmem>>[vector<16xi32>, vector<16xi32>], vector<16xf32>,
      %parallel_loop3A_336 = arith.constant 8 : i32
      %parallel_loop3A_337 = arith.divsi %parallel_loop3A_192, %parallel_loop3A_336 : i32
      %parallel_loop3A_338 = arith.constant 0 : i32
      %parallel_loop3A_339 = arith.cmpi sgt, %parallel_loop3A_192, %parallel_loop3A_338 : i32
      %parallel_loop3A_340 = arith.extui %parallel_loop3A_339 : i1 to i32
      %parallel_loop3A_341 = arith.constant 0 : i32
      %parallel_loop3A_342 = arith.cmpi slt, %parallel_loop3A_192, %parallel_loop3A_341 : i32
      %parallel_loop3A_343 = arith.extui %parallel_loop3A_342 : i1 to i32
      %parallel_loop3A_344 = arith.subi %parallel_loop3A_340, %parallel_loop3A_343 : i32
      %parallel_loop3A_345 = arith.constant 0 : i32
      %parallel_loop3A_346 = arith.cmpi sgt, %parallel_loop3A_336, %parallel_loop3A_345 : i32
      %parallel_loop3A_347 = arith.extui %parallel_loop3A_346 : i1 to i32
      %parallel_loop3A_348 = arith.constant 0 : i32
      %parallel_loop3A_349 = arith.cmpi slt, %parallel_loop3A_336, %parallel_loop3A_348 : i32
      %parallel_loop3A_350 = arith.extui %parallel_loop3A_349 : i1 to i32
      %parallel_loop3A_351 = arith.subi %parallel_loop3A_347, %parallel_loop3A_350 : i32
      %parallel_loop3A_352 = arith.cmpi ne, %parallel_loop3A_344, %parallel_loop3A_351 : i32
      %parallel_loop3A_353 = arith.remsi %parallel_loop3A_192, %parallel_loop3A_336 : i32
      %parallel_loop3A_354 = arith.constant 0 : i32
      %parallel_loop3A_355 = arith.cmpi ne, %parallel_loop3A_353, %parallel_loop3A_354 : i32
      %parallel_loop3A_356 = arith.andi %parallel_loop3A_352, %parallel_loop3A_355 : i1
      %parallel_loop3A_357 = arith.constant 1 : i32
      %parallel_loop3A_358 = arith.subi %parallel_loop3A_337, %parallel_loop3A_357 : i32
      %parallel_loop3A_359 = arith.select %parallel_loop3A_356, %parallel_loop3A_358, %parallel_loop3A_337 : i32
      %parallel_loop3A_360 = arith.constant 8 : i32
      %parallel_loop3A_361 = arith.constant 0 : i32
      %parallel_loop3A_362 = arith.cmpi eq, %parallel_loop3A_360, %parallel_loop3A_361 : i32
      %parallel_loop3A_363 = arith.constant 1 : i32
      %parallel_loop3A_364 = arith.select %parallel_loop3A_362, %parallel_loop3A_363, %parallel_loop3A_360 : i32
      %parallel_loop3A_365 = arith.remsi %parallel_loop3A_192, %parallel_loop3A_364 : i32
      %parallel_loop3A_366 = arith.constant 0 : i32
      %parallel_loop3A_367 = arith.cmpi ne, %parallel_loop3A_365, %parallel_loop3A_366 : i32
      %parallel_loop3A_368 = arith.constant 0 : i32
      %parallel_loop3A_369 = arith.cmpi slt, %parallel_loop3A_365, %parallel_loop3A_368 : i32
      %parallel_loop3A_370 = arith.constant 0 : i32
      %parallel_loop3A_371 = arith.cmpi slt, %parallel_loop3A_364, %parallel_loop3A_370 : i32
      %parallel_loop3A_372 = arith.xori %parallel_loop3A_369, %parallel_loop3A_371 : i1
      %parallel_loop3A_373 = arith.andi %parallel_loop3A_372, %parallel_loop3A_367 : i1
      %parallel_loop3A_374 = arith.addi %parallel_loop3A_365, %parallel_loop3A_364 : i32
      %parallel_loop3A_375 = arith.select %parallel_loop3A_373, %parallel_loop3A_374, %parallel_loop3A_365 : i32
      %parallel_loop3A_376 = arith.constant 0 : i32
      %parallel_loop3A_377 = arith.index_cast %parallel_loop3A_376 : i32 to index
      %parallel_loop3A_378 = arith.index_cast %parallel_loop3A_359 : i32 to index
      %parallel_loop3A_379 = arith.index_cast %parallel_loop3A_375 : i32 to index
      %parallel_loop3A_380 = arith.constant 48 : index
      %parallel_loop3A_381 = tpu.vector_load %arg7[%parallel_loop3A_377, %parallel_loop3A_378, %parallel_loop3A_379, %parallel_loop3A_380] {strides = array<i32>} : memref<2x8x8x128xf32, #tpu.memory_space<vmem>>, vector<16xf32>,
      tpu.vector_store %arg7[%parallel_loop3A_377, %parallel_loop3A_378, %parallel_loop3A_379, %parallel_loop3A_380], %parallel_loop3A_335 {strides = array<i32>} : memref<2x8x8x128xf32, #tpu.memory_space<vmem>>, vector<16xf32>,
      %parallel_loop3A_382 = tpu.vector_load_idx %arg6[%parallel_loop3A_193, %get3A_21] : memref<64x1024xf32, #tpu.memory_space<vmem>>[vector<16xi32>, vector<16xi32>], vector<16xf32>,
      %parallel_loop3A_383 = arith.constant 8 : i32
      %parallel_loop3A_384 = arith.divsi %parallel_loop3A_192, %parallel_loop3A_383 : i32
      %parallel_loop3A_385 = arith.constant 0 : i32
      %parallel_loop3A_386 = arith.cmpi sgt, %parallel_loop3A_192, %parallel_loop3A_385 : i32
      %parallel_loop3A_387 = arith.extui %parallel_loop3A_386 : i1 to i32
      %parallel_loop3A_388 = arith.constant 0 : i32
      %parallel_loop3A_389 = arith.cmpi slt, %parallel_loop3A_192, %parallel_loop3A_388 : i32
      %parallel_loop3A_390 = arith.extui %parallel_loop3A_389 : i1 to i32
      %parallel_loop3A_391 = arith.subi %parallel_loop3A_387, %parallel_loop3A_390 : i32
      %parallel_loop3A_392 = arith.constant 0 : i32
      %parallel_loop3A_393 = arith.cmpi sgt, %parallel_loop3A_383, %parallel_loop3A_392 : i32
      %parallel_loop3A_394 = arith.extui %parallel_loop3A_393 : i1 to i32
      %parallel_loop3A_395 = arith.constant 0 : i32
      %parallel_loop3A_396 = arith.cmpi slt, %parallel_loop3A_383, %parallel_loop3A_395 : i32
      %parallel_loop3A_397 = arith.extui %parallel_loop3A_396 : i1 to i32
      %parallel_loop3A_398 = arith.subi %parallel_loop3A_394, %parallel_loop3A_397 : i32
      %parallel_loop3A_399 = arith.cmpi ne, %parallel_loop3A_391, %parallel_loop3A_398 : i32
      %parallel_loop3A_400 = arith.remsi %parallel_loop3A_192, %parallel_loop3A_383 : i32
      %parallel_loop3A_401 = arith.constant 0 : i32
      %parallel_loop3A_402 = arith.cmpi ne, %parallel_loop3A_400, %parallel_loop3A_401 : i32
      %parallel_loop3A_403 = arith.andi %parallel_loop3A_399, %parallel_loop3A_402 : i1
      %parallel_loop3A_404 = arith.constant 1 : i32
      %parallel_loop3A_405 = arith.subi %parallel_loop3A_384, %parallel_loop3A_404 : i32
      %parallel_loop3A_406 = arith.select %parallel_loop3A_403, %parallel_loop3A_405, %parallel_loop3A_384 : i32
      %parallel_loop3A_407 = arith.constant 8 : i32
      %parallel_loop3A_408 = arith.constant 0 : i32
      %parallel_loop3A_409 = arith.cmpi eq, %parallel_loop3A_407, %parallel_loop3A_408 : i32
      %parallel_loop3A_410 = arith.constant 1 : i32
      %parallel_loop3A_411 = arith.select %parallel_loop3A_409, %parallel_loop3A_410, %parallel_loop3A_407 : i32
      %parallel_loop3A_412 = arith.remsi %parallel_loop3A_192, %parallel_loop3A_411 : i32
      %parallel_loop3A_413 = arith.constant 0 : i32
      %parallel_loop3A_414 = arith.cmpi ne, %parallel_loop3A_412, %parallel_loop3A_413 : i32
      %parallel_loop3A_415 = arith.constant 0 : i32
      %parallel_loop3A_416 = arith.cmpi slt, %parallel_loop3A_412, %parallel_loop3A_415 : i32
      %parallel_loop3A_417 = arith.constant 0 : i32
      %parallel_loop3A_418 = arith.cmpi slt, %parallel_loop3A_411, %parallel_loop3A_417 : i32
      %parallel_loop3A_419 = arith.xori %parallel_loop3A_416, %parallel_loop3A_418 : i1
      %parallel_loop3A_420 = arith.andi %parallel_loop3A_419, %parallel_loop3A_414 : i1
      %parallel_loop3A_421 = arith.addi %parallel_loop3A_412, %parallel_loop3A_411 : i32
      %parallel_loop3A_422 = arith.select %parallel_loop3A_420, %parallel_loop3A_421, %parallel_loop3A_412 : i32
      %parallel_loop3A_423 = arith.constant 0 : i32
      %parallel_loop3A_424 = arith.index_cast %parallel_loop3A_423 : i32 to index
      %parallel_loop3A_425 = arith.index_cast %parallel_loop3A_406 : i32 to index
      %parallel_loop3A_426 = arith.index_cast %parallel_loop3A_422 : i32 to index
      %parallel_loop3A_427 = arith.constant 64 : index
      %parallel_loop3A_428 = tpu.vector_load %arg7[%parallel_loop3A_424, %parallel_loop3A_425, %parallel_loop3A_426, %parallel_loop3A_427] {strides = array<i32>} : memref<2x8x8x128xf32, #tpu.memory_space<vmem>>, vector<16xf32>,
      tpu.vector_store %arg7[%parallel_loop3A_424, %parallel_loop3A_425, %parallel_loop3A_426, %parallel_loop3A_427], %parallel_loop3A_382 {strides = array<i32>} : memref<2x8x8x128xf32, #tpu.memory_space<vmem>>, vector<16xf32>,
      %parallel_loop3A_429 = tpu.vector_load_idx %arg6[%parallel_loop3A_193, %get3A_25] : memref<64x1024xf32, #tpu.memory_space<vmem>>[vector<16xi32>, vector<16xi32>], vector<16xf32>,
      %parallel_loop3A_430 = arith.constant 8 : i32
      %parallel_loop3A_431 = arith.divsi %parallel_loop3A_192, %parallel_loop3A_430 : i32
      %parallel_loop3A_432 = arith.constant 0 : i32
      %parallel_loop3A_433 = arith.cmpi sgt, %parallel_loop3A_192, %parallel_loop3A_432 : i32
      %parallel_loop3A_434 = arith.extui %parallel_loop3A_433 : i1 to i32
      %parallel_loop3A_435 = arith.constant 0 : i32
      %parallel_loop3A_436 = arith.cmpi slt, %parallel_loop3A_192, %parallel_loop3A_435 : i32
      %parallel_loop3A_437 = arith.extui %parallel_loop3A_436 : i1 to i32
      %parallel_loop3A_438 = arith.subi %parallel_loop3A_434, %parallel_loop3A_437 : i32
      %parallel_loop3A_439 = arith.constant 0 : i32
      %parallel_loop3A_440 = arith.cmpi sgt, %parallel_loop3A_430, %parallel_loop3A_439 : i32
      %parallel_loop3A_441 = arith.extui %parallel_loop3A_440 : i1 to i32
      %parallel_loop3A_442 = arith.constant 0 : i32
      %parallel_loop3A_443 = arith.cmpi slt, %parallel_loop3A_430, %parallel_loop3A_442 : i32
      %parallel_loop3A_444 = arith.extui %parallel_loop3A_443 : i1 to i32
      %parallel_loop3A_445 = arith.subi %parallel_loop3A_441, %parallel_loop3A_444 : i32
      %parallel_loop3A_446 = arith.cmpi ne, %parallel_loop3A_438, %parallel_loop3A_445 : i32
      %parallel_loop3A_447 = arith.remsi %parallel_loop3A_192, %parallel_loop3A_430 : i32
      %parallel_loop3A_448 = arith.constant 0 : i32
      %parallel_loop3A_449 = arith.cmpi ne, %parallel_loop3A_447, %parallel_loop3A_448 : i32
      %parallel_loop3A_450 = arith.andi %parallel_loop3A_446, %parallel_loop3A_449 : i1
      %parallel_loop3A_451 = arith.constant 1 : i32
      %parallel_loop3A_452 = arith.subi %parallel_loop3A_431, %parallel_loop3A_451 : i32
      %parallel_loop3A_453 = arith.select %parallel_loop3A_450, %parallel_loop3A_452, %parallel_loop3A_431 : i32
      %parallel_loop3A_454 = arith.constant 8 : i32
      %parallel_loop3A_455 = arith.constant 0 : i32
      %parallel_loop3A_456 = arith.cmpi eq, %parallel_loop3A_454, %parallel_loop3A_455 : i32
      %parallel_loop3A_457 = arith.constant 1 : i32
      %parallel_loop3A_458 = arith.select %parallel_loop3A_456, %parallel_loop3A_457, %parallel_loop3A_454 : i32
      %parallel_loop3A_459 = arith.remsi %parallel_loop3A_192, %parallel_loop3A_458 : i32
      %parallel_loop3A_460 = arith.constant 0 : i32
      %parallel_loop3A_461 = arith.cmpi ne, %parallel_loop3A_459, %parallel_loop3A_460 : i32
      %parallel_loop3A_462 = arith.constant 0 : i32
      %parallel_loop3A_463 = arith.cmpi slt, %parallel_loop3A_459, %parallel_loop3A_462 : i32
      %parallel_loop3A_464 = arith.constant 0 : i32
      %parallel_loop3A_465 = arith.cmpi slt, %parallel_loop3A_458, %parallel_loop3A_464 : i32
      %parallel_loop3A_466 = arith.xori %parallel_loop3A_463, %parallel_loop3A_465 : i1
      %parallel_loop3A_467 = arith.andi %parallel_loop3A_466, %parallel_loop3A_461 : i1
      %parallel_loop3A_468 = arith.addi %parallel_loop3A_459, %parallel_loop3A_458 : i32
      %parallel_loop3A_469 = arith.select %parallel_loop3A_467, %parallel_loop3A_468, %parallel_loop3A_459 : i32
      %parallel_loop3A_470 = arith.constant 0 : i32
      %parallel_loop3A_471 = arith.index_cast %parallel_loop3A_470 : i32 to index
      %parallel_loop3A_472 = arith.index_cast %parallel_loop3A_453 : i32 to index
      %parallel_loop3A_473 = arith.index_cast %parallel_loop3A_469 : i32 to index
      %parallel_loop3A_474 = arith.constant 80 : index
      %parallel_loop3A_475 = tpu.vector_load %arg7[%parallel_loop3A_471, %parallel_loop3A_472, %parallel_loop3A_473, %parallel_loop3A_474] {strides = array<i32>} : memref<2x8x8x128xf32, #tpu.memory_space<vmem>>, vector<16xf32>,
      tpu.vector_store %arg7[%parallel_loop3A_471, %parallel_loop3A_472, %parallel_loop3A_473, %parallel_loop3A_474], %parallel_loop3A_429 {strides = array<i32>} : memref<2x8x8x128xf32, #tpu.memory_space<vmem>>, vector<16xf32>,
      %parallel_loop3A_476 = tpu.vector_load_idx %arg6[%parallel_loop3A_193, %get3A_29] : memref<64x1024xf32, #tpu.memory_space<vmem>>[vector<16xi32>, vector<16xi32>], vector<16xf32>,
      %parallel_loop3A_477 = arith.constant 8 : i32
      %parallel_loop3A_478 = arith.divsi %parallel_loop3A_192, %parallel_loop3A_477 : i32
      %parallel_loop3A_479 = arith.constant 0 : i32
      %parallel_loop3A_480 = arith.cmpi sgt, %parallel_loop3A_192, %parallel_loop3A_479 : i32
      %parallel_loop3A_481 = arith.extui %parallel_loop3A_480 : i1 to i32
      %parallel_loop3A_482 = arith.constant 0 : i32
      %parallel_loop3A_483 = arith.cmpi slt, %parallel_loop3A_192, %parallel_loop3A_482 : i32
      %parallel_loop3A_484 = arith.extui %parallel_loop3A_483 : i1 to i32
      %parallel_loop3A_485 = arith.subi %parallel_loop3A_481, %parallel_loop3A_484 : i32
      %parallel_loop3A_486 = arith.constant 0 : i32
      %parallel_loop3A_487 = arith.cmpi sgt, %parallel_loop3A_477, %parallel_loop3A_486 : i32
      %parallel_loop3A_488 = arith.extui %parallel_loop3A_487 : i1 to i32
      %parallel_loop3A_489 = arith.constant 0 : i32
      %parallel_loop3A_490 = arith.cmpi slt, %parallel_loop3A_477, %parallel_loop3A_489 : i32
      %parallel_loop3A_491 = arith.extui %parallel_loop3A_490 : i1 to i32
      %parallel_loop3A_492 = arith.subi %parallel_loop3A_488, %parallel_loop3A_491 : i32
      %parallel_loop3A_493 = arith.cmpi ne, %parallel_loop3A_485, %parallel_loop3A_492 : i32
      %parallel_loop3A_494 = arith.remsi %parallel_loop3A_192, %parallel_loop3A_477 : i32
      %parallel_loop3A_495 = arith.constant 0 : i32
      %parallel_loop3A_496 = arith.cmpi ne, %parallel_loop3A_494, %parallel_loop3A_495 : i32
      %parallel_loop3A_497 = arith.andi %parallel_loop3A_493, %parallel_loop3A_496 : i1
      %parallel_loop3A_498 = arith.constant 1 : i32
      %parallel_loop3A_499 = arith.subi %parallel_loop3A_478, %parallel_loop3A_498 : i32
      %parallel_loop3A_500 = arith.select %parallel_loop3A_497, %parallel_loop3A_499, %parallel_loop3A_478 : i32
      %parallel_loop3A_501 = arith.constant 8 : i32
      %parallel_loop3A_502 = arith.constant 0 : i32
      %parallel_loop3A_503 = arith.cmpi eq, %parallel_loop3A_501, %parallel_loop3A_502 : i32
      %parallel_loop3A_504 = arith.constant 1 : i32
      %parallel_loop3A_505 = arith.select %parallel_loop3A_503, %parallel_loop3A_504, %parallel_loop3A_501 : i32
      %parallel_loop3A_506 = arith.remsi %parallel_loop3A_192, %parallel_loop3A_505 : i32
      %parallel_loop3A_507 = arith.constant 0 : i32
      %parallel_loop3A_508 = arith.cmpi ne, %parallel_loop3A_506, %parallel_loop3A_507 : i32
      %parallel_loop3A_509 = arith.constant 0 : i32
      %parallel_loop3A_510 = arith.cmpi slt, %parallel_loop3A_506, %parallel_loop3A_509 : i32
      %parallel_loop3A_511 = arith.constant 0 : i32
      %parallel_loop3A_512 = arith.cmpi slt, %parallel_loop3A_505, %parallel_loop3A_511 : i32
      %parallel_loop3A_513 = arith.xori %parallel_loop3A_510, %parallel_loop3A_512 : i1
      %parallel_loop3A_514 = arith.andi %parallel_loop3A_513, %parallel_loop3A_508 : i1
      %parallel_loop3A_515 = arith.addi %parallel_loop3A_506, %parallel_loop3A_505 : i32
      %parallel_loop3A_516 = arith.select %parallel_loop3A_514, %parallel_loop3A_515, %parallel_loop3A_506 : i32
      %parallel_loop3A_517 = arith.constant 0 : i32
      %parallel_loop3A_518 = arith.index_cast %parallel_loop3A_517 : i32 to index
      %parallel_loop3A_519 = arith.index_cast %parallel_loop3A_500 : i32 to index
      %parallel_loop3A_520 = arith.index_cast %parallel_loop3A_516 : i32 to index
      %parallel_loop3A_521 = arith.constant 96 : index
      %parallel_loop3A_522 = tpu.vector_load %arg7[%parallel_loop3A_518, %parallel_loop3A_519, %parallel_loop3A_520, %parallel_loop3A_521] {strides = array<i32>} : memref<2x8x8x128xf32, #tpu.memory_space<vmem>>, vector<16xf32>,
      tpu.vector_store %arg7[%parallel_loop3A_518, %parallel_loop3A_519, %parallel_loop3A_520, %parallel_loop3A_521], %parallel_loop3A_476 {strides = array<i32>} : memref<2x8x8x128xf32, #tpu.memory_space<vmem>>, vector<16xf32>,
      %parallel_loop3A_523 = tpu.vector_load_idx %arg6[%parallel_loop3A_193, %get3A_33] : memref<64x1024xf32, #tpu.memory_space<vmem>>[vector<16xi32>, vector<16xi32>], vector<16xf32>,
      %parallel_loop3A_524 = arith.constant 8 : i32
      %parallel_loop3A_525 = arith.divsi %parallel_loop3A_192, %parallel_loop3A_524 : i32
      %parallel_loop3A_526 = arith.constant 0 : i32
      %parallel_loop3A_527 = arith.cmpi sgt, %parallel_loop3A_192, %parallel_loop3A_526 : i32
      %parallel_loop3A_528 = arith.extui %parallel_loop3A_527 : i1 to i32
      %parallel_loop3A_529 = arith.constant 0 : i32
      %parallel_loop3A_530 = arith.cmpi slt, %parallel_loop3A_192, %parallel_loop3A_529 : i32
      %parallel_loop3A_531 = arith.extui %parallel_loop3A_530 : i1 to i32
      %parallel_loop3A_532 = arith.subi %parallel_loop3A_528, %parallel_loop3A_531 : i32
      %parallel_loop3A_533 = arith.constant 0 : i32
      %parallel_loop3A_534 = arith.cmpi sgt, %parallel_loop3A_524, %parallel_loop3A_533 : i32
      %parallel_loop3A_535 = arith.extui %parallel_loop3A_534 : i1 to i32
      %parallel_loop3A_536 = arith.constant 0 : i32
      %parallel_loop3A_537 = arith.cmpi slt, %parallel_loop3A_524, %parallel_loop3A_536 : i32
      %parallel_loop3A_538 = arith.extui %parallel_loop3A_537 : i1 to i32
      %parallel_loop3A_539 = arith.subi %parallel_loop3A_535, %parallel_loop3A_538 : i32
      %parallel_loop3A_540 = arith.cmpi ne, %parallel_loop3A_532, %parallel_loop3A_539 : i32
      %parallel_loop3A_541 = arith.remsi %parallel_loop3A_192, %parallel_loop3A_524 : i32
      %parallel_loop3A_542 = arith.constant 0 : i32
      %parallel_loop3A_543 = arith.cmpi ne, %parallel_loop3A_541, %parallel_loop3A_542 : i32
      %parallel_loop3A_544 = arith.andi %parallel_loop3A_540, %parallel_loop3A_543 : i1
      %parallel_loop3A_545 = arith.constant 1 : i32
      %parallel_loop3A_546 = arith.subi %parallel_loop3A_525, %parallel_loop3A_545 : i32
      %parallel_loop3A_547 = arith.select %parallel_loop3A_544, %parallel_loop3A_546, %parallel_loop3A_525 : i32
      %parallel_loop3A_548 = arith.constant 8 : i32
      %parallel_loop3A_549 = arith.constant 0 : i32
      %parallel_loop3A_550 = arith.cmpi eq, %parallel_loop3A_548, %parallel_loop3A_549 : i32
      %parallel_loop3A_551 = arith.constant 1 : i32
      %parallel_loop3A_552 = arith.select %parallel_loop3A_550, %parallel_loop3A_551, %parallel_loop3A_548 : i32
      %parallel_loop3A_553 = arith.remsi %parallel_loop3A_192, %parallel_loop3A_552 : i32
      %parallel_loop3A_554 = arith.constant 0 : i32
      %parallel_loop3A_555 = arith.cmpi ne, %parallel_loop3A_553, %parallel_loop3A_554 : i32
      %parallel_loop3A_556 = arith.constant 0 : i32
      %parallel_loop3A_557 = arith.cmpi slt, %parallel_loop3A_553, %parallel_loop3A_556 : i32
      %parallel_loop3A_558 = arith.constant 0 : i32
      %parallel_loop3A_559 = arith.cmpi slt, %parallel_loop3A_552, %parallel_loop3A_558 : i32
      %parallel_loop3A_560 = arith.xori %parallel_loop3A_557, %parallel_loop3A_559 : i1
      %parallel_loop3A_561 = arith.andi %parallel_loop3A_560, %parallel_loop3A_555 : i1
      %parallel_loop3A_562 = arith.addi %parallel_loop3A_553, %parallel_loop3A_552 : i32
      %parallel_loop3A_563 = arith.select %parallel_loop3A_561, %parallel_loop3A_562, %parallel_loop3A_553 : i32
      %parallel_loop3A_564 = arith.constant 0 : i32
      %parallel_loop3A_565 = arith.index_cast %parallel_loop3A_564 : i32 to index
      %parallel_loop3A_566 = arith.index_cast %parallel_loop3A_547 : i32 to index
      %parallel_loop3A_567 = arith.index_cast %parallel_loop3A_563 : i32 to index
      %parallel_loop3A_568 = arith.constant 112 : index
      %parallel_loop3A_569 = tpu.vector_load %arg7[%parallel_loop3A_565, %parallel_loop3A_566, %parallel_loop3A_567, %parallel_loop3A_568] {strides = array<i32>} : memref<2x8x8x128xf32, #tpu.memory_space<vmem>>, vector<16xf32>,
      tpu.vector_store %arg7[%parallel_loop3A_565, %parallel_loop3A_566, %parallel_loop3A_567, %parallel_loop3A_568], %parallel_loop3A_523 {strides = array<i32>} : memref<2x8x8x128xf32, #tpu.memory_space<vmem>>, vector<16xf32>,
    } {sc.loop_unroll_factor = 4 : i64, sc.parallel_access}
    %get3A_36 = arith.constant 1 : i32
    %get3A_37 = arith.index_cast %get3A_36 : i32 to index
    %get3A_38 = arith.constant 0 : index
    %get3A_39 = tpu.vector_load %arg5[%get3A_37, %get3A_38] {strides = array<i32>} : memref<200x128xi32, #tpu.memory_space<vmem>>, vector<16xi32>,
    %get3A_40 = arith.constant 1 : i32
    %get3A_41 = arith.index_cast %get3A_40 : i32 to index
    %get3A_42 = arith.constant 16 : index
    %get3A_43 = tpu.vector_load %arg5[%get3A_41, %get3A_42] {strides = array<i32>} : memref<200x128xi32, #tpu.memory_space<vmem>>, vector<16xi32>,
    %get3A_44 = arith.constant 1 : i32
    %get3A_45 = arith.index_cast %get3A_44 : i32 to index
    %get3A_46 = arith.constant 32 : index
    %get3A_47 = tpu.vector_load %arg5[%get3A_45, %get3A_46] {strides = array<i32>} : memref<200x128xi32, #tpu.memory_space<vmem>>, vector<16xi32>,
    %get3A_48 = arith.constant 1 : i32
    %get3A_49 = arith.index_cast %get3A_48 : i32 to index
    %get3A_50 = arith.constant 48 : index
    %get3A_51 = tpu.vector_load %arg5[%get3A_49, %get3A_50] {strides = array<i32>} : memref<200x128xi32, #tpu.memory_space<vmem>>, vector<16xi32>,
    %get3A_52 = arith.constant 1 : i32
    %get3A_53 = arith.index_cast %get3A_52 : i32 to index
    %get3A_54 = arith.constant 64 : index
    %get3A_55 = tpu.vector_load %arg5[%get3A_53, %get3A_54] {strides = array<i32>} : memref<200x128xi32, #tpu.memory_space<vmem>>, vector<16xi32>,
    %get3A_56 = arith.constant 1 : i32
    %get3A_57 = arith.index_cast %get3A_56 : i32 to index
    %get3A_58 = arith.constant 80 : index
    %get3A_59 = tpu.vector_load %arg5[%get3A_57, %get3A_58] {strides = array<i32>} : memref<200x128xi32, #tpu.memory_space<vmem>>, vector<16xi32>,
    %get3A_60 = arith.constant 1 : i32
    %get3A_61 = arith.index_cast %get3A_60 : i32 to index
    %get3A_62 = arith.constant 96 : index
    %get3A_63 = tpu.vector_load %arg5[%get3A_61, %get3A_62] {strides = array<i32>} : memref<200x128xi32, #tpu.memory_space<vmem>>, vector<16xi32>,
    %get3A_64 = arith.constant 1 : i32
    %get3A_65 = arith.index_cast %get3A_64 : i32 to index
    %get3A_66 = arith.constant 112 : index
    %get3A_67 = tpu.vector_load %arg5[%get3A_65, %get3A_66] {strides = array<i32>} : memref<200x128xi32, #tpu.memory_space<vmem>>, vector<16xi32>,
    %parallel_loop3A_68 = arith.constant 0 : i32
    %parallel_loop3A_69 = arith.constant 64 : i32
    %parallel_loop3A_70 = arith.constant 1 : i32
    scf.for %parallel_loop3A_192 = %parallel_loop3A_68 to %parallel_loop3A_69 step %parallel_loop3A_70  : i32 {
      %parallel_loop3A_193 = vector.broadcast %parallel_loop3A_192 : i32 to vector<16xi32>
      %parallel_loop3A_194 = tpu.vector_load_idx %arg6[%parallel_loop3A_193, %get3A_39] : memref<64x1024xf32, #tpu.memory_space<vmem>>[vector<16xi32>, vector<16xi32>], vector<16xf32>,
      %parallel_loop3A_195 = arith.constant 8 : i32
      %parallel_loop3A_196 = arith.divsi %parallel_loop3A_192, %parallel_loop3A_195 : i32
      %parallel_loop3A_197 = arith.constant 0 : i32
      %parallel_loop3A_198 = arith.cmpi sgt, %parallel_loop3A_192, %parallel_loop3A_197 : i32
      %parallel_loop3A_199 = arith.extui %parallel_loop3A_198 : i1 to i32
      %parallel_loop3A_200 = arith.constant 0 : i32
      %parallel_loop3A_201 = arith.cmpi slt, %parallel_loop3A_192, %parallel_loop3A_200 : i32
      %parallel_loop3A_202 = arith.extui %parallel_loop3A_201 : i1 to i32
      %parallel_loop3A_203 = arith.subi %parallel_loop3A_199, %parallel_loop3A_202 : i32
      %parallel_loop3A_204 = arith.constant 0 : i32
      %parallel_loop3A_205 = arith.cmpi sgt, %parallel_loop3A_195, %parallel_loop3A_204 : i32
      %parallel_loop3A_206 = arith.extui %parallel_loop3A_205 : i1 to i32
      %parallel_loop3A_207 = arith.constant 0 : i32
      %parallel_loop3A_208 = arith.cmpi slt, %parallel_loop3A_195, %parallel_loop3A_207 : i32
      %parallel_loop3A_209 = arith.extui %parallel_loop3A_208 : i1 to i32
      %parallel_loop3A_210 = arith.subi %parallel_loop3A_206, %parallel_loop3A_209 : i32
      %parallel_loop3A_211 = arith.cmpi ne, %parallel_loop3A_203, %parallel_loop3A_210 : i32
      %parallel_loop3A_212 = arith.remsi %parallel_loop3A_192, %parallel_loop3A_195 : i32
      %parallel_loop3A_213 = arith.constant 0 : i32
      %parallel_loop3A_214 = arith.cmpi ne, %parallel_loop3A_212, %parallel_loop3A_213 : i32
      %parallel_loop3A_215 = arith.andi %parallel_loop3A_211, %parallel_loop3A_214 : i1
      %parallel_loop3A_216 = arith.constant 1 : i32
      %parallel_loop3A_217 = arith.subi %parallel_loop3A_196, %parallel_loop3A_216 : i32
      %parallel_loop3A_218 = arith.select %parallel_loop3A_215, %parallel_loop3A_217, %parallel_loop3A_196 : i32
      %parallel_loop3A_219 = arith.constant 8 : i32
      %parallel_loop3A_220 = arith.constant 0 : i32
      %parallel_loop3A_221 = arith.cmpi eq, %parallel_loop3A_219, %parallel_loop3A_220 : i32
      %parallel_loop3A_222 = arith.constant 1 : i32
      %parallel_loop3A_223 = arith.select %parallel_loop3A_221, %parallel_loop3A_222, %parallel_loop3A_219 : i32
      %parallel_loop3A_224 = arith.remsi %parallel_loop3A_192, %parallel_loop3A_223 : i32
      %parallel_loop3A_225 = arith.constant 0 : i32
      %parallel_loop3A_226 = arith.cmpi ne, %parallel_loop3A_224, %parallel_loop3A_225 : i32
      %parallel_loop3A_227 = arith.constant 0 : i32
      %parallel_loop3A_228 = arith.cmpi slt, %parallel_loop3A_224, %parallel_loop3A_227 : i32
      %parallel_loop3A_229 = arith.constant 0 : i32
      %parallel_loop3A_230 = arith.cmpi slt, %parallel_loop3A_223, %parallel_loop3A_229 : i32
      %parallel_loop3A_231 = arith.xori %parallel_loop3A_228, %parallel_loop3A_230 : i1
      %parallel_loop3A_232 = arith.andi %parallel_loop3A_231, %parallel_loop3A_226 : i1
      %parallel_loop3A_233 = arith.addi %parallel_loop3A_224, %parallel_loop3A_223 : i32
      %parallel_loop3A_234 = arith.select %parallel_loop3A_232, %parallel_loop3A_233, %parallel_loop3A_224 : i32
      %parallel_loop3A_235 = arith.constant 1 : i32
      %parallel_loop3A_236 = arith.index_cast %parallel_loop3A_235 : i32 to index
      %parallel_loop3A_237 = arith.index_cast %parallel_loop3A_218 : i32 to index
      %parallel_loop3A_238 = arith.index_cast %parallel_loop3A_234 : i32 to index
      %parallel_loop3A_239 = arith.constant 0 : index
      %parallel_loop3A_240 = tpu.vector_load %arg7[%parallel_loop3A_236, %parallel_loop3A_237, %parallel_loop3A_238, %parallel_loop3A_239] {strides = array<i32>} : memref<2x8x8x128xf32, #tpu.memory_space<vmem>>, vector<16xf32>,
      tpu.vector_store %arg7[%parallel_loop3A_236, %parallel_loop3A_237, %parallel_loop3A_238, %parallel_loop3A_239], %parallel_loop3A_194 {strides = array<i32>} : memref<2x8x8x128xf32, #tpu.memory_space<vmem>>, vector<16xf32>,
      %parallel_loop3A_241 = tpu.vector_load_idx %arg6[%parallel_loop3A_193, %get3A_43] : memref<64x1024xf32, #tpu.memory_space<vmem>>[vector<16xi32>, vector<16xi32>], vector<16xf32>,
      %parallel_loop3A_242 = arith.constant 8 : i32
      %parallel_loop3A_243 = arith.divsi %parallel_loop3A_192, %parallel_loop3A_242 : i32
      %parallel_loop3A_244 = arith.constant 0 : i32
      %parallel_loop3A_245 = arith.cmpi sgt, %parallel_loop3A_192, %parallel_loop3A_244 : i32
      %parallel_loop3A_246 = arith.extui %parallel_loop3A_245 : i1 to i32
      %parallel_loop3A_247 = arith.constant 0 : i32
      %parallel_loop3A_248 = arith.cmpi slt, %parallel_loop3A_192, %parallel_loop3A_247 : i32
      %parallel_loop3A_249 = arith.extui %parallel_loop3A_248 : i1 to i32
      %parallel_loop3A_250 = arith.subi %parallel_loop3A_246, %parallel_loop3A_249 : i32
      %parallel_loop3A_251 = arith.constant 0 : i32
      %parallel_loop3A_252 = arith.cmpi sgt, %parallel_loop3A_242, %parallel_loop3A_251 : i32
      %parallel_loop3A_253 = arith.extui %parallel_loop3A_252 : i1 to i32
      %parallel_loop3A_254 = arith.constant 0 : i32
      %parallel_loop3A_255 = arith.cmpi slt, %parallel_loop3A_242, %parallel_loop3A_254 : i32
      %parallel_loop3A_256 = arith.extui %parallel_loop3A_255 : i1 to i32
      %parallel_loop3A_257 = arith.subi %parallel_loop3A_253, %parallel_loop3A_256 : i32
      %parallel_loop3A_258 = arith.cmpi ne, %parallel_loop3A_250, %parallel_loop3A_257 : i32
      %parallel_loop3A_259 = arith.remsi %parallel_loop3A_192, %parallel_loop3A_242 : i32
      %parallel_loop3A_260 = arith.constant 0 : i32
      %parallel_loop3A_261 = arith.cmpi ne, %parallel_loop3A_259, %parallel_loop3A_260 : i32
      %parallel_loop3A_262 = arith.andi %parallel_loop3A_258, %parallel_loop3A_261 : i1
      %parallel_loop3A_263 = arith.constant 1 : i32
      %parallel_loop3A_264 = arith.subi %parallel_loop3A_243, %parallel_loop3A_263 : i32
      %parallel_loop3A_265 = arith.select %parallel_loop3A_262, %parallel_loop3A_264, %parallel_loop3A_243 : i32
      %parallel_loop3A_266 = arith.constant 8 : i32
      %parallel_loop3A_267 = arith.constant 0 : i32
      %parallel_loop3A_268 = arith.cmpi eq, %parallel_loop3A_266, %parallel_loop3A_267 : i32
      %parallel_loop3A_269 = arith.constant 1 : i32
      %parallel_loop3A_270 = arith.select %parallel_loop3A_268, %parallel_loop3A_269, %parallel_loop3A_266 : i32
      %parallel_loop3A_271 = arith.remsi %parallel_loop3A_192, %parallel_loop3A_270 : i32
      %parallel_loop3A_272 = arith.constant 0 : i32
      %parallel_loop3A_273 = arith.cmpi ne, %parallel_loop3A_271, %parallel_loop3A_272 : i32
      %parallel_loop3A_274 = arith.constant 0 : i32
      %parallel_loop3A_275 = arith.cmpi slt, %parallel_loop3A_271, %parallel_loop3A_274 : i32
      %parallel_loop3A_276 = arith.constant 0 : i32
      %parallel_loop3A_277 = arith.cmpi slt, %parallel_loop3A_270, %parallel_loop3A_276 : i32
      %parallel_loop3A_278 = arith.xori %parallel_loop3A_275, %parallel_loop3A_277 : i1
      %parallel_loop3A_279 = arith.andi %parallel_loop3A_278, %parallel_loop3A_273 : i1
      %parallel_loop3A_280 = arith.addi %parallel_loop3A_271, %parallel_loop3A_270 : i32
      %parallel_loop3A_281 = arith.select %parallel_loop3A_279, %parallel_loop3A_280, %parallel_loop3A_271 : i32
      %parallel_loop3A_282 = arith.constant 1 : i32
      %parallel_loop3A_283 = arith.index_cast %parallel_loop3A_282 : i32 to index
      %parallel_loop3A_284 = arith.index_cast %parallel_loop3A_265 : i32 to index
      %parallel_loop3A_285 = arith.index_cast %parallel_loop3A_281 : i32 to index
      %parallel_loop3A_286 = arith.constant 16 : index
      %parallel_loop3A_287 = tpu.vector_load %arg7[%parallel_loop3A_283, %parallel_loop3A_284, %parallel_loop3A_285, %parallel_loop3A_286] {strides = array<i32>} : memref<2x8x8x128xf32, #tpu.memory_space<vmem>>, vector<16xf32>,
      tpu.vector_store %arg7[%parallel_loop3A_283, %parallel_loop3A_284, %parallel_loop3A_285, %parallel_loop3A_286], %parallel_loop3A_241 {strides = array<i32>} : memref<2x8x8x128xf32, #tpu.memory_space<vmem>>, vector<16xf32>,
      %parallel_loop3A_288 = tpu.vector_load_idx %arg6[%parallel_loop3A_193, %get3A_47] : memref<64x1024xf32, #tpu.memory_space<vmem>>[vector<16xi32>, vector<16xi32>], vector<16xf32>,
      %parallel_loop3A_289 = arith.constant 8 : i32
      %parallel_loop3A_290 = arith.divsi %parallel_loop3A_192, %parallel_loop3A_289 : i32
      %parallel_loop3A_291 = arith.constant 0 : i32
      %parallel_loop3A_292 = arith.cmpi sgt, %parallel_loop3A_192, %parallel_loop3A_291 : i32
      %parallel_loop3A_293 = arith.extui %parallel_loop3A_292 : i1 to i32
      %parallel_loop3A_294 = arith.constant 0 : i32
      %parallel_loop3A_295 = arith.cmpi slt, %parallel_loop3A_192, %parallel_loop3A_294 : i32
      %parallel_loop3A_296 = arith.extui %parallel_loop3A_295 : i1 to i32
      %parallel_loop3A_297 = arith.subi %parallel_loop3A_293, %parallel_loop3A_296 : i32
      %parallel_loop3A_298 = arith.constant 0 : i32
      %parallel_loop3A_299 = arith.cmpi sgt, %parallel_loop3A_289, %parallel_loop3A_298 : i32
      %parallel_loop3A_300 = arith.extui %parallel_loop3A_299 : i1 to i32
      %parallel_loop3A_301 = arith.constant 0 : i32
      %parallel_loop3A_302 = arith.cmpi slt, %parallel_loop3A_289, %parallel_loop3A_301 : i32
      %parallel_loop3A_303 = arith.extui %parallel_loop3A_302 : i1 to i32
      %parallel_loop3A_304 = arith.subi %parallel_loop3A_300, %parallel_loop3A_303 : i32
      %parallel_loop3A_305 = arith.cmpi ne, %parallel_loop3A_297, %parallel_loop3A_304 : i32
      %parallel_loop3A_306 = arith.remsi %parallel_loop3A_192, %parallel_loop3A_289 : i32
      %parallel_loop3A_307 = arith.constant 0 : i32
      %parallel_loop3A_308 = arith.cmpi ne, %parallel_loop3A_306, %parallel_loop3A_307 : i32
      %parallel_loop3A_309 = arith.andi %parallel_loop3A_305, %parallel_loop3A_308 : i1
      %parallel_loop3A_310 = arith.constant 1 : i32
      %parallel_loop3A_311 = arith.subi %parallel_loop3A_290, %parallel_loop3A_310 : i32
      %parallel_loop3A_312 = arith.select %parallel_loop3A_309, %parallel_loop3A_311, %parallel_loop3A_290 : i32
      %parallel_loop3A_313 = arith.constant 8 : i32
      %parallel_loop3A_314 = arith.constant 0 : i32
      %parallel_loop3A_315 = arith.cmpi eq, %parallel_loop3A_313, %parallel_loop3A_314 : i32
      %parallel_loop3A_316 = arith.constant 1 : i32
      %parallel_loop3A_317 = arith.select %parallel_loop3A_315, %parallel_loop3A_316, %parallel_loop3A_313 : i32
      %parallel_loop3A_318 = arith.remsi %parallel_loop3A_192, %parallel_loop3A_317 : i32
      %parallel_loop3A_319 = arith.constant 0 : i32
      %parallel_loop3A_320 = arith.cmpi ne, %parallel_loop3A_318, %parallel_loop3A_319 : i32
      %parallel_loop3A_321 = arith.constant 0 : i32
      %parallel_loop3A_322 = arith.cmpi slt, %parallel_loop3A_318, %parallel_loop3A_321 : i32
      %parallel_loop3A_323 = arith.constant 0 : i32
      %parallel_loop3A_324 = arith.cmpi slt, %parallel_loop3A_317, %parallel_loop3A_323 : i32
      %parallel_loop3A_325 = arith.xori %parallel_loop3A_322, %parallel_loop3A_324 : i1
      %parallel_loop3A_326 = arith.andi %parallel_loop3A_325, %parallel_loop3A_320 : i1
      %parallel_loop3A_327 = arith.addi %parallel_loop3A_318, %parallel_loop3A_317 : i32
      %parallel_loop3A_328 = arith.select %parallel_loop3A_326, %parallel_loop3A_327, %parallel_loop3A_318 : i32
      %parallel_loop3A_329 = arith.constant 1 : i32
      %parallel_loop3A_330 = arith.index_cast %parallel_loop3A_329 : i32 to index
      %parallel_loop3A_331 = arith.index_cast %parallel_loop3A_312 : i32 to index
      %parallel_loop3A_332 = arith.index_cast %parallel_loop3A_328 : i32 to index
      %parallel_loop3A_333 = arith.constant 32 : index
      %parallel_loop3A_334 = tpu.vector_load %arg7[%parallel_loop3A_330, %parallel_loop3A_331, %parallel_loop3A_332, %parallel_loop3A_333] {strides = array<i32>} : memref<2x8x8x128xf32, #tpu.memory_space<vmem>>, vector<16xf32>,
      tpu.vector_store %arg7[%parallel_loop3A_330, %parallel_loop3A_331, %parallel_loop3A_332, %parallel_loop3A_333], %parallel_loop3A_288 {strides = array<i32>} : memref<2x8x8x128xf32, #tpu.memory_space<vmem>>, vector<16xf32>,
      %parallel_loop3A_335 = tpu.vector_load_idx %arg6[%parallel_loop3A_193, %get3A_51] : memref<64x1024xf32, #tpu.memory_space<vmem>>[vector<16xi32>, vector<16xi32>], vector<16xf32>,
      %parallel_loop3A_336 = arith.constant 8 : i32
      %parallel_loop3A_337 = arith.divsi %parallel_loop3A_192, %parallel_loop3A_336 : i32
      %parallel_loop3A_338 = arith.constant 0 : i32
      %parallel_loop3A_339 = arith.cmpi sgt, %parallel_loop3A_192, %parallel_loop3A_338 : i32
      %parallel_loop3A_340 = arith.extui %parallel_loop3A_339 : i1 to i32
      %parallel_loop3A_341 = arith.constant 0 : i32
      %parallel_loop3A_342 = arith.cmpi slt, %parallel_loop3A_192, %parallel_loop3A_341 : i32
      %parallel_loop3A_343 = arith.extui %parallel_loop3A_342 : i1 to i32
      %parallel_loop3A_344 = arith.subi %parallel_loop3A_340, %parallel_loop3A_343 : i32
      %parallel_loop3A_345 = arith.constant 0 : i32
      %parallel_loop3A_346 = arith.cmpi sgt, %parallel_loop3A_336, %parallel_loop3A_345 : i32
      %parallel_loop3A_347 = arith.extui %parallel_loop3A_346 : i1 to i32
      %parallel_loop3A_348 = arith.constant 0 : i32
      %parallel_loop3A_349 = arith.cmpi slt, %parallel_loop3A_336, %parallel_loop3A_348 : i32
      %parallel_loop3A_350 = arith.extui %parallel_loop3A_349 : i1 to i32
      %parallel_loop3A_351 = arith.subi %parallel_loop3A_347, %parallel_loop3A_350 : i32
      %parallel_loop3A_352 = arith.cmpi ne, %parallel_loop3A_344, %parallel_loop3A_351 : i32
      %parallel_loop3A_353 = arith.remsi %parallel_loop3A_192, %parallel_loop3A_336 : i32
      %parallel_loop3A_354 = arith.constant 0 : i32
      %parallel_loop3A_355 = arith.cmpi ne, %parallel_loop3A_353, %parallel_loop3A_354 : i32
      %parallel_loop3A_356 = arith.andi %parallel_loop3A_352, %parallel_loop3A_355 : i1
      %parallel_loop3A_357 = arith.constant 1 : i32
      %parallel_loop3A_358 = arith.subi %parallel_loop3A_337, %parallel_loop3A_357 : i32
      %parallel_loop3A_359 = arith.select %parallel_loop3A_356, %parallel_loop3A_358, %parallel_loop3A_337 : i32
      %parallel_loop3A_360 = arith.constant 8 : i32
      %parallel_loop3A_361 = arith.constant 0 : i32
      %parallel_loop3A_362 = arith.cmpi eq, %parallel_loop3A_360, %parallel_loop3A_361 : i32
      %parallel_loop3A_363 = arith.constant 1 : i32
      %parallel_loop3A_364 = arith.select %parallel_loop3A_362, %parallel_loop3A_363, %parallel_loop3A_360 : i32
      %parallel_loop3A_365 = arith.remsi %parallel_loop3A_192, %parallel_loop3A_364 : i32
      %parallel_loop3A_366 = arith.constant 0 : i32
      %parallel_loop3A_367 = arith.cmpi ne, %parallel_loop3A_365, %parallel_loop3A_366 : i32
      %parallel_loop3A_368 = arith.constant 0 : i32
      %parallel_loop3A_369 = arith.cmpi slt, %parallel_loop3A_365, %parallel_loop3A_368 : i32
      %parallel_loop3A_370 = arith.constant 0 : i32
      %parallel_loop3A_371 = arith.cmpi slt, %parallel_loop3A_364, %parallel_loop3A_370 : i32
      %parallel_loop3A_372 = arith.xori %parallel_loop3A_369, %parallel_loop3A_371 : i1
      %parallel_loop3A_373 = arith.andi %parallel_loop3A_372, %parallel_loop3A_367 : i1
      %parallel_loop3A_374 = arith.addi %parallel_loop3A_365, %parallel_loop3A_364 : i32
      %parallel_loop3A_375 = arith.select %parallel_loop3A_373, %parallel_loop3A_374, %parallel_loop3A_365 : i32
      %parallel_loop3A_376 = arith.constant 1 : i32
      %parallel_loop3A_377 = arith.index_cast %parallel_loop3A_376 : i32 to index
      %parallel_loop3A_378 = arith.index_cast %parallel_loop3A_359 : i32 to index
      %parallel_loop3A_379 = arith.index_cast %parallel_loop3A_375 : i32 to index
      %parallel_loop3A_380 = arith.constant 48 : index
      %parallel_loop3A_381 = tpu.vector_load %arg7[%parallel_loop3A_377, %parallel_loop3A_378, %parallel_loop3A_379, %parallel_loop3A_380] {strides = array<i32>} : memref<2x8x8x128xf32, #tpu.memory_space<vmem>>, vector<16xf32>,
      tpu.vector_store %arg7[%parallel_loop3A_377, %parallel_loop3A_378, %parallel_loop3A_379, %parallel_loop3A_380], %parallel_loop3A_335 {strides = array<i32>} : memref<2x8x8x128xf32, #tpu.memory_space<vmem>>, vector<16xf32>,
      %parallel_loop3A_382 = tpu.vector_load_idx %arg6[%parallel_loop3A_193, %get3A_55] : memref<64x1024xf32, #tpu.memory_space<vmem>>[vector<16xi32>, vector<16xi32>], vector<16xf32>,
      %parallel_loop3A_383 = arith.constant 8 : i32
      %parallel_loop3A_384 = arith.divsi %parallel_loop3A_192, %parallel_loop3A_383 : i32
      %parallel_loop3A_385 = arith.constant 0 : i32
      %parallel_loop3A_386 = arith.cmpi sgt, %parallel_loop3A_192, %parallel_loop3A_385 : i32
      %parallel_loop3A_387 = arith.extui %parallel_loop3A_386 : i1 to i32
      %parallel_loop3A_388 = arith.constant 0 : i32
      %parallel_loop3A_389 = arith.cmpi slt, %parallel_loop3A_192, %parallel_loop3A_388 : i32
      %parallel_loop3A_390 = arith.extui %parallel_loop3A_389 : i1 to i32
      %parallel_loop3A_391 = arith.subi %parallel_loop3A_387, %parallel_loop3A_390 : i32
      %parallel_loop3A_392 = arith.constant 0 : i32
      %parallel_loop3A_393 = arith.cmpi sgt, %parallel_loop3A_383, %parallel_loop3A_392 : i32
      %parallel_loop3A_394 = arith.extui %parallel_loop3A_393 : i1 to i32
      %parallel_loop3A_395 = arith.constant 0 : i32
      %parallel_loop3A_396 = arith.cmpi slt, %parallel_loop3A_383, %parallel_loop3A_395 : i32
      %parallel_loop3A_397 = arith.extui %parallel_loop3A_396 : i1 to i32
      %parallel_loop3A_398 = arith.subi %parallel_loop3A_394, %parallel_loop3A_397 : i32
      %parallel_loop3A_399 = arith.cmpi ne, %parallel_loop3A_391, %parallel_loop3A_398 : i32
      %parallel_loop3A_400 = arith.remsi %parallel_loop3A_192, %parallel_loop3A_383 : i32
      %parallel_loop3A_401 = arith.constant 0 : i32
      %parallel_loop3A_402 = arith.cmpi ne, %parallel_loop3A_400, %parallel_loop3A_401 : i32
      %parallel_loop3A_403 = arith.andi %parallel_loop3A_399, %parallel_loop3A_402 : i1
      %parallel_loop3A_404 = arith.constant 1 : i32
      %parallel_loop3A_405 = arith.subi %parallel_loop3A_384, %parallel_loop3A_404 : i32
      %parallel_loop3A_406 = arith.select %parallel_loop3A_403, %parallel_loop3A_405, %parallel_loop3A_384 : i32
      %parallel_loop3A_407 = arith.constant 8 : i32
      %parallel_loop3A_408 = arith.constant 0 : i32
      %parallel_loop3A_409 = arith.cmpi eq, %parallel_loop3A_407, %parallel_loop3A_408 : i32
      %parallel_loop3A_410 = arith.constant 1 : i32
      %parallel_loop3A_411 = arith.select %parallel_loop3A_409, %parallel_loop3A_410, %parallel_loop3A_407 : i32
      %parallel_loop3A_412 = arith.remsi %parallel_loop3A_192, %parallel_loop3A_411 : i32
      %parallel_loop3A_413 = arith.constant 0 : i32
      %parallel_loop3A_414 = arith.cmpi ne, %parallel_loop3A_412, %parallel_loop3A_413 : i32
      %parallel_loop3A_415 = arith.constant 0 : i32
      %parallel_loop3A_416 = arith.cmpi slt, %parallel_loop3A_412, %parallel_loop3A_415 : i32
      %parallel_loop3A_417 = arith.constant 0 : i32
      %parallel_loop3A_418 = arith.cmpi slt, %parallel_loop3A_411, %parallel_loop3A_417 : i32
      %parallel_loop3A_419 = arith.xori %parallel_loop3A_416, %parallel_loop3A_418 : i1
      %parallel_loop3A_420 = arith.andi %parallel_loop3A_419, %parallel_loop3A_414 : i1
      %parallel_loop3A_421 = arith.addi %parallel_loop3A_412, %parallel_loop3A_411 : i32
      %parallel_loop3A_422 = arith.select %parallel_loop3A_420, %parallel_loop3A_421, %parallel_loop3A_412 : i32
      %parallel_loop3A_423 = arith.constant 1 : i32
      %parallel_loop3A_424 = arith.index_cast %parallel_loop3A_423 : i32 to index
      %parallel_loop3A_425 = arith.index_cast %parallel_loop3A_406 : i32 to index
      %parallel_loop3A_426 = arith.index_cast %parallel_loop3A_422 : i32 to index
      %parallel_loop3A_427 = arith.constant 64 : index
      %parallel_loop3A_428 = tpu.vector_load %arg7[%parallel_loop3A_424, %parallel_loop3A_425, %parallel_loop3A_426, %parallel_loop3A_427] {strides = array<i32>} : memref<2x8x8x128xf32, #tpu.memory_space<vmem>>, vector<16xf32>,
      tpu.vector_store %arg7[%parallel_loop3A_424, %parallel_loop3A_425, %parallel_loop3A_426, %parallel_loop3A_427], %parallel_loop3A_382 {strides = array<i32>} : memref<2x8x8x128xf32, #tpu.memory_space<vmem>>, vector<16xf32>,
      %parallel_loop3A_429 = tpu.vector_load_idx %arg6[%parallel_loop3A_193, %get3A_59] : memref<64x1024xf32, #tpu.memory_space<vmem>>[vector<16xi32>, vector<16xi32>], vector<16xf32>,
      %parallel_loop3A_430 = arith.constant 8 : i32
      %parallel_loop3A_431 = arith.divsi %parallel_loop3A_192, %parallel_loop3A_430 : i32
      %parallel_loop3A_432 = arith.constant 0 : i32
      %parallel_loop3A_433 = arith.cmpi sgt, %parallel_loop3A_192, %parallel_loop3A_432 : i32
      %parallel_loop3A_434 = arith.extui %parallel_loop3A_433 : i1 to i32
      %parallel_loop3A_435 = arith.constant 0 : i32
      %parallel_loop3A_436 = arith.cmpi slt, %parallel_loop3A_192, %parallel_loop3A_435 : i32
      %parallel_loop3A_437 = arith.extui %parallel_loop3A_436 : i1 to i32
      %parallel_loop3A_438 = arith.subi %parallel_loop3A_434, %parallel_loop3A_437 : i32
      %parallel_loop3A_439 = arith.constant 0 : i32
      %parallel_loop3A_440 = arith.cmpi sgt, %parallel_loop3A_430, %parallel_loop3A_439 : i32
      %parallel_loop3A_441 = arith.extui %parallel_loop3A_440 : i1 to i32
      %parallel_loop3A_442 = arith.constant 0 : i32
      %parallel_loop3A_443 = arith.cmpi slt, %parallel_loop3A_430, %parallel_loop3A_442 : i32
      %parallel_loop3A_444 = arith.extui %parallel_loop3A_443 : i1 to i32
      %parallel_loop3A_445 = arith.subi %parallel_loop3A_441, %parallel_loop3A_444 : i32
      %parallel_loop3A_446 = arith.cmpi ne, %parallel_loop3A_438, %parallel_loop3A_445 : i32
      %parallel_loop3A_447 = arith.remsi %parallel_loop3A_192, %parallel_loop3A_430 : i32
      %parallel_loop3A_448 = arith.constant 0 : i32
      %parallel_loop3A_449 = arith.cmpi ne, %parallel_loop3A_447, %parallel_loop3A_448 : i32
      %parallel_loop3A_450 = arith.andi %parallel_loop3A_446, %parallel_loop3A_449 : i1
      %parallel_loop3A_451 = arith.constant 1 : i32
      %parallel_loop3A_452 = arith.subi %parallel_loop3A_431, %parallel_loop3A_451 : i32
      %parallel_loop3A_453 = arith.select %parallel_loop3A_450, %parallel_loop3A_452, %parallel_loop3A_431 : i32
      %parallel_loop3A_454 = arith.constant 8 : i32
      %parallel_loop3A_455 = arith.constant 0 : i32
      %parallel_loop3A_456 = arith.cmpi eq, %parallel_loop3A_454, %parallel_loop3A_455 : i32
      %parallel_loop3A_457 = arith.constant 1 : i32
      %parallel_loop3A_458 = arith.select %parallel_loop3A_456, %parallel_loop3A_457, %parallel_loop3A_454 : i32
      %parallel_loop3A_459 = arith.remsi %parallel_loop3A_192, %parallel_loop3A_458 : i32
      %parallel_loop3A_460 = arith.constant 0 : i32
      %parallel_loop3A_461 = arith.cmpi ne, %parallel_loop3A_459, %parallel_loop3A_460 : i32
      %parallel_loop3A_462 = arith.constant 0 : i32
      %parallel_loop3A_463 = arith.cmpi slt, %parallel_loop3A_459, %parallel_loop3A_462 : i32
      %parallel_loop3A_464 = arith.constant 0 : i32
      %parallel_loop3A_465 = arith.cmpi slt, %parallel_loop3A_458, %parallel_loop3A_464 : i32
      %parallel_loop3A_466 = arith.xori %parallel_loop3A_463, %parallel_loop3A_465 : i1
      %parallel_loop3A_467 = arith.andi %parallel_loop3A_466, %parallel_loop3A_461 : i1
      %parallel_loop3A_468 = arith.addi %parallel_loop3A_459, %parallel_loop3A_458 : i32
      %parallel_loop3A_469 = arith.select %parallel_loop3A_467, %parallel_loop3A_468, %parallel_loop3A_459 : i32
      %parallel_loop3A_470 = arith.constant 1 : i32
      %parallel_loop3A_471 = arith.index_cast %parallel_loop3A_470 : i32 to index
      %parallel_loop3A_472 = arith.index_cast %parallel_loop3A_453 : i32 to index
      %parallel_loop3A_473 = arith.index_cast %parallel_loop3A_469 : i32 to index
      %parallel_loop3A_474 = arith.constant 80 : index
      %parallel_loop3A_475 = tpu.vector_load %arg7[%parallel_loop3A_471, %parallel_loop3A_472, %parallel_loop3A_473, %parallel_loop3A_474] {strides = array<i32>} : memref<2x8x8x128xf32, #tpu.memory_space<vmem>>, vector<16xf32>,
      tpu.vector_store %arg7[%parallel_loop3A_471, %parallel_loop3A_472, %parallel_loop3A_473, %parallel_loop3A_474], %parallel_loop3A_429 {strides = array<i32>} : memref<2x8x8x128xf32, #tpu.memory_space<vmem>>, vector<16xf32>,
      %parallel_loop3A_476 = tpu.vector_load_idx %arg6[%parallel_loop3A_193, %get3A_63] : memref<64x1024xf32, #tpu.memory_space<vmem>>[vector<16xi32>, vector<16xi32>], vector<16xf32>,
      %parallel_loop3A_477 = arith.constant 8 : i32
      %parallel_loop3A_478 = arith.divsi %parallel_loop3A_192, %parallel_loop3A_477 : i32
      %parallel_loop3A_479 = arith.constant 0 : i32
      %parallel_loop3A_480 = arith.cmpi sgt, %parallel_loop3A_192, %parallel_loop3A_479 : i32
      %parallel_loop3A_481 = arith.extui %parallel_loop3A_480 : i1 to i32
      %parallel_loop3A_482 = arith.constant 0 : i32
      %parallel_loop3A_483 = arith.cmpi slt, %parallel_loop3A_192, %parallel_loop3A_482 : i32
      %parallel_loop3A_484 = arith.extui %parallel_loop3A_483 : i1 to i32
      %parallel_loop3A_485 = arith.subi %parallel_loop3A_481, %parallel_loop3A_484 : i32
      %parallel_loop3A_486 = arith.constant 0 : i32
      %parallel_loop3A_487 = arith.cmpi sgt, %parallel_loop3A_477, %parallel_loop3A_486 : i32
      %parallel_loop3A_488 = arith.extui %parallel_loop3A_487 : i1 to i32
      %parallel_loop3A_489 = arith.constant 0 : i32
      %parallel_loop3A_490 = arith.cmpi slt, %parallel_loop3A_477, %parallel_loop3A_489 : i32
      %parallel_loop3A_491 = arith.extui %parallel_loop3A_490 : i1 to i32
      %parallel_loop3A_492 = arith.subi %parallel_loop3A_488, %parallel_loop3A_491 : i32
      %parallel_loop3A_493 = arith.cmpi ne, %parallel_loop3A_485, %parallel_loop3A_492 : i32
      %parallel_loop3A_494 = arith.remsi %parallel_loop3A_192, %parallel_loop3A_477 : i32
      %parallel_loop3A_495 = arith.constant 0 : i32
      %parallel_loop3A_496 = arith.cmpi ne, %parallel_loop3A_494, %parallel_loop3A_495 : i32
      %parallel_loop3A_497 = arith.andi %parallel_loop3A_493, %parallel_loop3A_496 : i1
      %parallel_loop3A_498 = arith.constant 1 : i32
      %parallel_loop3A_499 = arith.subi %parallel_loop3A_478, %parallel_loop3A_498 : i32
      %parallel_loop3A_500 = arith.select %parallel_loop3A_497, %parallel_loop3A_499, %parallel_loop3A_478 : i32
      %parallel_loop3A_501 = arith.constant 8 : i32
      %parallel_loop3A_502 = arith.constant 0 : i32
      %parallel_loop3A_503 = arith.cmpi eq, %parallel_loop3A_501, %parallel_loop3A_502 : i32
      %parallel_loop3A_504 = arith.constant 1 : i32
      %parallel_loop3A_505 = arith.select %parallel_loop3A_503, %parallel_loop3A_504, %parallel_loop3A_501 : i32
      %parallel_loop3A_506 = arith.remsi %parallel_loop3A_192, %parallel_loop3A_505 : i32
      %parallel_loop3A_507 = arith.constant 0 : i32
      %parallel_loop3A_508 = arith.cmpi ne, %parallel_loop3A_506, %parallel_loop3A_507 : i32
      %parallel_loop3A_509 = arith.constant 0 : i32
      %parallel_loop3A_510 = arith.cmpi slt, %parallel_loop3A_506, %parallel_loop3A_509 : i32
      %parallel_loop3A_511 = arith.constant 0 : i32
      %parallel_loop3A_512 = arith.cmpi slt, %parallel_loop3A_505, %parallel_loop3A_511 : i32
      %parallel_loop3A_513 = arith.xori %parallel_loop3A_510, %parallel_loop3A_512 : i1
      %parallel_loop3A_514 = arith.andi %parallel_loop3A_513, %parallel_loop3A_508 : i1
      %parallel_loop3A_515 = arith.addi %parallel_loop3A_506, %parallel_loop3A_505 : i32
      %parallel_loop3A_516 = arith.select %parallel_loop3A_514, %parallel_loop3A_515, %parallel_loop3A_506 : i32
      %parallel_loop3A_517 = arith.constant 1 : i32
      %parallel_loop3A_518 = arith.index_cast %parallel_loop3A_517 : i32 to index
      %parallel_loop3A_519 = arith.index_cast %parallel_loop3A_500 : i32 to index
      %parallel_loop3A_520 = arith.index_cast %parallel_loop3A_516 : i32 to index
      %parallel_loop3A_521 = arith.constant 96 : index
      %parallel_loop3A_522 = tpu.vector_load %arg7[%parallel_loop3A_518, %parallel_loop3A_519, %parallel_loop3A_520, %parallel_loop3A_521] {strides = array<i32>} : memref<2x8x8x128xf32, #tpu.memory_space<vmem>>, vector<16xf32>,
      tpu.vector_store %arg7[%parallel_loop3A_518, %parallel_loop3A_519, %parallel_loop3A_520, %parallel_loop3A_521], %parallel_loop3A_476 {strides = array<i32>} : memref<2x8x8x128xf32, #tpu.memory_space<vmem>>, vector<16xf32>,
      %parallel_loop3A_523 = tpu.vector_load_idx %arg6[%parallel_loop3A_193, %get3A_67] : memref<64x1024xf32, #tpu.memory_space<vmem>>[vector<16xi32>, vector<16xi32>], vector<16xf32>,
      %parallel_loop3A_524 = arith.constant 8 : i32
      %parallel_loop3A_525 = arith.divsi %parallel_loop3A_192, %parallel_loop3A_524 : i32
      %parallel_loop3A_526 = arith.constant 0 : i32
      %parallel_loop3A_527 = arith.cmpi sgt, %parallel_loop3A_192, %parallel_loop3A_526 : i32
      %parallel_loop3A_528 = arith.extui %parallel_loop3A_527 : i1 to i32
      %parallel_loop3A_529 = arith.constant 0 : i32
      %parallel_loop3A_530 = arith.cmpi slt, %parallel_loop3A_192, %parallel_loop3A_529 : i32
      %parallel_loop3A_531 = arith.extui %parallel_loop3A_530 : i1 to i32
      %parallel_loop3A_532 = arith.subi %parallel_loop3A_528, %parallel_loop3A_531 : i32
      %parallel_loop3A_533 = arith.constant 0 : i32
      %parallel_loop3A_534 = arith.cmpi sgt, %parallel_loop3A_524, %parallel_loop3A_533 : i32
      %parallel_loop3A_535 = arith.extui %parallel_loop3A_534 : i1 to i32
      %parallel_loop3A_536 = arith.constant 0 : i32
      %parallel_loop3A_537 = arith.cmpi slt, %parallel_loop3A_524, %parallel_loop3A_536 : i32
      %parallel_loop3A_538 = arith.extui %parallel_loop3A_537 : i1 to i32
      %parallel_loop3A_539 = arith.subi %parallel_loop3A_535, %parallel_loop3A_538 : i32
      %parallel_loop3A_540 = arith.cmpi ne, %parallel_loop3A_532, %parallel_loop3A_539 : i32
      %parallel_loop3A_541 = arith.remsi %parallel_loop3A_192, %parallel_loop3A_524 : i32
      %parallel_loop3A_542 = arith.constant 0 : i32
      %parallel_loop3A_543 = arith.cmpi ne, %parallel_loop3A_541, %parallel_loop3A_542 : i32
      %parallel_loop3A_544 = arith.andi %parallel_loop3A_540, %parallel_loop3A_543 : i1
      %parallel_loop3A_545 = arith.constant 1 : i32
      %parallel_loop3A_546 = arith.subi %parallel_loop3A_525, %parallel_loop3A_545 : i32
      %parallel_loop3A_547 = arith.select %parallel_loop3A_544, %parallel_loop3A_546, %parallel_loop3A_525 : i32
      %parallel_loop3A_548 = arith.constant 8 : i32
      %parallel_loop3A_549 = arith.constant 0 : i32
      %parallel_loop3A_550 = arith.cmpi eq, %parallel_loop3A_548, %parallel_loop3A_549 : i32
      %parallel_loop3A_551 = arith.constant 1 : i32
      %parallel_loop3A_552 = arith.select %parallel_loop3A_550, %parallel_loop3A_551, %parallel_loop3A_548 : i32
      %parallel_loop3A_553 = arith.remsi %parallel_loop3A_192, %parallel_loop3A_552 : i32
      %parallel_loop3A_554 = arith.constant 0 : i32
      %parallel_loop3A_555 = arith.cmpi ne, %parallel_loop3A_553, %parallel_loop3A_554 : i32
      %parallel_loop3A_556 = arith.constant 0 : i32
      %parallel_loop3A_557 = arith.cmpi slt, %parallel_loop3A_553, %parallel_loop3A_556 : i32
      %parallel_loop3A_558 = arith.constant 0 : i32
      %parallel_loop3A_559 = arith.cmpi slt, %parallel_loop3A_552, %parallel_loop3A_558 : i32
      %parallel_loop3A_560 = arith.xori %parallel_loop3A_557, %parallel_loop3A_559 : i1
      %parallel_loop3A_561 = arith.andi %parallel_loop3A_560, %parallel_loop3A_555 : i1
      %parallel_loop3A_562 = arith.addi %parallel_loop3A_553, %parallel_loop3A_552 : i32
      %parallel_loop3A_563 = arith.select %parallel_loop3A_561, %parallel_loop3A_562, %parallel_loop3A_553 : i32
      %parallel_loop3A_564 = arith.constant 1 : i32
      %parallel_loop3A_565 = arith.index_cast %parallel_loop3A_564 : i32 to index
      %parallel_loop3A_566 = arith.index_cast %parallel_loop3A_547 : i32 to index
      %parallel_loop3A_567 = arith.index_cast %parallel_loop3A_563 : i32 to index
      %parallel_loop3A_568 = arith.constant 112 : index
      %parallel_loop3A_569 = tpu.vector_load %arg7[%parallel_loop3A_565, %parallel_loop3A_566, %parallel_loop3A_567, %parallel_loop3A_568] {strides = array<i32>} : memref<2x8x8x128xf32, #tpu.memory_space<vmem>>, vector<16xf32>,
      tpu.vector_store %arg7[%parallel_loop3A_565, %parallel_loop3A_566, %parallel_loop3A_567, %parallel_loop3A_568], %parallel_loop3A_523 {strides = array<i32>} : memref<2x8x8x128xf32, #tpu.memory_space<vmem>>, vector<16xf32>,
    } {sc.loop_unroll_factor = 4 : i64, sc.parallel_access}
    %dma_start3A = arith.constant 0 : i32
    %dma_start3A_71 = arith.constant 0 : i32
    %dma_start3A_72 = arith.constant 0 : i32
    %dma_start3A_73 = arith.constant 0 : i32
    %dma_start3A_74 = tpu.memref_slice %arg4[%dma_start3A, %dma_start3A_71, %add3A, %dma_start3A_72, %dma_start3A_73] : memref<200x8x32x8x128xf32, #tpu.memory_space<hbm>> -> memref<2x8x1x8x128xf32, #tpu.memory_space<hbm>>
    %dma_start3A_75 = tpu.memref_squeeze %dma_start3A_74 : memref<2x8x1x8x128xf32, #tpu.memory_space<hbm>> -> memref<2x8x8x128xf32, #tpu.memory_space<hbm>>
    %dma_start3A_76 = arith.constant 0 : i32
    %dma_start3A_77 = arith.constant 0 : i32
    %dma_start3A_78 = arith.constant 0 : i32
    %dma_start3A_79 = arith.constant 0 : i32
    %dma_start3A_80 = tpu.memref_slice %arg4[%dma_start3A_76, %dma_start3A_77, %add3A, %dma_start3A_78, %dma_start3A_79] : memref<200x8x32x8x128xf32, #tpu.memory_space<hbm>> -> memref<2x8x1x8x128xf32, #tpu.memory_space<hbm>>
    %dma_start3A_81 = tpu.memref_squeeze %dma_start3A_80 : memref<2x8x1x8x128xf32, #tpu.memory_space<hbm>> -> memref<2x8x8x128xf32, #tpu.memory_space<hbm>>
    tpu.enqueue_dma source(%arg7 : memref<2x8x8x128xf32, #tpu.memory_space<vmem>>) target(%dma_start3A_81 : memref<2x8x8x128xf32, #tpu.memory_space<hbm>>) target_semaphore(%arg9 : memref<!tpu.dma_semaphore, #tpu.memory_space<semaphore_mem>>)
    %get3A_82 = arith.constant 2 : i32
    %get3A_83 = arith.index_cast %get3A_82 : i32 to index
    %get3A_84 = arith.constant 0 : index
    %get3A_85 = tpu.vector_load %arg5[%get3A_83, %get3A_84] {strides = array<i32>} : memref<200x128xi32, #tpu.memory_space<vmem>>, vector<16xi32>,
    %get3A_86 = arith.constant 2 : i32
    %get3A_87 = arith.index_cast %get3A_86 : i32 to index
    %get3A_88 = arith.constant 16 : index
    %get3A_89 = tpu.vector_load %arg5[%get3A_87, %get3A_88] {strides = array<i32>} : memref<200x128xi32, #tpu.memory_space<vmem>>, vector<16xi32>,
    %get3A_90 = arith.constant 2 : i32
    %get3A_91 = arith.index_cast %get3A_90 : i32 to index
    %get3A_92 = arith.constant 32 : index
    %get3A_93 = tpu.vector_load %arg5[%get3A_91, %get3A_92] {strides = array<i32>} : memref<200x128xi32, #tpu.memory_space<vmem>>, vector<16xi32>,
    %get3A_94 = arith.constant 2 : i32
    %get3A_95 = arith.index_cast %get3A_94 : i32 to index
    %get3A_96 = arith.constant 48 : index
    %get3A_97 = tpu.vector_load %arg5[%get3A_95, %get3A_96] {strides = array<i32>} : memref<200x128xi32, #tpu.memory_space<vmem>>, vector<16xi32>,
    %get3A_98 = arith.constant 2 : i32
    %get3A_99 = arith.index_cast %get3A_98 : i32 to index
    %get3A_100 = arith.constant 64 : index
    %get3A_101 = tpu.vector_load %arg5[%get3A_99, %get3A_100] {strides = array<i32>} : memref<200x128xi32, #tpu.memory_space<vmem>>, vector<16xi32>,
    %get3A_102 = arith.constant 2 : i32
    %get3A_103 = arith.index_cast %get3A_102 : i32 to index
    %get3A_104 = arith.constant 80 : index
    %get3A_105 = tpu.vector_load %arg5[%get3A_103, %get3A_104] {strides = array<i32>} : memref<200x128xi32, #tpu.memory_space<vmem>>, vector<16xi32>,
    %get3A_106 = arith.constant 2 : i32
    %get3A_107 = arith.index_cast %get3A_106 : i32 to index
    %get3A_108 = arith.constant 96 : index
    %get3A_109 = tpu.vector_load %arg5[%get3A_107, %get3A_108] {strides = array<i32>} : memref<200x128xi32, #tpu.memory_space<vmem>>, vector<16xi32>,
    %get3A_110 = arith.constant 2 : i32
    %get3A_111 = arith.index_cast %get3A_110 : i32 to index
    %get3A_112 = arith.constant 112 : index
    %get3A_113 = tpu.vector_load %arg5[%get3A_111, %get3A_112] {strides = array<i32>} : memref<200x128xi32, #tpu.memory_space<vmem>>, vector<16xi32>,
    %parallel_loop3A_114 = arith.constant 0 : i32
    %parallel_loop3A_115 = arith.constant 64 : i32
    %parallel_loop3A_116 = arith.constant 1 : i32
    scf.for %parallel_loop3A_192 = %parallel_loop3A_114 to %parallel_loop3A_115 step %parallel_loop3A_116  : i32 {
      %parallel_loop3A_193 = vector.broadcast %parallel_loop3A_192 : i32 to vector<16xi32>
      %parallel_loop3A_194 = tpu.vector_load_idx %arg6[%parallel_loop3A_193, %get3A_85] : memref<64x1024xf32, #tpu.memory_space<vmem>>[vector<16xi32>, vector<16xi32>], vector<16xf32>,
      %parallel_loop3A_195 = arith.constant 8 : i32
      %parallel_loop3A_196 = arith.divsi %parallel_loop3A_192, %parallel_loop3A_195 : i32
      %parallel_loop3A_197 = arith.constant 0 : i32
      %parallel_loop3A_198 = arith.cmpi sgt, %parallel_loop3A_192, %parallel_loop3A_197 : i32
      %parallel_loop3A_199 = arith.extui %parallel_loop3A_198 : i1 to i32
      %parallel_loop3A_200 = arith.constant 0 : i32
      %parallel_loop3A_201 = arith.cmpi slt, %parallel_loop3A_192, %parallel_loop3A_200 : i32
      %parallel_loop3A_202 = arith.extui %parallel_loop3A_201 : i1 to i32
      %parallel_loop3A_203 = arith.subi %parallel_loop3A_199, %parallel_loop3A_202 : i32
      %parallel_loop3A_204 = arith.constant 0 : i32
      %parallel_loop3A_205 = arith.cmpi sgt, %parallel_loop3A_195, %parallel_loop3A_204 : i32
      %parallel_loop3A_206 = arith.extui %parallel_loop3A_205 : i1 to i32
      %parallel_loop3A_207 = arith.constant 0 : i32
      %parallel_loop3A_208 = arith.cmpi slt, %parallel_loop3A_195, %parallel_loop3A_207 : i32
      %parallel_loop3A_209 = arith.extui %parallel_loop3A_208 : i1 to i32
      %parallel_loop3A_210 = arith.subi %parallel_loop3A_206, %parallel_loop3A_209 : i32
      %parallel_loop3A_211 = arith.cmpi ne, %parallel_loop3A_203, %parallel_loop3A_210 : i32
      %parallel_loop3A_212 = arith.remsi %parallel_loop3A_192, %parallel_loop3A_195 : i32
      %parallel_loop3A_213 = arith.constant 0 : i32
      %parallel_loop3A_214 = arith.cmpi ne, %parallel_loop3A_212, %parallel_loop3A_213 : i32
      %parallel_loop3A_215 = arith.andi %parallel_loop3A_211, %parallel_loop3A_214 : i1
      %parallel_loop3A_216 = arith.constant 1 : i32
      %parallel_loop3A_217 = arith.subi %parallel_loop3A_196, %parallel_loop3A_216 : i32
      %parallel_loop3A_218 = arith.select %parallel_loop3A_215, %parallel_loop3A_217, %parallel_loop3A_196 : i32
      %parallel_loop3A_219 = arith.constant 8 : i32
      %parallel_loop3A_220 = arith.constant 0 : i32
      %parallel_loop3A_221 = arith.cmpi eq, %parallel_loop3A_219, %parallel_loop3A_220 : i32
      %parallel_loop3A_222 = arith.constant 1 : i32
      %parallel_loop3A_223 = arith.select %parallel_loop3A_221, %parallel_loop3A_222, %parallel_loop3A_219 : i32
      %parallel_loop3A_224 = arith.remsi %parallel_loop3A_192, %parallel_loop3A_223 : i32
      %parallel_loop3A_225 = arith.constant 0 : i32
      %parallel_loop3A_226 = arith.cmpi ne, %parallel_loop3A_224, %parallel_loop3A_225 : i32
      %parallel_loop3A_227 = arith.constant 0 : i32
      %parallel_loop3A_228 = arith.cmpi slt, %parallel_loop3A_224, %parallel_loop3A_227 : i32
      %parallel_loop3A_229 = arith.constant 0 : i32
      %parallel_loop3A_230 = arith.cmpi slt, %parallel_loop3A_223, %parallel_loop3A_229 : i32
      %parallel_loop3A_231 = arith.xori %parallel_loop3A_228, %parallel_loop3A_230 : i1
      %parallel_loop3A_232 = arith.andi %parallel_loop3A_231, %parallel_loop3A_226 : i1
      %parallel_loop3A_233 = arith.addi %parallel_loop3A_224, %parallel_loop3A_223 : i32
      %parallel_loop3A_234 = arith.select %parallel_loop3A_232, %parallel_loop3A_233, %parallel_loop3A_224 : i32
      %parallel_loop3A_235 = arith.constant 0 : i32
      %parallel_loop3A_236 = arith.index_cast %parallel_loop3A_235 : i32 to index
      %parallel_loop3A_237 = arith.index_cast %parallel_loop3A_218 : i32 to index
      %parallel_loop3A_238 = arith.index_cast %parallel_loop3A_234 : i32 to index
      %parallel_loop3A_239 = arith.constant 0 : index
      %parallel_loop3A_240 = tpu.vector_load %arg8[%parallel_loop3A_236, %parallel_loop3A_237, %parallel_loop3A_238, %parallel_loop3A_239] {strides = array<i32>} : memref<2x8x8x128xf32, #tpu.memory_space<vmem>>, vector<16xf32>,
      tpu.vector_store %arg8[%parallel_loop3A_236, %parallel_loop3A_237, %parallel_loop3A_238, %parallel_loop3A_239], %parallel_loop3A_194 {strides = array<i32>} : memref<2x8x8x128xf32, #tpu.memory_space<vmem>>, vector<16xf32>,
      %parallel_loop3A_241 = tpu.vector_load_idx %arg6[%parallel_loop3A_193, %get3A_89] : memref<64x1024xf32, #tpu.memory_space<vmem>>[vector<16xi32>, vector<16xi32>], vector<16xf32>,
      %parallel_loop3A_242 = arith.constant 8 : i32
      %parallel_loop3A_243 = arith.divsi %parallel_loop3A_192, %parallel_loop3A_242 : i32
      %parallel_loop3A_244 = arith.constant 0 : i32
      %parallel_loop3A_245 = arith.cmpi sgt, %parallel_loop3A_192, %parallel_loop3A_244 : i32
      %parallel_loop3A_246 = arith.extui %parallel_loop3A_245 : i1 to i32
      %parallel_loop3A_247 = arith.constant 0 : i32
      %parallel_loop3A_248 = arith.cmpi slt, %parallel_loop3A_192, %parallel_loop3A_247 : i32
      %parallel_loop3A_249 = arith.extui %parallel_loop3A_248 : i1 to i32
      %parallel_loop3A_250 = arith.subi %parallel_loop3A_246, %parallel_loop3A_249 : i32
      %parallel_loop3A_251 = arith.constant 0 : i32
      %parallel_loop3A_252 = arith.cmpi sgt, %parallel_loop3A_242, %parallel_loop3A_251 : i32
      %parallel_loop3A_253 = arith.extui %parallel_loop3A_252 : i1 to i32
      %parallel_loop3A_254 = arith.constant 0 : i32
      %parallel_loop3A_255 = arith.cmpi slt, %parallel_loop3A_242, %parallel_loop3A_254 : i32
      %parallel_loop3A_256 = arith.extui %parallel_loop3A_255 : i1 to i32
      %parallel_loop3A_257 = arith.subi %parallel_loop3A_253, %parallel_loop3A_256 : i32
      %parallel_loop3A_258 = arith.cmpi ne, %parallel_loop3A_250, %parallel_loop3A_257 : i32
      %parallel_loop3A_259 = arith.remsi %parallel_loop3A_192, %parallel_loop3A_242 : i32
      %parallel_loop3A_260 = arith.constant 0 : i32
      %parallel_loop3A_261 = arith.cmpi ne, %parallel_loop3A_259, %parallel_loop3A_260 : i32
      %parallel_loop3A_262 = arith.andi %parallel_loop3A_258, %parallel_loop3A_261 : i1
      %parallel_loop3A_263 = arith.constant 1 : i32
      %parallel_loop3A_264 = arith.subi %parallel_loop3A_243, %parallel_loop3A_263 : i32
      %parallel_loop3A_265 = arith.select %parallel_loop3A_262, %parallel_loop3A_264, %parallel_loop3A_243 : i32
      %parallel_loop3A_266 = arith.constant 8 : i32
      %parallel_loop3A_267 = arith.constant 0 : i32
      %parallel_loop3A_268 = arith.cmpi eq, %parallel_loop3A_266, %parallel_loop3A_267 : i32
      %parallel_loop3A_269 = arith.constant 1 : i32
      %parallel_loop3A_270 = arith.select %parallel_loop3A_268, %parallel_loop3A_269, %parallel_loop3A_266 : i32
      %parallel_loop3A_271 = arith.remsi %parallel_loop3A_192, %parallel_loop3A_270 : i32
      %parallel_loop3A_272 = arith.constant 0 : i32
      %parallel_loop3A_273 = arith.cmpi ne, %parallel_loop3A_271, %parallel_loop3A_272 : i32
      %parallel_loop3A_274 = arith.constant 0 : i32
      %parallel_loop3A_275 = arith.cmpi slt, %parallel_loop3A_271, %parallel_loop3A_274 : i32
      %parallel_loop3A_276 = arith.constant 0 : i32
      %parallel_loop3A_277 = arith.cmpi slt, %parallel_loop3A_270, %parallel_loop3A_276 : i32
      %parallel_loop3A_278 = arith.xori %parallel_loop3A_275, %parallel_loop3A_277 : i1
      %parallel_loop3A_279 = arith.andi %parallel_loop3A_278, %parallel_loop3A_273 : i1
      %parallel_loop3A_280 = arith.addi %parallel_loop3A_271, %parallel_loop3A_270 : i32
      %parallel_loop3A_281 = arith.select %parallel_loop3A_279, %parallel_loop3A_280, %parallel_loop3A_271 : i32
      %parallel_loop3A_282 = arith.constant 0 : i32
      %parallel_loop3A_283 = arith.index_cast %parallel_loop3A_282 : i32 to index
      %parallel_loop3A_284 = arith.index_cast %parallel_loop3A_265 : i32 to index
      %parallel_loop3A_285 = arith.index_cast %parallel_loop3A_281 : i32 to index
      %parallel_loop3A_286 = arith.constant 16 : index
      %parallel_loop3A_287 = tpu.vector_load %arg8[%parallel_loop3A_283, %parallel_loop3A_284, %parallel_loop3A_285, %parallel_loop3A_286] {strides = array<i32>} : memref<2x8x8x128xf32, #tpu.memory_space<vmem>>, vector<16xf32>,
      tpu.vector_store %arg8[%parallel_loop3A_283, %parallel_loop3A_284, %parallel_loop3A_285, %parallel_loop3A_286], %parallel_loop3A_241 {strides = array<i32>} : memref<2x8x8x128xf32, #tpu.memory_space<vmem>>, vector<16xf32>,
      %parallel_loop3A_288 = tpu.vector_load_idx %arg6[%parallel_loop3A_193, %get3A_93] : memref<64x1024xf32, #tpu.memory_space<vmem>>[vector<16xi32>, vector<16xi32>], vector<16xf32>,
      %parallel_loop3A_289 = arith.constant 8 : i32
      %parallel_loop3A_290 = arith.divsi %parallel_loop3A_192, %parallel_loop3A_289 : i32
      %parallel_loop3A_291 = arith.constant 0 : i32
      %parallel_loop3A_292 = arith.cmpi sgt, %parallel_loop3A_192, %parallel_loop3A_291 : i32
      %parallel_loop3A_293 = arith.extui %parallel_loop3A_292 : i1 to i32
      %parallel_loop3A_294 = arith.constant 0 : i32
      %parallel_loop3A_295 = arith.cmpi slt, %parallel_loop3A_192, %parallel_loop3A_294 : i32
      %parallel_loop3A_296 = arith.extui %parallel_loop3A_295 : i1 to i32
      %parallel_loop3A_297 = arith.subi %parallel_loop3A_293, %parallel_loop3A_296 : i32
      %parallel_loop3A_298 = arith.constant 0 : i32
      %parallel_loop3A_299 = arith.cmpi sgt, %parallel_loop3A_289, %parallel_loop3A_298 : i32
      %parallel_loop3A_300 = arith.extui %parallel_loop3A_299 : i1 to i32
      %parallel_loop3A_301 = arith.constant 0 : i32
      %parallel_loop3A_302 = arith.cmpi slt, %parallel_loop3A_289, %parallel_loop3A_301 : i32
      %parallel_loop3A_303 = arith.extui %parallel_loop3A_302 : i1 to i32
      %parallel_loop3A_304 = arith.subi %parallel_loop3A_300, %parallel_loop3A_303 : i32
      %parallel_loop3A_305 = arith.cmpi ne, %parallel_loop3A_297, %parallel_loop3A_304 : i32
      %parallel_loop3A_306 = arith.remsi %parallel_loop3A_192, %parallel_loop3A_289 : i32
      %parallel_loop3A_307 = arith.constant 0 : i32
      %parallel_loop3A_308 = arith.cmpi ne, %parallel_loop3A_306, %parallel_loop3A_307 : i32
      %parallel_loop3A_309 = arith.andi %parallel_loop3A_305, %parallel_loop3A_308 : i1
      %parallel_loop3A_310 = arith.constant 1 : i32
      %parallel_loop3A_311 = arith.subi %parallel_loop3A_290, %parallel_loop3A_310 : i32
      %parallel_loop3A_312 = arith.select %parallel_loop3A_309, %parallel_loop3A_311, %parallel_loop3A_290 : i32
      %parallel_loop3A_313 = arith.constant 8 : i32
      %parallel_loop3A_314 = arith.constant 0 : i32
      %parallel_loop3A_315 = arith.cmpi eq, %parallel_loop3A_313, %parallel_loop3A_314 : i32
      %parallel_loop3A_316 = arith.constant 1 : i32
      %parallel_loop3A_317 = arith.select %parallel_loop3A_315, %parallel_loop3A_316, %parallel_loop3A_313 : i32
      %parallel_loop3A_318 = arith.remsi %parallel_loop3A_192, %parallel_loop3A_317 : i32
      %parallel_loop3A_319 = arith.constant 0 : i32
      %parallel_loop3A_320 = arith.cmpi ne, %parallel_loop3A_318, %parallel_loop3A_319 : i32
      %parallel_loop3A_321 = arith.constant 0 : i32
      %parallel_loop3A_322 = arith.cmpi slt, %parallel_loop3A_318, %parallel_loop3A_321 : i32
      %parallel_loop3A_323 = arith.constant 0 : i32
      %parallel_loop3A_324 = arith.cmpi slt, %parallel_loop3A_317, %parallel_loop3A_323 : i32
      %parallel_loop3A_325 = arith.xori %parallel_loop3A_322, %parallel_loop3A_324 : i1
      %parallel_loop3A_326 = arith.andi %parallel_loop3A_325, %parallel_loop3A_320 : i1
      %parallel_loop3A_327 = arith.addi %parallel_loop3A_318, %parallel_loop3A_317 : i32
      %parallel_loop3A_328 = arith.select %parallel_loop3A_326, %parallel_loop3A_327, %parallel_loop3A_318 : i32
      %parallel_loop3A_329 = arith.constant 0 : i32
      %parallel_loop3A_330 = arith.index_cast %parallel_loop3A_329 : i32 to index
      %parallel_loop3A_331 = arith.index_cast %parallel_loop3A_312 : i32 to index
      %parallel_loop3A_332 = arith.index_cast %parallel_loop3A_328 : i32 to index
      %parallel_loop3A_333 = arith.constant 32 : index
      %parallel_loop3A_334 = tpu.vector_load %arg8[%parallel_loop3A_330, %parallel_loop3A_331, %parallel_loop3A_332, %parallel_loop3A_333] {strides = array<i32>} : memref<2x8x8x128xf32, #tpu.memory_space<vmem>>, vector<16xf32>,
      tpu.vector_store %arg8[%parallel_loop3A_330, %parallel_loop3A_331, %parallel_loop3A_332, %parallel_loop3A_333], %parallel_loop3A_288 {strides = array<i32>} : memref<2x8x8x128xf32, #tpu.memory_space<vmem>>, vector<16xf32>,
      %parallel_loop3A_335 = tpu.vector_load_idx %arg6[%parallel_loop3A_193, %get3A_97] : memref<64x1024xf32, #tpu.memory_space<vmem>>[vector<16xi32>, vector<16xi32>], vector<16xf32>,
      %parallel_loop3A_336 = arith.constant 8 : i32
      %parallel_loop3A_337 = arith.divsi %parallel_loop3A_192, %parallel_loop3A_336 : i32
      %parallel_loop3A_338 = arith.constant 0 : i32
      %parallel_loop3A_339 = arith.cmpi sgt, %parallel_loop3A_192, %parallel_loop3A_338 : i32
      %parallel_loop3A_340 = arith.extui %parallel_loop3A_339 : i1 to i32
      %parallel_loop3A_341 = arith.constant 0 : i32
      %parallel_loop3A_342 = arith.cmpi slt, %parallel_loop3A_192, %parallel_loop3A_341 : i32
      %parallel_loop3A_343 = arith.extui %parallel_loop3A_342 : i1 to i32
      %parallel_loop3A_344 = arith.subi %parallel_loop3A_340, %parallel_loop3A_343 : i32
      %parallel_loop3A_345 = arith.constant 0 : i32
      %parallel_loop3A_346 = arith.cmpi sgt, %parallel_loop3A_336, %parallel_loop3A_345 : i32
      %parallel_loop3A_347 = arith.extui %parallel_loop3A_346 : i1 to i32
      %parallel_loop3A_348 = arith.constant 0 : i32
      %parallel_loop3A_349 = arith.cmpi slt, %parallel_loop3A_336, %parallel_loop3A_348 : i32
      %parallel_loop3A_350 = arith.extui %parallel_loop3A_349 : i1 to i32
      %parallel_loop3A_351 = arith.subi %parallel_loop3A_347, %parallel_loop3A_350 : i32
      %parallel_loop3A_352 = arith.cmpi ne, %parallel_loop3A_344, %parallel_loop3A_351 : i32
      %parallel_loop3A_353 = arith.remsi %parallel_loop3A_192, %parallel_loop3A_336 : i32
      %parallel_loop3A_354 = arith.constant 0 : i32
      %parallel_loop3A_355 = arith.cmpi ne, %parallel_loop3A_353, %parallel_loop3A_354 : i32
      %parallel_loop3A_356 = arith.andi %parallel_loop3A_352, %parallel_loop3A_355 : i1
      %parallel_loop3A_357 = arith.constant 1 : i32
      %parallel_loop3A_358 = arith.subi %parallel_loop3A_337, %parallel_loop3A_357 : i32
      %parallel_loop3A_359 = arith.select %parallel_loop3A_356, %parallel_loop3A_358, %parallel_loop3A_337 : i32
      %parallel_loop3A_360 = arith.constant 8 : i32
      %parallel_loop3A_361 = arith.constant 0 : i32
      %parallel_loop3A_362 = arith.cmpi eq, %parallel_loop3A_360, %parallel_loop3A_361 : i32
      %parallel_loop3A_363 = arith.constant 1 : i32
      %parallel_loop3A_364 = arith.select %parallel_loop3A_362, %parallel_loop3A_363, %parallel_loop3A_360 : i32
      %parallel_loop3A_365 = arith.remsi %parallel_loop3A_192, %parallel_loop3A_364 : i32
      %parallel_loop3A_366 = arith.constant 0 : i32
      %parallel_loop3A_367 = arith.cmpi ne, %parallel_loop3A_365, %parallel_loop3A_366 : i32
      %parallel_loop3A_368 = arith.constant 0 : i32
      %parallel_loop3A_369 = arith.cmpi slt, %parallel_loop3A_365, %parallel_loop3A_368 : i32
      %parallel_loop3A_370 = arith.constant 0 : i32
      %parallel_loop3A_371 = arith.cmpi slt, %parallel_loop3A_364, %parallel_loop3A_370 : i32
      %parallel_loop3A_372 = arith.xori %parallel_loop3A_369, %parallel_loop3A_371 : i1
      %parallel_loop3A_373 = arith.andi %parallel_loop3A_372, %parallel_loop3A_367 : i1
      %parallel_loop3A_374 = arith.addi %parallel_loop3A_365, %parallel_loop3A_364 : i32
      %parallel_loop3A_375 = arith.select %parallel_loop3A_373, %parallel_loop3A_374, %parallel_loop3A_365 : i32
      %parallel_loop3A_376 = arith.constant 0 : i32
      %parallel_loop3A_377 = arith.index_cast %parallel_loop3A_376 : i32 to index
      %parallel_loop3A_378 = arith.index_cast %parallel_loop3A_359 : i32 to index
      %parallel_loop3A_379 = arith.index_cast %parallel_loop3A_375 : i32 to index
      %parallel_loop3A_380 = arith.constant 48 : index
      %parallel_loop3A_381 = tpu.vector_load %arg8[%parallel_loop3A_377, %parallel_loop3A_378, %parallel_loop3A_379, %parallel_loop3A_380] {strides = array<i32>} : memref<2x8x8x128xf32, #tpu.memory_space<vmem>>, vector<16xf32>,
      tpu.vector_store %arg8[%parallel_loop3A_377, %parallel_loop3A_378, %parallel_loop3A_379, %parallel_loop3A_380], %parallel_loop3A_335 {strides = array<i32>} : memref<2x8x8x128xf32, #tpu.memory_space<vmem>>, vector<16xf32>,
      %parallel_loop3A_382 = tpu.vector_load_idx %arg6[%parallel_loop3A_193, %get3A_101] : memref<64x1024xf32, #tpu.memory_space<vmem>>[vector<16xi32>, vector<16xi32>], vector<16xf32>,
      %parallel_loop3A_383 = arith.constant 8 : i32
      %parallel_loop3A_384 = arith.divsi %parallel_loop3A_192, %parallel_loop3A_383 : i32
      %parallel_loop3A_385 = arith.constant 0 : i32
      %parallel_loop3A_386 = arith.cmpi sgt, %parallel_loop3A_192, %parallel_loop3A_385 : i32
      %parallel_loop3A_387 = arith.extui %parallel_loop3A_386 : i1 to i32
      %parallel_loop3A_388 = arith.constant 0 : i32
      %parallel_loop3A_389 = arith.cmpi slt, %parallel_loop3A_192, %parallel_loop3A_388 : i32
      %parallel_loop3A_390 = arith.extui %parallel_loop3A_389 : i1 to i32
      %parallel_loop3A_391 = arith.subi %parallel_loop3A_387, %parallel_loop3A_390 : i32
      %parallel_loop3A_392 = arith.constant 0 : i32
      %parallel_loop3A_393 = arith.cmpi sgt, %parallel_loop3A_383, %parallel_loop3A_392 : i32
      %parallel_loop3A_394 = arith.extui %parallel_loop3A_393 : i1 to i32
      %parallel_loop3A_395 = arith.constant 0 : i32
      %parallel_loop3A_396 = arith.cmpi slt, %parallel_loop3A_383, %parallel_loop3A_395 : i32
      %parallel_loop3A_397 = arith.extui %parallel_loop3A_396 : i1 to i32
      %parallel_loop3A_398 = arith.subi %parallel_loop3A_394, %parallel_loop3A_397 : i32
      %parallel_loop3A_399 = arith.cmpi ne, %parallel_loop3A_391, %parallel_loop3A_398 : i32
      %parallel_loop3A_400 = arith.remsi %parallel_loop3A_192, %parallel_loop3A_383 : i32
      %parallel_loop3A_401 = arith.constant 0 : i32
      %parallel_loop3A_402 = arith.cmpi ne, %parallel_loop3A_400, %parallel_loop3A_401 : i32
      %parallel_loop3A_403 = arith.andi %parallel_loop3A_399, %parallel_loop3A_402 : i1
      %parallel_loop3A_404 = arith.constant 1 : i32
      %parallel_loop3A_405 = arith.subi %parallel_loop3A_384, %parallel_loop3A_404 : i32
      %parallel_loop3A_406 = arith.select %parallel_loop3A_403, %parallel_loop3A_405, %parallel_loop3A_384 : i32
      %parallel_loop3A_407 = arith.constant 8 : i32
      %parallel_loop3A_408 = arith.constant 0 : i32
      %parallel_loop3A_409 = arith.cmpi eq, %parallel_loop3A_407, %parallel_loop3A_408 : i32
      %parallel_loop3A_410 = arith.constant 1 : i32
      %parallel_loop3A_411 = arith.select %parallel_loop3A_409, %parallel_loop3A_410, %parallel_loop3A_407 : i32
      %parallel_loop3A_412 = arith.remsi %parallel_loop3A_192, %parallel_loop3A_411 : i32
      %parallel_loop3A_413 = arith.constant 0 : i32
      %parallel_loop3A_414 = arith.cmpi ne, %parallel_loop3A_412, %parallel_loop3A_413 : i32
      %parallel_loop3A_415 = arith.constant 0 : i32
      %parallel_loop3A_416 = arith.cmpi slt, %parallel_loop3A_412, %parallel_loop3A_415 : i32
      %parallel_loop3A_417 = arith.constant 0 : i32
      %parallel_loop3A_418 = arith.cmpi slt, %parallel_loop3A_411, %parallel_loop3A_417 : i32
      %parallel_loop3A_419 = arith.xori %parallel_loop3A_416, %parallel_loop3A_418 : i1
      %parallel_loop3A_420 = arith.andi %parallel_loop3A_419, %parallel_loop3A_414 : i1
      %parallel_loop3A_421 = arith.addi %parallel_loop3A_412, %parallel_loop3A_411 : i32
      %parallel_loop3A_422 = arith.select %parallel_loop3A_420, %parallel_loop3A_421, %parallel_loop3A_412 : i32
      %parallel_loop3A_423 = arith.constant 0 : i32
      %parallel_loop3A_424 = arith.index_cast %parallel_loop3A_423 : i32 to index
      %parallel_loop3A_425 = arith.index_cast %parallel_loop3A_406 : i32 to index
      %parallel_loop3A_426 = arith.index_cast %parallel_loop3A_422 : i32 to index
      %parallel_loop3A_427 = arith.constant 64 : index
      %parallel_loop3A_428 = tpu.vector_load %arg8[%parallel_loop3A_424, %parallel_loop3A_425, %parallel_loop3A_426, %parallel_loop3A_427] {strides = array<i32>} : memref<2x8x8x128xf32, #tpu.memory_space<vmem>>, vector<16xf32>,
      tpu.vector_store %arg8[%parallel_loop3A_424, %parallel_loop3A_425, %parallel_loop3A_426, %parallel_loop3A_427], %parallel_loop3A_382 {strides = array<i32>} : memref<2x8x8x128xf32, #tpu.memory_space<vmem>>, vector<16xf32>,
      %parallel_loop3A_429 = tpu.vector_load_idx %arg6[%parallel_loop3A_193, %get3A_105] : memref<64x1024xf32, #tpu.memory_space<vmem>>[vector<16xi32>, vector<16xi32>], vector<16xf32>,
      %parallel_loop3A_430 = arith.constant 8 : i32
      %parallel_loop3A_431 = arith.divsi %parallel_loop3A_192, %parallel_loop3A_430 : i32
      %parallel_loop3A_432 = arith.constant 0 : i32
      %parallel_loop3A_433 = arith.cmpi sgt, %parallel_loop3A_192, %parallel_loop3A_432 : i32
      %parallel_loop3A_434 = arith.extui %parallel_loop3A_433 : i1 to i32
      %parallel_loop3A_435 = arith.constant 0 : i32
      %parallel_loop3A_436 = arith.cmpi slt, %parallel_loop3A_192, %parallel_loop3A_435 : i32
      %parallel_loop3A_437 = arith.extui %parallel_loop3A_436 : i1 to i32
      %parallel_loop3A_438 = arith.subi %parallel_loop3A_434, %parallel_loop3A_437 : i32
      %parallel_loop3A_439 = arith.constant 0 : i32
      %parallel_loop3A_440 = arith.cmpi sgt, %parallel_loop3A_430, %parallel_loop3A_439 : i32
      %parallel_loop3A_441 = arith.extui %parallel_loop3A_440 : i1 to i32
      %parallel_loop3A_442 = arith.constant 0 : i32
      %parallel_loop3A_443 = arith.cmpi slt, %parallel_loop3A_430, %parallel_loop3A_442 : i32
      %parallel_loop3A_444 = arith.extui %parallel_loop3A_443 : i1 to i32
      %parallel_loop3A_445 = arith.subi %parallel_loop3A_441, %parallel_loop3A_444 : i32
      %parallel_loop3A_446 = arith.cmpi ne, %parallel_loop3A_438, %parallel_loop3A_445 : i32
      %parallel_loop3A_447 = arith.remsi %parallel_loop3A_192, %parallel_loop3A_430 : i32
      %parallel_loop3A_448 = arith.constant 0 : i32
      %parallel_loop3A_449 = arith.cmpi ne, %parallel_loop3A_447, %parallel_loop3A_448 : i32
      %parallel_loop3A_450 = arith.andi %parallel_loop3A_446, %parallel_loop3A_449 : i1
      %parallel_loop3A_451 = arith.constant 1 : i32
      %parallel_loop3A_452 = arith.subi %parallel_loop3A_431, %parallel_loop3A_451 : i32
      %parallel_loop3A_453 = arith.select %parallel_loop3A_450, %parallel_loop3A_452, %parallel_loop3A_431 : i32
      %parallel_loop3A_454 = arith.constant 8 : i32
      %parallel_loop3A_455 = arith.constant 0 : i32
      %parallel_loop3A_456 = arith.cmpi eq, %parallel_loop3A_454, %parallel_loop3A_455 : i32
      %parallel_loop3A_457 = arith.constant 1 : i32
      %parallel_loop3A_458 = arith.select %parallel_loop3A_456, %parallel_loop3A_457, %parallel_loop3A_454 : i32
      %parallel_loop3A_459 = arith.remsi %parallel_loop3A_192, %parallel_loop3A_458 : i32
      %parallel_loop3A_460 = arith.constant 0 : i32
      %parallel_loop3A_461 = arith.cmpi ne, %parallel_loop3A_459, %parallel_loop3A_460 : i32
      %parallel_loop3A_462 = arith.constant 0 : i32
      %parallel_loop3A_463 = arith.cmpi slt, %parallel_loop3A_459, %parallel_loop3A_462 : i32
      %parallel_loop3A_464 = arith.constant 0 : i32
      %parallel_loop3A_465 = arith.cmpi slt, %parallel_loop3A_458, %parallel_loop3A_464 : i32
      %parallel_loop3A_466 = arith.xori %parallel_loop3A_463, %parallel_loop3A_465 : i1
      %parallel_loop3A_467 = arith.andi %parallel_loop3A_466, %parallel_loop3A_461 : i1
      %parallel_loop3A_468 = arith.addi %parallel_loop3A_459, %parallel_loop3A_458 : i32
      %parallel_loop3A_469 = arith.select %parallel_loop3A_467, %parallel_loop3A_468, %parallel_loop3A_459 : i32
      %parallel_loop3A_470 = arith.constant 0 : i32
      %parallel_loop3A_471 = arith.index_cast %parallel_loop3A_470 : i32 to index
      %parallel_loop3A_472 = arith.index_cast %parallel_loop3A_453 : i32 to index
      %parallel_loop3A_473 = arith.index_cast %parallel_loop3A_469 : i32 to index
      %parallel_loop3A_474 = arith.constant 80 : index
      %parallel_loop3A_475 = tpu.vector_load %arg8[%parallel_loop3A_471, %parallel_loop3A_472, %parallel_loop3A_473, %parallel_loop3A_474] {strides = array<i32>} : memref<2x8x8x128xf32, #tpu.memory_space<vmem>>, vector<16xf32>,
      tpu.vector_store %arg8[%parallel_loop3A_471, %parallel_loop3A_472, %parallel_loop3A_473, %parallel_loop3A_474], %parallel_loop3A_429 {strides = array<i32>} : memref<2x8x8x128xf32, #tpu.memory_space<vmem>>, vector<16xf32>,
      %parallel_loop3A_476 = tpu.vector_load_idx %arg6[%parallel_loop3A_193, %get3A_109] : memref<64x1024xf32, #tpu.memory_space<vmem>>[vector<16xi32>, vector<16xi32>], vector<16xf32>,
      %parallel_loop3A_477 = arith.constant 8 : i32
      %parallel_loop3A_478 = arith.divsi %parallel_loop3A_192, %parallel_loop3A_477 : i32
      %parallel_loop3A_479 = arith.constant 0 : i32
      %parallel_loop3A_480 = arith.cmpi sgt, %parallel_loop3A_192, %parallel_loop3A_479 : i32
      %parallel_loop3A_481 = arith.extui %parallel_loop3A_480 : i1 to i32
      %parallel_loop3A_482 = arith.constant 0 : i32
      %parallel_loop3A_483 = arith.cmpi slt, %parallel_loop3A_192, %parallel_loop3A_482 : i32
      %parallel_loop3A_484 = arith.extui %parallel_loop3A_483 : i1 to i32
      %parallel_loop3A_485 = arith.subi %parallel_loop3A_481, %parallel_loop3A_484 : i32
      %parallel_loop3A_486 = arith.constant 0 : i32
      %parallel_loop3A_487 = arith.cmpi sgt, %parallel_loop3A_477, %parallel_loop3A_486 : i32
      %parallel_loop3A_488 = arith.extui %parallel_loop3A_487 : i1 to i32
      %parallel_loop3A_489 = arith.constant 0 : i32
      %parallel_loop3A_490 = arith.cmpi slt, %parallel_loop3A_477, %parallel_loop3A_489 : i32
      %parallel_loop3A_491 = arith.extui %parallel_loop3A_490 : i1 to i32
      %parallel_loop3A_492 = arith.subi %parallel_loop3A_488, %parallel_loop3A_491 : i32
      %parallel_loop3A_493 = arith.cmpi ne, %parallel_loop3A_485, %parallel_loop3A_492 : i32
      %parallel_loop3A_494 = arith.remsi %parallel_loop3A_192, %parallel_loop3A_477 : i32
      %parallel_loop3A_495 = arith.constant 0 : i32
      %parallel_loop3A_496 = arith.cmpi ne, %parallel_loop3A_494, %parallel_loop3A_495 : i32
      %parallel_loop3A_497 = arith.andi %parallel_loop3A_493, %parallel_loop3A_496 : i1
      %parallel_loop3A_498 = arith.constant 1 : i32
      %parallel_loop3A_499 = arith.subi %parallel_loop3A_478, %parallel_loop3A_498 : i32
      %parallel_loop3A_500 = arith.select %parallel_loop3A_497, %parallel_loop3A_499, %parallel_loop3A_478 : i32
      %parallel_loop3A_501 = arith.constant 8 : i32
      %parallel_loop3A_502 = arith.constant 0 : i32
      %parallel_loop3A_503 = arith.cmpi eq, %parallel_loop3A_501, %parallel_loop3A_502 : i32
      %parallel_loop3A_504 = arith.constant 1 : i32
      %parallel_loop3A_505 = arith.select %parallel_loop3A_503, %parallel_loop3A_504, %parallel_loop3A_501 : i32
      %parallel_loop3A_506 = arith.remsi %parallel_loop3A_192, %parallel_loop3A_505 : i32
      %parallel_loop3A_507 = arith.constant 0 : i32
      %parallel_loop3A_508 = arith.cmpi ne, %parallel_loop3A_506, %parallel_loop3A_507 : i32
      %parallel_loop3A_509 = arith.constant 0 : i32
      %parallel_loop3A_510 = arith.cmpi slt, %parallel_loop3A_506, %parallel_loop3A_509 : i32
      %parallel_loop3A_511 = arith.constant 0 : i32
      %parallel_loop3A_512 = arith.cmpi slt, %parallel_loop3A_505, %parallel_loop3A_511 : i32
      %parallel_loop3A_513 = arith.xori %parallel_loop3A_510, %parallel_loop3A_512 : i1
      %parallel_loop3A_514 = arith.andi %parallel_loop3A_513, %parallel_loop3A_508 : i1
      %parallel_loop3A_515 = arith.addi %parallel_loop3A_506, %parallel_loop3A_505 : i32
      %parallel_loop3A_516 = arith.select %parallel_loop3A_514, %parallel_loop3A_515, %parallel_loop3A_506 : i32
      %parallel_loop3A_517 = arith.constant 0 : i32
      %parallel_loop3A_518 = arith.index_cast %parallel_loop3A_517 : i32 to index
      %parallel_loop3A_519 = arith.index_cast %parallel_loop3A_500 : i32 to index
      %parallel_loop3A_520 = arith.index_cast %parallel_loop3A_516 : i32 to index
      %parallel_loop3A_521 = arith.constant 96 : index
      %parallel_loop3A_522 = tpu.vector_load %arg8[%parallel_loop3A_518, %parallel_loop3A_519, %parallel_loop3A_520, %parallel_loop3A_521] {strides = array<i32>} : memref<2x8x8x128xf32, #tpu.memory_space<vmem>>, vector<16xf32>,
      tpu.vector_store %arg8[%parallel_loop3A_518, %parallel_loop3A_519, %parallel_loop3A_520, %parallel_loop3A_521], %parallel_loop3A_476 {strides = array<i32>} : memref<2x8x8x128xf32, #tpu.memory_space<vmem>>, vector<16xf32>,
      %parallel_loop3A_523 = tpu.vector_load_idx %arg6[%parallel_loop3A_193, %get3A_113] : memref<64x1024xf32, #tpu.memory_space<vmem>>[vector<16xi32>, vector<16xi32>], vector<16xf32>,
      %parallel_loop3A_524 = arith.constant 8 : i32
      %parallel_loop3A_525 = arith.divsi %parallel_loop3A_192, %parallel_loop3A_524 : i32
      %parallel_loop3A_526 = arith.constant 0 : i32
      %parallel_loop3A_527 = arith.cmpi sgt, %parallel_loop3A_192, %parallel_loop3A_526 : i32
      %parallel_loop3A_528 = arith.extui %parallel_loop3A_527 : i1 to i32
      %parallel_loop3A_529 = arith.constant 0 : i32
      %parallel_loop3A_530 = arith.cmpi slt, %parallel_loop3A_192, %parallel_loop3A_529 : i32
      %parallel_loop3A_531 = arith.extui %parallel_loop3A_530 : i1 to i32
      %parallel_loop3A_532 = arith.subi %parallel_loop3A_528, %parallel_loop3A_531 : i32
      %parallel_loop3A_533 = arith.constant 0 : i32
      %parallel_loop3A_534 = arith.cmpi sgt, %parallel_loop3A_524, %parallel_loop3A_533 : i32
      %parallel_loop3A_535 = arith.extui %parallel_loop3A_534 : i1 to i32
      %parallel_loop3A_536 = arith.constant 0 : i32
      %parallel_loop3A_537 = arith.cmpi slt, %parallel_loop3A_524, %parallel_loop3A_536 : i32
      %parallel_loop3A_538 = arith.extui %parallel_loop3A_537 : i1 to i32
      %parallel_loop3A_539 = arith.subi %parallel_loop3A_535, %parallel_loop3A_538 : i32
      %parallel_loop3A_540 = arith.cmpi ne, %parallel_loop3A_532, %parallel_loop3A_539 : i32
      %parallel_loop3A_541 = arith.remsi %parallel_loop3A_192, %parallel_loop3A_524 : i32
      %parallel_loop3A_542 = arith.constant 0 : i32
      %parallel_loop3A_543 = arith.cmpi ne, %parallel_loop3A_541, %parallel_loop3A_542 : i32
      %parallel_loop3A_544 = arith.andi %parallel_loop3A_540, %parallel_loop3A_543 : i1
      %parallel_loop3A_545 = arith.constant 1 : i32
      %parallel_loop3A_546 = arith.subi %parallel_loop3A_525, %parallel_loop3A_545 : i32
      %parallel_loop3A_547 = arith.select %parallel_loop3A_544, %parallel_loop3A_546, %parallel_loop3A_525 : i32
      %parallel_loop3A_548 = arith.constant 8 : i32
      %parallel_loop3A_549 = arith.constant 0 : i32
      %parallel_loop3A_550 = arith.cmpi eq, %parallel_loop3A_548, %parallel_loop3A_549 : i32
      %parallel_loop3A_551 = arith.constant 1 : i32
      %parallel_loop3A_552 = arith.select %parallel_loop3A_550, %parallel_loop3A_551, %parallel_loop3A_548 : i32
      %parallel_loop3A_553 = arith.remsi %parallel_loop3A_192, %parallel_loop3A_552 : i32
      %parallel_loop3A_554 = arith.constant 0 : i32
      %parallel_loop3A_555 = arith.cmpi ne, %parallel_loop3A_553, %parallel_loop3A_554 : i32
      %parallel_loop3A_556 = arith.constant 0 : i32
      %parallel_loop3A_557 = arith.cmpi slt, %parallel_loop3A_553, %parallel_loop3A_556 : i32
      %parallel_loop3A_558 = arith.constant 0 : i32
      %parallel_loop3A_559 = arith.cmpi slt, %parallel_loop3A_552, %parallel_loop3A_558 : i32
      %parallel_loop3A_560 = arith.xori %parallel_loop3A_557, %parallel_loop3A_559 : i1
      %parallel_loop3A_561 = arith.andi %parallel_loop3A_560, %parallel_loop3A_555 : i1
      %parallel_loop3A_562 = arith.addi %parallel_loop3A_553, %parallel_loop3A_552 : i32
      %parallel_loop3A_563 = arith.select %parallel_loop3A_561, %parallel_loop3A_562, %parallel_loop3A_553 : i32
      %parallel_loop3A_564 = arith.constant 0 : i32
      %parallel_loop3A_565 = arith.index_cast %parallel_loop3A_564 : i32 to index
      %parallel_loop3A_566 = arith.index_cast %parallel_loop3A_547 : i32 to index
      %parallel_loop3A_567 = arith.index_cast %parallel_loop3A_563 : i32 to index
      %parallel_loop3A_568 = arith.constant 112 : index
      %parallel_loop3A_569 = tpu.vector_load %arg8[%parallel_loop3A_565, %parallel_loop3A_566, %parallel_loop3A_567, %parallel_loop3A_568] {strides = array<i32>} : memref<2x8x8x128xf32, #tpu.memory_space<vmem>>, vector<16xf32>,
      tpu.vector_store %arg8[%parallel_loop3A_565, %parallel_loop3A_566, %parallel_loop3A_567, %parallel_loop3A_568], %parallel_loop3A_523 {strides = array<i32>} : memref<2x8x8x128xf32, #tpu.memory_space<vmem>>, vector<16xf32>,
    } {sc.loop_unroll_factor = 4 : i64, sc.parallel_access}
    %get3A_117 = arith.constant 3 : i32
    %get3A_118 = arith.index_cast %get3A_117 : i32 to index
    %get3A_119 = arith.constant 0 : index
    %get3A_120 = tpu.vector_load %arg5[%get3A_118, %get3A_119] {strides = array<i32>} : memref<200x128xi32, #tpu.memory_space<vmem>>, vector<16xi32>,
    %get3A_121 = arith.constant 3 : i32
    %get3A_122 = arith.index_cast %get3A_121 : i32 to index
    %get3A_123 = arith.constant 16 : index
    %get3A_124 = tpu.vector_load %arg5[%get3A_122, %get3A_123] {strides = array<i32>} : memref<200x128xi32, #tpu.memory_space<vmem>>, vector<16xi32>,
    %get3A_125 = arith.constant 3 : i32
    %get3A_126 = arith.index_cast %get3A_125 : i32 to index
    %get3A_127 = arith.constant 32 : index
    %get3A_128 = tpu.vector_load %arg5[%get3A_126, %get3A_127] {strides = array<i32>} : memref<200x128xi32, #tpu.memory_space<vmem>>, vector<16xi32>,
    %get3A_129 = arith.constant 3 : i32
    %get3A_130 = arith.index_cast %get3A_129 : i32 to index
    %get3A_131 = arith.constant 48 : index
    %get3A_132 = tpu.vector_load %arg5[%get3A_130, %get3A_131] {strides = array<i32>} : memref<200x128xi32, #tpu.memory_space<vmem>>, vector<16xi32>,
    %get3A_133 = arith.constant 3 : i32
    %get3A_134 = arith.index_cast %get3A_133 : i32 to index
    %get3A_135 = arith.constant 64 : index
    %get3A_136 = tpu.vector_load %arg5[%get3A_134, %get3A_135] {strides = array<i32>} : memref<200x128xi32, #tpu.memory_space<vmem>>, vector<16xi32>,
    %get3A_137 = arith.constant 3 : i32
    %get3A_138 = arith.index_cast %get3A_137 : i32 to index
    %get3A_139 = arith.constant 80 : index
    %get3A_140 = tpu.vector_load %arg5[%get3A_138, %get3A_139] {strides = array<i32>} : memref<200x128xi32, #tpu.memory_space<vmem>>, vector<16xi32>,
    %get3A_141 = arith.constant 3 : i32
    %get3A_142 = arith.index_cast %get3A_141 : i32 to index
    %get3A_143 = arith.constant 96 : index
    %get3A_144 = tpu.vector_load %arg5[%get3A_142, %get3A_143] {strides = array<i32>} : memref<200x128xi32, #tpu.memory_space<vmem>>, vector<16xi32>,
    %get3A_145 = arith.constant 3 : i32
    %get3A_146 = arith.index_cast %get3A_145 : i32 to index
    %get3A_147 = arith.constant 112 : index
    %get3A_148 = tpu.vector_load %arg5[%get3A_146, %get3A_147] {strides = array<i32>} : memref<200x128xi32, #tpu.memory_space<vmem>>, vector<16xi32>,
    %parallel_loop3A_149 = arith.constant 0 : i32
    %parallel_loop3A_150 = arith.constant 64 : i32
    %parallel_loop3A_151 = arith.constant 1 : i32
    scf.for %parallel_loop3A_192 = %parallel_loop3A_149 to %parallel_loop3A_150 step %parallel_loop3A_151  : i32 {
      %parallel_loop3A_193 = vector.broadcast %parallel_loop3A_192 : i32 to vector<16xi32>
      %parallel_loop3A_194 = tpu.vector_load_idx %arg6[%parallel_loop3A_193, %get3A_120] : memref<64x1024xf32, #tpu.memory_space<vmem>>[vector<16xi32>, vector<16xi32>], vector<16xf32>,
      %parallel_loop3A_195 = arith.constant 8 : i32
      %parallel_loop3A_196 = arith.divsi %parallel_loop3A_192, %parallel_loop3A_195 : i32
      %parallel_loop3A_197 = arith.constant 0 : i32
      %parallel_loop3A_198 = arith.cmpi sgt, %parallel_loop3A_192, %parallel_loop3A_197 : i32
      %parallel_loop3A_199 = arith.extui %parallel_loop3A_198 : i1 to i32
      %parallel_loop3A_200 = arith.constant 0 : i32
      %parallel_loop3A_201 = arith.cmpi slt, %parallel_loop3A_192, %parallel_loop3A_200 : i32
      %parallel_loop3A_202 = arith.extui %parallel_loop3A_201 : i1 to i32
      %parallel_loop3A_203 = arith.subi %parallel_loop3A_199, %parallel_loop3A_202 : i32
      %parallel_loop3A_204 = arith.constant 0 : i32
      %parallel_loop3A_205 = arith.cmpi sgt, %parallel_loop3A_195, %parallel_loop3A_204 : i32
      %parallel_loop3A_206 = arith.extui %parallel_loop3A_205 : i1 to i32
      %parallel_loop3A_207 = arith.constant 0 : i32
      %parallel_loop3A_208 = arith.cmpi slt, %parallel_loop3A_195, %parallel_loop3A_207 : i32
      %parallel_loop3A_209 = arith.extui %parallel_loop3A_208 : i1 to i32
      %parallel_loop3A_210 = arith.subi %parallel_loop3A_206, %parallel_loop3A_209 : i32
      %parallel_loop3A_211 = arith.cmpi ne, %parallel_loop3A_203, %parallel_loop3A_210 : i32
      %parallel_loop3A_212 = arith.remsi %parallel_loop3A_192, %parallel_loop3A_195 : i32
      %parallel_loop3A_213 = arith.constant 0 : i32
      %parallel_loop3A_214 = arith.cmpi ne, %parallel_loop3A_212, %parallel_loop3A_213 : i32
      %parallel_loop3A_215 = arith.andi %parallel_loop3A_211, %parallel_loop3A_214 : i1
      %parallel_loop3A_216 = arith.constant 1 : i32
      %parallel_loop3A_217 = arith.subi %parallel_loop3A_196, %parallel_loop3A_216 : i32
      %parallel_loop3A_218 = arith.select %parallel_loop3A_215, %parallel_loop3A_217, %parallel_loop3A_196 : i32
      %parallel_loop3A_219 = arith.constant 8 : i32
      %parallel_loop3A_220 = arith.constant 0 : i32
      %parallel_loop3A_221 = arith.cmpi eq, %parallel_loop3A_219, %parallel_loop3A_220 : i32
      %parallel_loop3A_222 = arith.constant 1 : i32
      %parallel_loop3A_223 = arith.select %parallel_loop3A_221, %parallel_loop3A_222, %parallel_loop3A_219 : i32
      %parallel_loop3A_224 = arith.remsi %parallel_loop3A_192, %parallel_loop3A_223 : i32
      %parallel_loop3A_225 = arith.constant 0 : i32
      %parallel_loop3A_226 = arith.cmpi ne, %parallel_loop3A_224, %parallel_loop3A_225 : i32
      %parallel_loop3A_227 = arith.constant 0 : i32
      %parallel_loop3A_228 = arith.cmpi slt, %parallel_loop3A_224, %parallel_loop3A_227 : i32
      %parallel_loop3A_229 = arith.constant 0 : i32
      %parallel_loop3A_230 = arith.cmpi slt, %parallel_loop3A_223, %parallel_loop3A_229 : i32
      %parallel_loop3A_231 = arith.xori %parallel_loop3A_228, %parallel_loop3A_230 : i1
      %parallel_loop3A_232 = arith.andi %parallel_loop3A_231, %parallel_loop3A_226 : i1
      %parallel_loop3A_233 = arith.addi %parallel_loop3A_224, %parallel_loop3A_223 : i32
      %parallel_loop3A_234 = arith.select %parallel_loop3A_232, %parallel_loop3A_233, %parallel_loop3A_224 : i32
      %parallel_loop3A_235 = arith.constant 1 : i32
      %parallel_loop3A_236 = arith.index_cast %parallel_loop3A_235 : i32 to index
      %parallel_loop3A_237 = arith.index_cast %parallel_loop3A_218 : i32 to index
      %parallel_loop3A_238 = arith.index_cast %parallel_loop3A_234 : i32 to index
      %parallel_loop3A_239 = arith.constant 0 : index
      %parallel_loop3A_240 = tpu.vector_load %arg8[%parallel_loop3A_236, %parallel_loop3A_237, %parallel_loop3A_238, %parallel_loop3A_239] {strides = array<i32>} : memref<2x8x8x128xf32, #tpu.memory_space<vmem>>, vector<16xf32>,
      tpu.vector_store %arg8[%parallel_loop3A_236, %parallel_loop3A_237, %parallel_loop3A_238, %parallel_loop3A_239], %parallel_loop3A_194 {strides = array<i32>} : memref<2x8x8x128xf32, #tpu.memory_space<vmem>>, vector<16xf32>,
      %parallel_loop3A_241 = tpu.vector_load_idx %arg6[%parallel_loop3A_193, %get3A_124] : memref<64x1024xf32, #tpu.memory_space<vmem>>[vector<16xi32>, vector<16xi32>], vector<16xf32>,
      %parallel_loop3A_242 = arith.constant 8 : i32
      %parallel_loop3A_243 = arith.divsi %parallel_loop3A_192, %parallel_loop3A_242 : i32
      %parallel_loop3A_244 = arith.constant 0 : i32
      %parallel_loop3A_245 = arith.cmpi sgt, %parallel_loop3A_192, %parallel_loop3A_244 : i32
      %parallel_loop3A_246 = arith.extui %parallel_loop3A_245 : i1 to i32
      %parallel_loop3A_247 = arith.constant 0 : i32
      %parallel_loop3A_248 = arith.cmpi slt, %parallel_loop3A_192, %parallel_loop3A_247 : i32
      %parallel_loop3A_249 = arith.extui %parallel_loop3A_248 : i1 to i32
      %parallel_loop3A_250 = arith.subi %parallel_loop3A_246, %parallel_loop3A_249 : i32
      %parallel_loop3A_251 = arith.constant 0 : i32
      %parallel_loop3A_252 = arith.cmpi sgt, %parallel_loop3A_242, %parallel_loop3A_251 : i32
      %parallel_loop3A_253 = arith.extui %parallel_loop3A_252 : i1 to i32
      %parallel_loop3A_254 = arith.constant 0 : i32
      %parallel_loop3A_255 = arith.cmpi slt, %parallel_loop3A_242, %parallel_loop3A_254 : i32
      %parallel_loop3A_256 = arith.extui %parallel_loop3A_255 : i1 to i32
      %parallel_loop3A_257 = arith.subi %parallel_loop3A_253, %parallel_loop3A_256 : i32
      %parallel_loop3A_258 = arith.cmpi ne, %parallel_loop3A_250, %parallel_loop3A_257 : i32
      %parallel_loop3A_259 = arith.remsi %parallel_loop3A_192, %parallel_loop3A_242 : i32
      %parallel_loop3A_260 = arith.constant 0 : i32
      %parallel_loop3A_261 = arith.cmpi ne, %parallel_loop3A_259, %parallel_loop3A_260 : i32
      %parallel_loop3A_262 = arith.andi %parallel_loop3A_258, %parallel_loop3A_261 : i1
      %parallel_loop3A_263 = arith.constant 1 : i32
      %parallel_loop3A_264 = arith.subi %parallel_loop3A_243, %parallel_loop3A_263 : i32
      %parallel_loop3A_265 = arith.select %parallel_loop3A_262, %parallel_loop3A_264, %parallel_loop3A_243 : i32
      %parallel_loop3A_266 = arith.constant 8 : i32
      %parallel_loop3A_267 = arith.constant 0 : i32
      %parallel_loop3A_268 = arith.cmpi eq, %parallel_loop3A_266, %parallel_loop3A_267 : i32
      %parallel_loop3A_269 = arith.constant 1 : i32
      %parallel_loop3A_270 = arith.select %parallel_loop3A_268, %parallel_loop3A_269, %parallel_loop3A_266 : i32
      %parallel_loop3A_271 = arith.remsi %parallel_loop3A_192, %parallel_loop3A_270 : i32
      %parallel_loop3A_272 = arith.constant 0 : i32
      %parallel_loop3A_273 = arith.cmpi ne, %parallel_loop3A_271, %parallel_loop3A_272 : i32
      %parallel_loop3A_274 = arith.constant 0 : i32
      %parallel_loop3A_275 = arith.cmpi slt, %parallel_loop3A_271, %parallel_loop3A_274 : i32
      %parallel_loop3A_276 = arith.constant 0 : i32
      %parallel_loop3A_277 = arith.cmpi slt, %parallel_loop3A_270, %parallel_loop3A_276 : i32
      %parallel_loop3A_278 = arith.xori %parallel_loop3A_275, %parallel_loop3A_277 : i1
      %parallel_loop3A_279 = arith.andi %parallel_loop3A_278, %parallel_loop3A_273 : i1
      %parallel_loop3A_280 = arith.addi %parallel_loop3A_271, %parallel_loop3A_270 : i32
      %parallel_loop3A_281 = arith.select %parallel_loop3A_279, %parallel_loop3A_280, %parallel_loop3A_271 : i32
      %parallel_loop3A_282 = arith.constant 1 : i32
      %parallel_loop3A_283 = arith.index_cast %parallel_loop3A_282 : i32 to index
      %parallel_loop3A_284 = arith.index_cast %parallel_loop3A_265 : i32 to index
      %parallel_loop3A_285 = arith.index_cast %parallel_loop3A_281 : i32 to index
      %parallel_loop3A_286 = arith.constant 16 : index
      %parallel_loop3A_287 = tpu.vector_load %arg8[%parallel_loop3A_283, %parallel_loop3A_284, %parallel_loop3A_285, %parallel_loop3A_286] {strides = array<i32>} : memref<2x8x8x128xf32, #tpu.memory_space<vmem>>, vector<16xf32>,
      tpu.vector_store %arg8[%parallel_loop3A_283, %parallel_loop3A_284, %parallel_loop3A_285, %parallel_loop3A_286], %parallel_loop3A_241 {strides = array<i32>} : memref<2x8x8x128xf32, #tpu.memory_space<vmem>>, vector<16xf32>,
      %parallel_loop3A_288 = tpu.vector_load_idx %arg6[%parallel_loop3A_193, %get3A_128] : memref<64x1024xf32, #tpu.memory_space<vmem>>[vector<16xi32>, vector<16xi32>], vector<16xf32>,
      %parallel_loop3A_289 = arith.constant 8 : i32
      %parallel_loop3A_290 = arith.divsi %parallel_loop3A_192, %parallel_loop3A_289 : i32
      %parallel_loop3A_291 = arith.constant 0 : i32
      %parallel_loop3A_292 = arith.cmpi sgt, %parallel_loop3A_192, %parallel_loop3A_291 : i32
      %parallel_loop3A_293 = arith.extui %parallel_loop3A_292 : i1 to i32
      %parallel_loop3A_294 = arith.constant 0 : i32
      %parallel_loop3A_295 = arith.cmpi slt, %parallel_loop3A_192, %parallel_loop3A_294 : i32
      %parallel_loop3A_296 = arith.extui %parallel_loop3A_295 : i1 to i32
      %parallel_loop3A_297 = arith.subi %parallel_loop3A_293, %parallel_loop3A_296 : i32
      %parallel_loop3A_298 = arith.constant 0 : i32
      %parallel_loop3A_299 = arith.cmpi sgt, %parallel_loop3A_289, %parallel_loop3A_298 : i32
      %parallel_loop3A_300 = arith.extui %parallel_loop3A_299 : i1 to i32
      %parallel_loop3A_301 = arith.constant 0 : i32
      %parallel_loop3A_302 = arith.cmpi slt, %parallel_loop3A_289, %parallel_loop3A_301 : i32
      %parallel_loop3A_303 = arith.extui %parallel_loop3A_302 : i1 to i32
      %parallel_loop3A_304 = arith.subi %parallel_loop3A_300, %parallel_loop3A_303 : i32
      %parallel_loop3A_305 = arith.cmpi ne, %parallel_loop3A_297, %parallel_loop3A_304 : i32
      %parallel_loop3A_306 = arith.remsi %parallel_loop3A_192, %parallel_loop3A_289 : i32
      %parallel_loop3A_307 = arith.constant 0 : i32
      %parallel_loop3A_308 = arith.cmpi ne, %parallel_loop3A_306, %parallel_loop3A_307 : i32
      %parallel_loop3A_309 = arith.andi %parallel_loop3A_305, %parallel_loop3A_308 : i1
      %parallel_loop3A_310 = arith.constant 1 : i32
      %parallel_loop3A_311 = arith.subi %parallel_loop3A_290, %parallel_loop3A_310 : i32
      %parallel_loop3A_312 = arith.select %parallel_loop3A_309, %parallel_loop3A_311, %parallel_loop3A_290 : i32
      %parallel_loop3A_313 = arith.constant 8 : i32
      %parallel_loop3A_314 = arith.constant 0 : i32
      %parallel_loop3A_315 = arith.cmpi eq, %parallel_loop3A_313, %parallel_loop3A_314 : i32
      %parallel_loop3A_316 = arith.constant 1 : i32
      %parallel_loop3A_317 = arith.select %parallel_loop3A_315, %parallel_loop3A_316, %parallel_loop3A_313 : i32
      %parallel_loop3A_318 = arith.remsi %parallel_loop3A_192, %parallel_loop3A_317 : i32
      %parallel_loop3A_319 = arith.constant 0 : i32
      %parallel_loop3A_320 = arith.cmpi ne, %parallel_loop3A_318, %parallel_loop3A_319 : i32
      %parallel_loop3A_321 = arith.constant 0 : i32
      %parallel_loop3A_322 = arith.cmpi slt, %parallel_loop3A_318, %parallel_loop3A_321 : i32
      %parallel_loop3A_323 = arith.constant 0 : i32
      %parallel_loop3A_324 = arith.cmpi slt, %parallel_loop3A_317, %parallel_loop3A_323 : i32
      %parallel_loop3A_325 = arith.xori %parallel_loop3A_322, %parallel_loop3A_324 : i1
      %parallel_loop3A_326 = arith.andi %parallel_loop3A_325, %parallel_loop3A_320 : i1
      %parallel_loop3A_327 = arith.addi %parallel_loop3A_318, %parallel_loop3A_317 : i32
      %parallel_loop3A_328 = arith.select %parallel_loop3A_326, %parallel_loop3A_327, %parallel_loop3A_318 : i32
      %parallel_loop3A_329 = arith.constant 1 : i32
      %parallel_loop3A_330 = arith.index_cast %parallel_loop3A_329 : i32 to index
      %parallel_loop3A_331 = arith.index_cast %parallel_loop3A_312 : i32 to index
      %parallel_loop3A_332 = arith.index_cast %parallel_loop3A_328 : i32 to index
      %parallel_loop3A_333 = arith.constant 32 : index
      %parallel_loop3A_334 = tpu.vector_load %arg8[%parallel_loop3A_330, %parallel_loop3A_331, %parallel_loop3A_332, %parallel_loop3A_333] {strides = array<i32>} : memref<2x8x8x128xf32, #tpu.memory_space<vmem>>, vector<16xf32>,
      tpu.vector_store %arg8[%parallel_loop3A_330, %parallel_loop3A_331, %parallel_loop3A_332, %parallel_loop3A_333], %parallel_loop3A_288 {strides = array<i32>} : memref<2x8x8x128xf32, #tpu.memory_space<vmem>>, vector<16xf32>,
      %parallel_loop3A_335 = tpu.vector_load_idx %arg6[%parallel_loop3A_193, %get3A_132] : memref<64x1024xf32, #tpu.memory_space<vmem>>[vector<16xi32>, vector<16xi32>], vector<16xf32>,
      %parallel_loop3A_336 = arith.constant 8 : i32
      %parallel_loop3A_337 = arith.divsi %parallel_loop3A_192, %parallel_loop3A_336 : i32
      %parallel_loop3A_338 = arith.constant 0 : i32
      %parallel_loop3A_339 = arith.cmpi sgt, %parallel_loop3A_192, %parallel_loop3A_338 : i32
      %parallel_loop3A_340 = arith.extui %parallel_loop3A_339 : i1 to i32
      %parallel_loop3A_341 = arith.constant 0 : i32
      %parallel_loop3A_342 = arith.cmpi slt, %parallel_loop3A_192, %parallel_loop3A_341 : i32
      %parallel_loop3A_343 = arith.extui %parallel_loop3A_342 : i1 to i32
      %parallel_loop3A_344 = arith.subi %parallel_loop3A_340, %parallel_loop3A_343 : i32
      %parallel_loop3A_345 = arith.constant 0 : i32
      %parallel_loop3A_346 = arith.cmpi sgt, %parallel_loop3A_336, %parallel_loop3A_345 : i32
      %parallel_loop3A_347 = arith.extui %parallel_loop3A_346 : i1 to i32
      %parallel_loop3A_348 = arith.constant 0 : i32
      %parallel_loop3A_349 = arith.cmpi slt, %parallel_loop3A_336, %parallel_loop3A_348 : i32
      %parallel_loop3A_350 = arith.extui %parallel_loop3A_349 : i1 to i32
      %parallel_loop3A_351 = arith.subi %parallel_loop3A_347, %parallel_loop3A_350 : i32
      %parallel_loop3A_352 = arith.cmpi ne, %parallel_loop3A_344, %parallel_loop3A_351 : i32
      %parallel_loop3A_353 = arith.remsi %parallel_loop3A_192, %parallel_loop3A_336 : i32
      %parallel_loop3A_354 = arith.constant 0 : i32
      %parallel_loop3A_355 = arith.cmpi ne, %parallel_loop3A_353, %parallel_loop3A_354 : i32
      %parallel_loop3A_356 = arith.andi %parallel_loop3A_352, %parallel_loop3A_355 : i1
      %parallel_loop3A_357 = arith.constant 1 : i32
      %parallel_loop3A_358 = arith.subi %parallel_loop3A_337, %parallel_loop3A_357 : i32
      %parallel_loop3A_359 = arith.select %parallel_loop3A_356, %parallel_loop3A_358, %parallel_loop3A_337 : i32
      %parallel_loop3A_360 = arith.constant 8 : i32
      %parallel_loop3A_361 = arith.constant 0 : i32
      %parallel_loop3A_362 = arith.cmpi eq, %parallel_loop3A_360, %parallel_loop3A_361 : i32
      %parallel_loop3A_363 = arith.constant 1 : i32
      %parallel_loop3A_364 = arith.select %parallel_loop3A_362, %parallel_loop3A_363, %parallel_loop3A_360 : i32
      %parallel_loop3A_365 = arith.remsi %parallel_loop3A_192, %parallel_loop3A_364 : i32
      %parallel_loop3A_366 = arith.constant 0 : i32
      %parallel_loop3A_367 = arith.cmpi ne, %parallel_loop3A_365, %parallel_loop3A_366 : i32
      %parallel_loop3A_368 = arith.constant 0 : i32
      %parallel_loop3A_369 = arith.cmpi slt, %parallel_loop3A_365, %parallel_loop3A_368 : i32
      %parallel_loop3A_370 = arith.constant 0 : i32
      %parallel_loop3A_371 = arith.cmpi slt, %parallel_loop3A_364, %parallel_loop3A_370 : i32
      %parallel_loop3A_372 = arith.xori %parallel_loop3A_369, %parallel_loop3A_371 : i1
      %parallel_loop3A_373 = arith.andi %parallel_loop3A_372, %parallel_loop3A_367 : i1
      %parallel_loop3A_374 = arith.addi %parallel_loop3A_365, %parallel_loop3A_364 : i32
      %parallel_loop3A_375 = arith.select %parallel_loop3A_373, %parallel_loop3A_374, %parallel_loop3A_365 : i32
      %parallel_loop3A_376 = arith.constant 1 : i32
      %parallel_loop3A_377 = arith.index_cast %parallel_loop3A_376 : i32 to index
      %parallel_loop3A_378 = arith.index_cast %parallel_loop3A_359 : i32 to index
      %parallel_loop3A_379 = arith.index_cast %parallel_loop3A_375 : i32 to index
      %parallel_loop3A_380 = arith.constant 48 : index
      %parallel_loop3A_381 = tpu.vector_load %arg8[%parallel_loop3A_377, %parallel_loop3A_378, %parallel_loop3A_379, %parallel_loop3A_380] {strides = array<i32>} : memref<2x8x8x128xf32, #tpu.memory_space<vmem>>, vector<16xf32>,
      tpu.vector_store %arg8[%parallel_loop3A_377, %parallel_loop3A_378, %parallel_loop3A_379, %parallel_loop3A_380], %parallel_loop3A_335 {strides = array<i32>} : memref<2x8x8x128xf32, #tpu.memory_space<vmem>>, vector<16xf32>,
      %parallel_loop3A_382 = tpu.vector_load_idx %arg6[%parallel_loop3A_193, %get3A_136] : memref<64x1024xf32, #tpu.memory_space<vmem>>[vector<16xi32>, vector<16xi32>], vector<16xf32>,
      %parallel_loop3A_383 = arith.constant 8 : i32
      %parallel_loop3A_384 = arith.divsi %parallel_loop3A_192, %parallel_loop3A_383 : i32
      %parallel_loop3A_385 = arith.constant 0 : i32
      %parallel_loop3A_386 = arith.cmpi sgt, %parallel_loop3A_192, %parallel_loop3A_385 : i32
      %parallel_loop3A_387 = arith.extui %parallel_loop3A_386 : i1 to i32
      %parallel_loop3A_388 = arith.constant 0 : i32
      %parallel_loop3A_389 = arith.cmpi slt, %parallel_loop3A_192, %parallel_loop3A_388 : i32
      %parallel_loop3A_390 = arith.extui %parallel_loop3A_389 : i1 to i32
      %parallel_loop3A_391 = arith.subi %parallel_loop3A_387, %parallel_loop3A_390 : i32
      %parallel_loop3A_392 = arith.constant 0 : i32
      %parallel_loop3A_393 = arith.cmpi sgt, %parallel_loop3A_383, %parallel_loop3A_392 : i32
      %parallel_loop3A_394 = arith.extui %parallel_loop3A_393 : i1 to i32
      %parallel_loop3A_395 = arith.constant 0 : i32
      %parallel_loop3A_396 = arith.cmpi slt, %parallel_loop3A_383, %parallel_loop3A_395 : i32
      %parallel_loop3A_397 = arith.extui %parallel_loop3A_396 : i1 to i32
      %parallel_loop3A_398 = arith.subi %parallel_loop3A_394, %parallel_loop3A_397 : i32
      %parallel_loop3A_399 = arith.cmpi ne, %parallel_loop3A_391, %parallel_loop3A_398 : i32
      %parallel_loop3A_400 = arith.remsi %parallel_loop3A_192, %parallel_loop3A_383 : i32
      %parallel_loop3A_401 = arith.constant 0 : i32
      %parallel_loop3A_402 = arith.cmpi ne, %parallel_loop3A_400, %parallel_loop3A_401 : i32
      %parallel_loop3A_403 = arith.andi %parallel_loop3A_399, %parallel_loop3A_402 : i1
      %parallel_loop3A_404 = arith.constant 1 : i32
      %parallel_loop3A_405 = arith.subi %parallel_loop3A_384, %parallel_loop3A_404 : i32
      %parallel_loop3A_406 = arith.select %parallel_loop3A_403, %parallel_loop3A_405, %parallel_loop3A_384 : i32
      %parallel_loop3A_407 = arith.constant 8 : i32
      %parallel_loop3A_408 = arith.constant 0 : i32
      %parallel_loop3A_409 = arith.cmpi eq, %parallel_loop3A_407, %parallel_loop3A_408 : i32
      %parallel_loop3A_410 = arith.constant 1 : i32
      %parallel_loop3A_411 = arith.select %parallel_loop3A_409, %parallel_loop3A_410, %parallel_loop3A_407 : i32
      %parallel_loop3A_412 = arith.remsi %parallel_loop3A_192, %parallel_loop3A_411 : i32
      %parallel_loop3A_413 = arith.constant 0 : i32
      %parallel_loop3A_414 = arith.cmpi ne, %parallel_loop3A_412, %parallel_loop3A_413 : i32
      %parallel_loop3A_415 = arith.constant 0 : i32
      %parallel_loop3A_416 = arith.cmpi slt, %parallel_loop3A_412, %parallel_loop3A_415 : i32
      %parallel_loop3A_417 = arith.constant 0 : i32
      %parallel_loop3A_418 = arith.cmpi slt, %parallel_loop3A_411, %parallel_loop3A_417 : i32
      %parallel_loop3A_419 = arith.xori %parallel_loop3A_416, %parallel_loop3A_418 : i1
      %parallel_loop3A_420 = arith.andi %parallel_loop3A_419, %parallel_loop3A_414 : i1
      %parallel_loop3A_421 = arith.addi %parallel_loop3A_412, %parallel_loop3A_411 : i32
      %parallel_loop3A_422 = arith.select %parallel_loop3A_420, %parallel_loop3A_421, %parallel_loop3A_412 : i32
      %parallel_loop3A_423 = arith.constant 1 : i32
      %parallel_loop3A_424 = arith.index_cast %parallel_loop3A_423 : i32 to index
      %parallel_loop3A_425 = arith.index_cast %parallel_loop3A_406 : i32 to index
      %parallel_loop3A_426 = arith.index_cast %parallel_loop3A_422 : i32 to index
      %parallel_loop3A_427 = arith.constant 64 : index
      %parallel_loop3A_428 = tpu.vector_load %arg8[%parallel_loop3A_424, %parallel_loop3A_425, %parallel_loop3A_426, %parallel_loop3A_427] {strides = array<i32>} : memref<2x8x8x128xf32, #tpu.memory_space<vmem>>, vector<16xf32>,
      tpu.vector_store %arg8[%parallel_loop3A_424, %parallel_loop3A_425, %parallel_loop3A_426, %parallel_loop3A_427], %parallel_loop3A_382 {strides = array<i32>} : memref<2x8x8x128xf32, #tpu.memory_space<vmem>>, vector<16xf32>,
      %parallel_loop3A_429 = tpu.vector_load_idx %arg6[%parallel_loop3A_193, %get3A_140] : memref<64x1024xf32, #tpu.memory_space<vmem>>[vector<16xi32>, vector<16xi32>], vector<16xf32>,
      %parallel_loop3A_430 = arith.constant 8 : i32
      %parallel_loop3A_431 = arith.divsi %parallel_loop3A_192, %parallel_loop3A_430 : i32
      %parallel_loop3A_432 = arith.constant 0 : i32
      %parallel_loop3A_433 = arith.cmpi sgt, %parallel_loop3A_192, %parallel_loop3A_432 : i32
      %parallel_loop3A_434 = arith.extui %parallel_loop3A_433 : i1 to i32
      %parallel_loop3A_435 = arith.constant 0 : i32
      %parallel_loop3A_436 = arith.cmpi slt, %parallel_loop3A_192, %parallel_loop3A_435 : i32
      %parallel_loop3A_437 = arith.extui %parallel_loop3A_436 : i1 to i32
      %parallel_loop3A_438 = arith.subi %parallel_loop3A_434, %parallel_loop3A_437 : i32
      %parallel_loop3A_439 = arith.constant 0 : i32
      %parallel_loop3A_440 = arith.cmpi sgt, %parallel_loop3A_430, %parallel_loop3A_439 : i32
      %parallel_loop3A_441 = arith.extui %parallel_loop3A_440 : i1 to i32
      %parallel_loop3A_442 = arith.constant 0 : i32
      %parallel_loop3A_443 = arith.cmpi slt, %parallel_loop3A_430, %parallel_loop3A_442 : i32
      %parallel_loop3A_444 = arith.extui %parallel_loop3A_443 : i1 to i32
      %parallel_loop3A_445 = arith.subi %parallel_loop3A_441, %parallel_loop3A_444 : i32
      %parallel_loop3A_446 = arith.cmpi ne, %parallel_loop3A_438, %parallel_loop3A_445 : i32
      %parallel_loop3A_447 = arith.remsi %parallel_loop3A_192, %parallel_loop3A_430 : i32
      %parallel_loop3A_448 = arith.constant 0 : i32
      %parallel_loop3A_449 = arith.cmpi ne, %parallel_loop3A_447, %parallel_loop3A_448 : i32
      %parallel_loop3A_450 = arith.andi %parallel_loop3A_446, %parallel_loop3A_449 : i1
      %parallel_loop3A_451 = arith.constant 1 : i32
      %parallel_loop3A_452 = arith.subi %parallel_loop3A_431, %parallel_loop3A_451 : i32
      %parallel_loop3A_453 = arith.select %parallel_loop3A_450, %parallel_loop3A_452, %parallel_loop3A_431 : i32
      %parallel_loop3A_454 = arith.constant 8 : i32
      %parallel_loop3A_455 = arith.constant 0 : i32
      %parallel_loop3A_456 = arith.cmpi eq, %parallel_loop3A_454, %parallel_loop3A_455 : i32
      %parallel_loop3A_457 = arith.constant 1 : i32
      %parallel_loop3A_458 = arith.select %parallel_loop3A_456, %parallel_loop3A_457, %parallel_loop3A_454 : i32
      %parallel_loop3A_459 = arith.remsi %parallel_loop3A_192, %parallel_loop3A_458 : i32
      %parallel_loop3A_460 = arith.constant 0 : i32
      %parallel_loop3A_461 = arith.cmpi ne, %parallel_loop3A_459, %parallel_loop3A_460 : i32
      %parallel_loop3A_462 = arith.constant 0 : i32
      %parallel_loop3A_463 = arith.cmpi slt, %parallel_loop3A_459, %parallel_loop3A_462 : i32
      %parallel_loop3A_464 = arith.constant 0 : i32
      %parallel_loop3A_465 = arith.cmpi slt, %parallel_loop3A_458, %parallel_loop3A_464 : i32
      %parallel_loop3A_466 = arith.xori %parallel_loop3A_463, %parallel_loop3A_465 : i1
      %parallel_loop3A_467 = arith.andi %parallel_loop3A_466, %parallel_loop3A_461 : i1
      %parallel_loop3A_468 = arith.addi %parallel_loop3A_459, %parallel_loop3A_458 : i32
      %parallel_loop3A_469 = arith.select %parallel_loop3A_467, %parallel_loop3A_468, %parallel_loop3A_459 : i32
      %parallel_loop3A_470 = arith.constant 1 : i32
      %parallel_loop3A_471 = arith.index_cast %parallel_loop3A_470 : i32 to index
      %parallel_loop3A_472 = arith.index_cast %parallel_loop3A_453 : i32 to index
      %parallel_loop3A_473 = arith.index_cast %parallel_loop3A_469 : i32 to index
      %parallel_loop3A_474 = arith.constant 80 : index
      %parallel_loop3A_475 = tpu.vector_load %arg8[%parallel_loop3A_471, %parallel_loop3A_472, %parallel_loop3A_473, %parallel_loop3A_474] {strides = array<i32>} : memref<2x8x8x128xf32, #tpu.memory_space<vmem>>, vector<16xf32>,
      tpu.vector_store %arg8[%parallel_loop3A_471, %parallel_loop3A_472, %parallel_loop3A_473, %parallel_loop3A_474], %parallel_loop3A_429 {strides = array<i32>} : memref<2x8x8x128xf32, #tpu.memory_space<vmem>>, vector<16xf32>,
      %parallel_loop3A_476 = tpu.vector_load_idx %arg6[%parallel_loop3A_193, %get3A_144] : memref<64x1024xf32, #tpu.memory_space<vmem>>[vector<16xi32>, vector<16xi32>], vector<16xf32>,
      %parallel_loop3A_477 = arith.constant 8 : i32
      %parallel_loop3A_478 = arith.divsi %parallel_loop3A_192, %parallel_loop3A_477 : i32
      %parallel_loop3A_479 = arith.constant 0 : i32
      %parallel_loop3A_480 = arith.cmpi sgt, %parallel_loop3A_192, %parallel_loop3A_479 : i32
      %parallel_loop3A_481 = arith.extui %parallel_loop3A_480 : i1 to i32
      %parallel_loop3A_482 = arith.constant 0 : i32
      %parallel_loop3A_483 = arith.cmpi slt, %parallel_loop3A_192, %parallel_loop3A_482 : i32
      %parallel_loop3A_484 = arith.extui %parallel_loop3A_483 : i1 to i32
      %parallel_loop3A_485 = arith.subi %parallel_loop3A_481, %parallel_loop3A_484 : i32
      %parallel_loop3A_486 = arith.constant 0 : i32
      %parallel_loop3A_487 = arith.cmpi sgt, %parallel_loop3A_477, %parallel_loop3A_486 : i32
      %parallel_loop3A_488 = arith.extui %parallel_loop3A_487 : i1 to i32
      %parallel_loop3A_489 = arith.constant 0 : i32
      %parallel_loop3A_490 = arith.cmpi slt, %parallel_loop3A_477, %parallel_loop3A_489 : i32
      %parallel_loop3A_491 = arith.extui %parallel_loop3A_490 : i1 to i32
      %parallel_loop3A_492 = arith.subi %parallel_loop3A_488, %parallel_loop3A_491 : i32
      %parallel_loop3A_493 = arith.cmpi ne, %parallel_loop3A_485, %parallel_loop3A_492 : i32
      %parallel_loop3A_494 = arith.remsi %parallel_loop3A_192, %parallel_loop3A_477 : i32
      %parallel_loop3A_495 = arith.constant 0 : i32
      %parallel_loop3A_496 = arith.cmpi ne, %parallel_loop3A_494, %parallel_loop3A_495 : i32
      %parallel_loop3A_497 = arith.andi %parallel_loop3A_493, %parallel_loop3A_496 : i1
      %parallel_loop3A_498 = arith.constant 1 : i32
      %parallel_loop3A_499 = arith.subi %parallel_loop3A_478, %parallel_loop3A_498 : i32
      %parallel_loop3A_500 = arith.select %parallel_loop3A_497, %parallel_loop3A_499, %parallel_loop3A_478 : i32
      %parallel_loop3A_501 = arith.constant 8 : i32
      %parallel_loop3A_502 = arith.constant 0 : i32
      %parallel_loop3A_503 = arith.cmpi eq, %parallel_loop3A_501, %parallel_loop3A_502 : i32
      %parallel_loop3A_504 = arith.constant 1 : i32
      %parallel_loop3A_505 = arith.select %parallel_loop3A_503, %parallel_loop3A_504, %parallel_loop3A_501 : i32
      %parallel_loop3A_506 = arith.remsi %parallel_loop3A_192, %parallel_loop3A_505 : i32
      %parallel_loop3A_507 = arith.constant 0 : i32
      %parallel_loop3A_508 = arith.cmpi ne, %parallel_loop3A_506, %parallel_loop3A_507 : i32
      %parallel_loop3A_509 = arith.constant 0 : i32
      %parallel_loop3A_510 = arith.cmpi slt, %parallel_loop3A_506, %parallel_loop3A_509 : i32
      %parallel_loop3A_511 = arith.constant 0 : i32
      %parallel_loop3A_512 = arith.cmpi slt, %parallel_loop3A_505, %parallel_loop3A_511 : i32
      %parallel_loop3A_513 = arith.xori %parallel_loop3A_510, %parallel_loop3A_512 : i1
      %parallel_loop3A_514 = arith.andi %parallel_loop3A_513, %parallel_loop3A_508 : i1
      %parallel_loop3A_515 = arith.addi %parallel_loop3A_506, %parallel_loop3A_505 : i32
      %parallel_loop3A_516 = arith.select %parallel_loop3A_514, %parallel_loop3A_515, %parallel_loop3A_506 : i32
      %parallel_loop3A_517 = arith.constant 1 : i32
      %parallel_loop3A_518 = arith.index_cast %parallel_loop3A_517 : i32 to index
      %parallel_loop3A_519 = arith.index_cast %parallel_loop3A_500 : i32 to index
      %parallel_loop3A_520 = arith.index_cast %parallel_loop3A_516 : i32 to index
      %parallel_loop3A_521 = arith.constant 96 : index
      %parallel_loop3A_522 = tpu.vector_load %arg8[%parallel_loop3A_518, %parallel_loop3A_519, %parallel_loop3A_520, %parallel_loop3A_521] {strides = array<i32>} : memref<2x8x8x128xf32, #tpu.memory_space<vmem>>, vector<16xf32>,
      tpu.vector_store %arg8[%parallel_loop3A_518, %parallel_loop3A_519, %parallel_loop3A_520, %parallel_loop3A_521], %parallel_loop3A_476 {strides = array<i32>} : memref<2x8x8x128xf32, #tpu.memory_space<vmem>>, vector<16xf32>,
      %parallel_loop3A_523 = tpu.vector_load_idx %arg6[%parallel_loop3A_193, %get3A_148] : memref<64x1024xf32, #tpu.memory_space<vmem>>[vector<16xi32>, vector<16xi32>], vector<16xf32>,
      %parallel_loop3A_524 = arith.constant 8 : i32
      %parallel_loop3A_525 = arith.divsi %parallel_loop3A_192, %parallel_loop3A_524 : i32
      %parallel_loop3A_526 = arith.constant 0 : i32
      %parallel_loop3A_527 = arith.cmpi sgt, %parallel_loop3A_192, %parallel_loop3A_526 : i32
      %parallel_loop3A_528 = arith.extui %parallel_loop3A_527 : i1 to i32
      %parallel_loop3A_529 = arith.constant 0 : i32
      %parallel_loop3A_530 = arith.cmpi slt, %parallel_loop3A_192, %parallel_loop3A_529 : i32
      %parallel_loop3A_531 = arith.extui %parallel_loop3A_530 : i1 to i32
      %parallel_loop3A_532 = arith.subi %parallel_loop3A_528, %parallel_loop3A_531 : i32
      %parallel_loop3A_533 = arith.constant 0 : i32
      %parallel_loop3A_534 = arith.cmpi sgt, %parallel_loop3A_524, %parallel_loop3A_533 : i32
      %parallel_loop3A_535 = arith.extui %parallel_loop3A_534 : i1 to i32
      %parallel_loop3A_536 = arith.constant 0 : i32
      %parallel_loop3A_537 = arith.cmpi slt, %parallel_loop3A_524, %parallel_loop3A_536 : i32
      %parallel_loop3A_538 = arith.extui %parallel_loop3A_537 : i1 to i32
      %parallel_loop3A_539 = arith.subi %parallel_loop3A_535, %parallel_loop3A_538 : i32
      %parallel_loop3A_540 = arith.cmpi ne, %parallel_loop3A_532, %parallel_loop3A_539 : i32
      %parallel_loop3A_541 = arith.remsi %parallel_loop3A_192, %parallel_loop3A_524 : i32
      %parallel_loop3A_542 = arith.constant 0 : i32
      %parallel_loop3A_543 = arith.cmpi ne, %parallel_loop3A_541, %parallel_loop3A_542 : i32
      %parallel_loop3A_544 = arith.andi %parallel_loop3A_540, %parallel_loop3A_543 : i1
      %parallel_loop3A_545 = arith.constant 1 : i32
      %parallel_loop3A_546 = arith.subi %parallel_loop3A_525, %parallel_loop3A_545 : i32
      %parallel_loop3A_547 = arith.select %parallel_loop3A_544, %parallel_loop3A_546, %parallel_loop3A_525 : i32
      %parallel_loop3A_548 = arith.constant 8 : i32
      %parallel_loop3A_549 = arith.constant 0 : i32
      %parallel_loop3A_550 = arith.cmpi eq, %parallel_loop3A_548, %parallel_loop3A_549 : i32
      %parallel_loop3A_551 = arith.constant 1 : i32
      %parallel_loop3A_552 = arith.select %parallel_loop3A_550, %parallel_loop3A_551, %parallel_loop3A_548 : i32
      %parallel_loop3A_553 = arith.remsi %parallel_loop3A_192, %parallel_loop3A_552 : i32
      %parallel_loop3A_554 = arith.constant 0 : i32
      %parallel_loop3A_555 = arith.cmpi ne, %parallel_loop3A_553, %parallel_loop3A_554 : i32
      %parallel_loop3A_556 = arith.constant 0 : i32
      %parallel_loop3A_557 = arith.cmpi slt, %parallel_loop3A_553, %parallel_loop3A_556 : i32
      %parallel_loop3A_558 = arith.constant 0 : i32
      %parallel_loop3A_559 = arith.cmpi slt, %parallel_loop3A_552, %parallel_loop3A_558 : i32
      %parallel_loop3A_560 = arith.xori %parallel_loop3A_557, %parallel_loop3A_559 : i1
      %parallel_loop3A_561 = arith.andi %parallel_loop3A_560, %parallel_loop3A_555 : i1
      %parallel_loop3A_562 = arith.addi %parallel_loop3A_553, %parallel_loop3A_552 : i32
      %parallel_loop3A_563 = arith.select %parallel_loop3A_561, %parallel_loop3A_562, %parallel_loop3A_553 : i32
      %parallel_loop3A_564 = arith.constant 1 : i32
      %parallel_loop3A_565 = arith.index_cast %parallel_loop3A_564 : i32 to index
      %parallel_loop3A_566 = arith.index_cast %parallel_loop3A_547 : i32 to index
      %parallel_loop3A_567 = arith.index_cast %parallel_loop3A_563 : i32 to index
      %parallel_loop3A_568 = arith.constant 112 : index
      %parallel_loop3A_569 = tpu.vector_load %arg8[%parallel_loop3A_565, %parallel_loop3A_566, %parallel_loop3A_567, %parallel_loop3A_568] {strides = array<i32>} : memref<2x8x8x128xf32, #tpu.memory_space<vmem>>, vector<16xf32>,
      tpu.vector_store %arg8[%parallel_loop3A_565, %parallel_loop3A_566, %parallel_loop3A_567, %parallel_loop3A_568], %parallel_loop3A_523 {strides = array<i32>} : memref<2x8x8x128xf32, #tpu.memory_space<vmem>>, vector<16xf32>,
    } {sc.loop_unroll_factor = 4 : i64, sc.parallel_access}
    %dma_start3A_152 = arith.constant 2 : i32
    %dma_start3A_153 = arith.constant 0 : i32
    %dma_start3A_154 = arith.constant 0 : i32
    %dma_start3A_155 = arith.constant 0 : i32
    %dma_start3A_156 = tpu.memref_slice %arg4[%dma_start3A_152, %dma_start3A_153, %add3A, %dma_start3A_154, %dma_start3A_155] : memref<200x8x32x8x128xf32, #tpu.memory_space<hbm>> -> memref<2x8x1x8x128xf32, #tpu.memory_space<hbm>>
    %dma_start3A_157 = tpu.memref_squeeze %dma_start3A_156 : memref<2x8x1x8x128xf32, #tpu.memory_space<hbm>> -> memref<2x8x8x128xf32, #tpu.memory_space<hbm>>
    %dma_start3A_158 = arith.constant 2 : i32
    %dma_start3A_159 = arith.constant 0 : i32
    %dma_start3A_160 = arith.constant 0 : i32
    %dma_start3A_161 = arith.constant 0 : i32
    %dma_start3A_162 = tpu.memref_slice %arg4[%dma_start3A_158, %dma_start3A_159, %add3A, %dma_start3A_160, %dma_start3A_161] : memref<200x8x32x8x128xf32, #tpu.memory_space<hbm>> -> memref<2x8x1x8x128xf32, #tpu.memory_space<hbm>>
    %dma_start3A_163 = tpu.memref_squeeze %dma_start3A_162 : memref<2x8x1x8x128xf32, #tpu.memory_space<hbm>> -> memref<2x8x8x128xf32, #tpu.memory_space<hbm>>
    tpu.enqueue_dma source(%arg8 : memref<2x8x8x128xf32, #tpu.memory_space<vmem>>) target(%dma_start3A_163 : memref<2x8x8x128xf32, #tpu.memory_space<hbm>>) target_semaphore(%arg10 : memref<!tpu.dma_semaphore, #tpu.memory_space<semaphore_mem>>)
    %scan3A = arith.constant 0 : i32
    %scan3A_164 = arith.constant 1 : i32
    %scan3A_165 = arith.constant 49 : i32
    %scan3A_166 = arith.addi %scan3A_164, %scan3A_165 : i32
    %scan3A_167 = arith.constant 1 : i32
    scf.for %scan3A_192 = %scan3A_164 to %scan3A_166 step %scan3A_167  : i32 {
      %mul3A_193 = arith.constant 2 : i32
      %mul3A_194 = arith.muli %mul3A_193, %scan3A_192 : i32
      %add3A_195 = arith.constant 0 : i32
      %add3A_196 = arith.addi %mul3A_194, %add3A_195 : i32
      %sub3A = arith.constant 2 : i32
      %sub3A_197 = arith.subi %add3A_196, %sub3A : i32
      %mul3A_198 = arith.constant 2 : i32
      %mul3A_199 = arith.muli %mul3A_198, %sub3A_197 : i32
      %dma_wait3A_200 = arith.constant 0 : i32
      %dma_wait3A_201 = arith.constant 0 : i32
      %dma_wait3A_202 = arith.constant 0 : i32
      %dma_wait3A_203 = tpu.memref_slice %arg4[%mul3A_199, %dma_wait3A_200, %add3A, %dma_wait3A_201, %dma_wait3A_202] : memref<200x8x32x8x128xf32, #tpu.memory_space<hbm>> -> memref<2x8x1x8x128xf32, #tpu.memory_space<hbm>>
      %dma_wait3A_204 = tpu.memref_squeeze %dma_wait3A_203 : memref<2x8x1x8x128xf32, #tpu.memory_space<hbm>> -> memref<2x8x8x128xf32, #tpu.memory_space<hbm>>
      %dma_wait3A_205 = arith.constant 0 : i32
      %dma_wait3A_206 = arith.constant 0 : i32
      %dma_wait3A_207 = arith.constant 0 : i32
      %dma_wait3A_208 = tpu.memref_slice %arg4[%mul3A_199, %dma_wait3A_205, %add3A, %dma_wait3A_206, %dma_wait3A_207] : memref<200x8x32x8x128xf32, #tpu.memory_space<hbm>> -> memref<2x8x1x8x128xf32, #tpu.memory_space<hbm>>
      %dma_wait3A_209 = tpu.memref_squeeze %dma_wait3A_208 : memref<2x8x1x8x128xf32, #tpu.memory_space<hbm>> -> memref<2x8x8x128xf32, #tpu.memory_space<hbm>>
      tpu.wait_dma2 semaphore(%arg9 : memref<!tpu.dma_semaphore, #tpu.memory_space<semaphore_mem>>) src(%arg7 : memref<2x8x8x128xf32, #tpu.memory_space<vmem>>) dst(%dma_wait3A_209 : memref<2x8x8x128xf32, #tpu.memory_space<hbm>>)
      %mul3A_210 = arith.constant 2 : i32
      %mul3A_211 = arith.muli %mul3A_210, %add3A_196 : i32
      %add3A_212 = arith.constant 0 : i32
      %add3A_213 = arith.addi %mul3A_211, %add3A_212 : i32
      %get3A_214 = arith.index_cast %add3A_213 : i32 to index
      %get3A_215 = arith.constant 0 : index
      %get3A_216 = tpu.vector_load %arg5[%get3A_214, %get3A_215] {strides = array<i32>} : memref<200x128xi32, #tpu.memory_space<vmem>>, vector<16xi32>,
      %get3A_217 = arith.index_cast %add3A_213 : i32 to index
      %get3A_218 = arith.constant 16 : index
      %get3A_219 = tpu.vector_load %arg5[%get3A_217, %get3A_218] {strides = array<i32>} : memref<200x128xi32, #tpu.memory_space<vmem>>, vector<16xi32>,
      %get3A_220 = arith.index_cast %add3A_213 : i32 to index
      %get3A_221 = arith.constant 32 : index
      %get3A_222 = tpu.vector_load %arg5[%get3A_220, %get3A_221] {strides = array<i32>} : memref<200x128xi32, #tpu.memory_space<vmem>>, vector<16xi32>,
      %get3A_223 = arith.index_cast %add3A_213 : i32 to index
      %get3A_224 = arith.constant 48 : index
      %get3A_225 = tpu.vector_load %arg5[%get3A_223, %get3A_224] {strides = array<i32>} : memref<200x128xi32, #tpu.memory_space<vmem>>, vector<16xi32>,
      %get3A_226 = arith.index_cast %add3A_213 : i32 to index
      %get3A_227 = arith.constant 64 : index
      %get3A_228 = tpu.vector_load %arg5[%get3A_226, %get3A_227] {strides = array<i32>} : memref<200x128xi32, #tpu.memory_space<vmem>>, vector<16xi32>,
      %get3A_229 = arith.index_cast %add3A_213 : i32 to index
      %get3A_230 = arith.constant 80 : index
      %get3A_231 = tpu.vector_load %arg5[%get3A_229, %get3A_230] {strides = array<i32>} : memref<200x128xi32, #tpu.memory_space<vmem>>, vector<16xi32>,
      %get3A_232 = arith.index_cast %add3A_213 : i32 to index
      %get3A_233 = arith.constant 96 : index
      %get3A_234 = tpu.vector_load %arg5[%get3A_232, %get3A_233] {strides = array<i32>} : memref<200x128xi32, #tpu.memory_space<vmem>>, vector<16xi32>,
      %get3A_235 = arith.index_cast %add3A_213 : i32 to index
      %get3A_236 = arith.constant 112 : index
      %get3A_237 = tpu.vector_load %arg5[%get3A_235, %get3A_236] {strides = array<i32>} : memref<200x128xi32, #tpu.memory_space<vmem>>, vector<16xi32>,
      %parallel_loop3A_238 = arith.constant 0 : i32
      %parallel_loop3A_239 = arith.constant 64 : i32
      %parallel_loop3A_240 = arith.constant 1 : i32
      scf.for %parallel_loop3A_376 = %parallel_loop3A_238 to %parallel_loop3A_239 step %parallel_loop3A_240  : i32 {
        %parallel_loop3A_377 = vector.broadcast %parallel_loop3A_376 : i32 to vector<16xi32>
        %parallel_loop3A_378 = tpu.vector_load_idx %arg6[%parallel_loop3A_377, %get3A_216] : memref<64x1024xf32, #tpu.memory_space<vmem>>[vector<16xi32>, vector<16xi32>], vector<16xf32>,
        %parallel_loop3A_379 = arith.constant 8 : i32
        %parallel_loop3A_380 = arith.divsi %parallel_loop3A_376, %parallel_loop3A_379 : i32
        %parallel_loop3A_381 = arith.constant 0 : i32
        %parallel_loop3A_382 = arith.cmpi sgt, %parallel_loop3A_376, %parallel_loop3A_381 : i32
        %parallel_loop3A_383 = arith.extui %parallel_loop3A_382 : i1 to i32
        %parallel_loop3A_384 = arith.constant 0 : i32
        %parallel_loop3A_385 = arith.cmpi slt, %parallel_loop3A_376, %parallel_loop3A_384 : i32
        %parallel_loop3A_386 = arith.extui %parallel_loop3A_385 : i1 to i32
        %parallel_loop3A_387 = arith.subi %parallel_loop3A_383, %parallel_loop3A_386 : i32
        %parallel_loop3A_388 = arith.constant 0 : i32
        %parallel_loop3A_389 = arith.cmpi sgt, %parallel_loop3A_379, %parallel_loop3A_388 : i32
        %parallel_loop3A_390 = arith.extui %parallel_loop3A_389 : i1 to i32
        %parallel_loop3A_391 = arith.constant 0 : i32
        %parallel_loop3A_392 = arith.cmpi slt, %parallel_loop3A_379, %parallel_loop3A_391 : i32
        %parallel_loop3A_393 = arith.extui %parallel_loop3A_392 : i1 to i32
        %parallel_loop3A_394 = arith.subi %parallel_loop3A_390, %parallel_loop3A_393 : i32
        %parallel_loop3A_395 = arith.cmpi ne, %parallel_loop3A_387, %parallel_loop3A_394 : i32
        %parallel_loop3A_396 = arith.remsi %parallel_loop3A_376, %parallel_loop3A_379 : i32
        %parallel_loop3A_397 = arith.constant 0 : i32
        %parallel_loop3A_398 = arith.cmpi ne, %parallel_loop3A_396, %parallel_loop3A_397 : i32
        %parallel_loop3A_399 = arith.andi %parallel_loop3A_395, %parallel_loop3A_398 : i1
        %parallel_loop3A_400 = arith.constant 1 : i32
        %parallel_loop3A_401 = arith.subi %parallel_loop3A_380, %parallel_loop3A_400 : i32
        %parallel_loop3A_402 = arith.select %parallel_loop3A_399, %parallel_loop3A_401, %parallel_loop3A_380 : i32
        %parallel_loop3A_403 = arith.constant 8 : i32
        %parallel_loop3A_404 = arith.constant 0 : i32
        %parallel_loop3A_405 = arith.cmpi eq, %parallel_loop3A_403, %parallel_loop3A_404 : i32
        %parallel_loop3A_406 = arith.constant 1 : i32
        %parallel_loop3A_407 = arith.select %parallel_loop3A_405, %parallel_loop3A_406, %parallel_loop3A_403 : i32
        %parallel_loop3A_408 = arith.remsi %parallel_loop3A_376, %parallel_loop3A_407 : i32
        %parallel_loop3A_409 = arith.constant 0 : i32
        %parallel_loop3A_410 = arith.cmpi ne, %parallel_loop3A_408, %parallel_loop3A_409 : i32
        %parallel_loop3A_411 = arith.constant 0 : i32
        %parallel_loop3A_412 = arith.cmpi slt, %parallel_loop3A_408, %parallel_loop3A_411 : i32
        %parallel_loop3A_413 = arith.constant 0 : i32
        %parallel_loop3A_414 = arith.cmpi slt, %parallel_loop3A_407, %parallel_loop3A_413 : i32
        %parallel_loop3A_415 = arith.xori %parallel_loop3A_412, %parallel_loop3A_414 : i1
        %parallel_loop3A_416 = arith.andi %parallel_loop3A_415, %parallel_loop3A_410 : i1
        %parallel_loop3A_417 = arith.addi %parallel_loop3A_408, %parallel_loop3A_407 : i32
        %parallel_loop3A_418 = arith.select %parallel_loop3A_416, %parallel_loop3A_417, %parallel_loop3A_408 : i32
        %parallel_loop3A_419 = arith.constant 0 : i32
        %parallel_loop3A_420 = arith.index_cast %parallel_loop3A_419 : i32 to index
        %parallel_loop3A_421 = arith.index_cast %parallel_loop3A_402 : i32 to index
        %parallel_loop3A_422 = arith.index_cast %parallel_loop3A_418 : i32 to index
        %parallel_loop3A_423 = arith.constant 0 : index
        %parallel_loop3A_424 = tpu.vector_load %arg7[%parallel_loop3A_420, %parallel_loop3A_421, %parallel_loop3A_422, %parallel_loop3A_423] {strides = array<i32>} : memref<2x8x8x128xf32, #tpu.memory_space<vmem>>, vector<16xf32>,
        tpu.vector_store %arg7[%parallel_loop3A_420, %parallel_loop3A_421, %parallel_loop3A_422, %parallel_loop3A_423], %parallel_loop3A_378 {strides = array<i32>} : memref<2x8x8x128xf32, #tpu.memory_space<vmem>>, vector<16xf32>,
        %parallel_loop3A_425 = tpu.vector_load_idx %arg6[%parallel_loop3A_377, %get3A_219] : memref<64x1024xf32, #tpu.memory_space<vmem>>[vector<16xi32>, vector<16xi32>], vector<16xf32>,
        %parallel_loop3A_426 = arith.constant 8 : i32
        %parallel_loop3A_427 = arith.divsi %parallel_loop3A_376, %parallel_loop3A_426 : i32
        %parallel_loop3A_428 = arith.constant 0 : i32
        %parallel_loop3A_429 = arith.cmpi sgt, %parallel_loop3A_376, %parallel_loop3A_428 : i32
        %parallel_loop3A_430 = arith.extui %parallel_loop3A_429 : i1 to i32
        %parallel_loop3A_431 = arith.constant 0 : i32
        %parallel_loop3A_432 = arith.cmpi slt, %parallel_loop3A_376, %parallel_loop3A_431 : i32
        %parallel_loop3A_433 = arith.extui %parallel_loop3A_432 : i1 to i32
        %parallel_loop3A_434 = arith.subi %parallel_loop3A_430, %parallel_loop3A_433 : i32
        %parallel_loop3A_435 = arith.constant 0 : i32
        %parallel_loop3A_436 = arith.cmpi sgt, %parallel_loop3A_426, %parallel_loop3A_435 : i32
        %parallel_loop3A_437 = arith.extui %parallel_loop3A_436 : i1 to i32
        %parallel_loop3A_438 = arith.constant 0 : i32
        %parallel_loop3A_439 = arith.cmpi slt, %parallel_loop3A_426, %parallel_loop3A_438 : i32
        %parallel_loop3A_440 = arith.extui %parallel_loop3A_439 : i1 to i32
        %parallel_loop3A_441 = arith.subi %parallel_loop3A_437, %parallel_loop3A_440 : i32
        %parallel_loop3A_442 = arith.cmpi ne, %parallel_loop3A_434, %parallel_loop3A_441 : i32
        %parallel_loop3A_443 = arith.remsi %parallel_loop3A_376, %parallel_loop3A_426 : i32
        %parallel_loop3A_444 = arith.constant 0 : i32
        %parallel_loop3A_445 = arith.cmpi ne, %parallel_loop3A_443, %parallel_loop3A_444 : i32
        %parallel_loop3A_446 = arith.andi %parallel_loop3A_442, %parallel_loop3A_445 : i1
        %parallel_loop3A_447 = arith.constant 1 : i32
        %parallel_loop3A_448 = arith.subi %parallel_loop3A_427, %parallel_loop3A_447 : i32
        %parallel_loop3A_449 = arith.select %parallel_loop3A_446, %parallel_loop3A_448, %parallel_loop3A_427 : i32
        %parallel_loop3A_450 = arith.constant 8 : i32
        %parallel_loop3A_451 = arith.constant 0 : i32
        %parallel_loop3A_452 = arith.cmpi eq, %parallel_loop3A_450, %parallel_loop3A_451 : i32
        %parallel_loop3A_453 = arith.constant 1 : i32
        %parallel_loop3A_454 = arith.select %parallel_loop3A_452, %parallel_loop3A_453, %parallel_loop3A_450 : i32
        %parallel_loop3A_455 = arith.remsi %parallel_loop3A_376, %parallel_loop3A_454 : i32
        %parallel_loop3A_456 = arith.constant 0 : i32
        %parallel_loop3A_457 = arith.cmpi ne, %parallel_loop3A_455, %parallel_loop3A_456 : i32
        %parallel_loop3A_458 = arith.constant 0 : i32
        %parallel_loop3A_459 = arith.cmpi slt, %parallel_loop3A_455, %parallel_loop3A_458 : i32
        %parallel_loop3A_460 = arith.constant 0 : i32
        %parallel_loop3A_461 = arith.cmpi slt, %parallel_loop3A_454, %parallel_loop3A_460 : i32
        %parallel_loop3A_462 = arith.xori %parallel_loop3A_459, %parallel_loop3A_461 : i1
        %parallel_loop3A_463 = arith.andi %parallel_loop3A_462, %parallel_loop3A_457 : i1
        %parallel_loop3A_464 = arith.addi %parallel_loop3A_455, %parallel_loop3A_454 : i32
        %parallel_loop3A_465 = arith.select %parallel_loop3A_463, %parallel_loop3A_464, %parallel_loop3A_455 : i32
        %parallel_loop3A_466 = arith.constant 0 : i32
        %parallel_loop3A_467 = arith.index_cast %parallel_loop3A_466 : i32 to index
        %parallel_loop3A_468 = arith.index_cast %parallel_loop3A_449 : i32 to index
        %parallel_loop3A_469 = arith.index_cast %parallel_loop3A_465 : i32 to index
        %parallel_loop3A_470 = arith.constant 16 : index
        %parallel_loop3A_471 = tpu.vector_load %arg7[%parallel_loop3A_467, %parallel_loop3A_468, %parallel_loop3A_469, %parallel_loop3A_470] {strides = array<i32>} : memref<2x8x8x128xf32, #tpu.memory_space<vmem>>, vector<16xf32>,
        tpu.vector_store %arg7[%parallel_loop3A_467, %parallel_loop3A_468, %parallel_loop3A_469, %parallel_loop3A_470], %parallel_loop3A_425 {strides = array<i32>} : memref<2x8x8x128xf32, #tpu.memory_space<vmem>>, vector<16xf32>,
        %parallel_loop3A_472 = tpu.vector_load_idx %arg6[%parallel_loop3A_377, %get3A_222] : memref<64x1024xf32, #tpu.memory_space<vmem>>[vector<16xi32>, vector<16xi32>], vector<16xf32>,
        %parallel_loop3A_473 = arith.constant 8 : i32
        %parallel_loop3A_474 = arith.divsi %parallel_loop3A_376, %parallel_loop3A_473 : i32
        %parallel_loop3A_475 = arith.constant 0 : i32
        %parallel_loop3A_476 = arith.cmpi sgt, %parallel_loop3A_376, %parallel_loop3A_475 : i32
        %parallel_loop3A_477 = arith.extui %parallel_loop3A_476 : i1 to i32
        %parallel_loop3A_478 = arith.constant 0 : i32
        %parallel_loop3A_479 = arith.cmpi slt, %parallel_loop3A_376, %parallel_loop3A_478 : i32
        %parallel_loop3A_480 = arith.extui %parallel_loop3A_479 : i1 to i32
        %parallel_loop3A_481 = arith.subi %parallel_loop3A_477, %parallel_loop3A_480 : i32
        %parallel_loop3A_482 = arith.constant 0 : i32
        %parallel_loop3A_483 = arith.cmpi sgt, %parallel_loop3A_473, %parallel_loop3A_482 : i32
        %parallel_loop3A_484 = arith.extui %parallel_loop3A_483 : i1 to i32
        %parallel_loop3A_485 = arith.constant 0 : i32
        %parallel_loop3A_486 = arith.cmpi slt, %parallel_loop3A_473, %parallel_loop3A_485 : i32
        %parallel_loop3A_487 = arith.extui %parallel_loop3A_486 : i1 to i32
        %parallel_loop3A_488 = arith.subi %parallel_loop3A_484, %parallel_loop3A_487 : i32
        %parallel_loop3A_489 = arith.cmpi ne, %parallel_loop3A_481, %parallel_loop3A_488 : i32
        %parallel_loop3A_490 = arith.remsi %parallel_loop3A_376, %parallel_loop3A_473 : i32
        %parallel_loop3A_491 = arith.constant 0 : i32
        %parallel_loop3A_492 = arith.cmpi ne, %parallel_loop3A_490, %parallel_loop3A_491 : i32
        %parallel_loop3A_493 = arith.andi %parallel_loop3A_489, %parallel_loop3A_492 : i1
        %parallel_loop3A_494 = arith.constant 1 : i32
        %parallel_loop3A_495 = arith.subi %parallel_loop3A_474, %parallel_loop3A_494 : i32
        %parallel_loop3A_496 = arith.select %parallel_loop3A_493, %parallel_loop3A_495, %parallel_loop3A_474 : i32
        %parallel_loop3A_497 = arith.constant 8 : i32
        %parallel_loop3A_498 = arith.constant 0 : i32
        %parallel_loop3A_499 = arith.cmpi eq, %parallel_loop3A_497, %parallel_loop3A_498 : i32
        %parallel_loop3A_500 = arith.constant 1 : i32
        %parallel_loop3A_501 = arith.select %parallel_loop3A_499, %parallel_loop3A_500, %parallel_loop3A_497 : i32
        %parallel_loop3A_502 = arith.remsi %parallel_loop3A_376, %parallel_loop3A_501 : i32
        %parallel_loop3A_503 = arith.constant 0 : i32
        %parallel_loop3A_504 = arith.cmpi ne, %parallel_loop3A_502, %parallel_loop3A_503 : i32
        %parallel_loop3A_505 = arith.constant 0 : i32
        %parallel_loop3A_506 = arith.cmpi slt, %parallel_loop3A_502, %parallel_loop3A_505 : i32
        %parallel_loop3A_507 = arith.constant 0 : i32
        %parallel_loop3A_508 = arith.cmpi slt, %parallel_loop3A_501, %parallel_loop3A_507 : i32
        %parallel_loop3A_509 = arith.xori %parallel_loop3A_506, %parallel_loop3A_508 : i1
        %parallel_loop3A_510 = arith.andi %parallel_loop3A_509, %parallel_loop3A_504 : i1
        %parallel_loop3A_511 = arith.addi %parallel_loop3A_502, %parallel_loop3A_501 : i32
        %parallel_loop3A_512 = arith.select %parallel_loop3A_510, %parallel_loop3A_511, %parallel_loop3A_502 : i32
        %parallel_loop3A_513 = arith.constant 0 : i32
        %parallel_loop3A_514 = arith.index_cast %parallel_loop3A_513 : i32 to index
        %parallel_loop3A_515 = arith.index_cast %parallel_loop3A_496 : i32 to index
        %parallel_loop3A_516 = arith.index_cast %parallel_loop3A_512 : i32 to index
        %parallel_loop3A_517 = arith.constant 32 : index
        %parallel_loop3A_518 = tpu.vector_load %arg7[%parallel_loop3A_514, %parallel_loop3A_515, %parallel_loop3A_516, %parallel_loop3A_517] {strides = array<i32>} : memref<2x8x8x128xf32, #tpu.memory_space<vmem>>, vector<16xf32>,
        tpu.vector_store %arg7[%parallel_loop3A_514, %parallel_loop3A_515, %parallel_loop3A_516, %parallel_loop3A_517], %parallel_loop3A_472 {strides = array<i32>} : memref<2x8x8x128xf32, #tpu.memory_space<vmem>>, vector<16xf32>,
        %parallel_loop3A_519 = tpu.vector_load_idx %arg6[%parallel_loop3A_377, %get3A_225] : memref<64x1024xf32, #tpu.memory_space<vmem>>[vector<16xi32>, vector<16xi32>], vector<16xf32>,
        %parallel_loop3A_520 = arith.constant 8 : i32
        %parallel_loop3A_521 = arith.divsi %parallel_loop3A_376, %parallel_loop3A_520 : i32
        %parallel_loop3A_522 = arith.constant 0 : i32
        %parallel_loop3A_523 = arith.cmpi sgt, %parallel_loop3A_376, %parallel_loop3A_522 : i32
        %parallel_loop3A_524 = arith.extui %parallel_loop3A_523 : i1 to i32
        %parallel_loop3A_525 = arith.constant 0 : i32
        %parallel_loop3A_526 = arith.cmpi slt, %parallel_loop3A_376, %parallel_loop3A_525 : i32
        %parallel_loop3A_527 = arith.extui %parallel_loop3A_526 : i1 to i32
        %parallel_loop3A_528 = arith.subi %parallel_loop3A_524, %parallel_loop3A_527 : i32
        %parallel_loop3A_529 = arith.constant 0 : i32
        %parallel_loop3A_530 = arith.cmpi sgt, %parallel_loop3A_520, %parallel_loop3A_529 : i32
        %parallel_loop3A_531 = arith.extui %parallel_loop3A_530 : i1 to i32
        %parallel_loop3A_532 = arith.constant 0 : i32
        %parallel_loop3A_533 = arith.cmpi slt, %parallel_loop3A_520, %parallel_loop3A_532 : i32
        %parallel_loop3A_534 = arith.extui %parallel_loop3A_533 : i1 to i32
        %parallel_loop3A_535 = arith.subi %parallel_loop3A_531, %parallel_loop3A_534 : i32
        %parallel_loop3A_536 = arith.cmpi ne, %parallel_loop3A_528, %parallel_loop3A_535 : i32
        %parallel_loop3A_537 = arith.remsi %parallel_loop3A_376, %parallel_loop3A_520 : i32
        %parallel_loop3A_538 = arith.constant 0 : i32
        %parallel_loop3A_539 = arith.cmpi ne, %parallel_loop3A_537, %parallel_loop3A_538 : i32
        %parallel_loop3A_540 = arith.andi %parallel_loop3A_536, %parallel_loop3A_539 : i1
        %parallel_loop3A_541 = arith.constant 1 : i32
        %parallel_loop3A_542 = arith.subi %parallel_loop3A_521, %parallel_loop3A_541 : i32
        %parallel_loop3A_543 = arith.select %parallel_loop3A_540, %parallel_loop3A_542, %parallel_loop3A_521 : i32
        %parallel_loop3A_544 = arith.constant 8 : i32
        %parallel_loop3A_545 = arith.constant 0 : i32
        %parallel_loop3A_546 = arith.cmpi eq, %parallel_loop3A_544, %parallel_loop3A_545 : i32
        %parallel_loop3A_547 = arith.constant 1 : i32
        %parallel_loop3A_548 = arith.select %parallel_loop3A_546, %parallel_loop3A_547, %parallel_loop3A_544 : i32
        %parallel_loop3A_549 = arith.remsi %parallel_loop3A_376, %parallel_loop3A_548 : i32
        %parallel_loop3A_550 = arith.constant 0 : i32
        %parallel_loop3A_551 = arith.cmpi ne, %parallel_loop3A_549, %parallel_loop3A_550 : i32
        %parallel_loop3A_552 = arith.constant 0 : i32
        %parallel_loop3A_553 = arith.cmpi slt, %parallel_loop3A_549, %parallel_loop3A_552 : i32
        %parallel_loop3A_554 = arith.constant 0 : i32
        %parallel_loop3A_555 = arith.cmpi slt, %parallel_loop3A_548, %parallel_loop3A_554 : i32
        %parallel_loop3A_556 = arith.xori %parallel_loop3A_553, %parallel_loop3A_555 : i1
        %parallel_loop3A_557 = arith.andi %parallel_loop3A_556, %parallel_loop3A_551 : i1
        %parallel_loop3A_558 = arith.addi %parallel_loop3A_549, %parallel_loop3A_548 : i32
        %parallel_loop3A_559 = arith.select %parallel_loop3A_557, %parallel_loop3A_558, %parallel_loop3A_549 : i32
        %parallel_loop3A_560 = arith.constant 0 : i32
        %parallel_loop3A_561 = arith.index_cast %parallel_loop3A_560 : i32 to index
        %parallel_loop3A_562 = arith.index_cast %parallel_loop3A_543 : i32 to index
        %parallel_loop3A_563 = arith.index_cast %parallel_loop3A_559 : i32 to index
        %parallel_loop3A_564 = arith.constant 48 : index
        %parallel_loop3A_565 = tpu.vector_load %arg7[%parallel_loop3A_561, %parallel_loop3A_562, %parallel_loop3A_563, %parallel_loop3A_564] {strides = array<i32>} : memref<2x8x8x128xf32, #tpu.memory_space<vmem>>, vector<16xf32>,
        tpu.vector_store %arg7[%parallel_loop3A_561, %parallel_loop3A_562, %parallel_loop3A_563, %parallel_loop3A_564], %parallel_loop3A_519 {strides = array<i32>} : memref<2x8x8x128xf32, #tpu.memory_space<vmem>>, vector<16xf32>,
        %parallel_loop3A_566 = tpu.vector_load_idx %arg6[%parallel_loop3A_377, %get3A_228] : memref<64x1024xf32, #tpu.memory_space<vmem>>[vector<16xi32>, vector<16xi32>], vector<16xf32>,
        %parallel_loop3A_567 = arith.constant 8 : i32
        %parallel_loop3A_568 = arith.divsi %parallel_loop3A_376, %parallel_loop3A_567 : i32
        %parallel_loop3A_569 = arith.constant 0 : i32
        %parallel_loop3A_570 = arith.cmpi sgt, %parallel_loop3A_376, %parallel_loop3A_569 : i32
        %parallel_loop3A_571 = arith.extui %parallel_loop3A_570 : i1 to i32
        %parallel_loop3A_572 = arith.constant 0 : i32
        %parallel_loop3A_573 = arith.cmpi slt, %parallel_loop3A_376, %parallel_loop3A_572 : i32
        %parallel_loop3A_574 = arith.extui %parallel_loop3A_573 : i1 to i32
        %parallel_loop3A_575 = arith.subi %parallel_loop3A_571, %parallel_loop3A_574 : i32
        %parallel_loop3A_576 = arith.constant 0 : i32
        %parallel_loop3A_577 = arith.cmpi sgt, %parallel_loop3A_567, %parallel_loop3A_576 : i32
        %parallel_loop3A_578 = arith.extui %parallel_loop3A_577 : i1 to i32
        %parallel_loop3A_579 = arith.constant 0 : i32
        %parallel_loop3A_580 = arith.cmpi slt, %parallel_loop3A_567, %parallel_loop3A_579 : i32
        %parallel_loop3A_581 = arith.extui %parallel_loop3A_580 : i1 to i32
        %parallel_loop3A_582 = arith.subi %parallel_loop3A_578, %parallel_loop3A_581 : i32
        %parallel_loop3A_583 = arith.cmpi ne, %parallel_loop3A_575, %parallel_loop3A_582 : i32
        %parallel_loop3A_584 = arith.remsi %parallel_loop3A_376, %parallel_loop3A_567 : i32
        %parallel_loop3A_585 = arith.constant 0 : i32
        %parallel_loop3A_586 = arith.cmpi ne, %parallel_loop3A_584, %parallel_loop3A_585 : i32
        %parallel_loop3A_587 = arith.andi %parallel_loop3A_583, %parallel_loop3A_586 : i1
        %parallel_loop3A_588 = arith.constant 1 : i32
        %parallel_loop3A_589 = arith.subi %parallel_loop3A_568, %parallel_loop3A_588 : i32
        %parallel_loop3A_590 = arith.select %parallel_loop3A_587, %parallel_loop3A_589, %parallel_loop3A_568 : i32
        %parallel_loop3A_591 = arith.constant 8 : i32
        %parallel_loop3A_592 = arith.constant 0 : i32
        %parallel_loop3A_593 = arith.cmpi eq, %parallel_loop3A_591, %parallel_loop3A_592 : i32
        %parallel_loop3A_594 = arith.constant 1 : i32
        %parallel_loop3A_595 = arith.select %parallel_loop3A_593, %parallel_loop3A_594, %parallel_loop3A_591 : i32
        %parallel_loop3A_596 = arith.remsi %parallel_loop3A_376, %parallel_loop3A_595 : i32
        %parallel_loop3A_597 = arith.constant 0 : i32
        %parallel_loop3A_598 = arith.cmpi ne, %parallel_loop3A_596, %parallel_loop3A_597 : i32
        %parallel_loop3A_599 = arith.constant 0 : i32
        %parallel_loop3A_600 = arith.cmpi slt, %parallel_loop3A_596, %parallel_loop3A_599 : i32
        %parallel_loop3A_601 = arith.constant 0 : i32
        %parallel_loop3A_602 = arith.cmpi slt, %parallel_loop3A_595, %parallel_loop3A_601 : i32
        %parallel_loop3A_603 = arith.xori %parallel_loop3A_600, %parallel_loop3A_602 : i1
        %parallel_loop3A_604 = arith.andi %parallel_loop3A_603, %parallel_loop3A_598 : i1
        %parallel_loop3A_605 = arith.addi %parallel_loop3A_596, %parallel_loop3A_595 : i32
        %parallel_loop3A_606 = arith.select %parallel_loop3A_604, %parallel_loop3A_605, %parallel_loop3A_596 : i32
        %parallel_loop3A_607 = arith.constant 0 : i32
        %parallel_loop3A_608 = arith.index_cast %parallel_loop3A_607 : i32 to index
        %parallel_loop3A_609 = arith.index_cast %parallel_loop3A_590 : i32 to index
        %parallel_loop3A_610 = arith.index_cast %parallel_loop3A_606 : i32 to index
        %parallel_loop3A_611 = arith.constant 64 : index
        %parallel_loop3A_612 = tpu.vector_load %arg7[%parallel_loop3A_608, %parallel_loop3A_609, %parallel_loop3A_610, %parallel_loop3A_611] {strides = array<i32>} : memref<2x8x8x128xf32, #tpu.memory_space<vmem>>, vector<16xf32>,
        tpu.vector_store %arg7[%parallel_loop3A_608, %parallel_loop3A_609, %parallel_loop3A_610, %parallel_loop3A_611], %parallel_loop3A_566 {strides = array<i32>} : memref<2x8x8x128xf32, #tpu.memory_space<vmem>>, vector<16xf32>,
        %parallel_loop3A_613 = tpu.vector_load_idx %arg6[%parallel_loop3A_377, %get3A_231] : memref<64x1024xf32, #tpu.memory_space<vmem>>[vector<16xi32>, vector<16xi32>], vector<16xf32>,
        %parallel_loop3A_614 = arith.constant 8 : i32
        %parallel_loop3A_615 = arith.divsi %parallel_loop3A_376, %parallel_loop3A_614 : i32
        %parallel_loop3A_616 = arith.constant 0 : i32
        %parallel_loop3A_617 = arith.cmpi sgt, %parallel_loop3A_376, %parallel_loop3A_616 : i32
        %parallel_loop3A_618 = arith.extui %parallel_loop3A_617 : i1 to i32
        %parallel_loop3A_619 = arith.constant 0 : i32
        %parallel_loop3A_620 = arith.cmpi slt, %parallel_loop3A_376, %parallel_loop3A_619 : i32
        %parallel_loop3A_621 = arith.extui %parallel_loop3A_620 : i1 to i32
        %parallel_loop3A_622 = arith.subi %parallel_loop3A_618, %parallel_loop3A_621 : i32
        %parallel_loop3A_623 = arith.constant 0 : i32
        %parallel_loop3A_624 = arith.cmpi sgt, %parallel_loop3A_614, %parallel_loop3A_623 : i32
        %parallel_loop3A_625 = arith.extui %parallel_loop3A_624 : i1 to i32
        %parallel_loop3A_626 = arith.constant 0 : i32
        %parallel_loop3A_627 = arith.cmpi slt, %parallel_loop3A_614, %parallel_loop3A_626 : i32
        %parallel_loop3A_628 = arith.extui %parallel_loop3A_627 : i1 to i32
        %parallel_loop3A_629 = arith.subi %parallel_loop3A_625, %parallel_loop3A_628 : i32
        %parallel_loop3A_630 = arith.cmpi ne, %parallel_loop3A_622, %parallel_loop3A_629 : i32
        %parallel_loop3A_631 = arith.remsi %parallel_loop3A_376, %parallel_loop3A_614 : i32
        %parallel_loop3A_632 = arith.constant 0 : i32
        %parallel_loop3A_633 = arith.cmpi ne, %parallel_loop3A_631, %parallel_loop3A_632 : i32
        %parallel_loop3A_634 = arith.andi %parallel_loop3A_630, %parallel_loop3A_633 : i1
        %parallel_loop3A_635 = arith.constant 1 : i32
        %parallel_loop3A_636 = arith.subi %parallel_loop3A_615, %parallel_loop3A_635 : i32
        %parallel_loop3A_637 = arith.select %parallel_loop3A_634, %parallel_loop3A_636, %parallel_loop3A_615 : i32
        %parallel_loop3A_638 = arith.constant 8 : i32
        %parallel_loop3A_639 = arith.constant 0 : i32
        %parallel_loop3A_640 = arith.cmpi eq, %parallel_loop3A_638, %parallel_loop3A_639 : i32
        %parallel_loop3A_641 = arith.constant 1 : i32
        %parallel_loop3A_642 = arith.select %parallel_loop3A_640, %parallel_loop3A_641, %parallel_loop3A_638 : i32
        %parallel_loop3A_643 = arith.remsi %parallel_loop3A_376, %parallel_loop3A_642 : i32
        %parallel_loop3A_644 = arith.constant 0 : i32
        %parallel_loop3A_645 = arith.cmpi ne, %parallel_loop3A_643, %parallel_loop3A_644 : i32
        %parallel_loop3A_646 = arith.constant 0 : i32
        %parallel_loop3A_647 = arith.cmpi slt, %parallel_loop3A_643, %parallel_loop3A_646 : i32
        %parallel_loop3A_648 = arith.constant 0 : i32
        %parallel_loop3A_649 = arith.cmpi slt, %parallel_loop3A_642, %parallel_loop3A_648 : i32
        %parallel_loop3A_650 = arith.xori %parallel_loop3A_647, %parallel_loop3A_649 : i1
        %parallel_loop3A_651 = arith.andi %parallel_loop3A_650, %parallel_loop3A_645 : i1
        %parallel_loop3A_652 = arith.addi %parallel_loop3A_643, %parallel_loop3A_642 : i32
        %parallel_loop3A_653 = arith.select %parallel_loop3A_651, %parallel_loop3A_652, %parallel_loop3A_643 : i32
        %parallel_loop3A_654 = arith.constant 0 : i32
        %parallel_loop3A_655 = arith.index_cast %parallel_loop3A_654 : i32 to index
        %parallel_loop3A_656 = arith.index_cast %parallel_loop3A_637 : i32 to index
        %parallel_loop3A_657 = arith.index_cast %parallel_loop3A_653 : i32 to index
        %parallel_loop3A_658 = arith.constant 80 : index
        %parallel_loop3A_659 = tpu.vector_load %arg7[%parallel_loop3A_655, %parallel_loop3A_656, %parallel_loop3A_657, %parallel_loop3A_658] {strides = array<i32>} : memref<2x8x8x128xf32, #tpu.memory_space<vmem>>, vector<16xf32>,
        tpu.vector_store %arg7[%parallel_loop3A_655, %parallel_loop3A_656, %parallel_loop3A_657, %parallel_loop3A_658], %parallel_loop3A_613 {strides = array<i32>} : memref<2x8x8x128xf32, #tpu.memory_space<vmem>>, vector<16xf32>,
        %parallel_loop3A_660 = tpu.vector_load_idx %arg6[%parallel_loop3A_377, %get3A_234] : memref<64x1024xf32, #tpu.memory_space<vmem>>[vector<16xi32>, vector<16xi32>], vector<16xf32>,
        %parallel_loop3A_661 = arith.constant 8 : i32
        %parallel_loop3A_662 = arith.divsi %parallel_loop3A_376, %parallel_loop3A_661 : i32
        %parallel_loop3A_663 = arith.constant 0 : i32
        %parallel_loop3A_664 = arith.cmpi sgt, %parallel_loop3A_376, %parallel_loop3A_663 : i32
        %parallel_loop3A_665 = arith.extui %parallel_loop3A_664 : i1 to i32
        %parallel_loop3A_666 = arith.constant 0 : i32
        %parallel_loop3A_667 = arith.cmpi slt, %parallel_loop3A_376, %parallel_loop3A_666 : i32
        %parallel_loop3A_668 = arith.extui %parallel_loop3A_667 : i1 to i32
        %parallel_loop3A_669 = arith.subi %parallel_loop3A_665, %parallel_loop3A_668 : i32
        %parallel_loop3A_670 = arith.constant 0 : i32
        %parallel_loop3A_671 = arith.cmpi sgt, %parallel_loop3A_661, %parallel_loop3A_670 : i32
        %parallel_loop3A_672 = arith.extui %parallel_loop3A_671 : i1 to i32
        %parallel_loop3A_673 = arith.constant 0 : i32
        %parallel_loop3A_674 = arith.cmpi slt, %parallel_loop3A_661, %parallel_loop3A_673 : i32
        %parallel_loop3A_675 = arith.extui %parallel_loop3A_674 : i1 to i32
        %parallel_loop3A_676 = arith.subi %parallel_loop3A_672, %parallel_loop3A_675 : i32
        %parallel_loop3A_677 = arith.cmpi ne, %parallel_loop3A_669, %parallel_loop3A_676 : i32
        %parallel_loop3A_678 = arith.remsi %parallel_loop3A_376, %parallel_loop3A_661 : i32
        %parallel_loop3A_679 = arith.constant 0 : i32
        %parallel_loop3A_680 = arith.cmpi ne, %parallel_loop3A_678, %parallel_loop3A_679 : i32
        %parallel_loop3A_681 = arith.andi %parallel_loop3A_677, %parallel_loop3A_680 : i1
        %parallel_loop3A_682 = arith.constant 1 : i32
        %parallel_loop3A_683 = arith.subi %parallel_loop3A_662, %parallel_loop3A_682 : i32
        %parallel_loop3A_684 = arith.select %parallel_loop3A_681, %parallel_loop3A_683, %parallel_loop3A_662 : i32
        %parallel_loop3A_685 = arith.constant 8 : i32
        %parallel_loop3A_686 = arith.constant 0 : i32
        %parallel_loop3A_687 = arith.cmpi eq, %parallel_loop3A_685, %parallel_loop3A_686 : i32
        %parallel_loop3A_688 = arith.constant 1 : i32
        %parallel_loop3A_689 = arith.select %parallel_loop3A_687, %parallel_loop3A_688, %parallel_loop3A_685 : i32
        %parallel_loop3A_690 = arith.remsi %parallel_loop3A_376, %parallel_loop3A_689 : i32
        %parallel_loop3A_691 = arith.constant 0 : i32
        %parallel_loop3A_692 = arith.cmpi ne, %parallel_loop3A_690, %parallel_loop3A_691 : i32
        %parallel_loop3A_693 = arith.constant 0 : i32
        %parallel_loop3A_694 = arith.cmpi slt, %parallel_loop3A_690, %parallel_loop3A_693 : i32
        %parallel_loop3A_695 = arith.constant 0 : i32
        %parallel_loop3A_696 = arith.cmpi slt, %parallel_loop3A_689, %parallel_loop3A_695 : i32
        %parallel_loop3A_697 = arith.xori %parallel_loop3A_694, %parallel_loop3A_696 : i1
        %parallel_loop3A_698 = arith.andi %parallel_loop3A_697, %parallel_loop3A_692 : i1
        %parallel_loop3A_699 = arith.addi %parallel_loop3A_690, %parallel_loop3A_689 : i32
        %parallel_loop3A_700 = arith.select %parallel_loop3A_698, %parallel_loop3A_699, %parallel_loop3A_690 : i32
        %parallel_loop3A_701 = arith.constant 0 : i32
        %parallel_loop3A_702 = arith.index_cast %parallel_loop3A_701 : i32 to index
        %parallel_loop3A_703 = arith.index_cast %parallel_loop3A_684 : i32 to index
        %parallel_loop3A_704 = arith.index_cast %parallel_loop3A_700 : i32 to index
        %parallel_loop3A_705 = arith.constant 96 : index
        %parallel_loop3A_706 = tpu.vector_load %arg7[%parallel_loop3A_702, %parallel_loop3A_703, %parallel_loop3A_704, %parallel_loop3A_705] {strides = array<i32>} : memref<2x8x8x128xf32, #tpu.memory_space<vmem>>, vector<16xf32>,
        tpu.vector_store %arg7[%parallel_loop3A_702, %parallel_loop3A_703, %parallel_loop3A_704, %parallel_loop3A_705], %parallel_loop3A_660 {strides = array<i32>} : memref<2x8x8x128xf32, #tpu.memory_space<vmem>>, vector<16xf32>,
        %parallel_loop3A_707 = tpu.vector_load_idx %arg6[%parallel_loop3A_377, %get3A_237] : memref<64x1024xf32, #tpu.memory_space<vmem>>[vector<16xi32>, vector<16xi32>], vector<16xf32>,
        %parallel_loop3A_708 = arith.constant 8 : i32
        %parallel_loop3A_709 = arith.divsi %parallel_loop3A_376, %parallel_loop3A_708 : i32
        %parallel_loop3A_710 = arith.constant 0 : i32
        %parallel_loop3A_711 = arith.cmpi sgt, %parallel_loop3A_376, %parallel_loop3A_710 : i32
        %parallel_loop3A_712 = arith.extui %parallel_loop3A_711 : i1 to i32
        %parallel_loop3A_713 = arith.constant 0 : i32
        %parallel_loop3A_714 = arith.cmpi slt, %parallel_loop3A_376, %parallel_loop3A_713 : i32
        %parallel_loop3A_715 = arith.extui %parallel_loop3A_714 : i1 to i32
        %parallel_loop3A_716 = arith.subi %parallel_loop3A_712, %parallel_loop3A_715 : i32
        %parallel_loop3A_717 = arith.constant 0 : i32
        %parallel_loop3A_718 = arith.cmpi sgt, %parallel_loop3A_708, %parallel_loop3A_717 : i32
        %parallel_loop3A_719 = arith.extui %parallel_loop3A_718 : i1 to i32
        %parallel_loop3A_720 = arith.constant 0 : i32
        %parallel_loop3A_721 = arith.cmpi slt, %parallel_loop3A_708, %parallel_loop3A_720 : i32
        %parallel_loop3A_722 = arith.extui %parallel_loop3A_721 : i1 to i32
        %parallel_loop3A_723 = arith.subi %parallel_loop3A_719, %parallel_loop3A_722 : i32
        %parallel_loop3A_724 = arith.cmpi ne, %parallel_loop3A_716, %parallel_loop3A_723 : i32
        %parallel_loop3A_725 = arith.remsi %parallel_loop3A_376, %parallel_loop3A_708 : i32
        %parallel_loop3A_726 = arith.constant 0 : i32
        %parallel_loop3A_727 = arith.cmpi ne, %parallel_loop3A_725, %parallel_loop3A_726 : i32
        %parallel_loop3A_728 = arith.andi %parallel_loop3A_724, %parallel_loop3A_727 : i1
        %parallel_loop3A_729 = arith.constant 1 : i32
        %parallel_loop3A_730 = arith.subi %parallel_loop3A_709, %parallel_loop3A_729 : i32
        %parallel_loop3A_731 = arith.select %parallel_loop3A_728, %parallel_loop3A_730, %parallel_loop3A_709 : i32
        %parallel_loop3A_732 = arith.constant 8 : i32
        %parallel_loop3A_733 = arith.constant 0 : i32
        %parallel_loop3A_734 = arith.cmpi eq, %parallel_loop3A_732, %parallel_loop3A_733 : i32
        %parallel_loop3A_735 = arith.constant 1 : i32
        %parallel_loop3A_736 = arith.select %parallel_loop3A_734, %parallel_loop3A_735, %parallel_loop3A_732 : i32
        %parallel_loop3A_737 = arith.remsi %parallel_loop3A_376, %parallel_loop3A_736 : i32
        %parallel_loop3A_738 = arith.constant 0 : i32
        %parallel_loop3A_739 = arith.cmpi ne, %parallel_loop3A_737, %parallel_loop3A_738 : i32
        %parallel_loop3A_740 = arith.constant 0 : i32
        %parallel_loop3A_741 = arith.cmpi slt, %parallel_loop3A_737, %parallel_loop3A_740 : i32
        %parallel_loop3A_742 = arith.constant 0 : i32
        %parallel_loop3A_743 = arith.cmpi slt, %parallel_loop3A_736, %parallel_loop3A_742 : i32
        %parallel_loop3A_744 = arith.xori %parallel_loop3A_741, %parallel_loop3A_743 : i1
        %parallel_loop3A_745 = arith.andi %parallel_loop3A_744, %parallel_loop3A_739 : i1
        %parallel_loop3A_746 = arith.addi %parallel_loop3A_737, %parallel_loop3A_736 : i32
        %parallel_loop3A_747 = arith.select %parallel_loop3A_745, %parallel_loop3A_746, %parallel_loop3A_737 : i32
        %parallel_loop3A_748 = arith.constant 0 : i32
        %parallel_loop3A_749 = arith.index_cast %parallel_loop3A_748 : i32 to index
        %parallel_loop3A_750 = arith.index_cast %parallel_loop3A_731 : i32 to index
        %parallel_loop3A_751 = arith.index_cast %parallel_loop3A_747 : i32 to index
        %parallel_loop3A_752 = arith.constant 112 : index
        %parallel_loop3A_753 = tpu.vector_load %arg7[%parallel_loop3A_749, %parallel_loop3A_750, %parallel_loop3A_751, %parallel_loop3A_752] {strides = array<i32>} : memref<2x8x8x128xf32, #tpu.memory_space<vmem>>, vector<16xf32>,
        tpu.vector_store %arg7[%parallel_loop3A_749, %parallel_loop3A_750, %parallel_loop3A_751, %parallel_loop3A_752], %parallel_loop3A_707 {strides = array<i32>} : memref<2x8x8x128xf32, #tpu.memory_space<vmem>>, vector<16xf32>,
      } {sc.loop_unroll_factor = 4 : i64, sc.parallel_access}
      %mul3A_241 = arith.constant 2 : i32
      %mul3A_242 = arith.muli %mul3A_241, %add3A_196 : i32
      %add3A_243 = arith.constant 1 : i32
      %add3A_244 = arith.addi %mul3A_242, %add3A_243 : i32
      %get3A_245 = arith.index_cast %add3A_244 : i32 to index
      %get3A_246 = arith.constant 0 : index
      %get3A_247 = tpu.vector_load %arg5[%get3A_245, %get3A_246] {strides = array<i32>} : memref<200x128xi32, #tpu.memory_space<vmem>>, vector<16xi32>,
      %get3A_248 = arith.index_cast %add3A_244 : i32 to index
      %get3A_249 = arith.constant 16 : index
      %get3A_250 = tpu.vector_load %arg5[%get3A_248, %get3A_249] {strides = array<i32>} : memref<200x128xi32, #tpu.memory_space<vmem>>, vector<16xi32>,
      %get3A_251 = arith.index_cast %add3A_244 : i32 to index
      %get3A_252 = arith.constant 32 : index
      %get3A_253 = tpu.vector_load %arg5[%get3A_251, %get3A_252] {strides = array<i32>} : memref<200x128xi32, #tpu.memory_space<vmem>>, vector<16xi32>,
      %get3A_254 = arith.index_cast %add3A_244 : i32 to index
      %get3A_255 = arith.constant 48 : index
      %get3A_256 = tpu.vector_load %arg5[%get3A_254, %get3A_255] {strides = array<i32>} : memref<200x128xi32, #tpu.memory_space<vmem>>, vector<16xi32>,
      %get3A_257 = arith.index_cast %add3A_244 : i32 to index
      %get3A_258 = arith.constant 64 : index
      %get3A_259 = tpu.vector_load %arg5[%get3A_257, %get3A_258] {strides = array<i32>} : memref<200x128xi32, #tpu.memory_space<vmem>>, vector<16xi32>,
      %get3A_260 = arith.index_cast %add3A_244 : i32 to index
      %get3A_261 = arith.constant 80 : index
      %get3A_262 = tpu.vector_load %arg5[%get3A_260, %get3A_261] {strides = array<i32>} : memref<200x128xi32, #tpu.memory_space<vmem>>, vector<16xi32>,
      %get3A_263 = arith.index_cast %add3A_244 : i32 to index
      %get3A_264 = arith.constant 96 : index
      %get3A_265 = tpu.vector_load %arg5[%get3A_263, %get3A_264] {strides = array<i32>} : memref<200x128xi32, #tpu.memory_space<vmem>>, vector<16xi32>,
      %get3A_266 = arith.index_cast %add3A_244 : i32 to index
      %get3A_267 = arith.constant 112 : index
      %get3A_268 = tpu.vector_load %arg5[%get3A_266, %get3A_267] {strides = array<i32>} : memref<200x128xi32, #tpu.memory_space<vmem>>, vector<16xi32>,
      %parallel_loop3A_269 = arith.constant 0 : i32
      %parallel_loop3A_270 = arith.constant 64 : i32
      %parallel_loop3A_271 = arith.constant 1 : i32
      scf.for %parallel_loop3A_376 = %parallel_loop3A_269 to %parallel_loop3A_270 step %parallel_loop3A_271  : i32 {
        %parallel_loop3A_377 = vector.broadcast %parallel_loop3A_376 : i32 to vector<16xi32>
        %parallel_loop3A_378 = tpu.vector_load_idx %arg6[%parallel_loop3A_377, %get3A_247] : memref<64x1024xf32, #tpu.memory_space<vmem>>[vector<16xi32>, vector<16xi32>], vector<16xf32>,
        %parallel_loop3A_379 = arith.constant 8 : i32
        %parallel_loop3A_380 = arith.divsi %parallel_loop3A_376, %parallel_loop3A_379 : i32
        %parallel_loop3A_381 = arith.constant 0 : i32
        %parallel_loop3A_382 = arith.cmpi sgt, %parallel_loop3A_376, %parallel_loop3A_381 : i32
        %parallel_loop3A_383 = arith.extui %parallel_loop3A_382 : i1 to i32
        %parallel_loop3A_384 = arith.constant 0 : i32
        %parallel_loop3A_385 = arith.cmpi slt, %parallel_loop3A_376, %parallel_loop3A_384 : i32
        %parallel_loop3A_386 = arith.extui %parallel_loop3A_385 : i1 to i32
        %parallel_loop3A_387 = arith.subi %parallel_loop3A_383, %parallel_loop3A_386 : i32
        %parallel_loop3A_388 = arith.constant 0 : i32
        %parallel_loop3A_389 = arith.cmpi sgt, %parallel_loop3A_379, %parallel_loop3A_388 : i32
        %parallel_loop3A_390 = arith.extui %parallel_loop3A_389 : i1 to i32
        %parallel_loop3A_391 = arith.constant 0 : i32
        %parallel_loop3A_392 = arith.cmpi slt, %parallel_loop3A_379, %parallel_loop3A_391 : i32
        %parallel_loop3A_393 = arith.extui %parallel_loop3A_392 : i1 to i32
        %parallel_loop3A_394 = arith.subi %parallel_loop3A_390, %parallel_loop3A_393 : i32
        %parallel_loop3A_395 = arith.cmpi ne, %parallel_loop3A_387, %parallel_loop3A_394 : i32
        %parallel_loop3A_396 = arith.remsi %parallel_loop3A_376, %parallel_loop3A_379 : i32
        %parallel_loop3A_397 = arith.constant 0 : i32
        %parallel_loop3A_398 = arith.cmpi ne, %parallel_loop3A_396, %parallel_loop3A_397 : i32
        %parallel_loop3A_399 = arith.andi %parallel_loop3A_395, %parallel_loop3A_398 : i1
        %parallel_loop3A_400 = arith.constant 1 : i32
        %parallel_loop3A_401 = arith.subi %parallel_loop3A_380, %parallel_loop3A_400 : i32
        %parallel_loop3A_402 = arith.select %parallel_loop3A_399, %parallel_loop3A_401, %parallel_loop3A_380 : i32
        %parallel_loop3A_403 = arith.constant 8 : i32
        %parallel_loop3A_404 = arith.constant 0 : i32
        %parallel_loop3A_405 = arith.cmpi eq, %parallel_loop3A_403, %parallel_loop3A_404 : i32
        %parallel_loop3A_406 = arith.constant 1 : i32
        %parallel_loop3A_407 = arith.select %parallel_loop3A_405, %parallel_loop3A_406, %parallel_loop3A_403 : i32
        %parallel_loop3A_408 = arith.remsi %parallel_loop3A_376, %parallel_loop3A_407 : i32
        %parallel_loop3A_409 = arith.constant 0 : i32
        %parallel_loop3A_410 = arith.cmpi ne, %parallel_loop3A_408, %parallel_loop3A_409 : i32
        %parallel_loop3A_411 = arith.constant 0 : i32
        %parallel_loop3A_412 = arith.cmpi slt, %parallel_loop3A_408, %parallel_loop3A_411 : i32
        %parallel_loop3A_413 = arith.constant 0 : i32
        %parallel_loop3A_414 = arith.cmpi slt, %parallel_loop3A_407, %parallel_loop3A_413 : i32
        %parallel_loop3A_415 = arith.xori %parallel_loop3A_412, %parallel_loop3A_414 : i1
        %parallel_loop3A_416 = arith.andi %parallel_loop3A_415, %parallel_loop3A_410 : i1
        %parallel_loop3A_417 = arith.addi %parallel_loop3A_408, %parallel_loop3A_407 : i32
        %parallel_loop3A_418 = arith.select %parallel_loop3A_416, %parallel_loop3A_417, %parallel_loop3A_408 : i32
        %parallel_loop3A_419 = arith.constant 1 : i32
        %parallel_loop3A_420 = arith.index_cast %parallel_loop3A_419 : i32 to index
        %parallel_loop3A_421 = arith.index_cast %parallel_loop3A_402 : i32 to index
        %parallel_loop3A_422 = arith.index_cast %parallel_loop3A_418 : i32 to index
        %parallel_loop3A_423 = arith.constant 0 : index
        %parallel_loop3A_424 = tpu.vector_load %arg7[%parallel_loop3A_420, %parallel_loop3A_421, %parallel_loop3A_422, %parallel_loop3A_423] {strides = array<i32>} : memref<2x8x8x128xf32, #tpu.memory_space<vmem>>, vector<16xf32>,
        tpu.vector_store %arg7[%parallel_loop3A_420, %parallel_loop3A_421, %parallel_loop3A_422, %parallel_loop3A_423], %parallel_loop3A_378 {strides = array<i32>} : memref<2x8x8x128xf32, #tpu.memory_space<vmem>>, vector<16xf32>,
        %parallel_loop3A_425 = tpu.vector_load_idx %arg6[%parallel_loop3A_377, %get3A_250] : memref<64x1024xf32, #tpu.memory_space<vmem>>[vector<16xi32>, vector<16xi32>], vector<16xf32>,
        %parallel_loop3A_426 = arith.constant 8 : i32
        %parallel_loop3A_427 = arith.divsi %parallel_loop3A_376, %parallel_loop3A_426 : i32
        %parallel_loop3A_428 = arith.constant 0 : i32
        %parallel_loop3A_429 = arith.cmpi sgt, %parallel_loop3A_376, %parallel_loop3A_428 : i32
        %parallel_loop3A_430 = arith.extui %parallel_loop3A_429 : i1 to i32
        %parallel_loop3A_431 = arith.constant 0 : i32
        %parallel_loop3A_432 = arith.cmpi slt, %parallel_loop3A_376, %parallel_loop3A_431 : i32
        %parallel_loop3A_433 = arith.extui %parallel_loop3A_432 : i1 to i32
        %parallel_loop3A_434 = arith.subi %parallel_loop3A_430, %parallel_loop3A_433 : i32
        %parallel_loop3A_435 = arith.constant 0 : i32
        %parallel_loop3A_436 = arith.cmpi sgt, %parallel_loop3A_426, %parallel_loop3A_435 : i32
        %parallel_loop3A_437 = arith.extui %parallel_loop3A_436 : i1 to i32
        %parallel_loop3A_438 = arith.constant 0 : i32
        %parallel_loop3A_439 = arith.cmpi slt, %parallel_loop3A_426, %parallel_loop3A_438 : i32
        %parallel_loop3A_440 = arith.extui %parallel_loop3A_439 : i1 to i32
        %parallel_loop3A_441 = arith.subi %parallel_loop3A_437, %parallel_loop3A_440 : i32
        %parallel_loop3A_442 = arith.cmpi ne, %parallel_loop3A_434, %parallel_loop3A_441 : i32
        %parallel_loop3A_443 = arith.remsi %parallel_loop3A_376, %parallel_loop3A_426 : i32
        %parallel_loop3A_444 = arith.constant 0 : i32
        %parallel_loop3A_445 = arith.cmpi ne, %parallel_loop3A_443, %parallel_loop3A_444 : i32
        %parallel_loop3A_446 = arith.andi %parallel_loop3A_442, %parallel_loop3A_445 : i1
        %parallel_loop3A_447 = arith.constant 1 : i32
        %parallel_loop3A_448 = arith.subi %parallel_loop3A_427, %parallel_loop3A_447 : i32
        %parallel_loop3A_449 = arith.select %parallel_loop3A_446, %parallel_loop3A_448, %parallel_loop3A_427 : i32
        %parallel_loop3A_450 = arith.constant 8 : i32
        %parallel_loop3A_451 = arith.constant 0 : i32
        %parallel_loop3A_452 = arith.cmpi eq, %parallel_loop3A_450, %parallel_loop3A_451 : i32
        %parallel_loop3A_453 = arith.constant 1 : i32
        %parallel_loop3A_454 = arith.select %parallel_loop3A_452, %parallel_loop3A_453, %parallel_loop3A_450 : i32
        %parallel_loop3A_455 = arith.remsi %parallel_loop3A_376, %parallel_loop3A_454 : i32
        %parallel_loop3A_456 = arith.constant 0 : i32
        %parallel_loop3A_457 = arith.cmpi ne, %parallel_loop3A_455, %parallel_loop3A_456 : i32
        %parallel_loop3A_458 = arith.constant 0 : i32
        %parallel_loop3A_459 = arith.cmpi slt, %parallel_loop3A_455, %parallel_loop3A_458 : i32
        %parallel_loop3A_460 = arith.constant 0 : i32
        %parallel_loop3A_461 = arith.cmpi slt, %parallel_loop3A_454, %parallel_loop3A_460 : i32
        %parallel_loop3A_462 = arith.xori %parallel_loop3A_459, %parallel_loop3A_461 : i1
        %parallel_loop3A_463 = arith.andi %parallel_loop3A_462, %parallel_loop3A_457 : i1
        %parallel_loop3A_464 = arith.addi %parallel_loop3A_455, %parallel_loop3A_454 : i32
        %parallel_loop3A_465 = arith.select %parallel_loop3A_463, %parallel_loop3A_464, %parallel_loop3A_455 : i32
        %parallel_loop3A_466 = arith.constant 1 : i32
        %parallel_loop3A_467 = arith.index_cast %parallel_loop3A_466 : i32 to index
        %parallel_loop3A_468 = arith.index_cast %parallel_loop3A_449 : i32 to index
        %parallel_loop3A_469 = arith.index_cast %parallel_loop3A_465 : i32 to index
        %parallel_loop3A_470 = arith.constant 16 : index
        %parallel_loop3A_471 = tpu.vector_load %arg7[%parallel_loop3A_467, %parallel_loop3A_468, %parallel_loop3A_469, %parallel_loop3A_470] {strides = array<i32>} : memref<2x8x8x128xf32, #tpu.memory_space<vmem>>, vector<16xf32>,
        tpu.vector_store %arg7[%parallel_loop3A_467, %parallel_loop3A_468, %parallel_loop3A_469, %parallel_loop3A_470], %parallel_loop3A_425 {strides = array<i32>} : memref<2x8x8x128xf32, #tpu.memory_space<vmem>>, vector<16xf32>,
        %parallel_loop3A_472 = tpu.vector_load_idx %arg6[%parallel_loop3A_377, %get3A_253] : memref<64x1024xf32, #tpu.memory_space<vmem>>[vector<16xi32>, vector<16xi32>], vector<16xf32>,
        %parallel_loop3A_473 = arith.constant 8 : i32
        %parallel_loop3A_474 = arith.divsi %parallel_loop3A_376, %parallel_loop3A_473 : i32
        %parallel_loop3A_475 = arith.constant 0 : i32
        %parallel_loop3A_476 = arith.cmpi sgt, %parallel_loop3A_376, %parallel_loop3A_475 : i32
        %parallel_loop3A_477 = arith.extui %parallel_loop3A_476 : i1 to i32
        %parallel_loop3A_478 = arith.constant 0 : i32
        %parallel_loop3A_479 = arith.cmpi slt, %parallel_loop3A_376, %parallel_loop3A_478 : i32
        %parallel_loop3A_480 = arith.extui %parallel_loop3A_479 : i1 to i32
        %parallel_loop3A_481 = arith.subi %parallel_loop3A_477, %parallel_loop3A_480 : i32
        %parallel_loop3A_482 = arith.constant 0 : i32
        %parallel_loop3A_483 = arith.cmpi sgt, %parallel_loop3A_473, %parallel_loop3A_482 : i32
        %parallel_loop3A_484 = arith.extui %parallel_loop3A_483 : i1 to i32
        %parallel_loop3A_485 = arith.constant 0 : i32
        %parallel_loop3A_486 = arith.cmpi slt, %parallel_loop3A_473, %parallel_loop3A_485 : i32
        %parallel_loop3A_487 = arith.extui %parallel_loop3A_486 : i1 to i32
        %parallel_loop3A_488 = arith.subi %parallel_loop3A_484, %parallel_loop3A_487 : i32
        %parallel_loop3A_489 = arith.cmpi ne, %parallel_loop3A_481, %parallel_loop3A_488 : i32
        %parallel_loop3A_490 = arith.remsi %parallel_loop3A_376, %parallel_loop3A_473 : i32
        %parallel_loop3A_491 = arith.constant 0 : i32
        %parallel_loop3A_492 = arith.cmpi ne, %parallel_loop3A_490, %parallel_loop3A_491 : i32
        %parallel_loop3A_493 = arith.andi %parallel_loop3A_489, %parallel_loop3A_492 : i1
        %parallel_loop3A_494 = arith.constant 1 : i32
        %parallel_loop3A_495 = arith.subi %parallel_loop3A_474, %parallel_loop3A_494 : i32
        %parallel_loop3A_496 = arith.select %parallel_loop3A_493, %parallel_loop3A_495, %parallel_loop3A_474 : i32
        %parallel_loop3A_497 = arith.constant 8 : i32
        %parallel_loop3A_498 = arith.constant 0 : i32
        %parallel_loop3A_499 = arith.cmpi eq, %parallel_loop3A_497, %parallel_loop3A_498 : i32
        %parallel_loop3A_500 = arith.constant 1 : i32
        %parallel_loop3A_501 = arith.select %parallel_loop3A_499, %parallel_loop3A_500, %parallel_loop3A_497 : i32
        %parallel_loop3A_502 = arith.remsi %parallel_loop3A_376, %parallel_loop3A_501 : i32
        %parallel_loop3A_503 = arith.constant 0 : i32
        %parallel_loop3A_504 = arith.cmpi ne, %parallel_loop3A_502, %parallel_loop3A_503 : i32
        %parallel_loop3A_505 = arith.constant 0 : i32
        %parallel_loop3A_506 = arith.cmpi slt, %parallel_loop3A_502, %parallel_loop3A_505 : i32
        %parallel_loop3A_507 = arith.constant 0 : i32
        %parallel_loop3A_508 = arith.cmpi slt, %parallel_loop3A_501, %parallel_loop3A_507 : i32
        %parallel_loop3A_509 = arith.xori %parallel_loop3A_506, %parallel_loop3A_508 : i1
        %parallel_loop3A_510 = arith.andi %parallel_loop3A_509, %parallel_loop3A_504 : i1
        %parallel_loop3A_511 = arith.addi %parallel_loop3A_502, %parallel_loop3A_501 : i32
        %parallel_loop3A_512 = arith.select %parallel_loop3A_510, %parallel_loop3A_511, %parallel_loop3A_502 : i32
        %parallel_loop3A_513 = arith.constant 1 : i32
        %parallel_loop3A_514 = arith.index_cast %parallel_loop3A_513 : i32 to index
        %parallel_loop3A_515 = arith.index_cast %parallel_loop3A_496 : i32 to index
        %parallel_loop3A_516 = arith.index_cast %parallel_loop3A_512 : i32 to index
        %parallel_loop3A_517 = arith.constant 32 : index
        %parallel_loop3A_518 = tpu.vector_load %arg7[%parallel_loop3A_514, %parallel_loop3A_515, %parallel_loop3A_516, %parallel_loop3A_517] {strides = array<i32>} : memref<2x8x8x128xf32, #tpu.memory_space<vmem>>, vector<16xf32>,
        tpu.vector_store %arg7[%parallel_loop3A_514, %parallel_loop3A_515, %parallel_loop3A_516, %parallel_loop3A_517], %parallel_loop3A_472 {strides = array<i32>} : memref<2x8x8x128xf32, #tpu.memory_space<vmem>>, vector<16xf32>,
        %parallel_loop3A_519 = tpu.vector_load_idx %arg6[%parallel_loop3A_377, %get3A_256] : memref<64x1024xf32, #tpu.memory_space<vmem>>[vector<16xi32>, vector<16xi32>], vector<16xf32>,
        %parallel_loop3A_520 = arith.constant 8 : i32
        %parallel_loop3A_521 = arith.divsi %parallel_loop3A_376, %parallel_loop3A_520 : i32
        %parallel_loop3A_522 = arith.constant 0 : i32
        %parallel_loop3A_523 = arith.cmpi sgt, %parallel_loop3A_376, %parallel_loop3A_522 : i32
        %parallel_loop3A_524 = arith.extui %parallel_loop3A_523 : i1 to i32
        %parallel_loop3A_525 = arith.constant 0 : i32
        %parallel_loop3A_526 = arith.cmpi slt, %parallel_loop3A_376, %parallel_loop3A_525 : i32
        %parallel_loop3A_527 = arith.extui %parallel_loop3A_526 : i1 to i32
        %parallel_loop3A_528 = arith.subi %parallel_loop3A_524, %parallel_loop3A_527 : i32
        %parallel_loop3A_529 = arith.constant 0 : i32
        %parallel_loop3A_530 = arith.cmpi sgt, %parallel_loop3A_520, %parallel_loop3A_529 : i32
        %parallel_loop3A_531 = arith.extui %parallel_loop3A_530 : i1 to i32
        %parallel_loop3A_532 = arith.constant 0 : i32
        %parallel_loop3A_533 = arith.cmpi slt, %parallel_loop3A_520, %parallel_loop3A_532 : i32
        %parallel_loop3A_534 = arith.extui %parallel_loop3A_533 : i1 to i32
        %parallel_loop3A_535 = arith.subi %parallel_loop3A_531, %parallel_loop3A_534 : i32
        %parallel_loop3A_536 = arith.cmpi ne, %parallel_loop3A_528, %parallel_loop3A_535 : i32
        %parallel_loop3A_537 = arith.remsi %parallel_loop3A_376, %parallel_loop3A_520 : i32
        %parallel_loop3A_538 = arith.constant 0 : i32
        %parallel_loop3A_539 = arith.cmpi ne, %parallel_loop3A_537, %parallel_loop3A_538 : i32
        %parallel_loop3A_540 = arith.andi %parallel_loop3A_536, %parallel_loop3A_539 : i1
        %parallel_loop3A_541 = arith.constant 1 : i32
        %parallel_loop3A_542 = arith.subi %parallel_loop3A_521, %parallel_loop3A_541 : i32
        %parallel_loop3A_543 = arith.select %parallel_loop3A_540, %parallel_loop3A_542, %parallel_loop3A_521 : i32
        %parallel_loop3A_544 = arith.constant 8 : i32
        %parallel_loop3A_545 = arith.constant 0 : i32
        %parallel_loop3A_546 = arith.cmpi eq, %parallel_loop3A_544, %parallel_loop3A_545 : i32
        %parallel_loop3A_547 = arith.constant 1 : i32
        %parallel_loop3A_548 = arith.select %parallel_loop3A_546, %parallel_loop3A_547, %parallel_loop3A_544 : i32
        %parallel_loop3A_549 = arith.remsi %parallel_loop3A_376, %parallel_loop3A_548 : i32
        %parallel_loop3A_550 = arith.constant 0 : i32
        %parallel_loop3A_551 = arith.cmpi ne, %parallel_loop3A_549, %parallel_loop3A_550 : i32
        %parallel_loop3A_552 = arith.constant 0 : i32
        %parallel_loop3A_553 = arith.cmpi slt, %parallel_loop3A_549, %parallel_loop3A_552 : i32
        %parallel_loop3A_554 = arith.constant 0 : i32
        %parallel_loop3A_555 = arith.cmpi slt, %parallel_loop3A_548, %parallel_loop3A_554 : i32
        %parallel_loop3A_556 = arith.xori %parallel_loop3A_553, %parallel_loop3A_555 : i1
        %parallel_loop3A_557 = arith.andi %parallel_loop3A_556, %parallel_loop3A_551 : i1
        %parallel_loop3A_558 = arith.addi %parallel_loop3A_549, %parallel_loop3A_548 : i32
        %parallel_loop3A_559 = arith.select %parallel_loop3A_557, %parallel_loop3A_558, %parallel_loop3A_549 : i32
        %parallel_loop3A_560 = arith.constant 1 : i32
        %parallel_loop3A_561 = arith.index_cast %parallel_loop3A_560 : i32 to index
        %parallel_loop3A_562 = arith.index_cast %parallel_loop3A_543 : i32 to index
        %parallel_loop3A_563 = arith.index_cast %parallel_loop3A_559 : i32 to index
        %parallel_loop3A_564 = arith.constant 48 : index
        %parallel_loop3A_565 = tpu.vector_load %arg7[%parallel_loop3A_561, %parallel_loop3A_562, %parallel_loop3A_563, %parallel_loop3A_564] {strides = array<i32>} : memref<2x8x8x128xf32, #tpu.memory_space<vmem>>, vector<16xf32>,
        tpu.vector_store %arg7[%parallel_loop3A_561, %parallel_loop3A_562, %parallel_loop3A_563, %parallel_loop3A_564], %parallel_loop3A_519 {strides = array<i32>} : memref<2x8x8x128xf32, #tpu.memory_space<vmem>>, vector<16xf32>,
        %parallel_loop3A_566 = tpu.vector_load_idx %arg6[%parallel_loop3A_377, %get3A_259] : memref<64x1024xf32, #tpu.memory_space<vmem>>[vector<16xi32>, vector<16xi32>], vector<16xf32>,
        %parallel_loop3A_567 = arith.constant 8 : i32
        %parallel_loop3A_568 = arith.divsi %parallel_loop3A_376, %parallel_loop3A_567 : i32
        %parallel_loop3A_569 = arith.constant 0 : i32
        %parallel_loop3A_570 = arith.cmpi sgt, %parallel_loop3A_376, %parallel_loop3A_569 : i32
        %parallel_loop3A_571 = arith.extui %parallel_loop3A_570 : i1 to i32
        %parallel_loop3A_572 = arith.constant 0 : i32
        %parallel_loop3A_573 = arith.cmpi slt, %parallel_loop3A_376, %parallel_loop3A_572 : i32
        %parallel_loop3A_574 = arith.extui %parallel_loop3A_573 : i1 to i32
        %parallel_loop3A_575 = arith.subi %parallel_loop3A_571, %parallel_loop3A_574 : i32
        %parallel_loop3A_576 = arith.constant 0 : i32
        %parallel_loop3A_577 = arith.cmpi sgt, %parallel_loop3A_567, %parallel_loop3A_576 : i32
        %parallel_loop3A_578 = arith.extui %parallel_loop3A_577 : i1 to i32
        %parallel_loop3A_579 = arith.constant 0 : i32
        %parallel_loop3A_580 = arith.cmpi slt, %parallel_loop3A_567, %parallel_loop3A_579 : i32
        %parallel_loop3A_581 = arith.extui %parallel_loop3A_580 : i1 to i32
        %parallel_loop3A_582 = arith.subi %parallel_loop3A_578, %parallel_loop3A_581 : i32
        %parallel_loop3A_583 = arith.cmpi ne, %parallel_loop3A_575, %parallel_loop3A_582 : i32
        %parallel_loop3A_584 = arith.remsi %parallel_loop3A_376, %parallel_loop3A_567 : i32
        %parallel_loop3A_585 = arith.constant 0 : i32
        %parallel_loop3A_586 = arith.cmpi ne, %parallel_loop3A_584, %parallel_loop3A_585 : i32
        %parallel_loop3A_587 = arith.andi %parallel_loop3A_583, %parallel_loop3A_586 : i1
        %parallel_loop3A_588 = arith.constant 1 : i32
        %parallel_loop3A_589 = arith.subi %parallel_loop3A_568, %parallel_loop3A_588 : i32
        %parallel_loop3A_590 = arith.select %parallel_loop3A_587, %parallel_loop3A_589, %parallel_loop3A_568 : i32
        %parallel_loop3A_591 = arith.constant 8 : i32
        %parallel_loop3A_592 = arith.constant 0 : i32
        %parallel_loop3A_593 = arith.cmpi eq, %parallel_loop3A_591, %parallel_loop3A_592 : i32
        %parallel_loop3A_594 = arith.constant 1 : i32
        %parallel_loop3A_595 = arith.select %parallel_loop3A_593, %parallel_loop3A_594, %parallel_loop3A_591 : i32
        %parallel_loop3A_596 = arith.remsi %parallel_loop3A_376, %parallel_loop3A_595 : i32
        %parallel_loop3A_597 = arith.constant 0 : i32
        %parallel_loop3A_598 = arith.cmpi ne, %parallel_loop3A_596, %parallel_loop3A_597 : i32
        %parallel_loop3A_599 = arith.constant 0 : i32
        %parallel_loop3A_600 = arith.cmpi slt, %parallel_loop3A_596, %parallel_loop3A_599 : i32
        %parallel_loop3A_601 = arith.constant 0 : i32
        %parallel_loop3A_602 = arith.cmpi slt, %parallel_loop3A_595, %parallel_loop3A_601 : i32
        %parallel_loop3A_603 = arith.xori %parallel_loop3A_600, %parallel_loop3A_602 : i1
        %parallel_loop3A_604 = arith.andi %parallel_loop3A_603, %parallel_loop3A_598 : i1
        %parallel_loop3A_605 = arith.addi %parallel_loop3A_596, %parallel_loop3A_595 : i32
        %parallel_loop3A_606 = arith.select %parallel_loop3A_604, %parallel_loop3A_605, %parallel_loop3A_596 : i32
        %parallel_loop3A_607 = arith.constant 1 : i32
        %parallel_loop3A_608 = arith.index_cast %parallel_loop3A_607 : i32 to index
        %parallel_loop3A_609 = arith.index_cast %parallel_loop3A_590 : i32 to index
        %parallel_loop3A_610 = arith.index_cast %parallel_loop3A_606 : i32 to index
        %parallel_loop3A_611 = arith.constant 64 : index
        %parallel_loop3A_612 = tpu.vector_load %arg7[%parallel_loop3A_608, %parallel_loop3A_609, %parallel_loop3A_610, %parallel_loop3A_611] {strides = array<i32>} : memref<2x8x8x128xf32, #tpu.memory_space<vmem>>, vector<16xf32>,
        tpu.vector_store %arg7[%parallel_loop3A_608, %parallel_loop3A_609, %parallel_loop3A_610, %parallel_loop3A_611], %parallel_loop3A_566 {strides = array<i32>} : memref<2x8x8x128xf32, #tpu.memory_space<vmem>>, vector<16xf32>,
        %parallel_loop3A_613 = tpu.vector_load_idx %arg6[%parallel_loop3A_377, %get3A_262] : memref<64x1024xf32, #tpu.memory_space<vmem>>[vector<16xi32>, vector<16xi32>], vector<16xf32>,
        %parallel_loop3A_614 = arith.constant 8 : i32
        %parallel_loop3A_615 = arith.divsi %parallel_loop3A_376, %parallel_loop3A_614 : i32
        %parallel_loop3A_616 = arith.constant 0 : i32
        %parallel_loop3A_617 = arith.cmpi sgt, %parallel_loop3A_376, %parallel_loop3A_616 : i32
        %parallel_loop3A_618 = arith.extui %parallel_loop3A_617 : i1 to i32
        %parallel_loop3A_619 = arith.constant 0 : i32
        %parallel_loop3A_620 = arith.cmpi slt, %parallel_loop3A_376, %parallel_loop3A_619 : i32
        %parallel_loop3A_621 = arith.extui %parallel_loop3A_620 : i1 to i32
        %parallel_loop3A_622 = arith.subi %parallel_loop3A_618, %parallel_loop3A_621 : i32
        %parallel_loop3A_623 = arith.constant 0 : i32
        %parallel_loop3A_624 = arith.cmpi sgt, %parallel_loop3A_614, %parallel_loop3A_623 : i32
        %parallel_loop3A_625 = arith.extui %parallel_loop3A_624 : i1 to i32
        %parallel_loop3A_626 = arith.constant 0 : i32
        %parallel_loop3A_627 = arith.cmpi slt, %parallel_loop3A_614, %parallel_loop3A_626 : i32
        %parallel_loop3A_628 = arith.extui %parallel_loop3A_627 : i1 to i32
        %parallel_loop3A_629 = arith.subi %parallel_loop3A_625, %parallel_loop3A_628 : i32
        %parallel_loop3A_630 = arith.cmpi ne, %parallel_loop3A_622, %parallel_loop3A_629 : i32
        %parallel_loop3A_631 = arith.remsi %parallel_loop3A_376, %parallel_loop3A_614 : i32
        %parallel_loop3A_632 = arith.constant 0 : i32
        %parallel_loop3A_633 = arith.cmpi ne, %parallel_loop3A_631, %parallel_loop3A_632 : i32
        %parallel_loop3A_634 = arith.andi %parallel_loop3A_630, %parallel_loop3A_633 : i1
        %parallel_loop3A_635 = arith.constant 1 : i32
        %parallel_loop3A_636 = arith.subi %parallel_loop3A_615, %parallel_loop3A_635 : i32
        %parallel_loop3A_637 = arith.select %parallel_loop3A_634, %parallel_loop3A_636, %parallel_loop3A_615 : i32
        %parallel_loop3A_638 = arith.constant 8 : i32
        %parallel_loop3A_639 = arith.constant 0 : i32
        %parallel_loop3A_640 = arith.cmpi eq, %parallel_loop3A_638, %parallel_loop3A_639 : i32
        %parallel_loop3A_641 = arith.constant 1 : i32
        %parallel_loop3A_642 = arith.select %parallel_loop3A_640, %parallel_loop3A_641, %parallel_loop3A_638 : i32
        %parallel_loop3A_643 = arith.remsi %parallel_loop3A_376, %parallel_loop3A_642 : i32
        %parallel_loop3A_644 = arith.constant 0 : i32
        %parallel_loop3A_645 = arith.cmpi ne, %parallel_loop3A_643, %parallel_loop3A_644 : i32
        %parallel_loop3A_646 = arith.constant 0 : i32
        %parallel_loop3A_647 = arith.cmpi slt, %parallel_loop3A_643, %parallel_loop3A_646 : i32
        %parallel_loop3A_648 = arith.constant 0 : i32
        %parallel_loop3A_649 = arith.cmpi slt, %parallel_loop3A_642, %parallel_loop3A_648 : i32
        %parallel_loop3A_650 = arith.xori %parallel_loop3A_647, %parallel_loop3A_649 : i1
        %parallel_loop3A_651 = arith.andi %parallel_loop3A_650, %parallel_loop3A_645 : i1
        %parallel_loop3A_652 = arith.addi %parallel_loop3A_643, %parallel_loop3A_642 : i32
        %parallel_loop3A_653 = arith.select %parallel_loop3A_651, %parallel_loop3A_652, %parallel_loop3A_643 : i32
        %parallel_loop3A_654 = arith.constant 1 : i32
        %parallel_loop3A_655 = arith.index_cast %parallel_loop3A_654 : i32 to index
        %parallel_loop3A_656 = arith.index_cast %parallel_loop3A_637 : i32 to index
        %parallel_loop3A_657 = arith.index_cast %parallel_loop3A_653 : i32 to index
        %parallel_loop3A_658 = arith.constant 80 : index
        %parallel_loop3A_659 = tpu.vector_load %arg7[%parallel_loop3A_655, %parallel_loop3A_656, %parallel_loop3A_657, %parallel_loop3A_658] {strides = array<i32>} : memref<2x8x8x128xf32, #tpu.memory_space<vmem>>, vector<16xf32>,
        tpu.vector_store %arg7[%parallel_loop3A_655, %parallel_loop3A_656, %parallel_loop3A_657, %parallel_loop3A_658], %parallel_loop3A_613 {strides = array<i32>} : memref<2x8x8x128xf32, #tpu.memory_space<vmem>>, vector<16xf32>,
        %parallel_loop3A_660 = tpu.vector_load_idx %arg6[%parallel_loop3A_377, %get3A_265] : memref<64x1024xf32, #tpu.memory_space<vmem>>[vector<16xi32>, vector<16xi32>], vector<16xf32>,
        %parallel_loop3A_661 = arith.constant 8 : i32
        %parallel_loop3A_662 = arith.divsi %parallel_loop3A_376, %parallel_loop3A_661 : i32
        %parallel_loop3A_663 = arith.constant 0 : i32
        %parallel_loop3A_664 = arith.cmpi sgt, %parallel_loop3A_376, %parallel_loop3A_663 : i32
        %parallel_loop3A_665 = arith.extui %parallel_loop3A_664 : i1 to i32
        %parallel_loop3A_666 = arith.constant 0 : i32
        %parallel_loop3A_667 = arith.cmpi slt, %parallel_loop3A_376, %parallel_loop3A_666 : i32
        %parallel_loop3A_668 = arith.extui %parallel_loop3A_667 : i1 to i32
        %parallel_loop3A_669 = arith.subi %parallel_loop3A_665, %parallel_loop3A_668 : i32
        %parallel_loop3A_670 = arith.constant 0 : i32
        %parallel_loop3A_671 = arith.cmpi sgt, %parallel_loop3A_661, %parallel_loop3A_670 : i32
        %parallel_loop3A_672 = arith.extui %parallel_loop3A_671 : i1 to i32
        %parallel_loop3A_673 = arith.constant 0 : i32
        %parallel_loop3A_674 = arith.cmpi slt, %parallel_loop3A_661, %parallel_loop3A_673 : i32
        %parallel_loop3A_675 = arith.extui %parallel_loop3A_674 : i1 to i32
        %parallel_loop3A_676 = arith.subi %parallel_loop3A_672, %parallel_loop3A_675 : i32
        %parallel_loop3A_677 = arith.cmpi ne, %parallel_loop3A_669, %parallel_loop3A_676 : i32
        %parallel_loop3A_678 = arith.remsi %parallel_loop3A_376, %parallel_loop3A_661 : i32
        %parallel_loop3A_679 = arith.constant 0 : i32
        %parallel_loop3A_680 = arith.cmpi ne, %parallel_loop3A_678, %parallel_loop3A_679 : i32
        %parallel_loop3A_681 = arith.andi %parallel_loop3A_677, %parallel_loop3A_680 : i1
        %parallel_loop3A_682 = arith.constant 1 : i32
        %parallel_loop3A_683 = arith.subi %parallel_loop3A_662, %parallel_loop3A_682 : i32
        %parallel_loop3A_684 = arith.select %parallel_loop3A_681, %parallel_loop3A_683, %parallel_loop3A_662 : i32
        %parallel_loop3A_685 = arith.constant 8 : i32
        %parallel_loop3A_686 = arith.constant 0 : i32
        %parallel_loop3A_687 = arith.cmpi eq, %parallel_loop3A_685, %parallel_loop3A_686 : i32
        %parallel_loop3A_688 = arith.constant 1 : i32
        %parallel_loop3A_689 = arith.select %parallel_loop3A_687, %parallel_loop3A_688, %parallel_loop3A_685 : i32
        %parallel_loop3A_690 = arith.remsi %parallel_loop3A_376, %parallel_loop3A_689 : i32
        %parallel_loop3A_691 = arith.constant 0 : i32
        %parallel_loop3A_692 = arith.cmpi ne, %parallel_loop3A_690, %parallel_loop3A_691 : i32
        %parallel_loop3A_693 = arith.constant 0 : i32
        %parallel_loop3A_694 = arith.cmpi slt, %parallel_loop3A_690, %parallel_loop3A_693 : i32
        %parallel_loop3A_695 = arith.constant 0 : i32
        %parallel_loop3A_696 = arith.cmpi slt, %parallel_loop3A_689, %parallel_loop3A_695 : i32
        %parallel_loop3A_697 = arith.xori %parallel_loop3A_694, %parallel_loop3A_696 : i1
        %parallel_loop3A_698 = arith.andi %parallel_loop3A_697, %parallel_loop3A_692 : i1
        %parallel_loop3A_699 = arith.addi %parallel_loop3A_690, %parallel_loop3A_689 : i32
        %parallel_loop3A_700 = arith.select %parallel_loop3A_698, %parallel_loop3A_699, %parallel_loop3A_690 : i32
        %parallel_loop3A_701 = arith.constant 1 : i32
        %parallel_loop3A_702 = arith.index_cast %parallel_loop3A_701 : i32 to index
        %parallel_loop3A_703 = arith.index_cast %parallel_loop3A_684 : i32 to index
        %parallel_loop3A_704 = arith.index_cast %parallel_loop3A_700 : i32 to index
        %parallel_loop3A_705 = arith.constant 96 : index
        %parallel_loop3A_706 = tpu.vector_load %arg7[%parallel_loop3A_702, %parallel_loop3A_703, %parallel_loop3A_704, %parallel_loop3A_705] {strides = array<i32>} : memref<2x8x8x128xf32, #tpu.memory_space<vmem>>, vector<16xf32>,
        tpu.vector_store %arg7[%parallel_loop3A_702, %parallel_loop3A_703, %parallel_loop3A_704, %parallel_loop3A_705], %parallel_loop3A_660 {strides = array<i32>} : memref<2x8x8x128xf32, #tpu.memory_space<vmem>>, vector<16xf32>,
        %parallel_loop3A_707 = tpu.vector_load_idx %arg6[%parallel_loop3A_377, %get3A_268] : memref<64x1024xf32, #tpu.memory_space<vmem>>[vector<16xi32>, vector<16xi32>], vector<16xf32>,
        %parallel_loop3A_708 = arith.constant 8 : i32
        %parallel_loop3A_709 = arith.divsi %parallel_loop3A_376, %parallel_loop3A_708 : i32
        %parallel_loop3A_710 = arith.constant 0 : i32
        %parallel_loop3A_711 = arith.cmpi sgt, %parallel_loop3A_376, %parallel_loop3A_710 : i32
        %parallel_loop3A_712 = arith.extui %parallel_loop3A_711 : i1 to i32
        %parallel_loop3A_713 = arith.constant 0 : i32
        %parallel_loop3A_714 = arith.cmpi slt, %parallel_loop3A_376, %parallel_loop3A_713 : i32
        %parallel_loop3A_715 = arith.extui %parallel_loop3A_714 : i1 to i32
        %parallel_loop3A_716 = arith.subi %parallel_loop3A_712, %parallel_loop3A_715 : i32
        %parallel_loop3A_717 = arith.constant 0 : i32
        %parallel_loop3A_718 = arith.cmpi sgt, %parallel_loop3A_708, %parallel_loop3A_717 : i32
        %parallel_loop3A_719 = arith.extui %parallel_loop3A_718 : i1 to i32
        %parallel_loop3A_720 = arith.constant 0 : i32
        %parallel_loop3A_721 = arith.cmpi slt, %parallel_loop3A_708, %parallel_loop3A_720 : i32
        %parallel_loop3A_722 = arith.extui %parallel_loop3A_721 : i1 to i32
        %parallel_loop3A_723 = arith.subi %parallel_loop3A_719, %parallel_loop3A_722 : i32
        %parallel_loop3A_724 = arith.cmpi ne, %parallel_loop3A_716, %parallel_loop3A_723 : i32
        %parallel_loop3A_725 = arith.remsi %parallel_loop3A_376, %parallel_loop3A_708 : i32
        %parallel_loop3A_726 = arith.constant 0 : i32
        %parallel_loop3A_727 = arith.cmpi ne, %parallel_loop3A_725, %parallel_loop3A_726 : i32
        %parallel_loop3A_728 = arith.andi %parallel_loop3A_724, %parallel_loop3A_727 : i1
        %parallel_loop3A_729 = arith.constant 1 : i32
        %parallel_loop3A_730 = arith.subi %parallel_loop3A_709, %parallel_loop3A_729 : i32
        %parallel_loop3A_731 = arith.select %parallel_loop3A_728, %parallel_loop3A_730, %parallel_loop3A_709 : i32
        %parallel_loop3A_732 = arith.constant 8 : i32
        %parallel_loop3A_733 = arith.constant 0 : i32
        %parallel_loop3A_734 = arith.cmpi eq, %parallel_loop3A_732, %parallel_loop3A_733 : i32
        %parallel_loop3A_735 = arith.constant 1 : i32
        %parallel_loop3A_736 = arith.select %parallel_loop3A_734, %parallel_loop3A_735, %parallel_loop3A_732 : i32
        %parallel_loop3A_737 = arith.remsi %parallel_loop3A_376, %parallel_loop3A_736 : i32
        %parallel_loop3A_738 = arith.constant 0 : i32
        %parallel_loop3A_739 = arith.cmpi ne, %parallel_loop3A_737, %parallel_loop3A_738 : i32
        %parallel_loop3A_740 = arith.constant 0 : i32
        %parallel_loop3A_741 = arith.cmpi slt, %parallel_loop3A_737, %parallel_loop3A_740 : i32
        %parallel_loop3A_742 = arith.constant 0 : i32
        %parallel_loop3A_743 = arith.cmpi slt, %parallel_loop3A_736, %parallel_loop3A_742 : i32
        %parallel_loop3A_744 = arith.xori %parallel_loop3A_741, %parallel_loop3A_743 : i1
        %parallel_loop3A_745 = arith.andi %parallel_loop3A_744, %parallel_loop3A_739 : i1
        %parallel_loop3A_746 = arith.addi %parallel_loop3A_737, %parallel_loop3A_736 : i32
        %parallel_loop3A_747 = arith.select %parallel_loop3A_745, %parallel_loop3A_746, %parallel_loop3A_737 : i32
        %parallel_loop3A_748 = arith.constant 1 : i32
        %parallel_loop3A_749 = arith.index_cast %parallel_loop3A_748 : i32 to index
        %parallel_loop3A_750 = arith.index_cast %parallel_loop3A_731 : i32 to index
        %parallel_loop3A_751 = arith.index_cast %parallel_loop3A_747 : i32 to index
        %parallel_loop3A_752 = arith.constant 112 : index
        %parallel_loop3A_753 = tpu.vector_load %arg7[%parallel_loop3A_749, %parallel_loop3A_750, %parallel_loop3A_751, %parallel_loop3A_752] {strides = array<i32>} : memref<2x8x8x128xf32, #tpu.memory_space<vmem>>, vector<16xf32>,
        tpu.vector_store %arg7[%parallel_loop3A_749, %parallel_loop3A_750, %parallel_loop3A_751, %parallel_loop3A_752], %parallel_loop3A_707 {strides = array<i32>} : memref<2x8x8x128xf32, #tpu.memory_space<vmem>>, vector<16xf32>,
      } {sc.loop_unroll_factor = 4 : i64, sc.parallel_access}
      %mul3A_272 = arith.constant 2 : i32
      %mul3A_273 = arith.muli %mul3A_272, %add3A_196 : i32
      %dma_start3A_274 = arith.constant 0 : i32
      %dma_start3A_275 = arith.constant 0 : i32
      %dma_start3A_276 = arith.constant 0 : i32
      %dma_start3A_277 = tpu.memref_slice %arg4[%mul3A_273, %dma_start3A_274, %add3A, %dma_start3A_275, %dma_start3A_276] : memref<200x8x32x8x128xf32, #tpu.memory_space<hbm>> -> memref<2x8x1x8x128xf32, #tpu.memory_space<hbm>>
      %dma_start3A_278 = tpu.memref_squeeze %dma_start3A_277 : memref<2x8x1x8x128xf32, #tpu.memory_space<hbm>> -> memref<2x8x8x128xf32, #tpu.memory_space<hbm>>
      %dma_start3A_279 = arith.constant 0 : i32
      %dma_start3A_280 = arith.constant 0 : i32
      %dma_start3A_281 = arith.constant 0 : i32
      %dma_start3A_282 = tpu.memref_slice %arg4[%mul3A_273, %dma_start3A_279, %add3A, %dma_start3A_280, %dma_start3A_281] : memref<200x8x32x8x128xf32, #tpu.memory_space<hbm>> -> memref<2x8x1x8x128xf32, #tpu.memory_space<hbm>>
      %dma_start3A_283 = tpu.memref_squeeze %dma_start3A_282 : memref<2x8x1x8x128xf32, #tpu.memory_space<hbm>> -> memref<2x8x8x128xf32, #tpu.memory_space<hbm>>
      tpu.enqueue_dma source(%arg7 : memref<2x8x8x128xf32, #tpu.memory_space<vmem>>) target(%dma_start3A_283 : memref<2x8x8x128xf32, #tpu.memory_space<hbm>>) target_semaphore(%arg9 : memref<!tpu.dma_semaphore, #tpu.memory_space<semaphore_mem>>)
      %mul3A_284 = arith.constant 2 : i32
      %mul3A_285 = arith.muli %mul3A_284, %scan3A_192 : i32
      %add3A_286 = arith.constant 1 : i32
      %add3A_287 = arith.addi %mul3A_285, %add3A_286 : i32
      %sub3A_288 = arith.constant 2 : i32
      %sub3A_289 = arith.subi %add3A_287, %sub3A_288 : i32
      %mul3A_290 = arith.constant 2 : i32
      %mul3A_291 = arith.muli %mul3A_290, %sub3A_289 : i32
      %dma_wait3A_292 = arith.constant 0 : i32
      %dma_wait3A_293 = arith.constant 0 : i32
      %dma_wait3A_294 = arith.constant 0 : i32
      %dma_wait3A_295 = tpu.memref_slice %arg4[%mul3A_291, %dma_wait3A_292, %add3A, %dma_wait3A_293, %dma_wait3A_294] : memref<200x8x32x8x128xf32, #tpu.memory_space<hbm>> -> memref<2x8x1x8x128xf32, #tpu.memory_space<hbm>>
      %dma_wait3A_296 = tpu.memref_squeeze %dma_wait3A_295 : memref<2x8x1x8x128xf32, #tpu.memory_space<hbm>> -> memref<2x8x8x128xf32, #tpu.memory_space<hbm>>
      %dma_wait3A_297 = arith.constant 0 : i32
      %dma_wait3A_298 = arith.constant 0 : i32
      %dma_wait3A_299 = arith.constant 0 : i32
      %dma_wait3A_300 = tpu.memref_slice %arg4[%mul3A_291, %dma_wait3A_297, %add3A, %dma_wait3A_298, %dma_wait3A_299] : memref<200x8x32x8x128xf32, #tpu.memory_space<hbm>> -> memref<2x8x1x8x128xf32, #tpu.memory_space<hbm>>
      %dma_wait3A_301 = tpu.memref_squeeze %dma_wait3A_300 : memref<2x8x1x8x128xf32, #tpu.memory_space<hbm>> -> memref<2x8x8x128xf32, #tpu.memory_space<hbm>>
      tpu.wait_dma2 semaphore(%arg10 : memref<!tpu.dma_semaphore, #tpu.memory_space<semaphore_mem>>) src(%arg8 : memref<2x8x8x128xf32, #tpu.memory_space<vmem>>) dst(%dma_wait3A_301 : memref<2x8x8x128xf32, #tpu.memory_space<hbm>>)
      %mul3A_302 = arith.constant 2 : i32
      %mul3A_303 = arith.muli %mul3A_302, %add3A_287 : i32
      %add3A_304 = arith.constant 0 : i32
      %add3A_305 = arith.addi %mul3A_303, %add3A_304 : i32
      %get3A_306 = arith.index_cast %add3A_305 : i32 to index
      %get3A_307 = arith.constant 0 : index
      %get3A_308 = tpu.vector_load %arg5[%get3A_306, %get3A_307] {strides = array<i32>} : memref<200x128xi32, #tpu.memory_space<vmem>>, vector<16xi32>,
      %get3A_309 = arith.index_cast %add3A_305 : i32 to index
      %get3A_310 = arith.constant 16 : index
      %get3A_311 = tpu.vector_load %arg5[%get3A_309, %get3A_310] {strides = array<i32>} : memref<200x128xi32, #tpu.memory_space<vmem>>, vector<16xi32>,
      %get3A_312 = arith.index_cast %add3A_305 : i32 to index
      %get3A_313 = arith.constant 32 : index
      %get3A_314 = tpu.vector_load %arg5[%get3A_312, %get3A_313] {strides = array<i32>} : memref<200x128xi32, #tpu.memory_space<vmem>>, vector<16xi32>,
      %get3A_315 = arith.index_cast %add3A_305 : i32 to index
      %get3A_316 = arith.constant 48 : index
      %get3A_317 = tpu.vector_load %arg5[%get3A_315, %get3A_316] {strides = array<i32>} : memref<200x128xi32, #tpu.memory_space<vmem>>, vector<16xi32>,
      %get3A_318 = arith.index_cast %add3A_305 : i32 to index
      %get3A_319 = arith.constant 64 : index
      %get3A_320 = tpu.vector_load %arg5[%get3A_318, %get3A_319] {strides = array<i32>} : memref<200x128xi32, #tpu.memory_space<vmem>>, vector<16xi32>,
      %get3A_321 = arith.index_cast %add3A_305 : i32 to index
      %get3A_322 = arith.constant 80 : index
      %get3A_323 = tpu.vector_load %arg5[%get3A_321, %get3A_322] {strides = array<i32>} : memref<200x128xi32, #tpu.memory_space<vmem>>, vector<16xi32>,
      %get3A_324 = arith.index_cast %add3A_305 : i32 to index
      %get3A_325 = arith.constant 96 : index
      %get3A_326 = tpu.vector_load %arg5[%get3A_324, %get3A_325] {strides = array<i32>} : memref<200x128xi32, #tpu.memory_space<vmem>>, vector<16xi32>,
      %get3A_327 = arith.index_cast %add3A_305 : i32 to index
      %get3A_328 = arith.constant 112 : index
      %get3A_329 = tpu.vector_load %arg5[%get3A_327, %get3A_328] {strides = array<i32>} : memref<200x128xi32, #tpu.memory_space<vmem>>, vector<16xi32>,
      %parallel_loop3A_330 = arith.constant 0 : i32
      %parallel_loop3A_331 = arith.constant 64 : i32
      %parallel_loop3A_332 = arith.constant 1 : i32
      scf.for %parallel_loop3A_376 = %parallel_loop3A_330 to %parallel_loop3A_331 step %parallel_loop3A_332  : i32 {
        %parallel_loop3A_377 = vector.broadcast %parallel_loop3A_376 : i32 to vector<16xi32>
        %parallel_loop3A_378 = tpu.vector_load_idx %arg6[%parallel_loop3A_377, %get3A_308] : memref<64x1024xf32, #tpu.memory_space<vmem>>[vector<16xi32>, vector<16xi32>], vector<16xf32>,
        %parallel_loop3A_379 = arith.constant 8 : i32
        %parallel_loop3A_380 = arith.divsi %parallel_loop3A_376, %parallel_loop3A_379 : i32
        %parallel_loop3A_381 = arith.constant 0 : i32
        %parallel_loop3A_382 = arith.cmpi sgt, %parallel_loop3A_376, %parallel_loop3A_381 : i32
        %parallel_loop3A_383 = arith.extui %parallel_loop3A_382 : i1 to i32
        %parallel_loop3A_384 = arith.constant 0 : i32
        %parallel_loop3A_385 = arith.cmpi slt, %parallel_loop3A_376, %parallel_loop3A_384 : i32
        %parallel_loop3A_386 = arith.extui %parallel_loop3A_385 : i1 to i32
        %parallel_loop3A_387 = arith.subi %parallel_loop3A_383, %parallel_loop3A_386 : i32
        %parallel_loop3A_388 = arith.constant 0 : i32
        %parallel_loop3A_389 = arith.cmpi sgt, %parallel_loop3A_379, %parallel_loop3A_388 : i32
        %parallel_loop3A_390 = arith.extui %parallel_loop3A_389 : i1 to i32
        %parallel_loop3A_391 = arith.constant 0 : i32
        %parallel_loop3A_392 = arith.cmpi slt, %parallel_loop3A_379, %parallel_loop3A_391 : i32
        %parallel_loop3A_393 = arith.extui %parallel_loop3A_392 : i1 to i32
        %parallel_loop3A_394 = arith.subi %parallel_loop3A_390, %parallel_loop3A_393 : i32
        %parallel_loop3A_395 = arith.cmpi ne, %parallel_loop3A_387, %parallel_loop3A_394 : i32
        %parallel_loop3A_396 = arith.remsi %parallel_loop3A_376, %parallel_loop3A_379 : i32
        %parallel_loop3A_397 = arith.constant 0 : i32
        %parallel_loop3A_398 = arith.cmpi ne, %parallel_loop3A_396, %parallel_loop3A_397 : i32
        %parallel_loop3A_399 = arith.andi %parallel_loop3A_395, %parallel_loop3A_398 : i1
        %parallel_loop3A_400 = arith.constant 1 : i32
        %parallel_loop3A_401 = arith.subi %parallel_loop3A_380, %parallel_loop3A_400 : i32
        %parallel_loop3A_402 = arith.select %parallel_loop3A_399, %parallel_loop3A_401, %parallel_loop3A_380 : i32
        %parallel_loop3A_403 = arith.constant 8 : i32
        %parallel_loop3A_404 = arith.constant 0 : i32
        %parallel_loop3A_405 = arith.cmpi eq, %parallel_loop3A_403, %parallel_loop3A_404 : i32
        %parallel_loop3A_406 = arith.constant 1 : i32
        %parallel_loop3A_407 = arith.select %parallel_loop3A_405, %parallel_loop3A_406, %parallel_loop3A_403 : i32
        %parallel_loop3A_408 = arith.remsi %parallel_loop3A_376, %parallel_loop3A_407 : i32
        %parallel_loop3A_409 = arith.constant 0 : i32
        %parallel_loop3A_410 = arith.cmpi ne, %parallel_loop3A_408, %parallel_loop3A_409 : i32
        %parallel_loop3A_411 = arith.constant 0 : i32
        %parallel_loop3A_412 = arith.cmpi slt, %parallel_loop3A_408, %parallel_loop3A_411 : i32
        %parallel_loop3A_413 = arith.constant 0 : i32
        %parallel_loop3A_414 = arith.cmpi slt, %parallel_loop3A_407, %parallel_loop3A_413 : i32
        %parallel_loop3A_415 = arith.xori %parallel_loop3A_412, %parallel_loop3A_414 : i1
        %parallel_loop3A_416 = arith.andi %parallel_loop3A_415, %parallel_loop3A_410 : i1
        %parallel_loop3A_417 = arith.addi %parallel_loop3A_408, %parallel_loop3A_407 : i32
        %parallel_loop3A_418 = arith.select %parallel_loop3A_416, %parallel_loop3A_417, %parallel_loop3A_408 : i32
        %parallel_loop3A_419 = arith.constant 0 : i32
        %parallel_loop3A_420 = arith.index_cast %parallel_loop3A_419 : i32 to index
        %parallel_loop3A_421 = arith.index_cast %parallel_loop3A_402 : i32 to index
        %parallel_loop3A_422 = arith.index_cast %parallel_loop3A_418 : i32 to index
        %parallel_loop3A_423 = arith.constant 0 : index
        %parallel_loop3A_424 = tpu.vector_load %arg8[%parallel_loop3A_420, %parallel_loop3A_421, %parallel_loop3A_422, %parallel_loop3A_423] {strides = array<i32>} : memref<2x8x8x128xf32, #tpu.memory_space<vmem>>, vector<16xf32>,
        tpu.vector_store %arg8[%parallel_loop3A_420, %parallel_loop3A_421, %parallel_loop3A_422, %parallel_loop3A_423], %parallel_loop3A_378 {strides = array<i32>} : memref<2x8x8x128xf32, #tpu.memory_space<vmem>>, vector<16xf32>,
        %parallel_loop3A_425 = tpu.vector_load_idx %arg6[%parallel_loop3A_377, %get3A_311] : memref<64x1024xf32, #tpu.memory_space<vmem>>[vector<16xi32>, vector<16xi32>], vector<16xf32>,
        %parallel_loop3A_426 = arith.constant 8 : i32
        %parallel_loop3A_427 = arith.divsi %parallel_loop3A_376, %parallel_loop3A_426 : i32
        %parallel_loop3A_428 = arith.constant 0 : i32
        %parallel_loop3A_429 = arith.cmpi sgt, %parallel_loop3A_376, %parallel_loop3A_428 : i32
        %parallel_loop3A_430 = arith.extui %parallel_loop3A_429 : i1 to i32
        %parallel_loop3A_431 = arith.constant 0 : i32
        %parallel_loop3A_432 = arith.cmpi slt, %parallel_loop3A_376, %parallel_loop3A_431 : i32
        %parallel_loop3A_433 = arith.extui %parallel_loop3A_432 : i1 to i32
        %parallel_loop3A_434 = arith.subi %parallel_loop3A_430, %parallel_loop3A_433 : i32
        %parallel_loop3A_435 = arith.constant 0 : i32
        %parallel_loop3A_436 = arith.cmpi sgt, %parallel_loop3A_426, %parallel_loop3A_435 : i32
        %parallel_loop3A_437 = arith.extui %parallel_loop3A_436 : i1 to i32
        %parallel_loop3A_438 = arith.constant 0 : i32
        %parallel_loop3A_439 = arith.cmpi slt, %parallel_loop3A_426, %parallel_loop3A_438 : i32
        %parallel_loop3A_440 = arith.extui %parallel_loop3A_439 : i1 to i32
        %parallel_loop3A_441 = arith.subi %parallel_loop3A_437, %parallel_loop3A_440 : i32
        %parallel_loop3A_442 = arith.cmpi ne, %parallel_loop3A_434, %parallel_loop3A_441 : i32
        %parallel_loop3A_443 = arith.remsi %parallel_loop3A_376, %parallel_loop3A_426 : i32
        %parallel_loop3A_444 = arith.constant 0 : i32
        %parallel_loop3A_445 = arith.cmpi ne, %parallel_loop3A_443, %parallel_loop3A_444 : i32
        %parallel_loop3A_446 = arith.andi %parallel_loop3A_442, %parallel_loop3A_445 : i1
        %parallel_loop3A_447 = arith.constant 1 : i32
        %parallel_loop3A_448 = arith.subi %parallel_loop3A_427, %parallel_loop3A_447 : i32
        %parallel_loop3A_449 = arith.select %parallel_loop3A_446, %parallel_loop3A_448, %parallel_loop3A_427 : i32
        %parallel_loop3A_450 = arith.constant 8 : i32
        %parallel_loop3A_451 = arith.constant 0 : i32
        %parallel_loop3A_452 = arith.cmpi eq, %parallel_loop3A_450, %parallel_loop3A_451 : i32
        %parallel_loop3A_453 = arith.constant 1 : i32
        %parallel_loop3A_454 = arith.select %parallel_loop3A_452, %parallel_loop3A_453, %parallel_loop3A_450 : i32
        %parallel_loop3A_455 = arith.remsi %parallel_loop3A_376, %parallel_loop3A_454 : i32
        %parallel_loop3A_456 = arith.constant 0 : i32
        %parallel_loop3A_457 = arith.cmpi ne, %parallel_loop3A_455, %parallel_loop3A_456 : i32
        %parallel_loop3A_458 = arith.constant 0 : i32
        %parallel_loop3A_459 = arith.cmpi slt, %parallel_loop3A_455, %parallel_loop3A_458 : i32
        %parallel_loop3A_460 = arith.constant 0 : i32
        %parallel_loop3A_461 = arith.cmpi slt, %parallel_loop3A_454, %parallel_loop3A_460 : i32
        %parallel_loop3A_462 = arith.xori %parallel_loop3A_459, %parallel_loop3A_461 : i1
        %parallel_loop3A_463 = arith.andi %parallel_loop3A_462, %parallel_loop3A_457 : i1
        %parallel_loop3A_464 = arith.addi %parallel_loop3A_455, %parallel_loop3A_454 : i32
        %parallel_loop3A_465 = arith.select %parallel_loop3A_463, %parallel_loop3A_464, %parallel_loop3A_455 : i32
        %parallel_loop3A_466 = arith.constant 0 : i32
        %parallel_loop3A_467 = arith.index_cast %parallel_loop3A_466 : i32 to index
        %parallel_loop3A_468 = arith.index_cast %parallel_loop3A_449 : i32 to index
        %parallel_loop3A_469 = arith.index_cast %parallel_loop3A_465 : i32 to index
        %parallel_loop3A_470 = arith.constant 16 : index
        %parallel_loop3A_471 = tpu.vector_load %arg8[%parallel_loop3A_467, %parallel_loop3A_468, %parallel_loop3A_469, %parallel_loop3A_470] {strides = array<i32>} : memref<2x8x8x128xf32, #tpu.memory_space<vmem>>, vector<16xf32>,
        tpu.vector_store %arg8[%parallel_loop3A_467, %parallel_loop3A_468, %parallel_loop3A_469, %parallel_loop3A_470], %parallel_loop3A_425 {strides = array<i32>} : memref<2x8x8x128xf32, #tpu.memory_space<vmem>>, vector<16xf32>,
        %parallel_loop3A_472 = tpu.vector_load_idx %arg6[%parallel_loop3A_377, %get3A_314] : memref<64x1024xf32, #tpu.memory_space<vmem>>[vector<16xi32>, vector<16xi32>], vector<16xf32>,
        %parallel_loop3A_473 = arith.constant 8 : i32
        %parallel_loop3A_474 = arith.divsi %parallel_loop3A_376, %parallel_loop3A_473 : i32
        %parallel_loop3A_475 = arith.constant 0 : i32
        %parallel_loop3A_476 = arith.cmpi sgt, %parallel_loop3A_376, %parallel_loop3A_475 : i32
        %parallel_loop3A_477 = arith.extui %parallel_loop3A_476 : i1 to i32
        %parallel_loop3A_478 = arith.constant 0 : i32
        %parallel_loop3A_479 = arith.cmpi slt, %parallel_loop3A_376, %parallel_loop3A_478 : i32
        %parallel_loop3A_480 = arith.extui %parallel_loop3A_479 : i1 to i32
        %parallel_loop3A_481 = arith.subi %parallel_loop3A_477, %parallel_loop3A_480 : i32
        %parallel_loop3A_482 = arith.constant 0 : i32
        %parallel_loop3A_483 = arith.cmpi sgt, %parallel_loop3A_473, %parallel_loop3A_482 : i32
        %parallel_loop3A_484 = arith.extui %parallel_loop3A_483 : i1 to i32
        %parallel_loop3A_485 = arith.constant 0 : i32
        %parallel_loop3A_486 = arith.cmpi slt, %parallel_loop3A_473, %parallel_loop3A_485 : i32
        %parallel_loop3A_487 = arith.extui %parallel_loop3A_486 : i1 to i32
        %parallel_loop3A_488 = arith.subi %parallel_loop3A_484, %parallel_loop3A_487 : i32
        %parallel_loop3A_489 = arith.cmpi ne, %parallel_loop3A_481, %parallel_loop3A_488 : i32
        %parallel_loop3A_490 = arith.remsi %parallel_loop3A_376, %parallel_loop3A_473 : i32
        %parallel_loop3A_491 = arith.constant 0 : i32
        %parallel_loop3A_492 = arith.cmpi ne, %parallel_loop3A_490, %parallel_loop3A_491 : i32
        %parallel_loop3A_493 = arith.andi %parallel_loop3A_489, %parallel_loop3A_492 : i1
        %parallel_loop3A_494 = arith.constant 1 : i32
        %parallel_loop3A_495 = arith.subi %parallel_loop3A_474, %parallel_loop3A_494 : i32
        %parallel_loop3A_496 = arith.select %parallel_loop3A_493, %parallel_loop3A_495, %parallel_loop3A_474 : i32
        %parallel_loop3A_497 = arith.constant 8 : i32
        %parallel_loop3A_498 = arith.constant 0 : i32
        %parallel_loop3A_499 = arith.cmpi eq, %parallel_loop3A_497, %parallel_loop3A_498 : i32
        %parallel_loop3A_500 = arith.constant 1 : i32
        %parallel_loop3A_501 = arith.select %parallel_loop3A_499, %parallel_loop3A_500, %parallel_loop3A_497 : i32
        %parallel_loop3A_502 = arith.remsi %parallel_loop3A_376, %parallel_loop3A_501 : i32
        %parallel_loop3A_503 = arith.constant 0 : i32
        %parallel_loop3A_504 = arith.cmpi ne, %parallel_loop3A_502, %parallel_loop3A_503 : i32
        %parallel_loop3A_505 = arith.constant 0 : i32
        %parallel_loop3A_506 = arith.cmpi slt, %parallel_loop3A_502, %parallel_loop3A_505 : i32
        %parallel_loop3A_507 = arith.constant 0 : i32
        %parallel_loop3A_508 = arith.cmpi slt, %parallel_loop3A_501, %parallel_loop3A_507 : i32
        %parallel_loop3A_509 = arith.xori %parallel_loop3A_506, %parallel_loop3A_508 : i1
        %parallel_loop3A_510 = arith.andi %parallel_loop3A_509, %parallel_loop3A_504 : i1
        %parallel_loop3A_511 = arith.addi %parallel_loop3A_502, %parallel_loop3A_501 : i32
        %parallel_loop3A_512 = arith.select %parallel_loop3A_510, %parallel_loop3A_511, %parallel_loop3A_502 : i32
        %parallel_loop3A_513 = arith.constant 0 : i32
        %parallel_loop3A_514 = arith.index_cast %parallel_loop3A_513 : i32 to index
        %parallel_loop3A_515 = arith.index_cast %parallel_loop3A_496 : i32 to index
        %parallel_loop3A_516 = arith.index_cast %parallel_loop3A_512 : i32 to index
        %parallel_loop3A_517 = arith.constant 32 : index
        %parallel_loop3A_518 = tpu.vector_load %arg8[%parallel_loop3A_514, %parallel_loop3A_515, %parallel_loop3A_516, %parallel_loop3A_517] {strides = array<i32>} : memref<2x8x8x128xf32, #tpu.memory_space<vmem>>, vector<16xf32>,
        tpu.vector_store %arg8[%parallel_loop3A_514, %parallel_loop3A_515, %parallel_loop3A_516, %parallel_loop3A_517], %parallel_loop3A_472 {strides = array<i32>} : memref<2x8x8x128xf32, #tpu.memory_space<vmem>>, vector<16xf32>,
        %parallel_loop3A_519 = tpu.vector_load_idx %arg6[%parallel_loop3A_377, %get3A_317] : memref<64x1024xf32, #tpu.memory_space<vmem>>[vector<16xi32>, vector<16xi32>], vector<16xf32>,
        %parallel_loop3A_520 = arith.constant 8 : i32
        %parallel_loop3A_521 = arith.divsi %parallel_loop3A_376, %parallel_loop3A_520 : i32
        %parallel_loop3A_522 = arith.constant 0 : i32
        %parallel_loop3A_523 = arith.cmpi sgt, %parallel_loop3A_376, %parallel_loop3A_522 : i32
        %parallel_loop3A_524 = arith.extui %parallel_loop3A_523 : i1 to i32
        %parallel_loop3A_525 = arith.constant 0 : i32
        %parallel_loop3A_526 = arith.cmpi slt, %parallel_loop3A_376, %parallel_loop3A_525 : i32
        %parallel_loop3A_527 = arith.extui %parallel_loop3A_526 : i1 to i32
        %parallel_loop3A_528 = arith.subi %parallel_loop3A_524, %parallel_loop3A_527 : i32
        %parallel_loop3A_529 = arith.constant 0 : i32
        %parallel_loop3A_530 = arith.cmpi sgt, %parallel_loop3A_520, %parallel_loop3A_529 : i32
        %parallel_loop3A_531 = arith.extui %parallel_loop3A_530 : i1 to i32
        %parallel_loop3A_532 = arith.constant 0 : i32
        %parallel_loop3A_533 = arith.cmpi slt, %parallel_loop3A_520, %parallel_loop3A_532 : i32
        %parallel_loop3A_534 = arith.extui %parallel_loop3A_533 : i1 to i32
        %parallel_loop3A_535 = arith.subi %parallel_loop3A_531, %parallel_loop3A_534 : i32
        %parallel_loop3A_536 = arith.cmpi ne, %parallel_loop3A_528, %parallel_loop3A_535 : i32
        %parallel_loop3A_537 = arith.remsi %parallel_loop3A_376, %parallel_loop3A_520 : i32
        %parallel_loop3A_538 = arith.constant 0 : i32
        %parallel_loop3A_539 = arith.cmpi ne, %parallel_loop3A_537, %parallel_loop3A_538 : i32
        %parallel_loop3A_540 = arith.andi %parallel_loop3A_536, %parallel_loop3A_539 : i1
        %parallel_loop3A_541 = arith.constant 1 : i32
        %parallel_loop3A_542 = arith.subi %parallel_loop3A_521, %parallel_loop3A_541 : i32
        %parallel_loop3A_543 = arith.select %parallel_loop3A_540, %parallel_loop3A_542, %parallel_loop3A_521 : i32
        %parallel_loop3A_544 = arith.constant 8 : i32
        %parallel_loop3A_545 = arith.constant 0 : i32
        %parallel_loop3A_546 = arith.cmpi eq, %parallel_loop3A_544, %parallel_loop3A_545 : i32
        %parallel_loop3A_547 = arith.constant 1 : i32
        %parallel_loop3A_548 = arith.select %parallel_loop3A_546, %parallel_loop3A_547, %parallel_loop3A_544 : i32
        %parallel_loop3A_549 = arith.remsi %parallel_loop3A_376, %parallel_loop3A_548 : i32
        %parallel_loop3A_550 = arith.constant 0 : i32
        %parallel_loop3A_551 = arith.cmpi ne, %parallel_loop3A_549, %parallel_loop3A_550 : i32
        %parallel_loop3A_552 = arith.constant 0 : i32
        %parallel_loop3A_553 = arith.cmpi slt, %parallel_loop3A_549, %parallel_loop3A_552 : i32
        %parallel_loop3A_554 = arith.constant 0 : i32
        %parallel_loop3A_555 = arith.cmpi slt, %parallel_loop3A_548, %parallel_loop3A_554 : i32
        %parallel_loop3A_556 = arith.xori %parallel_loop3A_553, %parallel_loop3A_555 : i1
        %parallel_loop3A_557 = arith.andi %parallel_loop3A_556, %parallel_loop3A_551 : i1
        %parallel_loop3A_558 = arith.addi %parallel_loop3A_549, %parallel_loop3A_548 : i32
        %parallel_loop3A_559 = arith.select %parallel_loop3A_557, %parallel_loop3A_558, %parallel_loop3A_549 : i32
        %parallel_loop3A_560 = arith.constant 0 : i32
        %parallel_loop3A_561 = arith.index_cast %parallel_loop3A_560 : i32 to index
        %parallel_loop3A_562 = arith.index_cast %parallel_loop3A_543 : i32 to index
        %parallel_loop3A_563 = arith.index_cast %parallel_loop3A_559 : i32 to index
        %parallel_loop3A_564 = arith.constant 48 : index
        %parallel_loop3A_565 = tpu.vector_load %arg8[%parallel_loop3A_561, %parallel_loop3A_562, %parallel_loop3A_563, %parallel_loop3A_564] {strides = array<i32>} : memref<2x8x8x128xf32, #tpu.memory_space<vmem>>, vector<16xf32>,
        tpu.vector_store %arg8[%parallel_loop3A_561, %parallel_loop3A_562, %parallel_loop3A_563, %parallel_loop3A_564], %parallel_loop3A_519 {strides = array<i32>} : memref<2x8x8x128xf32, #tpu.memory_space<vmem>>, vector<16xf32>,
        %parallel_loop3A_566 = tpu.vector_load_idx %arg6[%parallel_loop3A_377, %get3A_320] : memref<64x1024xf32, #tpu.memory_space<vmem>>[vector<16xi32>, vector<16xi32>], vector<16xf32>,
        %parallel_loop3A_567 = arith.constant 8 : i32
        %parallel_loop3A_568 = arith.divsi %parallel_loop3A_376, %parallel_loop3A_567 : i32
        %parallel_loop3A_569 = arith.constant 0 : i32
        %parallel_loop3A_570 = arith.cmpi sgt, %parallel_loop3A_376, %parallel_loop3A_569 : i32
        %parallel_loop3A_571 = arith.extui %parallel_loop3A_570 : i1 to i32
        %parallel_loop3A_572 = arith.constant 0 : i32
        %parallel_loop3A_573 = arith.cmpi slt, %parallel_loop3A_376, %parallel_loop3A_572 : i32
        %parallel_loop3A_574 = arith.extui %parallel_loop3A_573 : i1 to i32
        %parallel_loop3A_575 = arith.subi %parallel_loop3A_571, %parallel_loop3A_574 : i32
        %parallel_loop3A_576 = arith.constant 0 : i32
        %parallel_loop3A_577 = arith.cmpi sgt, %parallel_loop3A_567, %parallel_loop3A_576 : i32
        %parallel_loop3A_578 = arith.extui %parallel_loop3A_577 : i1 to i32
        %parallel_loop3A_579 = arith.constant 0 : i32
        %parallel_loop3A_580 = arith.cmpi slt, %parallel_loop3A_567, %parallel_loop3A_579 : i32
        %parallel_loop3A_581 = arith.extui %parallel_loop3A_580 : i1 to i32
        %parallel_loop3A_582 = arith.subi %parallel_loop3A_578, %parallel_loop3A_581 : i32
        %parallel_loop3A_583 = arith.cmpi ne, %parallel_loop3A_575, %parallel_loop3A_582 : i32
        %parallel_loop3A_584 = arith.remsi %parallel_loop3A_376, %parallel_loop3A_567 : i32
        %parallel_loop3A_585 = arith.constant 0 : i32
        %parallel_loop3A_586 = arith.cmpi ne, %parallel_loop3A_584, %parallel_loop3A_585 : i32
        %parallel_loop3A_587 = arith.andi %parallel_loop3A_583, %parallel_loop3A_586 : i1
        %parallel_loop3A_588 = arith.constant 1 : i32
        %parallel_loop3A_589 = arith.subi %parallel_loop3A_568, %parallel_loop3A_588 : i32
        %parallel_loop3A_590 = arith.select %parallel_loop3A_587, %parallel_loop3A_589, %parallel_loop3A_568 : i32
        %parallel_loop3A_591 = arith.constant 8 : i32
        %parallel_loop3A_592 = arith.constant 0 : i32
        %parallel_loop3A_593 = arith.cmpi eq, %parallel_loop3A_591, %parallel_loop3A_592 : i32
        %parallel_loop3A_594 = arith.constant 1 : i32
        %parallel_loop3A_595 = arith.select %parallel_loop3A_593, %parallel_loop3A_594, %parallel_loop3A_591 : i32
        %parallel_loop3A_596 = arith.remsi %parallel_loop3A_376, %parallel_loop3A_595 : i32
        %parallel_loop3A_597 = arith.constant 0 : i32
        %parallel_loop3A_598 = arith.cmpi ne, %parallel_loop3A_596, %parallel_loop3A_597 : i32
        %parallel_loop3A_599 = arith.constant 0 : i32
        %parallel_loop3A_600 = arith.cmpi slt, %parallel_loop3A_596, %parallel_loop3A_599 : i32
        %parallel_loop3A_601 = arith.constant 0 : i32
        %parallel_loop3A_602 = arith.cmpi slt, %parallel_loop3A_595, %parallel_loop3A_601 : i32
        %parallel_loop3A_603 = arith.xori %parallel_loop3A_600, %parallel_loop3A_602 : i1
        %parallel_loop3A_604 = arith.andi %parallel_loop3A_603, %parallel_loop3A_598 : i1
        %parallel_loop3A_605 = arith.addi %parallel_loop3A_596, %parallel_loop3A_595 : i32
        %parallel_loop3A_606 = arith.select %parallel_loop3A_604, %parallel_loop3A_605, %parallel_loop3A_596 : i32
        %parallel_loop3A_607 = arith.constant 0 : i32
        %parallel_loop3A_608 = arith.index_cast %parallel_loop3A_607 : i32 to index
        %parallel_loop3A_609 = arith.index_cast %parallel_loop3A_590 : i32 to index
        %parallel_loop3A_610 = arith.index_cast %parallel_loop3A_606 : i32 to index
        %parallel_loop3A_611 = arith.constant 64 : index
        %parallel_loop3A_612 = tpu.vector_load %arg8[%parallel_loop3A_608, %parallel_loop3A_609, %parallel_loop3A_610, %parallel_loop3A_611] {strides = array<i32>} : memref<2x8x8x128xf32, #tpu.memory_space<vmem>>, vector<16xf32>,
        tpu.vector_store %arg8[%parallel_loop3A_608, %parallel_loop3A_609, %parallel_loop3A_610, %parallel_loop3A_611], %parallel_loop3A_566 {strides = array<i32>} : memref<2x8x8x128xf32, #tpu.memory_space<vmem>>, vector<16xf32>,
        %parallel_loop3A_613 = tpu.vector_load_idx %arg6[%parallel_loop3A_377, %get3A_323] : memref<64x1024xf32, #tpu.memory_space<vmem>>[vector<16xi32>, vector<16xi32>], vector<16xf32>,
        %parallel_loop3A_614 = arith.constant 8 : i32
        %parallel_loop3A_615 = arith.divsi %parallel_loop3A_376, %parallel_loop3A_614 : i32
        %parallel_loop3A_616 = arith.constant 0 : i32
        %parallel_loop3A_617 = arith.cmpi sgt, %parallel_loop3A_376, %parallel_loop3A_616 : i32
        %parallel_loop3A_618 = arith.extui %parallel_loop3A_617 : i1 to i32
        %parallel_loop3A_619 = arith.constant 0 : i32
        %parallel_loop3A_620 = arith.cmpi slt, %parallel_loop3A_376, %parallel_loop3A_619 : i32
        %parallel_loop3A_621 = arith.extui %parallel_loop3A_620 : i1 to i32
        %parallel_loop3A_622 = arith.subi %parallel_loop3A_618, %parallel_loop3A_621 : i32
        %parallel_loop3A_623 = arith.constant 0 : i32
        %parallel_loop3A_624 = arith.cmpi sgt, %parallel_loop3A_614, %parallel_loop3A_623 : i32
        %parallel_loop3A_625 = arith.extui %parallel_loop3A_624 : i1 to i32
        %parallel_loop3A_626 = arith.constant 0 : i32
        %parallel_loop3A_627 = arith.cmpi slt, %parallel_loop3A_614, %parallel_loop3A_626 : i32
        %parallel_loop3A_628 = arith.extui %parallel_loop3A_627 : i1 to i32
        %parallel_loop3A_629 = arith.subi %parallel_loop3A_625, %parallel_loop3A_628 : i32
        %parallel_loop3A_630 = arith.cmpi ne, %parallel_loop3A_622, %parallel_loop3A_629 : i32
        %parallel_loop3A_631 = arith.remsi %parallel_loop3A_376, %parallel_loop3A_614 : i32
        %parallel_loop3A_632 = arith.constant 0 : i32
        %parallel_loop3A_633 = arith.cmpi ne, %parallel_loop3A_631, %parallel_loop3A_632 : i32
        %parallel_loop3A_634 = arith.andi %parallel_loop3A_630, %parallel_loop3A_633 : i1
        %parallel_loop3A_635 = arith.constant 1 : i32
        %parallel_loop3A_636 = arith.subi %parallel_loop3A_615, %parallel_loop3A_635 : i32
        %parallel_loop3A_637 = arith.select %parallel_loop3A_634, %parallel_loop3A_636, %parallel_loop3A_615 : i32
        %parallel_loop3A_638 = arith.constant 8 : i32
        %parallel_loop3A_639 = arith.constant 0 : i32
        %parallel_loop3A_640 = arith.cmpi eq, %parallel_loop3A_638, %parallel_loop3A_639 : i32
        %parallel_loop3A_641 = arith.constant 1 : i32
        %parallel_loop3A_642 = arith.select %parallel_loop3A_640, %parallel_loop3A_641, %parallel_loop3A_638 : i32
        %parallel_loop3A_643 = arith.remsi %parallel_loop3A_376, %parallel_loop3A_642 : i32
        %parallel_loop3A_644 = arith.constant 0 : i32
        %parallel_loop3A_645 = arith.cmpi ne, %parallel_loop3A_643, %parallel_loop3A_644 : i32
        %parallel_loop3A_646 = arith.constant 0 : i32
        %parallel_loop3A_647 = arith.cmpi slt, %parallel_loop3A_643, %parallel_loop3A_646 : i32
        %parallel_loop3A_648 = arith.constant 0 : i32
        %parallel_loop3A_649 = arith.cmpi slt, %parallel_loop3A_642, %parallel_loop3A_648 : i32
        %parallel_loop3A_650 = arith.xori %parallel_loop3A_647, %parallel_loop3A_649 : i1
        %parallel_loop3A_651 = arith.andi %parallel_loop3A_650, %parallel_loop3A_645 : i1
        %parallel_loop3A_652 = arith.addi %parallel_loop3A_643, %parallel_loop3A_642 : i32
        %parallel_loop3A_653 = arith.select %parallel_loop3A_651, %parallel_loop3A_652, %parallel_loop3A_643 : i32
        %parallel_loop3A_654 = arith.constant 0 : i32
        %parallel_loop3A_655 = arith.index_cast %parallel_loop3A_654 : i32 to index
        %parallel_loop3A_656 = arith.index_cast %parallel_loop3A_637 : i32 to index
        %parallel_loop3A_657 = arith.index_cast %parallel_loop3A_653 : i32 to index
        %parallel_loop3A_658 = arith.constant 80 : index
        %parallel_loop3A_659 = tpu.vector_load %arg8[%parallel_loop3A_655, %parallel_loop3A_656, %parallel_loop3A_657, %parallel_loop3A_658] {strides = array<i32>} : memref<2x8x8x128xf32, #tpu.memory_space<vmem>>, vector<16xf32>,
        tpu.vector_store %arg8[%parallel_loop3A_655, %parallel_loop3A_656, %parallel_loop3A_657, %parallel_loop3A_658], %parallel_loop3A_613 {strides = array<i32>} : memref<2x8x8x128xf32, #tpu.memory_space<vmem>>, vector<16xf32>,
        %parallel_loop3A_660 = tpu.vector_load_idx %arg6[%parallel_loop3A_377, %get3A_326] : memref<64x1024xf32, #tpu.memory_space<vmem>>[vector<16xi32>, vector<16xi32>], vector<16xf32>,
        %parallel_loop3A_661 = arith.constant 8 : i32
        %parallel_loop3A_662 = arith.divsi %parallel_loop3A_376, %parallel_loop3A_661 : i32
        %parallel_loop3A_663 = arith.constant 0 : i32
        %parallel_loop3A_664 = arith.cmpi sgt, %parallel_loop3A_376, %parallel_loop3A_663 : i32
        %parallel_loop3A_665 = arith.extui %parallel_loop3A_664 : i1 to i32
        %parallel_loop3A_666 = arith.constant 0 : i32
        %parallel_loop3A_667 = arith.cmpi slt, %parallel_loop3A_376, %parallel_loop3A_666 : i32
        %parallel_loop3A_668 = arith.extui %parallel_loop3A_667 : i1 to i32
        %parallel_loop3A_669 = arith.subi %parallel_loop3A_665, %parallel_loop3A_668 : i32
        %parallel_loop3A_670 = arith.constant 0 : i32
        %parallel_loop3A_671 = arith.cmpi sgt, %parallel_loop3A_661, %parallel_loop3A_670 : i32
        %parallel_loop3A_672 = arith.extui %parallel_loop3A_671 : i1 to i32
        %parallel_loop3A_673 = arith.constant 0 : i32
        %parallel_loop3A_674 = arith.cmpi slt, %parallel_loop3A_661, %parallel_loop3A_673 : i32
        %parallel_loop3A_675 = arith.extui %parallel_loop3A_674 : i1 to i32
        %parallel_loop3A_676 = arith.subi %parallel_loop3A_672, %parallel_loop3A_675 : i32
        %parallel_loop3A_677 = arith.cmpi ne, %parallel_loop3A_669, %parallel_loop3A_676 : i32
        %parallel_loop3A_678 = arith.remsi %parallel_loop3A_376, %parallel_loop3A_661 : i32
        %parallel_loop3A_679 = arith.constant 0 : i32
        %parallel_loop3A_680 = arith.cmpi ne, %parallel_loop3A_678, %parallel_loop3A_679 : i32
        %parallel_loop3A_681 = arith.andi %parallel_loop3A_677, %parallel_loop3A_680 : i1
        %parallel_loop3A_682 = arith.constant 1 : i32
        %parallel_loop3A_683 = arith.subi %parallel_loop3A_662, %parallel_loop3A_682 : i32
        %parallel_loop3A_684 = arith.select %parallel_loop3A_681, %parallel_loop3A_683, %parallel_loop3A_662 : i32
        %parallel_loop3A_685 = arith.constant 8 : i32
        %parallel_loop3A_686 = arith.constant 0 : i32
        %parallel_loop3A_687 = arith.cmpi eq, %parallel_loop3A_685, %parallel_loop3A_686 : i32
        %parallel_loop3A_688 = arith.constant 1 : i32
        %parallel_loop3A_689 = arith.select %parallel_loop3A_687, %parallel_loop3A_688, %parallel_loop3A_685 : i32
        %parallel_loop3A_690 = arith.remsi %parallel_loop3A_376, %parallel_loop3A_689 : i32
        %parallel_loop3A_691 = arith.constant 0 : i32
        %parallel_loop3A_692 = arith.cmpi ne, %parallel_loop3A_690, %parallel_loop3A_691 : i32
        %parallel_loop3A_693 = arith.constant 0 : i32
        %parallel_loop3A_694 = arith.cmpi slt, %parallel_loop3A_690, %parallel_loop3A_693 : i32
        %parallel_loop3A_695 = arith.constant 0 : i32
        %parallel_loop3A_696 = arith.cmpi slt, %parallel_loop3A_689, %parallel_loop3A_695 : i32
        %parallel_loop3A_697 = arith.xori %parallel_loop3A_694, %parallel_loop3A_696 : i1
        %parallel_loop3A_698 = arith.andi %parallel_loop3A_697, %parallel_loop3A_692 : i1
        %parallel_loop3A_699 = arith.addi %parallel_loop3A_690, %parallel_loop3A_689 : i32
        %parallel_loop3A_700 = arith.select %parallel_loop3A_698, %parallel_loop3A_699, %parallel_loop3A_690 : i32
        %parallel_loop3A_701 = arith.constant 0 : i32
        %parallel_loop3A_702 = arith.index_cast %parallel_loop3A_701 : i32 to index
        %parallel_loop3A_703 = arith.index_cast %parallel_loop3A_684 : i32 to index
        %parallel_loop3A_704 = arith.index_cast %parallel_loop3A_700 : i32 to index
        %parallel_loop3A_705 = arith.constant 96 : index
        %parallel_loop3A_706 = tpu.vector_load %arg8[%parallel_loop3A_702, %parallel_loop3A_703, %parallel_loop3A_704, %parallel_loop3A_705] {strides = array<i32>} : memref<2x8x8x128xf32, #tpu.memory_space<vmem>>, vector<16xf32>,
        tpu.vector_store %arg8[%parallel_loop3A_702, %parallel_loop3A_703, %parallel_loop3A_704, %parallel_loop3A_705], %parallel_loop3A_660 {strides = array<i32>} : memref<2x8x8x128xf32, #tpu.memory_space<vmem>>, vector<16xf32>,
        %parallel_loop3A_707 = tpu.vector_load_idx %arg6[%parallel_loop3A_377, %get3A_329] : memref<64x1024xf32, #tpu.memory_space<vmem>>[vector<16xi32>, vector<16xi32>], vector<16xf32>,
        %parallel_loop3A_708 = arith.constant 8 : i32
        %parallel_loop3A_709 = arith.divsi %parallel_loop3A_376, %parallel_loop3A_708 : i32
        %parallel_loop3A_710 = arith.constant 0 : i32
        %parallel_loop3A_711 = arith.cmpi sgt, %parallel_loop3A_376, %parallel_loop3A_710 : i32
        %parallel_loop3A_712 = arith.extui %parallel_loop3A_711 : i1 to i32
        %parallel_loop3A_713 = arith.constant 0 : i32
        %parallel_loop3A_714 = arith.cmpi slt, %parallel_loop3A_376, %parallel_loop3A_713 : i32
        %parallel_loop3A_715 = arith.extui %parallel_loop3A_714 : i1 to i32
        %parallel_loop3A_716 = arith.subi %parallel_loop3A_712, %parallel_loop3A_715 : i32
        %parallel_loop3A_717 = arith.constant 0 : i32
        %parallel_loop3A_718 = arith.cmpi sgt, %parallel_loop3A_708, %parallel_loop3A_717 : i32
        %parallel_loop3A_719 = arith.extui %parallel_loop3A_718 : i1 to i32
        %parallel_loop3A_720 = arith.constant 0 : i32
        %parallel_loop3A_721 = arith.cmpi slt, %parallel_loop3A_708, %parallel_loop3A_720 : i32
        %parallel_loop3A_722 = arith.extui %parallel_loop3A_721 : i1 to i32
        %parallel_loop3A_723 = arith.subi %parallel_loop3A_719, %parallel_loop3A_722 : i32
        %parallel_loop3A_724 = arith.cmpi ne, %parallel_loop3A_716, %parallel_loop3A_723 : i32
        %parallel_loop3A_725 = arith.remsi %parallel_loop3A_376, %parallel_loop3A_708 : i32
        %parallel_loop3A_726 = arith.constant 0 : i32
        %parallel_loop3A_727 = arith.cmpi ne, %parallel_loop3A_725, %parallel_loop3A_726 : i32
        %parallel_loop3A_728 = arith.andi %parallel_loop3A_724, %parallel_loop3A_727 : i1
        %parallel_loop3A_729 = arith.constant 1 : i32
        %parallel_loop3A_730 = arith.subi %parallel_loop3A_709, %parallel_loop3A_729 : i32
        %parallel_loop3A_731 = arith.select %parallel_loop3A_728, %parallel_loop3A_730, %parallel_loop3A_709 : i32
        %parallel_loop3A_732 = arith.constant 8 : i32
        %parallel_loop3A_733 = arith.constant 0 : i32
        %parallel_loop3A_734 = arith.cmpi eq, %parallel_loop3A_732, %parallel_loop3A_733 : i32
        %parallel_loop3A_735 = arith.constant 1 : i32
        %parallel_loop3A_736 = arith.select %parallel_loop3A_734, %parallel_loop3A_735, %parallel_loop3A_732 : i32
        %parallel_loop3A_737 = arith.remsi %parallel_loop3A_376, %parallel_loop3A_736 : i32
        %parallel_loop3A_738 = arith.constant 0 : i32
        %parallel_loop3A_739 = arith.cmpi ne, %parallel_loop3A_737, %parallel_loop3A_738 : i32
        %parallel_loop3A_740 = arith.constant 0 : i32
        %parallel_loop3A_741 = arith.cmpi slt, %parallel_loop3A_737, %parallel_loop3A_740 : i32
        %parallel_loop3A_742 = arith.constant 0 : i32
        %parallel_loop3A_743 = arith.cmpi slt, %parallel_loop3A_736, %parallel_loop3A_742 : i32
        %parallel_loop3A_744 = arith.xori %parallel_loop3A_741, %parallel_loop3A_743 : i1
        %parallel_loop3A_745 = arith.andi %parallel_loop3A_744, %parallel_loop3A_739 : i1
        %parallel_loop3A_746 = arith.addi %parallel_loop3A_737, %parallel_loop3A_736 : i32
        %parallel_loop3A_747 = arith.select %parallel_loop3A_745, %parallel_loop3A_746, %parallel_loop3A_737 : i32
        %parallel_loop3A_748 = arith.constant 0 : i32
        %parallel_loop3A_749 = arith.index_cast %parallel_loop3A_748 : i32 to index
        %parallel_loop3A_750 = arith.index_cast %parallel_loop3A_731 : i32 to index
        %parallel_loop3A_751 = arith.index_cast %parallel_loop3A_747 : i32 to index
        %parallel_loop3A_752 = arith.constant 112 : index
        %parallel_loop3A_753 = tpu.vector_load %arg8[%parallel_loop3A_749, %parallel_loop3A_750, %parallel_loop3A_751, %parallel_loop3A_752] {strides = array<i32>} : memref<2x8x8x128xf32, #tpu.memory_space<vmem>>, vector<16xf32>,
        tpu.vector_store %arg8[%parallel_loop3A_749, %parallel_loop3A_750, %parallel_loop3A_751, %parallel_loop3A_752], %parallel_loop3A_707 {strides = array<i32>} : memref<2x8x8x128xf32, #tpu.memory_space<vmem>>, vector<16xf32>,
      } {sc.loop_unroll_factor = 4 : i64, sc.parallel_access}
      %mul3A_333 = arith.constant 2 : i32
      %mul3A_334 = arith.muli %mul3A_333, %add3A_287 : i32
      %add3A_335 = arith.constant 1 : i32
      %add3A_336 = arith.addi %mul3A_334, %add3A_335 : i32
      %get3A_337 = arith.index_cast %add3A_336 : i32 to index
      %get3A_338 = arith.constant 0 : index
      %get3A_339 = tpu.vector_load %arg5[%get3A_337, %get3A_338] {strides = array<i32>} : memref<200x128xi32, #tpu.memory_space<vmem>>, vector<16xi32>,
      %get3A_340 = arith.index_cast %add3A_336 : i32 to index
      %get3A_341 = arith.constant 16 : index
      %get3A_342 = tpu.vector_load %arg5[%get3A_340, %get3A_341] {strides = array<i32>} : memref<200x128xi32, #tpu.memory_space<vmem>>, vector<16xi32>,
      %get3A_343 = arith.index_cast %add3A_336 : i32 to index
      %get3A_344 = arith.constant 32 : index
      %get3A_345 = tpu.vector_load %arg5[%get3A_343, %get3A_344] {strides = array<i32>} : memref<200x128xi32, #tpu.memory_space<vmem>>, vector<16xi32>,
      %get3A_346 = arith.index_cast %add3A_336 : i32 to index
      %get3A_347 = arith.constant 48 : index
      %get3A_348 = tpu.vector_load %arg5[%get3A_346, %get3A_347] {strides = array<i32>} : memref<200x128xi32, #tpu.memory_space<vmem>>, vector<16xi32>,
      %get3A_349 = arith.index_cast %add3A_336 : i32 to index
      %get3A_350 = arith.constant 64 : index
      %get3A_351 = tpu.vector_load %arg5[%get3A_349, %get3A_350] {strides = array<i32>} : memref<200x128xi32, #tpu.memory_space<vmem>>, vector<16xi32>,
      %get3A_352 = arith.index_cast %add3A_336 : i32 to index
      %get3A_353 = arith.constant 80 : index
      %get3A_354 = tpu.vector_load %arg5[%get3A_352, %get3A_353] {strides = array<i32>} : memref<200x128xi32, #tpu.memory_space<vmem>>, vector<16xi32>,
      %get3A_355 = arith.index_cast %add3A_336 : i32 to index
      %get3A_356 = arith.constant 96 : index
      %get3A_357 = tpu.vector_load %arg5[%get3A_355, %get3A_356] {strides = array<i32>} : memref<200x128xi32, #tpu.memory_space<vmem>>, vector<16xi32>,
      %get3A_358 = arith.index_cast %add3A_336 : i32 to index
      %get3A_359 = arith.constant 112 : index
      %get3A_360 = tpu.vector_load %arg5[%get3A_358, %get3A_359] {strides = array<i32>} : memref<200x128xi32, #tpu.memory_space<vmem>>, vector<16xi32>,
      %parallel_loop3A_361 = arith.constant 0 : i32
      %parallel_loop3A_362 = arith.constant 64 : i32
      %parallel_loop3A_363 = arith.constant 1 : i32
      scf.for %parallel_loop3A_376 = %parallel_loop3A_361 to %parallel_loop3A_362 step %parallel_loop3A_363  : i32 {
        %parallel_loop3A_377 = vector.broadcast %parallel_loop3A_376 : i32 to vector<16xi32>
        %parallel_loop3A_378 = tpu.vector_load_idx %arg6[%parallel_loop3A_377, %get3A_339] : memref<64x1024xf32, #tpu.memory_space<vmem>>[vector<16xi32>, vector<16xi32>], vector<16xf32>,
        %parallel_loop3A_379 = arith.constant 8 : i32
        %parallel_loop3A_380 = arith.divsi %parallel_loop3A_376, %parallel_loop3A_379 : i32
        %parallel_loop3A_381 = arith.constant 0 : i32
        %parallel_loop3A_382 = arith.cmpi sgt, %parallel_loop3A_376, %parallel_loop3A_381 : i32
        %parallel_loop3A_383 = arith.extui %parallel_loop3A_382 : i1 to i32
        %parallel_loop3A_384 = arith.constant 0 : i32
        %parallel_loop3A_385 = arith.cmpi slt, %parallel_loop3A_376, %parallel_loop3A_384 : i32
        %parallel_loop3A_386 = arith.extui %parallel_loop3A_385 : i1 to i32
        %parallel_loop3A_387 = arith.subi %parallel_loop3A_383, %parallel_loop3A_386 : i32
        %parallel_loop3A_388 = arith.constant 0 : i32
        %parallel_loop3A_389 = arith.cmpi sgt, %parallel_loop3A_379, %parallel_loop3A_388 : i32
        %parallel_loop3A_390 = arith.extui %parallel_loop3A_389 : i1 to i32
        %parallel_loop3A_391 = arith.constant 0 : i32
        %parallel_loop3A_392 = arith.cmpi slt, %parallel_loop3A_379, %parallel_loop3A_391 : i32
        %parallel_loop3A_393 = arith.extui %parallel_loop3A_392 : i1 to i32
        %parallel_loop3A_394 = arith.subi %parallel_loop3A_390, %parallel_loop3A_393 : i32
        %parallel_loop3A_395 = arith.cmpi ne, %parallel_loop3A_387, %parallel_loop3A_394 : i32
        %parallel_loop3A_396 = arith.remsi %parallel_loop3A_376, %parallel_loop3A_379 : i32
        %parallel_loop3A_397 = arith.constant 0 : i32
        %parallel_loop3A_398 = arith.cmpi ne, %parallel_loop3A_396, %parallel_loop3A_397 : i32
        %parallel_loop3A_399 = arith.andi %parallel_loop3A_395, %parallel_loop3A_398 : i1
        %parallel_loop3A_400 = arith.constant 1 : i32
        %parallel_loop3A_401 = arith.subi %parallel_loop3A_380, %parallel_loop3A_400 : i32
        %parallel_loop3A_402 = arith.select %parallel_loop3A_399, %parallel_loop3A_401, %parallel_loop3A_380 : i32
        %parallel_loop3A_403 = arith.constant 8 : i32
        %parallel_loop3A_404 = arith.constant 0 : i32
        %parallel_loop3A_405 = arith.cmpi eq, %parallel_loop3A_403, %parallel_loop3A_404 : i32
        %parallel_loop3A_406 = arith.constant 1 : i32
        %parallel_loop3A_407 = arith.select %parallel_loop3A_405, %parallel_loop3A_406, %parallel_loop3A_403 : i32
        %parallel_loop3A_408 = arith.remsi %parallel_loop3A_376, %parallel_loop3A_407 : i32
        %parallel_loop3A_409 = arith.constant 0 : i32
        %parallel_loop3A_410 = arith.cmpi ne, %parallel_loop3A_408, %parallel_loop3A_409 : i32
        %parallel_loop3A_411 = arith.constant 0 : i32
        %parallel_loop3A_412 = arith.cmpi slt, %parallel_loop3A_408, %parallel_loop3A_411 : i32
        %parallel_loop3A_413 = arith.constant 0 : i32
        %parallel_loop3A_414 = arith.cmpi slt, %parallel_loop3A_407, %parallel_loop3A_413 : i32
        %parallel_loop3A_415 = arith.xori %parallel_loop3A_412, %parallel_loop3A_414 : i1
        %parallel_loop3A_416 = arith.andi %parallel_loop3A_415, %parallel_loop3A_410 : i1
        %parallel_loop3A_417 = arith.addi %parallel_loop3A_408, %parallel_loop3A_407 : i32
        %parallel_loop3A_418 = arith.select %parallel_loop3A_416, %parallel_loop3A_417, %parallel_loop3A_408 : i32
        %parallel_loop3A_419 = arith.constant 1 : i32
        %parallel_loop3A_420 = arith.index_cast %parallel_loop3A_419 : i32 to index
        %parallel_loop3A_421 = arith.index_cast %parallel_loop3A_402 : i32 to index
        %parallel_loop3A_422 = arith.index_cast %parallel_loop3A_418 : i32 to index
        %parallel_loop3A_423 = arith.constant 0 : index
        %parallel_loop3A_424 = tpu.vector_load %arg8[%parallel_loop3A_420, %parallel_loop3A_421, %parallel_loop3A_422, %parallel_loop3A_423] {strides = array<i32>} : memref<2x8x8x128xf32, #tpu.memory_space<vmem>>, vector<16xf32>,
        tpu.vector_store %arg8[%parallel_loop3A_420, %parallel_loop3A_421, %parallel_loop3A_422, %parallel_loop3A_423], %parallel_loop3A_378 {strides = array<i32>} : memref<2x8x8x128xf32, #tpu.memory_space<vmem>>, vector<16xf32>,
        %parallel_loop3A_425 = tpu.vector_load_idx %arg6[%parallel_loop3A_377, %get3A_342] : memref<64x1024xf32, #tpu.memory_space<vmem>>[vector<16xi32>, vector<16xi32>], vector<16xf32>,
        %parallel_loop3A_426 = arith.constant 8 : i32
        %parallel_loop3A_427 = arith.divsi %parallel_loop3A_376, %parallel_loop3A_426 : i32
        %parallel_loop3A_428 = arith.constant 0 : i32
        %parallel_loop3A_429 = arith.cmpi sgt, %parallel_loop3A_376, %parallel_loop3A_428 : i32
        %parallel_loop3A_430 = arith.extui %parallel_loop3A_429 : i1 to i32
        %parallel_loop3A_431 = arith.constant 0 : i32
        %parallel_loop3A_432 = arith.cmpi slt, %parallel_loop3A_376, %parallel_loop3A_431 : i32
        %parallel_loop3A_433 = arith.extui %parallel_loop3A_432 : i1 to i32
        %parallel_loop3A_434 = arith.subi %parallel_loop3A_430, %parallel_loop3A_433 : i32
        %parallel_loop3A_435 = arith.constant 0 : i32
        %parallel_loop3A_436 = arith.cmpi sgt, %parallel_loop3A_426, %parallel_loop3A_435 : i32
        %parallel_loop3A_437 = arith.extui %parallel_loop3A_436 : i1 to i32
        %parallel_loop3A_438 = arith.constant 0 : i32
        %parallel_loop3A_439 = arith.cmpi slt, %parallel_loop3A_426, %parallel_loop3A_438 : i32
        %parallel_loop3A_440 = arith.extui %parallel_loop3A_439 : i1 to i32
        %parallel_loop3A_441 = arith.subi %parallel_loop3A_437, %parallel_loop3A_440 : i32
        %parallel_loop3A_442 = arith.cmpi ne, %parallel_loop3A_434, %parallel_loop3A_441 : i32
        %parallel_loop3A_443 = arith.remsi %parallel_loop3A_376, %parallel_loop3A_426 : i32
        %parallel_loop3A_444 = arith.constant 0 : i32
        %parallel_loop3A_445 = arith.cmpi ne, %parallel_loop3A_443, %parallel_loop3A_444 : i32
        %parallel_loop3A_446 = arith.andi %parallel_loop3A_442, %parallel_loop3A_445 : i1
        %parallel_loop3A_447 = arith.constant 1 : i32
        %parallel_loop3A_448 = arith.subi %parallel_loop3A_427, %parallel_loop3A_447 : i32
        %parallel_loop3A_449 = arith.select %parallel_loop3A_446, %parallel_loop3A_448, %parallel_loop3A_427 : i32
        %parallel_loop3A_450 = arith.constant 8 : i32
        %parallel_loop3A_451 = arith.constant 0 : i32
        %parallel_loop3A_452 = arith.cmpi eq, %parallel_loop3A_450, %parallel_loop3A_451 : i32
        %parallel_loop3A_453 = arith.constant 1 : i32
        %parallel_loop3A_454 = arith.select %parallel_loop3A_452, %parallel_loop3A_453, %parallel_loop3A_450 : i32
        %parallel_loop3A_455 = arith.remsi %parallel_loop3A_376, %parallel_loop3A_454 : i32
        %parallel_loop3A_456 = arith.constant 0 : i32
        %parallel_loop3A_457 = arith.cmpi ne, %parallel_loop3A_455, %parallel_loop3A_456 : i32
        %parallel_loop3A_458 = arith.constant 0 : i32
        %parallel_loop3A_459 = arith.cmpi slt, %parallel_loop3A_455, %parallel_loop3A_458 : i32
        %parallel_loop3A_460 = arith.constant 0 : i32
        %parallel_loop3A_461 = arith.cmpi slt, %parallel_loop3A_454, %parallel_loop3A_460 : i32
        %parallel_loop3A_462 = arith.xori %parallel_loop3A_459, %parallel_loop3A_461 : i1
        %parallel_loop3A_463 = arith.andi %parallel_loop3A_462, %parallel_loop3A_457 : i1
        %parallel_loop3A_464 = arith.addi %parallel_loop3A_455, %parallel_loop3A_454 : i32
        %parallel_loop3A_465 = arith.select %parallel_loop3A_463, %parallel_loop3A_464, %parallel_loop3A_455 : i32
        %parallel_loop3A_466 = arith.constant 1 : i32
        %parallel_loop3A_467 = arith.index_cast %parallel_loop3A_466 : i32 to index
        %parallel_loop3A_468 = arith.index_cast %parallel_loop3A_449 : i32 to index
        %parallel_loop3A_469 = arith.index_cast %parallel_loop3A_465 : i32 to index
        %parallel_loop3A_470 = arith.constant 16 : index
        %parallel_loop3A_471 = tpu.vector_load %arg8[%parallel_loop3A_467, %parallel_loop3A_468, %parallel_loop3A_469, %parallel_loop3A_470] {strides = array<i32>} : memref<2x8x8x128xf32, #tpu.memory_space<vmem>>, vector<16xf32>,
        tpu.vector_store %arg8[%parallel_loop3A_467, %parallel_loop3A_468, %parallel_loop3A_469, %parallel_loop3A_470], %parallel_loop3A_425 {strides = array<i32>} : memref<2x8x8x128xf32, #tpu.memory_space<vmem>>, vector<16xf32>,
        %parallel_loop3A_472 = tpu.vector_load_idx %arg6[%parallel_loop3A_377, %get3A_345] : memref<64x1024xf32, #tpu.memory_space<vmem>>[vector<16xi32>, vector<16xi32>], vector<16xf32>,
        %parallel_loop3A_473 = arith.constant 8 : i32
        %parallel_loop3A_474 = arith.divsi %parallel_loop3A_376, %parallel_loop3A_473 : i32
        %parallel_loop3A_475 = arith.constant 0 : i32
        %parallel_loop3A_476 = arith.cmpi sgt, %parallel_loop3A_376, %parallel_loop3A_475 : i32
        %parallel_loop3A_477 = arith.extui %parallel_loop3A_476 : i1 to i32
        %parallel_loop3A_478 = arith.constant 0 : i32
        %parallel_loop3A_479 = arith.cmpi slt, %parallel_loop3A_376, %parallel_loop3A_478 : i32
        %parallel_loop3A_480 = arith.extui %parallel_loop3A_479 : i1 to i32
        %parallel_loop3A_481 = arith.subi %parallel_loop3A_477, %parallel_loop3A_480 : i32
        %parallel_loop3A_482 = arith.constant 0 : i32
        %parallel_loop3A_483 = arith.cmpi sgt, %parallel_loop3A_473, %parallel_loop3A_482 : i32
        %parallel_loop3A_484 = arith.extui %parallel_loop3A_483 : i1 to i32
        %parallel_loop3A_485 = arith.constant 0 : i32
        %parallel_loop3A_486 = arith.cmpi slt, %parallel_loop3A_473, %parallel_loop3A_485 : i32
        %parallel_loop3A_487 = arith.extui %parallel_loop3A_486 : i1 to i32
        %parallel_loop3A_488 = arith.subi %parallel_loop3A_484, %parallel_loop3A_487 : i32
        %parallel_loop3A_489 = arith.cmpi ne, %parallel_loop3A_481, %parallel_loop3A_488 : i32
        %parallel_loop3A_490 = arith.remsi %parallel_loop3A_376, %parallel_loop3A_473 : i32
        %parallel_loop3A_491 = arith.constant 0 : i32
        %parallel_loop3A_492 = arith.cmpi ne, %parallel_loop3A_490, %parallel_loop3A_491 : i32
        %parallel_loop3A_493 = arith.andi %parallel_loop3A_489, %parallel_loop3A_492 : i1
        %parallel_loop3A_494 = arith.constant 1 : i32
        %parallel_loop3A_495 = arith.subi %parallel_loop3A_474, %parallel_loop3A_494 : i32
        %parallel_loop3A_496 = arith.select %parallel_loop3A_493, %parallel_loop3A_495, %parallel_loop3A_474 : i32
        %parallel_loop3A_497 = arith.constant 8 : i32
        %parallel_loop3A_498 = arith.constant 0 : i32
        %parallel_loop3A_499 = arith.cmpi eq, %parallel_loop3A_497, %parallel_loop3A_498 : i32
        %parallel_loop3A_500 = arith.constant 1 : i32
        %parallel_loop3A_501 = arith.select %parallel_loop3A_499, %parallel_loop3A_500, %parallel_loop3A_497 : i32
        %parallel_loop3A_502 = arith.remsi %parallel_loop3A_376, %parallel_loop3A_501 : i32
        %parallel_loop3A_503 = arith.constant 0 : i32
        %parallel_loop3A_504 = arith.cmpi ne, %parallel_loop3A_502, %parallel_loop3A_503 : i32
        %parallel_loop3A_505 = arith.constant 0 : i32
        %parallel_loop3A_506 = arith.cmpi slt, %parallel_loop3A_502, %parallel_loop3A_505 : i32
        %parallel_loop3A_507 = arith.constant 0 : i32
        %parallel_loop3A_508 = arith.cmpi slt, %parallel_loop3A_501, %parallel_loop3A_507 : i32
        %parallel_loop3A_509 = arith.xori %parallel_loop3A_506, %parallel_loop3A_508 : i1
        %parallel_loop3A_510 = arith.andi %parallel_loop3A_509, %parallel_loop3A_504 : i1
        %parallel_loop3A_511 = arith.addi %parallel_loop3A_502, %parallel_loop3A_501 : i32
        %parallel_loop3A_512 = arith.select %parallel_loop3A_510, %parallel_loop3A_511, %parallel_loop3A_502 : i32
        %parallel_loop3A_513 = arith.constant 1 : i32
        %parallel_loop3A_514 = arith.index_cast %parallel_loop3A_513 : i32 to index
        %parallel_loop3A_515 = arith.index_cast %parallel_loop3A_496 : i32 to index
        %parallel_loop3A_516 = arith.index_cast %parallel_loop3A_512 : i32 to index
        %parallel_loop3A_517 = arith.constant 32 : index
        %parallel_loop3A_518 = tpu.vector_load %arg8[%parallel_loop3A_514, %parallel_loop3A_515, %parallel_loop3A_516, %parallel_loop3A_517] {strides = array<i32>} : memref<2x8x8x128xf32, #tpu.memory_space<vmem>>, vector<16xf32>,
        tpu.vector_store %arg8[%parallel_loop3A_514, %parallel_loop3A_515, %parallel_loop3A_516, %parallel_loop3A_517], %parallel_loop3A_472 {strides = array<i32>} : memref<2x8x8x128xf32, #tpu.memory_space<vmem>>, vector<16xf32>,
        %parallel_loop3A_519 = tpu.vector_load_idx %arg6[%parallel_loop3A_377, %get3A_348] : memref<64x1024xf32, #tpu.memory_space<vmem>>[vector<16xi32>, vector<16xi32>], vector<16xf32>,
        %parallel_loop3A_520 = arith.constant 8 : i32
        %parallel_loop3A_521 = arith.divsi %parallel_loop3A_376, %parallel_loop3A_520 : i32
        %parallel_loop3A_522 = arith.constant 0 : i32
        %parallel_loop3A_523 = arith.cmpi sgt, %parallel_loop3A_376, %parallel_loop3A_522 : i32
        %parallel_loop3A_524 = arith.extui %parallel_loop3A_523 : i1 to i32
        %parallel_loop3A_525 = arith.constant 0 : i32
        %parallel_loop3A_526 = arith.cmpi slt, %parallel_loop3A_376, %parallel_loop3A_525 : i32
        %parallel_loop3A_527 = arith.extui %parallel_loop3A_526 : i1 to i32
        %parallel_loop3A_528 = arith.subi %parallel_loop3A_524, %parallel_loop3A_527 : i32
        %parallel_loop3A_529 = arith.constant 0 : i32
        %parallel_loop3A_530 = arith.cmpi sgt, %parallel_loop3A_520, %parallel_loop3A_529 : i32
        %parallel_loop3A_531 = arith.extui %parallel_loop3A_530 : i1 to i32
        %parallel_loop3A_532 = arith.constant 0 : i32
        %parallel_loop3A_533 = arith.cmpi slt, %parallel_loop3A_520, %parallel_loop3A_532 : i32
        %parallel_loop3A_534 = arith.extui %parallel_loop3A_533 : i1 to i32
        %parallel_loop3A_535 = arith.subi %parallel_loop3A_531, %parallel_loop3A_534 : i32
        %parallel_loop3A_536 = arith.cmpi ne, %parallel_loop3A_528, %parallel_loop3A_535 : i32
        %parallel_loop3A_537 = arith.remsi %parallel_loop3A_376, %parallel_loop3A_520 : i32
        %parallel_loop3A_538 = arith.constant 0 : i32
        %parallel_loop3A_539 = arith.cmpi ne, %parallel_loop3A_537, %parallel_loop3A_538 : i32
        %parallel_loop3A_540 = arith.andi %parallel_loop3A_536, %parallel_loop3A_539 : i1
        %parallel_loop3A_541 = arith.constant 1 : i32
        %parallel_loop3A_542 = arith.subi %parallel_loop3A_521, %parallel_loop3A_541 : i32
        %parallel_loop3A_543 = arith.select %parallel_loop3A_540, %parallel_loop3A_542, %parallel_loop3A_521 : i32
        %parallel_loop3A_544 = arith.constant 8 : i32
        %parallel_loop3A_545 = arith.constant 0 : i32
        %parallel_loop3A_546 = arith.cmpi eq, %parallel_loop3A_544, %parallel_loop3A_545 : i32
        %parallel_loop3A_547 = arith.constant 1 : i32
        %parallel_loop3A_548 = arith.select %parallel_loop3A_546, %parallel_loop3A_547, %parallel_loop3A_544 : i32
        %parallel_loop3A_549 = arith.remsi %parallel_loop3A_376, %parallel_loop3A_548 : i32
        %parallel_loop3A_550 = arith.constant 0 : i32
        %parallel_loop3A_551 = arith.cmpi ne, %parallel_loop3A_549, %parallel_loop3A_550 : i32
        %parallel_loop3A_552 = arith.constant 0 : i32
        %parallel_loop3A_553 = arith.cmpi slt, %parallel_loop3A_549, %parallel_loop3A_552 : i32
        %parallel_loop3A_554 = arith.constant 0 : i32
        %parallel_loop3A_555 = arith.cmpi slt, %parallel_loop3A_548, %parallel_loop3A_554 : i32
        %parallel_loop3A_556 = arith.xori %parallel_loop3A_553, %parallel_loop3A_555 : i1
        %parallel_loop3A_557 = arith.andi %parallel_loop3A_556, %parallel_loop3A_551 : i1
        %parallel_loop3A_558 = arith.addi %parallel_loop3A_549, %parallel_loop3A_548 : i32
        %parallel_loop3A_559 = arith.select %parallel_loop3A_557, %parallel_loop3A_558, %parallel_loop3A_549 : i32
        %parallel_loop3A_560 = arith.constant 1 : i32
        %parallel_loop3A_561 = arith.index_cast %parallel_loop3A_560 : i32 to index
        %parallel_loop3A_562 = arith.index_cast %parallel_loop3A_543 : i32 to index
        %parallel_loop3A_563 = arith.index_cast %parallel_loop3A_559 : i32 to index
        %parallel_loop3A_564 = arith.constant 48 : index
        %parallel_loop3A_565 = tpu.vector_load %arg8[%parallel_loop3A_561, %parallel_loop3A_562, %parallel_loop3A_563, %parallel_loop3A_564] {strides = array<i32>} : memref<2x8x8x128xf32, #tpu.memory_space<vmem>>, vector<16xf32>,
        tpu.vector_store %arg8[%parallel_loop3A_561, %parallel_loop3A_562, %parallel_loop3A_563, %parallel_loop3A_564], %parallel_loop3A_519 {strides = array<i32>} : memref<2x8x8x128xf32, #tpu.memory_space<vmem>>, vector<16xf32>,
        %parallel_loop3A_566 = tpu.vector_load_idx %arg6[%parallel_loop3A_377, %get3A_351] : memref<64x1024xf32, #tpu.memory_space<vmem>>[vector<16xi32>, vector<16xi32>], vector<16xf32>,
        %parallel_loop3A_567 = arith.constant 8 : i32
        %parallel_loop3A_568 = arith.divsi %parallel_loop3A_376, %parallel_loop3A_567 : i32
        %parallel_loop3A_569 = arith.constant 0 : i32
        %parallel_loop3A_570 = arith.cmpi sgt, %parallel_loop3A_376, %parallel_loop3A_569 : i32
        %parallel_loop3A_571 = arith.extui %parallel_loop3A_570 : i1 to i32
        %parallel_loop3A_572 = arith.constant 0 : i32
        %parallel_loop3A_573 = arith.cmpi slt, %parallel_loop3A_376, %parallel_loop3A_572 : i32
        %parallel_loop3A_574 = arith.extui %parallel_loop3A_573 : i1 to i32
        %parallel_loop3A_575 = arith.subi %parallel_loop3A_571, %parallel_loop3A_574 : i32
        %parallel_loop3A_576 = arith.constant 0 : i32
        %parallel_loop3A_577 = arith.cmpi sgt, %parallel_loop3A_567, %parallel_loop3A_576 : i32
        %parallel_loop3A_578 = arith.extui %parallel_loop3A_577 : i1 to i32
        %parallel_loop3A_579 = arith.constant 0 : i32
        %parallel_loop3A_580 = arith.cmpi slt, %parallel_loop3A_567, %parallel_loop3A_579 : i32
        %parallel_loop3A_581 = arith.extui %parallel_loop3A_580 : i1 to i32
        %parallel_loop3A_582 = arith.subi %parallel_loop3A_578, %parallel_loop3A_581 : i32
        %parallel_loop3A_583 = arith.cmpi ne, %parallel_loop3A_575, %parallel_loop3A_582 : i32
        %parallel_loop3A_584 = arith.remsi %parallel_loop3A_376, %parallel_loop3A_567 : i32
        %parallel_loop3A_585 = arith.constant 0 : i32
        %parallel_loop3A_586 = arith.cmpi ne, %parallel_loop3A_584, %parallel_loop3A_585 : i32
        %parallel_loop3A_587 = arith.andi %parallel_loop3A_583, %parallel_loop3A_586 : i1
        %parallel_loop3A_588 = arith.constant 1 : i32
        %parallel_loop3A_589 = arith.subi %parallel_loop3A_568, %parallel_loop3A_588 : i32
        %parallel_loop3A_590 = arith.select %parallel_loop3A_587, %parallel_loop3A_589, %parallel_loop3A_568 : i32
        %parallel_loop3A_591 = arith.constant 8 : i32
        %parallel_loop3A_592 = arith.constant 0 : i32
        %parallel_loop3A_593 = arith.cmpi eq, %parallel_loop3A_591, %parallel_loop3A_592 : i32
        %parallel_loop3A_594 = arith.constant 1 : i32
        %parallel_loop3A_595 = arith.select %parallel_loop3A_593, %parallel_loop3A_594, %parallel_loop3A_591 : i32
        %parallel_loop3A_596 = arith.remsi %parallel_loop3A_376, %parallel_loop3A_595 : i32
        %parallel_loop3A_597 = arith.constant 0 : i32
        %parallel_loop3A_598 = arith.cmpi ne, %parallel_loop3A_596, %parallel_loop3A_597 : i32
        %parallel_loop3A_599 = arith.constant 0 : i32
        %parallel_loop3A_600 = arith.cmpi slt, %parallel_loop3A_596, %parallel_loop3A_599 : i32
        %parallel_loop3A_601 = arith.constant 0 : i32
        %parallel_loop3A_602 = arith.cmpi slt, %parallel_loop3A_595, %parallel_loop3A_601 : i32
        %parallel_loop3A_603 = arith.xori %parallel_loop3A_600, %parallel_loop3A_602 : i1
        %parallel_loop3A_604 = arith.andi %parallel_loop3A_603, %parallel_loop3A_598 : i1
        %parallel_loop3A_605 = arith.addi %parallel_loop3A_596, %parallel_loop3A_595 : i32
        %parallel_loop3A_606 = arith.select %parallel_loop3A_604, %parallel_loop3A_605, %parallel_loop3A_596 : i32
        %parallel_loop3A_607 = arith.constant 1 : i32
        %parallel_loop3A_608 = arith.index_cast %parallel_loop3A_607 : i32 to index
        %parallel_loop3A_609 = arith.index_cast %parallel_loop3A_590 : i32 to index
        %parallel_loop3A_610 = arith.index_cast %parallel_loop3A_606 : i32 to index
        %parallel_loop3A_611 = arith.constant 64 : index
        %parallel_loop3A_612 = tpu.vector_load %arg8[%parallel_loop3A_608, %parallel_loop3A_609, %parallel_loop3A_610, %parallel_loop3A_611] {strides = array<i32>} : memref<2x8x8x128xf32, #tpu.memory_space<vmem>>, vector<16xf32>,
        tpu.vector_store %arg8[%parallel_loop3A_608, %parallel_loop3A_609, %parallel_loop3A_610, %parallel_loop3A_611], %parallel_loop3A_566 {strides = array<i32>} : memref<2x8x8x128xf32, #tpu.memory_space<vmem>>, vector<16xf32>,
        %parallel_loop3A_613 = tpu.vector_load_idx %arg6[%parallel_loop3A_377, %get3A_354] : memref<64x1024xf32, #tpu.memory_space<vmem>>[vector<16xi32>, vector<16xi32>], vector<16xf32>,
        %parallel_loop3A_614 = arith.constant 8 : i32
        %parallel_loop3A_615 = arith.divsi %parallel_loop3A_376, %parallel_loop3A_614 : i32
        %parallel_loop3A_616 = arith.constant 0 : i32
        %parallel_loop3A_617 = arith.cmpi sgt, %parallel_loop3A_376, %parallel_loop3A_616 : i32
        %parallel_loop3A_618 = arith.extui %parallel_loop3A_617 : i1 to i32
        %parallel_loop3A_619 = arith.constant 0 : i32
        %parallel_loop3A_620 = arith.cmpi slt, %parallel_loop3A_376, %parallel_loop3A_619 : i32
        %parallel_loop3A_621 = arith.extui %parallel_loop3A_620 : i1 to i32
        %parallel_loop3A_622 = arith.subi %parallel_loop3A_618, %parallel_loop3A_621 : i32
        %parallel_loop3A_623 = arith.constant 0 : i32
        %parallel_loop3A_624 = arith.cmpi sgt, %parallel_loop3A_614, %parallel_loop3A_623 : i32
        %parallel_loop3A_625 = arith.extui %parallel_loop3A_624 : i1 to i32
        %parallel_loop3A_626 = arith.constant 0 : i32
        %parallel_loop3A_627 = arith.cmpi slt, %parallel_loop3A_614, %parallel_loop3A_626 : i32
        %parallel_loop3A_628 = arith.extui %parallel_loop3A_627 : i1 to i32
        %parallel_loop3A_629 = arith.subi %parallel_loop3A_625, %parallel_loop3A_628 : i32
        %parallel_loop3A_630 = arith.cmpi ne, %parallel_loop3A_622, %parallel_loop3A_629 : i32
        %parallel_loop3A_631 = arith.remsi %parallel_loop3A_376, %parallel_loop3A_614 : i32
        %parallel_loop3A_632 = arith.constant 0 : i32
        %parallel_loop3A_633 = arith.cmpi ne, %parallel_loop3A_631, %parallel_loop3A_632 : i32
        %parallel_loop3A_634 = arith.andi %parallel_loop3A_630, %parallel_loop3A_633 : i1
        %parallel_loop3A_635 = arith.constant 1 : i32
        %parallel_loop3A_636 = arith.subi %parallel_loop3A_615, %parallel_loop3A_635 : i32
        %parallel_loop3A_637 = arith.select %parallel_loop3A_634, %parallel_loop3A_636, %parallel_loop3A_615 : i32
        %parallel_loop3A_638 = arith.constant 8 : i32
        %parallel_loop3A_639 = arith.constant 0 : i32
        %parallel_loop3A_640 = arith.cmpi eq, %parallel_loop3A_638, %parallel_loop3A_639 : i32
        %parallel_loop3A_641 = arith.constant 1 : i32
        %parallel_loop3A_642 = arith.select %parallel_loop3A_640, %parallel_loop3A_641, %parallel_loop3A_638 : i32
        %parallel_loop3A_643 = arith.remsi %parallel_loop3A_376, %parallel_loop3A_642 : i32
        %parallel_loop3A_644 = arith.constant 0 : i32
        %parallel_loop3A_645 = arith.cmpi ne, %parallel_loop3A_643, %parallel_loop3A_644 : i32
        %parallel_loop3A_646 = arith.constant 0 : i32
        %parallel_loop3A_647 = arith.cmpi slt, %parallel_loop3A_643, %parallel_loop3A_646 : i32
        %parallel_loop3A_648 = arith.constant 0 : i32
        %parallel_loop3A_649 = arith.cmpi slt, %parallel_loop3A_642, %parallel_loop3A_648 : i32
        %parallel_loop3A_650 = arith.xori %parallel_loop3A_647, %parallel_loop3A_649 : i1
        %parallel_loop3A_651 = arith.andi %parallel_loop3A_650, %parallel_loop3A_645 : i1
        %parallel_loop3A_652 = arith.addi %parallel_loop3A_643, %parallel_loop3A_642 : i32
        %parallel_loop3A_653 = arith.select %parallel_loop3A_651, %parallel_loop3A_652, %parallel_loop3A_643 : i32
        %parallel_loop3A_654 = arith.constant 1 : i32
        %parallel_loop3A_655 = arith.index_cast %parallel_loop3A_654 : i32 to index
        %parallel_loop3A_656 = arith.index_cast %parallel_loop3A_637 : i32 to index
        %parallel_loop3A_657 = arith.index_cast %parallel_loop3A_653 : i32 to index
        %parallel_loop3A_658 = arith.constant 80 : index
        %parallel_loop3A_659 = tpu.vector_load %arg8[%parallel_loop3A_655, %parallel_loop3A_656, %parallel_loop3A_657, %parallel_loop3A_658] {strides = array<i32>} : memref<2x8x8x128xf32, #tpu.memory_space<vmem>>, vector<16xf32>,
        tpu.vector_store %arg8[%parallel_loop3A_655, %parallel_loop3A_656, %parallel_loop3A_657, %parallel_loop3A_658], %parallel_loop3A_613 {strides = array<i32>} : memref<2x8x8x128xf32, #tpu.memory_space<vmem>>, vector<16xf32>,
        %parallel_loop3A_660 = tpu.vector_load_idx %arg6[%parallel_loop3A_377, %get3A_357] : memref<64x1024xf32, #tpu.memory_space<vmem>>[vector<16xi32>, vector<16xi32>], vector<16xf32>,
        %parallel_loop3A_661 = arith.constant 8 : i32
        %parallel_loop3A_662 = arith.divsi %parallel_loop3A_376, %parallel_loop3A_661 : i32
        %parallel_loop3A_663 = arith.constant 0 : i32
        %parallel_loop3A_664 = arith.cmpi sgt, %parallel_loop3A_376, %parallel_loop3A_663 : i32
        %parallel_loop3A_665 = arith.extui %parallel_loop3A_664 : i1 to i32
        %parallel_loop3A_666 = arith.constant 0 : i32
        %parallel_loop3A_667 = arith.cmpi slt, %parallel_loop3A_376, %parallel_loop3A_666 : i32
        %parallel_loop3A_668 = arith.extui %parallel_loop3A_667 : i1 to i32
        %parallel_loop3A_669 = arith.subi %parallel_loop3A_665, %parallel_loop3A_668 : i32
        %parallel_loop3A_670 = arith.constant 0 : i32
        %parallel_loop3A_671 = arith.cmpi sgt, %parallel_loop3A_661, %parallel_loop3A_670 : i32
        %parallel_loop3A_672 = arith.extui %parallel_loop3A_671 : i1 to i32
        %parallel_loop3A_673 = arith.constant 0 : i32
        %parallel_loop3A_674 = arith.cmpi slt, %parallel_loop3A_661, %parallel_loop3A_673 : i32
        %parallel_loop3A_675 = arith.extui %parallel_loop3A_674 : i1 to i32
        %parallel_loop3A_676 = arith.subi %parallel_loop3A_672, %parallel_loop3A_675 : i32
        %parallel_loop3A_677 = arith.cmpi ne, %parallel_loop3A_669, %parallel_loop3A_676 : i32
        %parallel_loop3A_678 = arith.remsi %parallel_loop3A_376, %parallel_loop3A_661 : i32
        %parallel_loop3A_679 = arith.constant 0 : i32
        %parallel_loop3A_680 = arith.cmpi ne, %parallel_loop3A_678, %parallel_loop3A_679 : i32
        %parallel_loop3A_681 = arith.andi %parallel_loop3A_677, %parallel_loop3A_680 : i1
        %parallel_loop3A_682 = arith.constant 1 : i32
        %parallel_loop3A_683 = arith.subi %parallel_loop3A_662, %parallel_loop3A_682 : i32
        %parallel_loop3A_684 = arith.select %parallel_loop3A_681, %parallel_loop3A_683, %parallel_loop3A_662 : i32
        %parallel_loop3A_685 = arith.constant 8 : i32
        %parallel_loop3A_686 = arith.constant 0 : i32
        %parallel_loop3A_687 = arith.cmpi eq, %parallel_loop3A_685, %parallel_loop3A_686 : i32
        %parallel_loop3A_688 = arith.constant 1 : i32
        %parallel_loop3A_689 = arith.select %parallel_loop3A_687, %parallel_loop3A_688, %parallel_loop3A_685 : i32
        %parallel_loop3A_690 = arith.remsi %parallel_loop3A_376, %parallel_loop3A_689 : i32
        %parallel_loop3A_691 = arith.constant 0 : i32
        %parallel_loop3A_692 = arith.cmpi ne, %parallel_loop3A_690, %parallel_loop3A_691 : i32
        %parallel_loop3A_693 = arith.constant 0 : i32
        %parallel_loop3A_694 = arith.cmpi slt, %parallel_loop3A_690, %parallel_loop3A_693 : i32
        %parallel_loop3A_695 = arith.constant 0 : i32
        %parallel_loop3A_696 = arith.cmpi slt, %parallel_loop3A_689, %parallel_loop3A_695 : i32
        %parallel_loop3A_697 = arith.xori %parallel_loop3A_694, %parallel_loop3A_696 : i1
        %parallel_loop3A_698 = arith.andi %parallel_loop3A_697, %parallel_loop3A_692 : i1
        %parallel_loop3A_699 = arith.addi %parallel_loop3A_690, %parallel_loop3A_689 : i32
        %parallel_loop3A_700 = arith.select %parallel_loop3A_698, %parallel_loop3A_699, %parallel_loop3A_690 : i32
        %parallel_loop3A_701 = arith.constant 1 : i32
        %parallel_loop3A_702 = arith.index_cast %parallel_loop3A_701 : i32 to index
        %parallel_loop3A_703 = arith.index_cast %parallel_loop3A_684 : i32 to index
        %parallel_loop3A_704 = arith.index_cast %parallel_loop3A_700 : i32 to index
        %parallel_loop3A_705 = arith.constant 96 : index
        %parallel_loop3A_706 = tpu.vector_load %arg8[%parallel_loop3A_702, %parallel_loop3A_703, %parallel_loop3A_704, %parallel_loop3A_705] {strides = array<i32>} : memref<2x8x8x128xf32, #tpu.memory_space<vmem>>, vector<16xf32>,
        tpu.vector_store %arg8[%parallel_loop3A_702, %parallel_loop3A_703, %parallel_loop3A_704, %parallel_loop3A_705], %parallel_loop3A_660 {strides = array<i32>} : memref<2x8x8x128xf32, #tpu.memory_space<vmem>>, vector<16xf32>,
        %parallel_loop3A_707 = tpu.vector_load_idx %arg6[%parallel_loop3A_377, %get3A_360] : memref<64x1024xf32, #tpu.memory_space<vmem>>[vector<16xi32>, vector<16xi32>], vector<16xf32>,
        %parallel_loop3A_708 = arith.constant 8 : i32
        %parallel_loop3A_709 = arith.divsi %parallel_loop3A_376, %parallel_loop3A_708 : i32
        %parallel_loop3A_710 = arith.constant 0 : i32
        %parallel_loop3A_711 = arith.cmpi sgt, %parallel_loop3A_376, %parallel_loop3A_710 : i32
        %parallel_loop3A_712 = arith.extui %parallel_loop3A_711 : i1 to i32
        %parallel_loop3A_713 = arith.constant 0 : i32
        %parallel_loop3A_714 = arith.cmpi slt, %parallel_loop3A_376, %parallel_loop3A_713 : i32
        %parallel_loop3A_715 = arith.extui %parallel_loop3A_714 : i1 to i32
        %parallel_loop3A_716 = arith.subi %parallel_loop3A_712, %parallel_loop3A_715 : i32
        %parallel_loop3A_717 = arith.constant 0 : i32
        %parallel_loop3A_718 = arith.cmpi sgt, %parallel_loop3A_708, %parallel_loop3A_717 : i32
        %parallel_loop3A_719 = arith.extui %parallel_loop3A_718 : i1 to i32
        %parallel_loop3A_720 = arith.constant 0 : i32
        %parallel_loop3A_721 = arith.cmpi slt, %parallel_loop3A_708, %parallel_loop3A_720 : i32
        %parallel_loop3A_722 = arith.extui %parallel_loop3A_721 : i1 to i32
        %parallel_loop3A_723 = arith.subi %parallel_loop3A_719, %parallel_loop3A_722 : i32
        %parallel_loop3A_724 = arith.cmpi ne, %parallel_loop3A_716, %parallel_loop3A_723 : i32
        %parallel_loop3A_725 = arith.remsi %parallel_loop3A_376, %parallel_loop3A_708 : i32
        %parallel_loop3A_726 = arith.constant 0 : i32
        %parallel_loop3A_727 = arith.cmpi ne, %parallel_loop3A_725, %parallel_loop3A_726 : i32
        %parallel_loop3A_728 = arith.andi %parallel_loop3A_724, %parallel_loop3A_727 : i1
        %parallel_loop3A_729 = arith.constant 1 : i32
        %parallel_loop3A_730 = arith.subi %parallel_loop3A_709, %parallel_loop3A_729 : i32
        %parallel_loop3A_731 = arith.select %parallel_loop3A_728, %parallel_loop3A_730, %parallel_loop3A_709 : i32
        %parallel_loop3A_732 = arith.constant 8 : i32
        %parallel_loop3A_733 = arith.constant 0 : i32
        %parallel_loop3A_734 = arith.cmpi eq, %parallel_loop3A_732, %parallel_loop3A_733 : i32
        %parallel_loop3A_735 = arith.constant 1 : i32
        %parallel_loop3A_736 = arith.select %parallel_loop3A_734, %parallel_loop3A_735, %parallel_loop3A_732 : i32
        %parallel_loop3A_737 = arith.remsi %parallel_loop3A_376, %parallel_loop3A_736 : i32
        %parallel_loop3A_738 = arith.constant 0 : i32
        %parallel_loop3A_739 = arith.cmpi ne, %parallel_loop3A_737, %parallel_loop3A_738 : i32
        %parallel_loop3A_740 = arith.constant 0 : i32
        %parallel_loop3A_741 = arith.cmpi slt, %parallel_loop3A_737, %parallel_loop3A_740 : i32
        %parallel_loop3A_742 = arith.constant 0 : i32
        %parallel_loop3A_743 = arith.cmpi slt, %parallel_loop3A_736, %parallel_loop3A_742 : i32
        %parallel_loop3A_744 = arith.xori %parallel_loop3A_741, %parallel_loop3A_743 : i1
        %parallel_loop3A_745 = arith.andi %parallel_loop3A_744, %parallel_loop3A_739 : i1
        %parallel_loop3A_746 = arith.addi %parallel_loop3A_737, %parallel_loop3A_736 : i32
        %parallel_loop3A_747 = arith.select %parallel_loop3A_745, %parallel_loop3A_746, %parallel_loop3A_737 : i32
        %parallel_loop3A_748 = arith.constant 1 : i32
        %parallel_loop3A_749 = arith.index_cast %parallel_loop3A_748 : i32 to index
        %parallel_loop3A_750 = arith.index_cast %parallel_loop3A_731 : i32 to index
        %parallel_loop3A_751 = arith.index_cast %parallel_loop3A_747 : i32 to index
        %parallel_loop3A_752 = arith.constant 112 : index
        %parallel_loop3A_753 = tpu.vector_load %arg8[%parallel_loop3A_749, %parallel_loop3A_750, %parallel_loop3A_751, %parallel_loop3A_752] {strides = array<i32>} : memref<2x8x8x128xf32, #tpu.memory_space<vmem>>, vector<16xf32>,
        tpu.vector_store %arg8[%parallel_loop3A_749, %parallel_loop3A_750, %parallel_loop3A_751, %parallel_loop3A_752], %parallel_loop3A_707 {strides = array<i32>} : memref<2x8x8x128xf32, #tpu.memory_space<vmem>>, vector<16xf32>,
      } {sc.loop_unroll_factor = 4 : i64, sc.parallel_access}
      %mul3A_364 = arith.constant 2 : i32
      %mul3A_365 = arith.muli %mul3A_364, %add3A_287 : i32
      %dma_start3A_366 = arith.constant 0 : i32
      %dma_start3A_367 = arith.constant 0 : i32
      %dma_start3A_368 = arith.constant 0 : i32
      %dma_start3A_369 = tpu.memref_slice %arg4[%mul3A_365, %dma_start3A_366, %add3A, %dma_start3A_367, %dma_start3A_368] : memref<200x8x32x8x128xf32, #tpu.memory_space<hbm>> -> memref<2x8x1x8x128xf32, #tpu.memory_space<hbm>>
      %dma_start3A_370 = tpu.memref_squeeze %dma_start3A_369 : memref<2x8x1x8x128xf32, #tpu.memory_space<hbm>> -> memref<2x8x8x128xf32, #tpu.memory_space<hbm>>
      %dma_start3A_371 = arith.constant 0 : i32
      %dma_start3A_372 = arith.constant 0 : i32
      %dma_start3A_373 = arith.constant 0 : i32
      %dma_start3A_374 = tpu.memref_slice %arg4[%mul3A_365, %dma_start3A_371, %add3A, %dma_start3A_372, %dma_start3A_373] : memref<200x8x32x8x128xf32, #tpu.memory_space<hbm>> -> memref<2x8x1x8x128xf32, #tpu.memory_space<hbm>>
      %dma_start3A_375 = tpu.memref_squeeze %dma_start3A_374 : memref<2x8x1x8x128xf32, #tpu.memory_space<hbm>> -> memref<2x8x8x128xf32, #tpu.memory_space<hbm>>
      tpu.enqueue_dma source(%arg8 : memref<2x8x8x128xf32, #tpu.memory_space<vmem>>) target(%dma_start3A_375 : memref<2x8x8x128xf32, #tpu.memory_space<hbm>>) target_semaphore(%arg10 : memref<!tpu.dma_semaphore, #tpu.memory_space<semaphore_mem>>)
    }
    %scan3A_168 = arith.constant 49 : i32
    %dma_wait3A = arith.constant 196 : i32
    %dma_wait3A_169 = arith.constant 0 : i32
    %dma_wait3A_170 = arith.constant 0 : i32
    %dma_wait3A_171 = arith.constant 0 : i32
    %dma_wait3A_172 = tpu.memref_slice %arg4[%dma_wait3A, %dma_wait3A_169, %add3A, %dma_wait3A_170, %dma_wait3A_171] : memref<200x8x32x8x128xf32, #tpu.memory_space<hbm>> -> memref<2x8x1x8x128xf32, #tpu.memory_space<hbm>>
    %dma_wait3A_173 = tpu.memref_squeeze %dma_wait3A_172 : memref<2x8x1x8x128xf32, #tpu.memory_space<hbm>> -> memref<2x8x8x128xf32, #tpu.memory_space<hbm>>
    %dma_wait3A_174 = arith.constant 196 : i32
    %dma_wait3A_175 = arith.constant 0 : i32
    %dma_wait3A_176 = arith.constant 0 : i32
    %dma_wait3A_177 = arith.constant 0 : i32
    %dma_wait3A_178 = tpu.memref_slice %arg4[%dma_wait3A_174, %dma_wait3A_175, %add3A, %dma_wait3A_176, %dma_wait3A_177] : memref<200x8x32x8x128xf32, #tpu.memory_space<hbm>> -> memref<2x8x1x8x128xf32, #tpu.memory_space<hbm>>
    %dma_wait3A_179 = tpu.memref_squeeze %dma_wait3A_178 : memref<2x8x1x8x128xf32, #tpu.memory_space<hbm>> -> memref<2x8x8x128xf32, #tpu.memory_space<hbm>>
    tpu.wait_dma2 semaphore(%arg9 : memref<!tpu.dma_semaphore, #tpu.memory_space<semaphore_mem>>) src(%arg7 : memref<2x8x8x128xf32, #tpu.memory_space<vmem>>) dst(%dma_wait3A_179 : memref<2x8x8x128xf32, #tpu.memory_space<hbm>>)
    %dma_wait3A_180 = arith.constant 198 : i32
    %dma_wait3A_181 = arith.constant 0 : i32
    %dma_wait3A_182 = arith.constant 0 : i32
    %dma_wait3A_183 = arith.constant 0 : i32
    %dma_wait3A_184 = tpu.memref_slice %arg4[%dma_wait3A_180, %dma_wait3A_181, %add3A, %dma_wait3A_182, %dma_wait3A_183] : memref<200x8x32x8x128xf32, #tpu.memory_space<hbm>> -> memref<2x8x1x8x128xf32, #tpu.memory_space<hbm>>
    %dma_wait3A_185 = tpu.memref_squeeze %dma_wait3A_184 : memref<2x8x1x8x128xf32, #tpu.memory_space<hbm>> -> memref<2x8x8x128xf32, #tpu.memory_space<hbm>>
    %dma_wait3A_186 = arith.constant 198 : i32
    %dma_wait3A_187 = arith.constant 0 : i32
    %dma_wait3A_188 = arith.constant 0 : i32
    %dma_wait3A_189 = arith.constant 0 : i32
    %dma_wait3A_190 = tpu.memref_slice %arg4[%dma_wait3A_186, %dma_wait3A_187, %add3A, %dma_wait3A_188, %dma_wait3A_189] : memref<200x8x32x8x128xf32, #tpu.memory_space<hbm>> -> memref<2x8x1x8x128xf32, #tpu.memory_space<hbm>>
    %dma_wait3A_191 = tpu.memref_squeeze %dma_wait3A_190 : memref<2x8x1x8x128xf32, #tpu.memory_space<hbm>> -> memref<2x8x8x128xf32, #tpu.memory_space<hbm>>
    tpu.wait_dma2 semaphore(%arg10 : memref<!tpu.dma_semaphore, #tpu.memory_space<semaphore_mem>>) src(%arg8 : memref<2x8x8x128xf32, #tpu.memory_space<vmem>>) dst(%dma_wait3A_191 : memref<2x8x8x128xf32, #tpu.memory_space<hbm>>)
    return
  }
}

</mosaic_0001>

<sc_bundles>
// kernel: kernel.3.cloned.1.call-start
scs
__scs_entry_jumppad:
0x0: {  	(pc) =	sbr.rel $0x88, $3  }
0x1: {  	(tag) =	ssettag $0x0;
	lr =	simm.s32 $0x1  }
0x2: {  	[smem:$0x3F9F] =	sst lr;
	_ =	strace $0xD0000000  }
0x3: {  	_ = 	snop  }
0x4: {  	_ = 	snop  }
0x5: {  	_ = 	snop  }
0x6: {  	_ = 	snop  }
0x7: {  	_ = 	snop  }
__scs_overlays_trampoline_lowered:
0x8: {  	[smem:$0x3FAE] =	sst s0  }
0x9: {  	[smem:$0x3FAF] =	sst s1  }
0xa: {  	[smem:$0x3FB0] =	sst s2  }
0xb: {  	[smem:$0x3FB1] =	sst s3  }
0xc: {  	[smem:$0x3FB2] =	sst s4  }
0xd: {  	[smem:$0x3FB3] =	sst s5  }
0xe: {  	[smem:$0x3FB4] =	sst s6  }
0xf: {  	[smem:$0x3FB5] =	sst s7  }
0x10: {  	[smem:$0x3FB6] =	sst s8  }
0x11: {  	[smem:$0x3FB7] =	sst s9;
	s0 =	simm.s32 @!p0 $0x0  }
0x12: {  	s1 =	sld [smem:$0x3F9D];
	s0 =	simm.s32 @p0 $0x1  }
0x13: {  	[smem:$0x3FB8] =	sst s0;
	s0 =	simm.s32 @!p1 $0x0  }
0x14: {  	s2 =	sld [smem:$0x3F9C];
	s0 =	simm.s32 @p1 $0x1  }
0x15: {  	[smem:$0x3FB9] =	sst s0;
	s0 =	simm.s32 @!p2 $0x0  }
0x16: {  	s3 =	sld [smem:$0x3FDB];
	s0 =	simm.s32 @p2 $0x1  }
0x17: {  	s4 =	simm.s32 $0x1BF5;
	[smem:$0x3FBB] =	sst s0  }
0x18: {  	s0 =	sld [smem:$0x3F9E];
	_ =	swait.ge [sflag:s4], $0x0  }
0x19: {  	s7 =	sld [smem:$0x3F9F]  }
0x1a: {  	s8 =	sadd.s32 $0xFFFFE003, lr  }
0x1b: {  	s9 =	sadd.s32 $0xFFFFFEF7, lr;
	s5 =	simm.s32 $0xFFFFFFFF;
	p2 =	slt.u32 s8, $0xFFFFF086  }
0x1c: {  	p1 =	slt.u32 s9, $0xF7A;
	s5 =	simm.s32 @!p2 $0x0  }
0x1d: {  	s5 =	simm.s32 @p1 $0x1;
	p0 =	seq.s32 s7, s2  }
0x1e: {  	s7 =	smul.u32 @!p0 $0xF7A, s2;
	p2 =	seq.s32 @!p0 s5, $0x0  }
0x1f: {  	s9 =	smul.u32 $0xF7A, s1;
	s8 =	simm.s32 @!p0 $0x1BF5;
	p2 =	por !p2, p0  }
0x20: {  	[sflag:s8] =	ssyncset.s32 @!p0 $0xFFFFF086;
	s6 =	sadd.s32 @!p0 s3, s7;
	s7 =	simm.s32 @!p0 $0x108  }
0x21: {  	s3 =	sadd.s32 s3, s9;
	s6 =	sadd.s32 @!p0 $0x88, s6;
	s7 =	simm.s32 @p2 $0x1082  }
0x22: {  	[simem:s7], [sflag:s8] =	dma.local @!p0 [hbm:s6], $0xF7A  }
0x23: {  	s9 =	sor.u32 $0xD0000000, s2;
	s6 =	simm.s32 $0x108;
	_ =	swait.ge @!p0 [sflag:s8], $0x0  }
0x24: {  	s3 =	sadd.s32 $0x88, s3;
	s6 =	simm.s32 @!p1 $0x1082;
	[sflag:s4] =	ssyncset.s32 $0xFFFFF086  }
0x25: {  	[simem:s6], [sflag:s4] =	dma.local [hbm:s3], $0xF7A  }
0x26: {  	[smem:$0x3F9F] =	sst s1;
	(tag) =	ssettag s2;
	_ =	strace s9  }
0x27: {  	s1 =	sld [smem:$0x3FAF]  }
0x28: {  	s2 =	sld [smem:$0x3FB0]  }
0x29: {  	s4 =	sld [smem:$0x3FB2]  }
0x2a: {  	p0 =	seq.s32 s5, $0x0;
	s5 =	sld [smem:$0x3FB3]  }
0x2b: {  	s6 =	sld [smem:$0x3FB4]  }
0x2c: {  	s7 =	sld [smem:$0x3FB5]  }
0x2d: {  	s3 =	simm.s32 $0x108;
	s8 =	sld [smem:$0x3FB6]  }
0x2e: {  	s3 =	simm.s32 @!p0 $0x1082;
	s9 =	sld [smem:$0x3FB7]  }
0x2f: {  	lr =	sadd.s32 s0, s3;
	s0 =	sld [smem:$0x3FAE]  }
0x30: {  	s3 =	sld [smem:$0x3FB1]  }
0x31: {  	[smem:$0x3FBA] =	sst s10  }
0x32: {  	s10 =	sld [smem:$0x3FB8];
	_ =	sdelay $0x3  }
0x33: {  	p0 =	seq.s32 s10, $0x1;
	s10 =	sld [smem:$0x3FBA];
	_ =	sdelay $0x3  }
0x34: {  	[smem:$0x3FBA] =	sst s10  }
0x35: {  	s10 =	sld [smem:$0x3FB9];
	_ =	sdelay $0x3  }
0x36: {  	p1 =	seq.s32 s10, $0x1;
	s10 =	sld [smem:$0x3FBA];
	_ =	sdelay $0x3  }
0x37: {  	[smem:$0x3FBA] =	sst s10  }
0x38: {  	s10 =	sld [smem:$0x3FBB]  }
0x39: {  	_ = 	snop;
	(pc) =	sbr.ind lr, $3  }
0x3a: {  	_ = 	snop  }
0x3b: {  	_ = 	snop  }
0x3c: {  	p2 =	seq.s32 s10, $0x1;
	s10 =	sld [smem:$0x3FBA]  }
0x3d: {  	_ =	shalt  }
0x3e: {  	_ =	shalt  }
0x3f: {  	_ =	shalt  }
0x40: {  	_ =	shalt  }
0x41: {  	_ =	shalt  }
0x42: {  	_ =	shalt  }
0x43: {  	_ =	shalt  }
0x44: {  	_ =	shalt  }
0x45: {  	_ =	shalt  }
0x46: {  	_ =	shalt  }
0x47: {  	_ =	shalt  }
0x48: {  	_ =	shalt  }
0x49: {  	_ =	shalt  }
0x4a: {  	_ =	shalt  }
0x4b: {  	_ =	shalt  }
0x4c: {  	_ =	shalt  }
0x4d: {  	_ =	shalt  }
0x4e: {  	_ =	shalt  }
0x4f: {  	_ =	shalt  }
0x50: {  	_ =	shalt  }
0x51: {  	_ =	shalt  }
0x52: {  	_ =	shalt  }
0x53: {  	_ =	shalt  }
0x54: {  	_ =	shalt  }
0x55: {  	_ =	shalt  }
0x56: {  	_ =	shalt  }
0x57: {  	_ =	shalt  }
0x58: {  	_ =	shalt  }
0x59: {  	_ =	shalt  }
0x5a: {  	_ =	shalt  }
0x5b: {  	_ =	shalt  }
0x5c: {  	_ =	shalt  }
0x5d: {  	_ =	shalt  }
0x5e: {  	_ =	shalt  }
0x5f: {  	_ =	shalt  }
0x60: {  	_ =	shalt  }
0x61: {  	_ =	shalt  }
0x62: {  	_ =	shalt  }
0x63: {  	_ =	shalt  }
0x64: {  	_ =	shalt  }
0x65: {  	_ =	shalt  }
0x66: {  	_ =	shalt  }
0x67: {  	_ =	shalt  }
0x68: {  	_ =	shalt  }
0x69: {  	_ =	shalt  }
0x6a: {  	_ =	shalt  }
0x6b: {  	_ =	shalt  }
0x6c: {  	_ =	shalt  }
0x6d: {  	_ =	shalt  }
0x6e: {  	_ =	shalt  }
0x6f: {  	_ =	shalt  }
0x70: {  	_ =	shalt  }
0x71: {  	_ =	shalt  }
0x72: {  	_ =	shalt  }
0x73: {  	_ =	shalt  }
0x74: {  	_ =	shalt  }
0x75: {  	_ =	shalt  }
0x76: {  	_ =	shalt  }
0x77: {  	_ =	shalt  }
0x78: {  	_ =	shalt  }
0x79: {  	_ =	shalt  }
0x7a: {  	_ =	shalt  }
0x7b: {  	_ =	shalt  }
0x7c: {  	_ =	shalt  }
0x7d: {  	_ =	shalt  }
0x7e: {  	_ =	shalt  }
0x7f: {  	_ =	shalt  }
0x80: {  	_ =	shalt  }
0x81: {  	_ =	shalt  }
0x82: {  	_ =	shalt  }
0x83: {  	_ =	shalt  }
0x84: {  	_ =	shalt  }
0x85: {  	_ =	shalt  }
0x86: {  	_ =	shalt  }
0x87: {  	_ =	shalt  }
.Lfunc_end0:
.L_simem_size_0:
called_computation_lowered:
.L_overlay_start_0:
0x88: {  	s2 =	sld [smem:$0x3FD9]  }
0x89: {  	s3 =	sld [smem:$0x3FFE];
	_ =	sdelay $0x1  }
0x8a: {  	s1 =	srdreg.scid  }
0x8b: {  	s0 =	sand.u32 $0x1, s1  }
0x8c: {  	s17 =	sshll.u32 s0, $0xA;
	s2 =	sadd.s32 s3, s2  }
0x8d: {  	s2 =	sadd.s32 s2, s17  }
0x8e: {  	[smem:$0x3FC6] =	sst s2  }
0x8f: {  	_ = 	snop  }
0x90: {  	s2 =	sld [smem:$0x3FD0];
	(tm) =	ssettm $0x1  }
0x91: {  	s18 =	sld [smem:$0x3FFB];
	_ =	sdelay $0x3  }
0x92: {  	_ =	strace s18  }
0x93: {  	s3 =	sld [smem:$0x3FFC];
	_ =	sdelay $0x3  }
0x94: {  	_ =	strace s3  }
0x95: {  	s3 =	sld [smem:$0x3FFD];
	_ =	sdelay $0x3  }
0x96: {  	_ =	strace s3  }
0x97: {  	_ =	strace $0x8FFFFFFF  }
0x98: {  	s19 =	sld [smem:$0x3FDB];
	_ =	sdelay $0x1  }
0x99: {  	s4 =	simm.s32 $_scs_section_size  }
0x9a: {  	s5 =	simm.s32 $_size__tile_overlayer_lowered;
	s6 =	simm.s32 $_tile_overlayer_lowered  }
0x9b: {  	s22 =	simm.s32 $0x1BFF;
	s21 =	sshll.u32 s6, $0x1;
	s3 =	sadd.s32 s4, s19  }
0x9c: {  	s7 =	simm.s32 $0x0;
	s20 =	sshll.u32 s5, $0x1;
	s5 =	sadd.s32 s21, s3  }
0x9d: {  	[timem:s7], [sflag:s22] =	dma.local [hbm:s5], s20  }
0x9e: {  	_ =	swait.ge [sflag:s22], s20  }
0x9f: {  	s4 =	ssub.s32 $0x0, s20;
	[sflag:s22] =	ssyncset.done $0x0  }
0xa0: {  	[sflag:s22] =	ssyncadd.s32 s4;
	_ =	sdelay $0x1  }
0xa1: {  	s23 =	simm.s32 $0x1B8B  }
0xa2: {  	_ =	swait.ge [sflag:s23], $0x1  }
0xa3: {  	[sflag:s23] =	ssyncset.done $0x0  }
0xa4: {  	s25 =	simm.s32 $0x1B8E;
	s24 =	sld [smem:$0x3FFE];
	[sflag:s23] =	ssyncadd.s32 $0xFFFFFFFF  }
0xa5: {  	s26 =	simm.s32 $execute0_lowered;
	[smem:$0x3FD2] =	sst s25  }
0xa6: {  	s5 =	sshll.u32 s26, $0x1;
	_ =	strace $0x80000046;
	[dreg:$0x1] =	wrdreg $0xFFFFFFFF  }
0xa7: {  	s28 =	simm.s32 $_size_execute0_lowered;
	s3 =	sadd.s32 s3, s5;
	[dreg:$0x0] =	wrdreg $0x0  }
0xa8: {  	s5 =	sshll.u32 s28, $0x1;
	[dreg:$0x2] =	wrdreg s3  }
0xa9: {  	[dreg:$0x3] =	wrdreg s5  }
0xaa: {  	[dreg:$0x4] =	wrdreg $0xC0  }
0xab: {  	_ =	task [dreg:s7], $0x5FFFF  }
0xac: {  	[dreg:$0x1] =	wrdreg $0xFFFFFFFF  }
0xad: {  	[dreg:$0x0] =	wrdreg $0x60  }
0xae: {  	[dreg:$0x2] =	wrdreg s24  }
0xaf: {  	[dreg:$0x3] =	wrdreg s2  }
0xb0: {  	[dreg:$0x4] =	wrdreg $0x9  }
0xb1: {  	_ =	task.clear_ibuf [dreg:s7], $0x5FFFF;
	_ =	strace $0x90000046  }
0xb2: {  	s29 =	simm.s32 $0x9;
	_ =	strace $0x80000048  }
0xb3: {  	_ =	swait.ge [sflag:s29], $0x1  }
0xb4: {  	[sflag:s29] =	ssyncadd.s32 $0xFFFFFFFF  }
0xb5: {  	_ =	strace $0x90000048  }
0xb6: {  	_ =	sfence  }
0xb7: {  	s30 =	sld [smem:$0x0];
	_ =	sdelay $0x2  }
0xb8: {  	s31 =	sshll.u32 s1, $0xD;
	s1 =	sshrl.u32 s1, $0x2  }
0xb9: {  	s3 =	sand.u32 $0x4000, s31;
	s1 =	sadd.s32 s1, s30  }
0xba: {  	s0 =	sor.u32 s3, s0;
	s1 =	sshll.u32 s1, $0x11  }
0xbb: {  	s0 =	sor.u32 s1, s0  }
0xbc: {  	s0 =	sadd.s32 $0x8F2B, s0  }
0xbd: {  	[sflag:s0] =	ssyncadd.remote.s32 $0x1  }
0xbe: {  	_ =	sfence.sel $0xFFFF  }
0xbf: {  	[dreg:$0x0] =	wrdreg $0xFFFFFFFF;
	(pc) =	sbr.abs _section_cstart, $3  }
0xc0: {  	[dreg:$0x1] =	wrdreg $0xFFFFFFFF  }
0xc1: {  	_ =	task.clear_ibuf [dreg:s7], $0x2FFFF;
	_ =	strace $0x9FFFFFFF  }
0xc2: {  	(tm) =	ssettm $0x7FFFFFFF  }
0xc3: {  	_ =	shalt  }
tec
execute0_lowered:
.L_overlay_start_1:
0x0: {  	(tag) =	ssettag $0x1  }
0x1: {  	s0 =	rddreg [dreg:$0x0]  }
0x2: {  	s1 =	srdreg.scid;
	s2 =	stileid.u32  }
0x3: {  	s3 =	simm.s32 $0x0;
	s1 =	sand.u32 $0x1, s1;
	s2 =	sshll.u32 s2, $0x1  }
0x4: {  	[smem:$0x7FF] =	sst s3;
	s2 =	sor.u32 s1, s2  }
0x5: {  	s18 =	rddreg [dreg:$0x1];
	_ =	strace $0x80000047;
	s29 =	sshll.u32 s2, $0x4  }
0x6: {  	s5 =	sshll.u32 s2, $0x7;
	s3 =	sadd.s32 s29, s0;
	s0 =	sadd.s32 $0x400, s0  }
0x7: {  	s1 =	ssub.s32 $0x2, s1;
	s31 =	sadd.s32 s18, s5;
	[dreg:$0x3] =	wrdreg s0  }
0x8: {  	s4 =	sshrl.u32 s1, $0x1;
	s3 =	sadd.s32 $0x2400, s3;
	[dreg:$0x4] =	wrdreg s31  }
0x9: {  	s30 =	ssub.s32 s1, s4;
	s1 =	sadd.s32 $0x10000, s31;
	[dreg:$0x5] =	wrdreg s3  }
0xa: {  	s13 =	simm.s32 $0x6400;
	s0 =	smax.u32 s30, $0x1;
	[dreg:$0x6] =	wrdreg s1  }
0xb: {  	s7 =	sshll.u32 s2, $0xA;
	s2 =	simm.s32 $0x0;
	[dreg:$0x7] =	wrdreg s0  }
.LBB2_1:
0xc: {  	[dreg:$0x8] =	wrdreg s2  }
0xd: {  	s0 =	simm.s32 $0x0;
	s1 =	rddreg [dreg:$0x5]  }
0xe: {  	s9 =	simm.s32 $0x80;
	s3 =	simm.s32 $0x1000;
	s10 =	simm.s32 $0x3  }
0xf: {  	[tilespmem:s0], [sflag:$0x3] =	stream.strided.gather [hbm4b:s1+s9], $0x6400, s3, s9, $0x38;
	[tilespmem:$0x1E400] =	vst v63  }
0x10: {  	_ =	swait.ge [sflag:s10], $0x6400  }
0x11: {  	[sflag:s10] =	ssyncset.done $0x0  }
0x12: {  	s11 =	rddreg [dreg:$0x3];
	[sflag:s10] =	ssyncadd.s32 $0xFFFF9C00  }
0x13: {  	[tilespmem:s13], [sflag:$0x3] =	stream.linear.gather [hbm4b:s11+s0], $0x10000, $0x38;
	[tilespmem:$0x1E400] =	vst v63  }
0x14: {  	_ =	swait.ge [sflag:s10], $0x10000  }
0x15: {  	[sflag:s10] =	ssyncset.done $0x0  }
0x16: {  	[sflag:s10] =	ssyncadd.s32 $0xFFFF0000  }
0x17: {  	v5 =	vld [tilespmem:$0x0];
	_ =	sdelay $0x3  }
0x18: {  	s5 =	simm.s32 $0x400  }
0x19: {  	v6 =	vld [tilespmem:$0x10];
	v0 =	vadd.s32 s5, v5  }
0x1a: {  	s22 =	simm.s32 $0x0;
	v7 =	vld [tilespmem:$0x20]  }
0x1b: {  	v4 =	vld [tilespmem:$0x30];
	v8 =	vadd.s32 s22, v5  }
0x1c: {  	s23 =	simm.s32 $0xC00;
	v3 =	vld [tilespmem:$0x40]  }
0x1d: {  	s26 =	simm.s32 $0x800;
	v2 =	vld [tilespmem:$0x50];
	v9 =	vadd.s32 s23, v5  }
0x1e: {  	v10 =	vadd.s32 s26, v5;
	v11 =	vld.idx.msk [tilespmem:v0+s13+$0x0], $0xffff  }
0x1f: {  	s12 =	simm.s32 $0x0;
	v1 =	vld [tilespmem:$0x60];
	v12 =	vadd.s32 s5, v6  }
0x20: {  	s14 =	simm.s32 $0x80;
	s0 =	sand.u32 $0x1C00, s12;
	v8 =	vld.idx.msk [tilespmem:v8+s13+$0x0], $0xffff  }
0x21: {  	s1 =	sand.u32 $0x280, s14;
	s0 =	sadd.s32 $0x16400, s0;
	v13 =	vadd.s32 s22, v6;
	v0 =	vld [tilespmem:$0x70]  }
0x22: {  	s1 =	sor.u32 s1, s0;
	v9 =	vld.idx.msk [tilespmem:v9+s13+$0x0], $0xffff  }
0x23: {  	v14 =	vadd.s32 s23, v6;
	v10 =	vld.idx.msk [tilespmem:v10+s13+$0x0], $0xffff;
	[tilespmem:s1+$0x0] =	vst v11  }
0x24: {  	s15 =	simm.s32 $0x180;
	s21 =	simm.s32 $0x16440;
	v11 =	vadd.s32 s26, v6;
	v12 =	vld.idx.msk [tilespmem:v12+s13+$0x0], $0xffff  }
0x25: {  	s16 =	simm.s32 $0x100;
	s2 =	sand.u32 $0x380, s15;
	[tilespmem:s21+$0xFFFFFFC0] =	vst v8;
	v8 =	vadd.s32 s5, v7  }
0x26: {  	s3 =	sand.u32 $0x300, s16;
	s24 =	sor.u32 s2, s0;
	v13 =	vld.idx.msk [tilespmem:v13+s13+$0x0], $0xffff  }
0x27: {  	s29 =	simm.s32 $0x1400;
	s25 =	sor.u32 s3, s0;
	v15 =	vadd.s32 s22, v7;
	[tilespmem:s24+$0x0] =	vst v9  }
0x28: {  	v16 =	vadd.s32 s29, v5;
	[tilespmem:s25+$0x0] =	vst v10;
	v9 =	vld.idx.msk [tilespmem:v14+s13+$0x0], $0xffff  }
0x29: {  	v10 =	vld.idx.msk [tilespmem:v11+s13+$0x0], $0xffff;
	v11 =	vadd.s32 s23, v7;
	[tilespmem:s1+$0x10] =	vst v12  }
0x2a: {  	v12 =	vadd.s32 s26, v7;
	v8 =	vld.idx.msk [tilespmem:v8+s13+$0x0], $0xffff  }
0x2b: {  	s10 =	simm.s32 $0x1800;
	[tilespmem:s21+$0xFFFFFFD0] =	vst v13;
	v13 =	vadd.s32 s5, v4  }
0x2c: {  	s28 =	simm.s32 $0x1000;
	v17 =	vadd.s32 s10, v5;
	v14 =	vld.idx.msk [tilespmem:v15+s13+$0x0], $0xffff  }
0x2d: {  	v16 =	vld.idx.msk [tilespmem:v16+s13+$0x0], $0xffff;
	[tilespmem:s24+$0x10] =	vst v9;
	v9 =	vadd.s32 s28, v5  }
0x2e: {  	v15 =	vadd.s32 s22, v4;
	[tilespmem:s25+$0x10] =	vst v10;
	v10 =	vld.idx.msk [tilespmem:v11+s13+$0x0], $0xffff  }
0x2f: {  	v11 =	vld.idx.msk [tilespmem:v12+s13+$0x0], $0xffff;
	[tilespmem:s1+$0x20] =	vst v8;
	v8 =	vadd.s32 s23, v4  }
0x30: {  	v12 =	vadd.s32 s26, v4;
	v13 =	vld.idx.msk [tilespmem:v13+s13+$0x0], $0xffff  }
0x31: {  	v17 =	vld.idx.msk [tilespmem:v17+s13+$0x0], $0xffff;
	[tilespmem:s21+$0xFFFFFFE0] =	vst v14;
	v14 =	vadd.s32 s5, v3  }
0x32: {  	s17 =	simm.s32 $0x200;
	v9 =	vld.idx.msk [tilespmem:v9+s13+$0x0], $0xffff  }
0x33: {  	s19 =	simm.s32 $0x280;
	s2 =	sand.u32 $0x1C00, s17;
	v15 =	vld.idx.msk [tilespmem:v15+s13+$0x0], $0xffff;
	[tilespmem:s24+$0x20] =	vst v10;
	v10 =	vadd.s32 s28, v6  }
0x34: {  	s3 =	sand.u32 $0x280, s19;
	s2 =	sadd.s32 $0x16400, s2;
	v19 =	vadd.s32 s29, v6;
	[tilespmem:s25+$0x20] =	vst v11;
	v8 =	vld.idx.msk [tilespmem:v8+s13+$0x0], $0xffff  }
0x35: {  	s6 =	simm.s32 $0x300;
	s11 =	sor.u32 s3, s2;
	v11 =	vld.idx.msk [tilespmem:v12+s13+$0x0], $0xffff;
	v12 =	vadd.s32 s23, v3;
	[tilespmem:s1+$0x30] =	vst v13  }
0x36: {  	s4 =	simm.s32 $0x16640;
	s20 =	sand.u32 $0x300, s6;
	s0 =	simm.s32 $0x1C00;
	[tilespmem:s11+$0x0] =	vst v16;
	v13 =	vld.idx.msk [tilespmem:v14+s13+$0x0], $0xffff;
	v14 =	vadd.s32 s22, v3  }
0x37: {  	s30 =	sor.u32 s20, s2;
	v18 =	vadd.s32 s0, v5;
	[tilespmem:s4+$0xFFFFFFC0] =	vst v9  }
0x38: {  	v20 =	vadd.s32 s10, v6;
	[tilespmem:s30+$0x0] =	vst v17;
	v10 =	vld.idx.msk [tilespmem:v10+s13+$0x0], $0xffff  }
0x39: {  	v16 =	vadd.s32 s28, v7;
	v17 =	vld.idx.msk [tilespmem:v19+s13+$0x0], $0xffff;
	[tilespmem:s24+$0x30] =	vst v8  }
0x3a: {  	[tilespmem:s21+$0xFFFFFFF0] =	vst v15;
	v8 =	vadd.s32 s5, v2;
	v9 =	vld.idx.msk [tilespmem:v12+s13+$0x0], $0xffff  }
0x3b: {  	v12 =	vld.idx.msk [tilespmem:v14+s13+$0x0], $0xffff;
	v14 =	vadd.s32 s26, v3  }
0x3c: {  	v15 =	vld.idx.msk [tilespmem:v18+s13+$0x0], $0xffff;
	v18 =	vadd.s32 s22, v2  }
0x3d: {  	v19 =	vadd.s32 s0, v6;
	v20 =	vld.idx.msk [tilespmem:v20+s13+$0x0], $0xffff;
	[tilespmem:s4+$0xFFFFFFD0] =	vst v10  }
0x3e: {  	s8 =	simm.s32 $0x380;
	[tilespmem:s1+$0x40] =	vst v13;
	v13 =	vld.idx.msk [tilespmem:v16+s13+$0x0], $0xffff  }
0x3f: {  	s31 =	sand.u32 $0x380, s8;
	v23 =	vadd.s32 s10, v7;
	[tilespmem:s25+$0x30] =	vst v11;
	v22 =	vld.idx.msk [tilespmem:v8+s13+$0x0], $0xffff  }
0x40: {  	s3 =	sor.u32 s31, s2;
	v21 =	vadd.s32 s29, v7;
	v24 =	vld.idx.msk [tilespmem:v14+s13+$0x0], $0xffff;
	[tilespmem:s21+$0x0] =	vst v12  }
0x41: {  	v25 =	vadd.s32 s5, v1;
	[tilespmem:s3+$0x0] =	vst v15;
	v11 =	vld.idx.msk [tilespmem:v18+s13+$0x0], $0xffff  }
0x42: {  	v18 =	vld.idx.msk [tilespmem:v19+s13+$0x0], $0xffff;
	v19 =	vadd.s32 s26, v2  }
0x43: {  	[tilespmem:s30+$0x10] =	vst v20;
	v16 =	vadd.s32 s28, v4  }
0x44: {  	[tilespmem:s11+$0x10] =	vst v17;
	v15 =	vld.idx.msk [tilespmem:v23+s13+$0x0], $0xffff;
	v12 =	vadd.s32 s23, v2  }
0x45: {  	v20 =	vadd.s32 s29, v4;
	v14 =	vld.idx.msk [tilespmem:v21+s13+$0x0], $0xffff;
	v21 =	vadd.s32 s0, v7;
	[tilespmem:s1+$0x50] =	vst v22  }
0x46: {  	s6 =	simm.s32 $0x16640;
	v10 =	vadd.s32 s5, v0;
	s5 =	simm.s32 $0x8;
	v8 =	vadd.s32 s10, v4;
	v17 =	vld.idx.msk [tilespmem:v25+s13+$0x0], $0xffff;
	[tilespmem:s25+$0x40] =	vst v24  }
.LBB2_2:
0x47: {  	s12 =	sshll.u32 s5, $0xA;
	p0 =	slt.u32 s5, $0x3C;
	s5 =	sadd.s32 $0x4, s5;
	[tilespmem:s4+$0xFFFFFFE0] =	vst v13;
	v13 =	vld.idx.msk [tilespmem:v19+s13+$0x0], $0xffff  }
0x48: {  	v22 =	vadd.s32 s26, v1;
	v19 =	vadd.s32 s12, v5;
	s9 =	sadd.s32 $0x400, s12;
	s17 =	sadd.s32 $0x800, s12;
	s16 =	sadd.s32 $0xC00, s12;
	v16 =	vld.idx.msk [tilespmem:v16+s13+$0x0], $0xffff;
	[tilespmem:s24+$0x40] =	vst v9  }
0x49: {  	v9 =	vadd.s32 s9, v5;
	v23 =	vadd.s32 s16, v5;
	[tilespmem:s3+$0x10] =	vst v18;
	v12 =	vld.idx.msk [tilespmem:v12+s13+$0x0], $0xffff  }
0x4a: {  	v18 =	vadd.s32 s17, v5;
	v24 =	vadd.s32 s17, v4;
	[tilespmem:s11+$0x20] =	vst v14;
	v14 =	vld.idx.msk [tilespmem:v21+s13+$0x0], $0xffff;
	v21 =	vadd.s32 s22, v1  }
0x4b: {  	v20 =	vld.idx.msk [tilespmem:v20+s13+$0x0], $0xffff;
	[tilespmem:s30+$0x20] =	vst v15  }
0x4c: {  	v25 =	vadd.s32 s0, v4;
	v15 =	vld.idx.msk [tilespmem:v8+s13+$0x0], $0xffff;
	[tilespmem:s1+$0x60] =	vst v17;
	v8 =	vmov v24  }
0x4d: {  	v17 =	vadd.s32 s29, v3;
	v10 =	vld.idx.msk [tilespmem:v10+s13+$0x0], $0xffff;
	[tilespmem:s25+$0x50] =	vst v13  }
0x4e: {  	[tilespmem:s21+$0x10] =	vst v11;
	v11 =	vld.idx.msk [tilespmem:v22+s13+$0x0], $0xffff  }
0x4f: {  	s8 =	sadd.s32 $0x200, s8;
	v13 =	vld.idx.msk [tilespmem:v19+s13+$0x0], $0xffff;
	v19 =	vadd.s32 s12, v6;
	[tilespmem:s4+$0xFFFFFFF0] =	vst v16;
	v16 =	vadd.s32 s23, v1  }
0x50: {  	s2 =	sadd.s32 $0xFFFFFE80, s8;
	v22 =	vadd.s32 s9, v6;
	[tilespmem:s3+$0x20] =	vst v14;
	v14 =	vld.idx.msk [tilespmem:v21+s13+$0x0], $0xffff  }
0x51: {  	s14 =	sadd.s32 $0xFFFFFF00, s8;
	s2 =	sand.u32 $0x1C00, s2;
	s4 =	sadd.s32 $0x200, s4;
	v21 =	vadd.s32 s17, v6;
	[tilespmem:s11+$0x30] =	vst v20;
	v20 =	vld.idx.msk [tilespmem:v25+s13+$0x0], $0xffff  }
0x52: {  	s20 =	sadd.s32 $0xFFFFFF80, s8;
	s14 =	sand.u32 $0x280, s14;
	s2 =	sadd.s32 $0x16400, s2;
	v24 =	vadd.s32 s16, v6;
	v25 =	vadd.s32 s26, v0;
	v17 =	vld.idx.msk [tilespmem:v17+s13+$0x0], $0xffff;
	[tilespmem:s24+$0x50] =	vst v12  }
0x53: {  	s20 =	sand.u32 $0x300, s20;
	s14 =	sor.u32 s14, s2;
	s26 =	smov.u32 s10;
	v12 =	vld.idx.msk [tilespmem:v9+s13+$0x0], $0xffff;
	v9 =	vadd.s32 s0, v3;
	[tilespmem:s1+$0x70] =	vst v10  }
0x54: {  	s20 =	sor.u32 s20, s2;
	s1 =	sand.u32 $0x380, s8;
	v10 =	vld.idx.msk [tilespmem:v18+s13+$0x0], $0xffff;
	v18 =	vadd.s32 s22, v0;
	[tilespmem:s25+$0x60] =	vst v11;
	s22 =	smov.u32 s28  }
0x55: {  	s10 =	smov.u32 s17;
	s2 =	sor.u32 s1, s2;
	s28 =	smov.u32 s12;
	[tilespmem:s4+$0xFFFFFFC0] =	vst v13;
	v11 =	vadd.s32 s22, v3;
	v13 =	vld.idx.msk [tilespmem:v16+s13+$0x0], $0xffff  }
0x56: {  	s1 =	smov.u32 s11;
	v16 =	vld.idx.msk [tilespmem:v19+s13+$0x0], $0xffff;
	[tilespmem:s21+$0x20] =	vst v14;
	v14 =	vadd.s32 s23, v0;
	s23 =	smov.u32 s0;
	s0 =	smov.u32 s16  }
0x57: {  	s11 =	smov.u32 s14;
	[tilespmem:s3+$0x30] =	vst v20;
	v19 =	vld.idx.msk [tilespmem:v25+s13+$0x0], $0xffff  }
0x58: {  	[tilespmem:s1+$0x40] =	vst v17;
	v9 =	vld.idx.msk [tilespmem:v9+s13+$0x0], $0xffff  }
0x59: {  	[tilespmem:s11+$0x0] =	vst v12;
	v12 =	vld.idx.msk [tilespmem:v18+s13+$0x0], $0xffff  }
0x5a: {  	v17 =	vadd.s32 s29, v2;
	[tilespmem:s20+$0x0] =	vst v10;
	v11 =	vld.idx.msk [tilespmem:v11+s13+$0x0], $0xffff  }
0x5b: {  	v20 =	vadd.s32 s26, v3;
	v18 =	vld.idx.msk [tilespmem:v23+s13+$0x0], $0xffff;
	[tilespmem:s24+$0x60] =	vst v13  }
0x5c: {  	v10 =	vadd.s32 s29, v0;
	v13 =	vadd.s32 s28, v7;
	[tilespmem:s30+$0x30] =	vst v15;
	v14 =	vld.idx.msk [tilespmem:v14+s13+$0x0], $0xffff  }
0x5d: {  	v15 =	vld.idx.msk [tilespmem:v22+s13+$0x0], $0xffff;
	v22 =	vadd.s32 s22, v2;
	[tilespmem:s25+$0x70] =	vst v19;
	s25 =	smov.u32 s30;
	s30 =	smov.u32 s20  }
0x5e: {  	[tilespmem:s4+$0xFFFFFFD0] =	vst v16;
	v21 =	vld.idx.msk [tilespmem:v21+s13+$0x0], $0xffff  }
0x5f: {  	v23 =	vadd.s32 s9, v7;
	v17 =	vld.idx.msk [tilespmem:v17+s13+$0x0], $0xffff;
	[tilespmem:s21+$0x30] =	vst v12;
	s21 =	smov.u32 s6;
	s6 =	smov.u32 s4  }
0x60: {  	v25 =	vadd.s32 s10, v7;
	[tilespmem:s21+$0x0] =	vst v11;
	v26 =	vld.idx.msk [tilespmem:v20+s13+$0x0], $0xffff  }
0x61: {  	v27 =	vadd.s32 s29, v1;
	s29 =	smov.u32 s9;
	v13 =	vld.idx.msk [tilespmem:v13+s13+$0x0], $0xffff;
	[tilespmem:s2+$0x0] =	vst v18  }
.Ltmp0:
0x62: {  	v19 =	vadd.s32 s26, v2;
	v11 =	vld.idx.msk [tilespmem:v22+s13+$0x0], $0xffff;
	[tilespmem:s24+$0x70] =	vst v14;
	s24 =	smov.u32 s3;
	s3 =	smov.u32 s2;
	(pc) =	sbr.rel @p0 .LBB2_2-.Ltmp0, $4  }
0x63: {  	v16 =	vadd.s32 s28, v4;
	[tilespmem:s11+$0x10] =	vst v15;
	v18 =	vld.idx.msk [tilespmem:v24+s13+$0x0], $0xffff  }
0x64: {  	v12 =	vadd.s32 s23, v2;
	v14 =	vld.idx.msk [tilespmem:v23+s13+$0x0], $0xffff;
	[tilespmem:s30+$0x10] =	vst v21  }
0x65: {  	v21 =	vadd.s32 s0, v7;
	v15 =	vld.idx.msk [tilespmem:v25+s13+$0x0], $0xffff;
	[tilespmem:s1+$0x50] =	vst v17  }
0x66: {  	v20 =	vadd.s32 s29, v4;
	v17 =	vld.idx.msk [tilespmem:v27+s13+$0x0], $0xffff;
	[tilespmem:s25+$0x40] =	vst v26  }
0x67: {  	_ =	sdelay $0x2  }
0x68: {  	[tilespmem:s3+$0x10] =	vst v18  }
0x69: {  	[tilespmem:s4+$0xFFFFFFE0] =	vst v13;
	v5 =	vld.idx.msk [tilespmem:v21+s13+$0x0], $0xffff  }
0x6a: {  	v6 =	vld.idx.msk [tilespmem:v19+s13+$0x0], $0xffff;
	[tilespmem:s24+$0x40] =	vst v9;
	v4 =	vadd.s32 s0, v4  }
0x6b: {  	[tilespmem:s11+$0x20] =	vst v14  }
0x6c: {  	v7 =	vld.idx.msk [tilespmem:v20+s13+$0x0], $0xffff;
	[tilespmem:s30+$0x20] =	vst v15  }
0x6d: {  	v9 =	vadd.s32 s29, v3;
	[tilespmem:s21+$0x10] =	vst v11;
	v8 =	vld.idx.msk [tilespmem:v8+s13+$0x0], $0xffff  }
0x6e: {  	v13 =	vld.idx.msk [tilespmem:v16+s13+$0x0], $0xffff;
	[tilespmem:s3+$0x20] =	vst v5;
	v5 =	vadd.s32 s10, v3  }
0x6f: {  	[tilespmem:s25+$0x50] =	vst v6;
	v6 =	vadd.s32 s28, v3;
	v4 =	vld.idx.msk [tilespmem:v4+s13+$0x0], $0xffff  }
0x70: {  	v12 =	vld.idx.msk [tilespmem:v12+s13+$0x0], $0xffff;
	[tilespmem:s1+$0x60] =	vst v17;
	v3 =	vadd.s32 s0, v3  }
0x71: {  	v11 =	vadd.s32 s26, v1;
	v10 =	vld.idx.msk [tilespmem:v10+s13+$0x0], $0xffff;
	[tilespmem:s11+$0x30] =	vst v7  }
0x72: {  	v7 =	vadd.s32 s22, v1;
	v9 =	vld.idx.msk [tilespmem:v9+s13+$0x0], $0xffff;
	[tilespmem:s30+$0x30] =	vst v8  }
0x73: {  	[tilespmem:s4+$0xFFFFFFF0] =	vst v13;
	v8 =	vadd.s32 s29, v2;
	v5 =	vld.idx.msk [tilespmem:v5+s13+$0x0], $0xffff  }
0x74: {  	[tilespmem:s3+$0x30] =	vst v4;
	v4 =	vld.idx.msk [tilespmem:v6+s13+$0x0], $0xffff;
	v6 =	vadd.s32 s10, v2  }
0x75: {  	[tilespmem:s24+$0x50] =	vst v12;
	v12 =	vadd.s32 s28, v2;
	v3 =	vld.idx.msk [tilespmem:v3+s13+$0x0], $0xffff  }
0x76: {  	v11 =	vld.idx.msk [tilespmem:v11+s13+$0x0], $0xffff;
	[tilespmem:s1+$0x70] =	vst v10;
	v2 =	vadd.s32 s0, v2  }
0x77: {  	v10 =	vadd.s32 s23, v1;
	v7 =	vld.idx.msk [tilespmem:v7+s13+$0x0], $0xffff;
	[tilespmem:s11+$0x40] =	vst v9  }
0x78: {  	v9 =	vadd.s32 s26, v0;
	v8 =	vld.idx.msk [tilespmem:v8+s13+$0x0], $0xffff;
	[tilespmem:s30+$0x40] =	vst v5  }
0x79: {  	[tilespmem:s6+$0x0] =	vst v4;
	v4 =	vadd.s32 s29, v1;
	v5 =	vld.idx.msk [tilespmem:v6+s13+$0x0], $0xffff  }
0x7a: {  	v6 =	vld.idx.msk [tilespmem:v12+s13+$0x0], $0xffff;
	v12 =	vadd.s32 s10, v1;
	[tilespmem:s3+$0x40] =	vst v3  }
0x7b: {  	[tilespmem:s25+$0x60] =	vst v11;
	v3 =	vadd.s32 s28, v1;
	v2 =	vld.idx.msk [tilespmem:v2+s13+$0x0], $0xffff  }
0x7c: {  	v10 =	vld.idx.msk [tilespmem:v10+s13+$0x0], $0xffff;
	[tilespmem:s21+$0x20] =	vst v7;
	v1 =	vadd.s32 s0, v1  }
0x7d: {  	v7 =	vadd.s32 s22, v0;
	v9 =	vld.idx.msk [tilespmem:v9+s13+$0x0], $0xffff;
	[tilespmem:s11+$0x50] =	vst v8  }
0x7e: {  	v8 =	vadd.s32 s23, v0;
	v4 =	vld.idx.msk [tilespmem:v4+s13+$0x0], $0xffff;
	[tilespmem:s30+$0x50] =	vst v5  }
0x7f: {  	v5 =	vadd.s32 s29, v0;
	[tilespmem:s6+$0x10] =	vst v6;
	v6 =	vld.idx.msk [tilespmem:v12+s13+$0x0], $0xffff  }
0x80: {  	v11 =	vadd.s32 s10, v0;
	v3 =	vld.idx.msk [tilespmem:v3+s13+$0x0], $0xffff;
	[tilespmem:s3+$0x50] =	vst v2  }
0x81: {  	[tilespmem:s24+$0x60] =	vst v10;
	v2 =	vadd.s32 s28, v0;
	v1 =	vld.idx.msk [tilespmem:v1+s13+$0x0], $0xffff  }
0x82: {  	v7 =	vld.idx.msk [tilespmem:v7+s13+$0x0], $0xffff;
	[tilespmem:s25+$0x70] =	vst v9;
	v0 =	vadd.s32 s0, v0  }
0x83: {  	v8 =	vld.idx.msk [tilespmem:v8+s13+$0x0], $0xffff;
	[tilespmem:s11+$0x60] =	vst v4  }
0x84: {  	v4 =	vld.idx.msk [tilespmem:v5+s13+$0x0], $0xffff;
	[tilespmem:s30+$0x60] =	vst v6  }
0x85: {  	[tilespmem:s6+$0x20] =	vst v3;
	v3 =	vld.idx.msk [tilespmem:v11+s13+$0x0], $0xffff  }
0x86: {  	v2 =	vld.idx.msk [tilespmem:v2+s13+$0x0], $0xffff;
	[tilespmem:s3+$0x60] =	vst v1  }
0x87: {  	[tilespmem:s21+$0x30] =	vst v7;
	v0 =	vld.idx.msk [tilespmem:v0+s13+$0x0], $0xffff  }
0x88: {  	[tilespmem:s24+$0x70] =	vst v8  }
0x89: {  	[tilespmem:s11+$0x70] =	vst v4  }
0x8a: {  	[tilespmem:s30+$0x70] =	vst v3  }
0x8b: {  	[tilespmem:s6+$0x30] =	vst v2  }
0x8c: {  	[tilespmem:s3+$0x70] =	vst v0  }
0x8d: {  	v5 =	vld [tilespmem:$0x80];
	_ =	sdelay $0x3  }
0x8e: {  	s5 =	simm.s32 $0x400  }
0x8f: {  	v6 =	vld [tilespmem:$0x90];
	v0 =	vadd.s32 s5, v5  }
0x90: {  	s22 =	simm.s32 $0x0;
	v7 =	vld [tilespmem:$0xA0]  }
0x91: {  	v4 =	vld [tilespmem:$0xB0];
	v8 =	vadd.s32 s22, v5  }
0x92: {  	s23 =	simm.s32 $0xC00;
	v3 =	vld [tilespmem:$0xC0]  }
0x93: {  	s26 =	simm.s32 $0x800;
	v2 =	vld [tilespmem:$0xD0];
	v9 =	vadd.s32 s23, v5  }
0x94: {  	v10 =	vadd.s32 s26, v5;
	v11 =	vld.idx.msk [tilespmem:v0+s13+$0x0], $0xffff  }
0x95: {  	s12 =	simm.s32 $0x0;
	v1 =	vld [tilespmem:$0xE0];
	v12 =	vadd.s32 s5, v6  }
0x96: {  	s14 =	simm.s32 $0x80;
	s0 =	sand.u32 $0x1C00, s12;
	v8 =	vld.idx.msk [tilespmem:v8+s13+$0x0], $0xffff  }
0x97: {  	s1 =	sand.u32 $0x280, s14;
	s0 =	sadd.s32 $0x16400, s0;
	v13 =	vadd.s32 s22, v6;
	v0 =	vld [tilespmem:$0xF0]  }
0x98: {  	s1 =	sor.u32 s1, s0;
	v9 =	vld.idx.msk [tilespmem:v9+s13+$0x0], $0xffff  }
0x99: {  	v14 =	vadd.s32 s23, v6;
	v10 =	vld.idx.msk [tilespmem:v10+s13+$0x0], $0xffff;
	[tilespmem:s1+$0x2000] =	vst v11  }
0x9a: {  	s2 =	simm.s32 $0x180;
	s21 =	simm.s32 $0x18470;
	v11 =	vadd.s32 s26, v6;
	v12 =	vld.idx.msk [tilespmem:v12+s13+$0x0], $0xffff  }
0x9b: {  	s15 =	simm.s32 $0x100;
	s2 =	sand.u32 $0x380, s2;
	[tilespmem:s21+$0xFFFFFF90] =	vst v8;
	v8 =	vadd.s32 s5, v7  }
0x9c: {  	s24 =	sor.u32 s2, s0;
	s3 =	sand.u32 $0x300, s15;
	v13 =	vld.idx.msk [tilespmem:v13+s13+$0x0], $0xffff  }
0x9d: {  	s29 =	simm.s32 $0x1400;
	s25 =	sor.u32 s3, s0;
	v15 =	vadd.s32 s22, v7;
	[tilespmem:s24+$0x2000] =	vst v9  }
0x9e: {  	v16 =	vadd.s32 s29, v5;
	[tilespmem:s25+$0x2000] =	vst v10;
	v9 =	vld.idx.msk [tilespmem:v14+s13+$0x0], $0xffff  }
0x9f: {  	v10 =	vld.idx.msk [tilespmem:v11+s13+$0x0], $0xffff;
	v11 =	vadd.s32 s23, v7;
	[tilespmem:s1+$0x2010] =	vst v12  }
0xa0: {  	v12 =	vadd.s32 s26, v7;
	v8 =	vld.idx.msk [tilespmem:v8+s13+$0x0], $0xffff  }
0xa1: {  	s10 =	simm.s32 $0x1800;
	[tilespmem:s21+$0xFFFFFFA0] =	vst v13;
	v13 =	vadd.s32 s5, v4  }
0xa2: {  	s28 =	simm.s32 $0x1000;
	v17 =	vadd.s32 s10, v5;
	v14 =	vld.idx.msk [tilespmem:v15+s13+$0x0], $0xffff  }
0xa3: {  	v16 =	vld.idx.msk [tilespmem:v16+s13+$0x0], $0xffff;
	[tilespmem:s24+$0x2010] =	vst v9;
	v9 =	vadd.s32 s28, v5  }
0xa4: {  	v15 =	vadd.s32 s22, v4;
	[tilespmem:s25+$0x2010] =	vst v10;
	v10 =	vld.idx.msk [tilespmem:v11+s13+$0x0], $0xffff  }
0xa5: {  	v11 =	vld.idx.msk [tilespmem:v12+s13+$0x0], $0xffff;
	[tilespmem:s1+$0x2020] =	vst v8;
	v8 =	vadd.s32 s23, v4  }
0xa6: {  	v12 =	vadd.s32 s26, v4;
	v13 =	vld.idx.msk [tilespmem:v13+s13+$0x0], $0xffff  }
0xa7: {  	v17 =	vld.idx.msk [tilespmem:v17+s13+$0x0], $0xffff;
	[tilespmem:s21+$0xFFFFFFB0] =	vst v14;
	v14 =	vadd.s32 s5, v3  }
0xa8: {  	s16 =	simm.s32 $0x200;
	v9 =	vld.idx.msk [tilespmem:v9+s13+$0x0], $0xffff  }
0xa9: {  	s17 =	simm.s32 $0x280;
	s2 =	sand.u32 $0x1C00, s16;
	v15 =	vld.idx.msk [tilespmem:v15+s13+$0x0], $0xffff;
	[tilespmem:s24+$0x2020] =	vst v10;
	v10 =	vadd.s32 s28, v6  }
0xaa: {  	s2 =	sadd.s32 $0x16400, s2;
	s3 =	sand.u32 $0x280, s17;
	v19 =	vadd.s32 s29, v6;
	[tilespmem:s25+$0x2020] =	vst v11;
	v8 =	vld.idx.msk [tilespmem:v8+s13+$0x0], $0xffff  }
0xab: {  	s19 =	simm.s32 $0x300;
	s11 =	sor.u32 s3, s2;
	v11 =	vld.idx.msk [tilespmem:v12+s13+$0x0], $0xffff;
	v12 =	vadd.s32 s23, v3;
	[tilespmem:s1+$0x2030] =	vst v13  }
0xac: {  	s20 =	sand.u32 $0x300, s19;
	s4 =	simm.s32 $0x18670;
	s0 =	simm.s32 $0x1C00;
	[tilespmem:s11+$0x2000] =	vst v16;
	v13 =	vld.idx.msk [tilespmem:v14+s13+$0x0], $0xffff;
	v14 =	vadd.s32 s22, v3  }
0xad: {  	s30 =	sor.u32 s20, s2;
	v18 =	vadd.s32 s0, v5;
	[tilespmem:s4+$0xFFFFFF90] =	vst v9  }
0xae: {  	v20 =	vadd.s32 s10, v6;
	[tilespmem:s30+$0x2000] =	vst v17;
	v10 =	vld.idx.msk [tilespmem:v10+s13+$0x0], $0xffff  }
0xaf: {  	v16 =	vadd.s32 s28, v7;
	v17 =	vld.idx.msk [tilespmem:v19+s13+$0x0], $0xffff;
	[tilespmem:s24+$0x2030] =	vst v8  }
0xb0: {  	[tilespmem:s21+$0xFFFFFFC0] =	vst v15;
	v8 =	vadd.s32 s5, v2;
	v9 =	vld.idx.msk [tilespmem:v12+s13+$0x0], $0xffff  }
0xb1: {  	v12 =	vld.idx.msk [tilespmem:v14+s13+$0x0], $0xffff;
	v14 =	vadd.s32 s26, v3  }
0xb2: {  	v15 =	vld.idx.msk [tilespmem:v18+s13+$0x0], $0xffff;
	v18 =	vadd.s32 s22, v2  }
0xb3: {  	v19 =	vadd.s32 s0, v6;
	v20 =	vld.idx.msk [tilespmem:v20+s13+$0x0], $0xffff;
	[tilespmem:s4+$0xFFFFFFA0] =	vst v10  }
0xb4: {  	s8 =	simm.s32 $0x380;
	[tilespmem:s1+$0x2040] =	vst v13;
	v13 =	vld.idx.msk [tilespmem:v16+s13+$0x0], $0xffff  }
0xb5: {  	s31 =	sand.u32 $0x380, s8;
	v23 =	vadd.s32 s10, v7;
	[tilespmem:s25+$0x2030] =	vst v11;
	v22 =	vld.idx.msk [tilespmem:v8+s13+$0x0], $0xffff  }
0xb6: {  	s3 =	sor.u32 s31, s2;
	v21 =	vadd.s32 s29, v7;
	v24 =	vld.idx.msk [tilespmem:v14+s13+$0x0], $0xffff;
	[tilespmem:s21+$0xFFFFFFD0] =	vst v12  }
0xb7: {  	v25 =	vadd.s32 s5, v1;
	[tilespmem:s3+$0x2000] =	vst v15;
	v11 =	vld.idx.msk [tilespmem:v18+s13+$0x0], $0xffff  }
0xb8: {  	v18 =	vld.idx.msk [tilespmem:v19+s13+$0x0], $0xffff;
	v19 =	vadd.s32 s26, v2  }
0xb9: {  	[tilespmem:s30+$0x2010] =	vst v20;
	v16 =	vadd.s32 s28, v4  }
0xba: {  	[tilespmem:s11+$0x2010] =	vst v17;
	v15 =	vld.idx.msk [tilespmem:v23+s13+$0x0], $0xffff;
	v12 =	vadd.s32 s23, v2  }
0xbb: {  	v20 =	vadd.s32 s29, v4;
	v14 =	vld.idx.msk [tilespmem:v21+s13+$0x0], $0xffff;
	v21 =	vadd.s32 s0, v7;
	[tilespmem:s1+$0x2050] =	vst v22  }
0xbc: {  	s6 =	simm.s32 $0x18670;
	v10 =	vadd.s32 s5, v0;
	s5 =	simm.s32 $0x8;
	v8 =	vadd.s32 s10, v4;
	v17 =	vld.idx.msk [tilespmem:v25+s13+$0x0], $0xffff;
	[tilespmem:s25+$0x2040] =	vst v24  }
.LBB2_4:
0xbd: {  	s12 =	sshll.u32 s5, $0xA;
	p0 =	slt.u32 s5, $0x3C;
	s5 =	sadd.s32 $0x4, s5;
	[tilespmem:s4+$0xFFFFFFB0] =	vst v13;
	v13 =	vld.idx.msk [tilespmem:v19+s13+$0x0], $0xffff  }
0xbe: {  	v22 =	vadd.s32 s26, v1;
	v19 =	vadd.s32 s12, v5;
	s9 =	sadd.s32 $0x400, s12;
	s17 =	sadd.s32 $0x800, s12;
	s16 =	sadd.s32 $0xC00, s12;
	v16 =	vld.idx.msk [tilespmem:v16+s13+$0x0], $0xffff;
	[tilespmem:s24+$0x2040] =	vst v9  }
0xbf: {  	v9 =	vadd.s32 s9, v5;
	v23 =	vadd.s32 s16, v5;
	[tilespmem:s3+$0x2010] =	vst v18;
	v12 =	vld.idx.msk [tilespmem:v12+s13+$0x0], $0xffff  }
0xc0: {  	v18 =	vadd.s32 s17, v5;
	v24 =	vadd.s32 s17, v4;
	[tilespmem:s11+$0x2020] =	vst v14;
	v14 =	vld.idx.msk [tilespmem:v21+s13+$0x0], $0xffff;
	v21 =	vadd.s32 s22, v1  }
0xc1: {  	v20 =	vld.idx.msk [tilespmem:v20+s13+$0x0], $0xffff;
	[tilespmem:s30+$0x2020] =	vst v15  }
0xc2: {  	v25 =	vadd.s32 s0, v4;
	v15 =	vld.idx.msk [tilespmem:v8+s13+$0x0], $0xffff;
	[tilespmem:s1+$0x2060] =	vst v17;
	v8 =	vmov v24  }
0xc3: {  	v17 =	vadd.s32 s29, v3;
	v10 =	vld.idx.msk [tilespmem:v10+s13+$0x0], $0xffff;
	[tilespmem:s25+$0x2050] =	vst v13  }
0xc4: {  	[tilespmem:s21+$0xFFFFFFE0] =	vst v11;
	v11 =	vld.idx.msk [tilespmem:v22+s13+$0x0], $0xffff  }
0xc5: {  	s8 =	sadd.s32 $0x200, s8;
	v13 =	vld.idx.msk [tilespmem:v19+s13+$0x0], $0xffff;
	v19 =	vadd.s32 s12, v6;
	[tilespmem:s4+$0xFFFFFFC0] =	vst v16;
	v16 =	vadd.s32 s23, v1  }
0xc6: {  	s2 =	sadd.s32 $0xFFFFFE80, s8;
	v22 =	vadd.s32 s9, v6;
	[tilespmem:s3+$0x2020] =	vst v14;
	v14 =	vld.idx.msk [tilespmem:v21+s13+$0x0], $0xffff  }
0xc7: {  	s14 =	sadd.s32 $0xFFFFFF00, s8;
	s2 =	sand.u32 $0x1C00, s2;
	s4 =	sadd.s32 $0x200, s4;
	v21 =	vadd.s32 s17, v6;
	[tilespmem:s11+$0x2030] =	vst v20;
	v20 =	vld.idx.msk [tilespmem:v25+s13+$0x0], $0xffff  }
0xc8: {  	s20 =	sadd.s32 $0xFFFFFF80, s8;
	s14 =	sand.u32 $0x280, s14;
	s2 =	sadd.s32 $0x16400, s2;
	v24 =	vadd.s32 s16, v6;
	v25 =	vadd.s32 s26, v0;
	v17 =	vld.idx.msk [tilespmem:v17+s13+$0x0], $0xffff;
	[tilespmem:s24+$0x2050] =	vst v12  }
0xc9: {  	s20 =	sand.u32 $0x300, s20;
	s14 =	sor.u32 s14, s2;
	s26 =	smov.u32 s10;
	v12 =	vld.idx.msk [tilespmem:v9+s13+$0x0], $0xffff;
	v9 =	vadd.s32 s0, v3;
	[tilespmem:s1+$0x2070] =	vst v10  }
0xca: {  	s20 =	sor.u32 s20, s2;
	s1 =	sand.u32 $0x380, s8;
	v10 =	vld.idx.msk [tilespmem:v18+s13+$0x0], $0xffff;
	v18 =	vadd.s32 s22, v0;
	[tilespmem:s25+$0x2060] =	vst v11;
	s22 =	smov.u32 s28  }
0xcb: {  	s10 =	smov.u32 s17;
	s2 =	sor.u32 s1, s2;
	s28 =	smov.u32 s12;
	[tilespmem:s4+$0xFFFFFF90] =	vst v13;
	v11 =	vadd.s32 s22, v3;
	v13 =	vld.idx.msk [tilespmem:v16+s13+$0x0], $0xffff  }
0xcc: {  	s1 =	smov.u32 s11;
	v16 =	vld.idx.msk [tilespmem:v19+s13+$0x0], $0xffff;
	[tilespmem:s21+$0xFFFFFFF0] =	vst v14;
	v14 =	vadd.s32 s23, v0;
	s23 =	smov.u32 s0;
	s0 =	smov.u32 s16  }
0xcd: {  	s11 =	smov.u32 s14;
	[tilespmem:s3+$0x2030] =	vst v20;
	v19 =	vld.idx.msk [tilespmem:v25+s13+$0x0], $0xffff  }
0xce: {  	[tilespmem:s1+$0x2040] =	vst v17;
	v9 =	vld.idx.msk [tilespmem:v9+s13+$0x0], $0xffff  }
0xcf: {  	[tilespmem:s11+$0x2000] =	vst v12;
	v12 =	vld.idx.msk [tilespmem:v18+s13+$0x0], $0xffff  }
0xd0: {  	v17 =	vadd.s32 s29, v2;
	[tilespmem:s20+$0x2000] =	vst v10;
	v11 =	vld.idx.msk [tilespmem:v11+s13+$0x0], $0xffff  }
0xd1: {  	v20 =	vadd.s32 s26, v3;
	v18 =	vld.idx.msk [tilespmem:v23+s13+$0x0], $0xffff;
	[tilespmem:s24+$0x2060] =	vst v13  }
0xd2: {  	v10 =	vadd.s32 s29, v0;
	v13 =	vadd.s32 s28, v7;
	[tilespmem:s30+$0x2030] =	vst v15;
	v14 =	vld.idx.msk [tilespmem:v14+s13+$0x0], $0xffff  }
0xd3: {  	v15 =	vld.idx.msk [tilespmem:v22+s13+$0x0], $0xffff;
	v22 =	vadd.s32 s22, v2;
	[tilespmem:s25+$0x2070] =	vst v19;
	s25 =	smov.u32 s30;
	s30 =	smov.u32 s20  }
0xd4: {  	[tilespmem:s4+$0xFFFFFFA0] =	vst v16;
	v21 =	vld.idx.msk [tilespmem:v21+s13+$0x0], $0xffff  }
0xd5: {  	v23 =	vadd.s32 s9, v7;
	v17 =	vld.idx.msk [tilespmem:v17+s13+$0x0], $0xffff;
	[tilespmem:s21+$0x0] =	vst v12;
	s21 =	smov.u32 s6;
	s6 =	smov.u32 s4  }
0xd6: {  	v25 =	vadd.s32 s10, v7;
	[tilespmem:s21+$0xFFFFFFD0] =	vst v11;
	v26 =	vld.idx.msk [tilespmem:v20+s13+$0x0], $0xffff  }
0xd7: {  	v27 =	vadd.s32 s29, v1;
	s29 =	smov.u32 s9;
	v13 =	vld.idx.msk [tilespmem:v13+s13+$0x0], $0xffff;
	[tilespmem:s2+$0x2000] =	vst v18  }
.Ltmp1:
0xd8: {  	v19 =	vadd.s32 s26, v2;
	v11 =	vld.idx.msk [tilespmem:v22+s13+$0x0], $0xffff;
	[tilespmem:s24+$0x2070] =	vst v14;
	s24 =	smov.u32 s3;
	s3 =	smov.u32 s2;
	(pc) =	sbr.rel @p0 .LBB2_4-.Ltmp1, $4  }
0xd9: {  	v16 =	vadd.s32 s28, v4;
	[tilespmem:s11+$0x2010] =	vst v15;
	v18 =	vld.idx.msk [tilespmem:v24+s13+$0x0], $0xffff  }
0xda: {  	v12 =	vadd.s32 s23, v2;
	v14 =	vld.idx.msk [tilespmem:v23+s13+$0x0], $0xffff;
	[tilespmem:s30+$0x2010] =	vst v21  }
0xdb: {  	v21 =	vadd.s32 s0, v7;
	v15 =	vld.idx.msk [tilespmem:v25+s13+$0x0], $0xffff;
	[tilespmem:s1+$0x2050] =	vst v17  }
0xdc: {  	v20 =	vadd.s32 s29, v4;
	v17 =	vld.idx.msk [tilespmem:v27+s13+$0x0], $0xffff;
	[tilespmem:s25+$0x2040] =	vst v26  }
0xdd: {  	_ =	sdelay $0x2  }
0xde: {  	[tilespmem:s3+$0x2010] =	vst v18  }
0xdf: {  	[tilespmem:s4+$0xFFFFFFB0] =	vst v13;
	v5 =	vld.idx.msk [tilespmem:v21+s13+$0x0], $0xffff  }
0xe0: {  	v6 =	vld.idx.msk [tilespmem:v19+s13+$0x0], $0xffff;
	[tilespmem:s24+$0x2040] =	vst v9;
	v4 =	vadd.s32 s0, v4  }
0xe1: {  	[tilespmem:s11+$0x2020] =	vst v14  }
0xe2: {  	v7 =	vld.idx.msk [tilespmem:v20+s13+$0x0], $0xffff;
	[tilespmem:s30+$0x2020] =	vst v15  }
0xe3: {  	v9 =	vadd.s32 s29, v3;
	[tilespmem:s21+$0xFFFFFFE0] =	vst v11;
	v8 =	vld.idx.msk [tilespmem:v8+s13+$0x0], $0xffff  }
0xe4: {  	v13 =	vld.idx.msk [tilespmem:v16+s13+$0x0], $0xffff;
	[tilespmem:s3+$0x2020] =	vst v5;
	v5 =	vadd.s32 s10, v3  }
0xe5: {  	[tilespmem:s25+$0x2050] =	vst v6;
	v6 =	vadd.s32 s28, v3;
	v4 =	vld.idx.msk [tilespmem:v4+s13+$0x0], $0xffff  }
0xe6: {  	v12 =	vld.idx.msk [tilespmem:v12+s13+$0x0], $0xffff;
	[tilespmem:s1+$0x2060] =	vst v17;
	v3 =	vadd.s32 s0, v3  }
0xe7: {  	v11 =	vadd.s32 s26, v1;
	v10 =	vld.idx.msk [tilespmem:v10+s13+$0x0], $0xffff;
	[tilespmem:s11+$0x2030] =	vst v7  }
0xe8: {  	v7 =	vadd.s32 s22, v1;
	v9 =	vld.idx.msk [tilespmem:v9+s13+$0x0], $0xffff;
	[tilespmem:s30+$0x2030] =	vst v8  }
0xe9: {  	[tilespmem:s4+$0xFFFFFFC0] =	vst v13;
	v8 =	vadd.s32 s29, v2;
	v5 =	vld.idx.msk [tilespmem:v5+s13+$0x0], $0xffff  }
0xea: {  	[tilespmem:s3+$0x2030] =	vst v4;
	v4 =	vld.idx.msk [tilespmem:v6+s13+$0x0], $0xffff;
	v6 =	vadd.s32 s10, v2  }
0xeb: {  	[tilespmem:s24+$0x2050] =	vst v12;
	v12 =	vadd.s32 s28, v2;
	v3 =	vld.idx.msk [tilespmem:v3+s13+$0x0], $0xffff  }
0xec: {  	v11 =	vld.idx.msk [tilespmem:v11+s13+$0x0], $0xffff;
	[tilespmem:s1+$0x2070] =	vst v10;
	v2 =	vadd.s32 s0, v2  }
0xed: {  	v10 =	vadd.s32 s23, v1;
	v7 =	vld.idx.msk [tilespmem:v7+s13+$0x0], $0xffff;
	[tilespmem:s11+$0x2040] =	vst v9  }
0xee: {  	v9 =	vadd.s32 s26, v0;
	v8 =	vld.idx.msk [tilespmem:v8+s13+$0x0], $0xffff;
	[tilespmem:s30+$0x2040] =	vst v5  }
0xef: {  	[tilespmem:s6+$0xFFFFFFD0] =	vst v4;
	v4 =	vadd.s32 s29, v1;
	v5 =	vld.idx.msk [tilespmem:v6+s13+$0x0], $0xffff  }
0xf0: {  	v6 =	vld.idx.msk [tilespmem:v12+s13+$0x0], $0xffff;
	v12 =	vadd.s32 s10, v1;
	[tilespmem:s3+$0x2040] =	vst v3  }
0xf1: {  	[tilespmem:s25+$0x2060] =	vst v11;
	v3 =	vadd.s32 s28, v1;
	v2 =	vld.idx.msk [tilespmem:v2+s13+$0x0], $0xffff  }
0xf2: {  	v10 =	vld.idx.msk [tilespmem:v10+s13+$0x0], $0xffff;
	[tilespmem:s21+$0xFFFFFFF0] =	vst v7;
	v1 =	vadd.s32 s0, v1  }
0xf3: {  	v7 =	vadd.s32 s22, v0;
	v9 =	vld.idx.msk [tilespmem:v9+s13+$0x0], $0xffff;
	[tilespmem:s11+$0x2050] =	vst v8  }
0xf4: {  	v8 =	vadd.s32 s23, v0;
	v4 =	vld.idx.msk [tilespmem:v4+s13+$0x0], $0xffff;
	[tilespmem:s30+$0x2050] =	vst v5  }
0xf5: {  	v5 =	vadd.s32 s29, v0;
	[tilespmem:s6+$0xFFFFFFE0] =	vst v6;
	v6 =	vld.idx.msk [tilespmem:v12+s13+$0x0], $0xffff  }
0xf6: {  	v11 =	vadd.s32 s10, v0;
	v3 =	vld.idx.msk [tilespmem:v3+s13+$0x0], $0xffff;
	[tilespmem:s3+$0x2050] =	vst v2  }
0xf7: {  	[tilespmem:s24+$0x2060] =	vst v10;
	v2 =	vadd.s32 s28, v0;
	v1 =	vld.idx.msk [tilespmem:v1+s13+$0x0], $0xffff  }
0xf8: {  	v7 =	vld.idx.msk [tilespmem:v7+s13+$0x0], $0xffff;
	[tilespmem:s25+$0x2070] =	vst v9;
	v0 =	vadd.s32 s0, v0  }
0xf9: {  	v8 =	vld.idx.msk [tilespmem:v8+s13+$0x0], $0xffff;
	[tilespmem:s11+$0x2060] =	vst v4  }
0xfa: {  	v4 =	vld.idx.msk [tilespmem:v5+s13+$0x0], $0xffff;
	[tilespmem:s30+$0x2060] =	vst v6  }
0xfb: {  	[tilespmem:s6+$0xFFFFFFF0] =	vst v3;
	v3 =	vld.idx.msk [tilespmem:v11+s13+$0x0], $0xffff  }
0xfc: {  	v2 =	vld.idx.msk [tilespmem:v2+s13+$0x0], $0xffff;
	[tilespmem:s3+$0x2060] =	vst v1  }
0xfd: {  	[tilespmem:s21+$0x0] =	vst v7;
	v0 =	vld.idx.msk [tilespmem:v0+s13+$0x0], $0xffff  }
0xfe: {  	[tilespmem:s24+$0x2070] =	vst v8  }
0xff: {  	[tilespmem:s11+$0x2070] =	vst v4  }
0x100: {  	[tilespmem:s30+$0x2070] =	vst v3  }
0x101: {  	[tilespmem:s6+$0x0] =	vst v2  }
0x102: {  	s9 =	simm.s32 $0x400;
	[tilespmem:s3+$0x2070] =	vst v0  }
0x103: {  	s2 =	simm.s32 $0x8000;
	s10 =	simm.s32 $0x16400;
	s8 =	rddreg [dreg:$0x4]  }
0x104: {  	[hbm4b:s8+s9] =	stream.strided.scatter [tilespmem:s10], [sflag:$0x1], $0x4000, s2, s9, $0x38;
	[tilespmem:$0x1E400] =	vst v63  }
0x105: {  	v5 =	vld [tilespmem:$0x100];
	_ =	sdelay $0x3  }
0x106: {  	s5 =	simm.s32 $0x400  }
0x107: {  	v6 =	vld [tilespmem:$0x110];
	v0 =	vadd.s32 s5, v5  }
0x108: {  	s22 =	simm.s32 $0x0;
	v7 =	vld [tilespmem:$0x120]  }
0x109: {  	v4 =	vld [tilespmem:$0x130];
	v8 =	vadd.s32 s22, v5  }
0x10a: {  	s23 =	simm.s32 $0xC00;
	v3 =	vld [tilespmem:$0x140]  }
0x10b: {  	s26 =	simm.s32 $0x800;
	v2 =	vld [tilespmem:$0x150];
	v9 =	vadd.s32 s23, v5  }
0x10c: {  	v10 =	vadd.s32 s26, v5;
	v11 =	vld.idx.msk [tilespmem:v0+s13+$0x0], $0xffff  }
0x10d: {  	s11 =	simm.s32 $0x0;
	v1 =	vld [tilespmem:$0x160];
	v12 =	vadd.s32 s5, v6  }
0x10e: {  	s12 =	simm.s32 $0x80;
	s0 =	sand.u32 $0x1C00, s11;
	v8 =	vld.idx.msk [tilespmem:v8+s13+$0x0], $0xffff  }
0x10f: {  	s1 =	sand.u32 $0x280, s12;
	s0 =	sadd.s32 $0x1A400, s0;
	v13 =	vadd.s32 s22, v6;
	v0 =	vld [tilespmem:$0x170]  }
0x110: {  	s1 =	sor.u32 s1, s0;
	v9 =	vld.idx.msk [tilespmem:v9+s13+$0x0], $0xffff  }
0x111: {  	v14 =	vadd.s32 s23, v6;
	v10 =	vld.idx.msk [tilespmem:v10+s13+$0x0], $0xffff;
	[tilespmem:s1+$0x0] =	vst v11  }
0x112: {  	s14 =	simm.s32 $0x180;
	s21 =	simm.s32 $0x1A440;
	v11 =	vadd.s32 s26, v6;
	v12 =	vld.idx.msk [tilespmem:v12+s13+$0x0], $0xffff  }
0x113: {  	s15 =	simm.s32 $0x100;
	s2 =	sand.u32 $0x380, s14;
	[tilespmem:s21+$0xFFFFFFC0] =	vst v8;
	v8 =	vadd.s32 s5, v7  }
0x114: {  	s3 =	sand.u32 $0x300, s15;
	s24 =	sor.u32 s2, s0;
	v13 =	vld.idx.msk [tilespmem:v13+s13+$0x0], $0xffff  }
0x115: {  	s29 =	simm.s32 $0x1400;
	s25 =	sor.u32 s3, s0;
	v15 =	vadd.s32 s22, v7;
	[tilespmem:s24+$0x0] =	vst v9  }
0x116: {  	v16 =	vadd.s32 s29, v5;
	[tilespmem:s25+$0x0] =	vst v10;
	v9 =	vld.idx.msk [tilespmem:v14+s13+$0x0], $0xffff  }
0x117: {  	v10 =	vld.idx.msk [tilespmem:v11+s13+$0x0], $0xffff;
	v11 =	vadd.s32 s23, v7;
	[tilespmem:s1+$0x10] =	vst v12  }
0x118: {  	v12 =	vadd.s32 s26, v7;
	v8 =	vld.idx.msk [tilespmem:v8+s13+$0x0], $0xffff  }
0x119: {  	s10 =	simm.s32 $0x1800;
	[tilespmem:s21+$0xFFFFFFD0] =	vst v13;
	v13 =	vadd.s32 s5, v4  }
0x11a: {  	s28 =	simm.s32 $0x1000;
	v17 =	vadd.s32 s10, v5;
	v14 =	vld.idx.msk [tilespmem:v15+s13+$0x0], $0xffff  }
0x11b: {  	v16 =	vld.idx.msk [tilespmem:v16+s13+$0x0], $0xffff;
	[tilespmem:s24+$0x10] =	vst v9;
	v9 =	vadd.s32 s28, v5  }
0x11c: {  	v15 =	vadd.s32 s22, v4;
	[tilespmem:s25+$0x10] =	vst v10;
	v10 =	vld.idx.msk [tilespmem:v11+s13+$0x0], $0xffff  }
0x11d: {  	v11 =	vld.idx.msk [tilespmem:v12+s13+$0x0], $0xffff;
	[tilespmem:s1+$0x20] =	vst v8;
	v8 =	vadd.s32 s23, v4  }
0x11e: {  	v12 =	vadd.s32 s26, v4;
	v13 =	vld.idx.msk [tilespmem:v13+s13+$0x0], $0xffff  }
0x11f: {  	v17 =	vld.idx.msk [tilespmem:v17+s13+$0x0], $0xffff;
	[tilespmem:s21+$0xFFFFFFE0] =	vst v14;
	v14 =	vadd.s32 s5, v3  }
0x120: {  	s16 =	simm.s32 $0x200;
	v9 =	vld.idx.msk [tilespmem:v9+s13+$0x0], $0xffff  }
0x121: {  	s17 =	simm.s32 $0x280;
	s2 =	sand.u32 $0x1C00, s16;
	v15 =	vld.idx.msk [tilespmem:v15+s13+$0x0], $0xffff;
	[tilespmem:s24+$0x20] =	vst v10;
	v10 =	vadd.s32 s28, v6  }
0x122: {  	s3 =	sand.u32 $0x280, s17;
	s2 =	sadd.s32 $0x1A400, s2;
	v19 =	vadd.s32 s29, v6;
	[tilespmem:s25+$0x20] =	vst v11;
	v8 =	vld.idx.msk [tilespmem:v8+s13+$0x0], $0xffff  }
0x123: {  	s19 =	simm.s32 $0x300;
	s11 =	sor.u32 s3, s2;
	v11 =	vld.idx.msk [tilespmem:v12+s13+$0x0], $0xffff;
	v12 =	vadd.s32 s23, v3;
	[tilespmem:s1+$0x30] =	vst v13  }
0x124: {  	s20 =	sand.u32 $0x300, s19;
	s4 =	simm.s32 $0x1A640;
	s0 =	simm.s32 $0x1C00;
	[tilespmem:s11+$0x0] =	vst v16;
	v13 =	vld.idx.msk [tilespmem:v14+s13+$0x0], $0xffff;
	v14 =	vadd.s32 s22, v3  }
0x125: {  	s30 =	sor.u32 s20, s2;
	v18 =	vadd.s32 s0, v5;
	[tilespmem:s4+$0xFFFFFFC0] =	vst v9  }
0x126: {  	v20 =	vadd.s32 s10, v6;
	[tilespmem:s30+$0x0] =	vst v17;
	v10 =	vld.idx.msk [tilespmem:v10+s13+$0x0], $0xffff  }
0x127: {  	v16 =	vadd.s32 s28, v7;
	v17 =	vld.idx.msk [tilespmem:v19+s13+$0x0], $0xffff;
	[tilespmem:s24+$0x30] =	vst v8  }
0x128: {  	[tilespmem:s21+$0xFFFFFFF0] =	vst v15;
	v8 =	vadd.s32 s5, v2;
	v9 =	vld.idx.msk [tilespmem:v12+s13+$0x0], $0xffff  }
0x129: {  	v12 =	vld.idx.msk [tilespmem:v14+s13+$0x0], $0xffff;
	v14 =	vadd.s32 s26, v3  }
0x12a: {  	v15 =	vld.idx.msk [tilespmem:v18+s13+$0x0], $0xffff;
	v18 =	vadd.s32 s22, v2  }
0x12b: {  	v19 =	vadd.s32 s0, v6;
	v20 =	vld.idx.msk [tilespmem:v20+s13+$0x0], $0xffff;
	[tilespmem:s4+$0xFFFFFFD0] =	vst v10  }
0x12c: {  	s8 =	simm.s32 $0x380;
	[tilespmem:s1+$0x40] =	vst v13;
	v13 =	vld.idx.msk [tilespmem:v16+s13+$0x0], $0xffff  }
0x12d: {  	s31 =	sand.u32 $0x380, s8;
	v23 =	vadd.s32 s10, v7;
	[tilespmem:s25+$0x30] =	vst v11;
	v22 =	vld.idx.msk [tilespmem:v8+s13+$0x0], $0xffff  }
0x12e: {  	s3 =	sor.u32 s31, s2;
	v21 =	vadd.s32 s29, v7;
	v24 =	vld.idx.msk [tilespmem:v14+s13+$0x0], $0xffff;
	[tilespmem:s21+$0x0] =	vst v12  }
0x12f: {  	v25 =	vadd.s32 s5, v1;
	[tilespmem:s3+$0x0] =	vst v15;
	v11 =	vld.idx.msk [tilespmem:v18+s13+$0x0], $0xffff  }
0x130: {  	v18 =	vld.idx.msk [tilespmem:v19+s13+$0x0], $0xffff;
	v19 =	vadd.s32 s26, v2  }
0x131: {  	[tilespmem:s30+$0x10] =	vst v20;
	v16 =	vadd.s32 s28, v4  }
0x132: {  	[tilespmem:s11+$0x10] =	vst v17;
	v15 =	vld.idx.msk [tilespmem:v23+s13+$0x0], $0xffff;
	v12 =	vadd.s32 s23, v2  }
0x133: {  	v20 =	vadd.s32 s29, v4;
	v14 =	vld.idx.msk [tilespmem:v21+s13+$0x0], $0xffff;
	v21 =	vadd.s32 s0, v7;
	[tilespmem:s1+$0x50] =	vst v22  }
0x134: {  	s6 =	simm.s32 $0x1A640;
	v10 =	vadd.s32 s5, v0;
	s5 =	simm.s32 $0x8;
	v8 =	vadd.s32 s10, v4;
	v17 =	vld.idx.msk [tilespmem:v25+s13+$0x0], $0xffff;
	[tilespmem:s25+$0x40] =	vst v24  }
.LBB2_6:
0x135: {  	s12 =	sshll.u32 s5, $0xA;
	p0 =	slt.u32 s5, $0x3C;
	s5 =	sadd.s32 $0x4, s5;
	[tilespmem:s4+$0xFFFFFFE0] =	vst v13;
	v13 =	vld.idx.msk [tilespmem:v19+s13+$0x0], $0xffff  }
0x136: {  	v22 =	vadd.s32 s26, v1;
	v19 =	vadd.s32 s12, v5;
	s9 =	sadd.s32 $0x400, s12;
	s17 =	sadd.s32 $0x800, s12;
	s16 =	sadd.s32 $0xC00, s12;
	v16 =	vld.idx.msk [tilespmem:v16+s13+$0x0], $0xffff;
	[tilespmem:s24+$0x40] =	vst v9  }
0x137: {  	v9 =	vadd.s32 s9, v5;
	v23 =	vadd.s32 s16, v5;
	[tilespmem:s3+$0x10] =	vst v18;
	v12 =	vld.idx.msk [tilespmem:v12+s13+$0x0], $0xffff  }
0x138: {  	v18 =	vadd.s32 s17, v5;
	v24 =	vadd.s32 s17, v4;
	[tilespmem:s11+$0x20] =	vst v14;
	v14 =	vld.idx.msk [tilespmem:v21+s13+$0x0], $0xffff;
	v21 =	vadd.s32 s22, v1  }
0x139: {  	v20 =	vld.idx.msk [tilespmem:v20+s13+$0x0], $0xffff;
	[tilespmem:s30+$0x20] =	vst v15  }
0x13a: {  	v25 =	vadd.s32 s0, v4;
	v15 =	vld.idx.msk [tilespmem:v8+s13+$0x0], $0xffff;
	[tilespmem:s1+$0x60] =	vst v17;
	v8 =	vmov v24  }
0x13b: {  	v17 =	vadd.s32 s29, v3;
	v10 =	vld.idx.msk [tilespmem:v10+s13+$0x0], $0xffff;
	[tilespmem:s25+$0x50] =	vst v13  }
0x13c: {  	[tilespmem:s21+$0x10] =	vst v11;
	v11 =	vld.idx.msk [tilespmem:v22+s13+$0x0], $0xffff  }
0x13d: {  	s8 =	sadd.s32 $0x200, s8;
	v13 =	vld.idx.msk [tilespmem:v19+s13+$0x0], $0xffff;
	v19 =	vadd.s32 s12, v6;
	[tilespmem:s4+$0xFFFFFFF0] =	vst v16;
	v16 =	vadd.s32 s23, v1  }
0x13e: {  	s2 =	sadd.s32 $0xFFFFFE80, s8;
	v22 =	vadd.s32 s9, v6;
	[tilespmem:s3+$0x20] =	vst v14;
	v14 =	vld.idx.msk [tilespmem:v21+s13+$0x0], $0xffff  }
0x13f: {  	s14 =	sadd.s32 $0xFFFFFF00, s8;
	s2 =	sand.u32 $0x1C00, s2;
	s4 =	sadd.s32 $0x200, s4;
	v21 =	vadd.s32 s17, v6;
	[tilespmem:s11+$0x30] =	vst v20;
	v20 =	vld.idx.msk [tilespmem:v25+s13+$0x0], $0xffff  }
0x140: {  	s20 =	sadd.s32 $0xFFFFFF80, s8;
	s14 =	sand.u32 $0x280, s14;
	s2 =	sadd.s32 $0x1A400, s2;
	v24 =	vadd.s32 s16, v6;
	v25 =	vadd.s32 s26, v0;
	v17 =	vld.idx.msk [tilespmem:v17+s13+$0x0], $0xffff;
	[tilespmem:s24+$0x50] =	vst v12  }
0x141: {  	s20 =	sand.u32 $0x300, s20;
	s14 =	sor.u32 s14, s2;
	s26 =	smov.u32 s10;
	v12 =	vld.idx.msk [tilespmem:v9+s13+$0x0], $0xffff;
	v9 =	vadd.s32 s0, v3;
	[tilespmem:s1+$0x70] =	vst v10  }
0x142: {  	s20 =	sor.u32 s20, s2;
	s1 =	sand.u32 $0x380, s8;
	v10 =	vld.idx.msk [tilespmem:v18+s13+$0x0], $0xffff;
	v18 =	vadd.s32 s22, v0;
	[tilespmem:s25+$0x60] =	vst v11;
	s22 =	smov.u32 s28  }
0x143: {  	s10 =	smov.u32 s17;
	s2 =	sor.u32 s1, s2;
	s28 =	smov.u32 s12;
	[tilespmem:s4+$0xFFFFFFC0] =	vst v13;
	v11 =	vadd.s32 s22, v3;
	v13 =	vld.idx.msk [tilespmem:v16+s13+$0x0], $0xffff  }
0x144: {  	s1 =	smov.u32 s11;
	v16 =	vld.idx.msk [tilespmem:v19+s13+$0x0], $0xffff;
	[tilespmem:s21+$0x20] =	vst v14;
	v14 =	vadd.s32 s23, v0;
	s23 =	smov.u32 s0;
	s0 =	smov.u32 s16  }
0x145: {  	s11 =	smov.u32 s14;
	[tilespmem:s3+$0x30] =	vst v20;
	v19 =	vld.idx.msk [tilespmem:v25+s13+$0x0], $0xffff  }
0x146: {  	[tilespmem:s1+$0x40] =	vst v17;
	v9 =	vld.idx.msk [tilespmem:v9+s13+$0x0], $0xffff  }
0x147: {  	[tilespmem:s11+$0x0] =	vst v12;
	v12 =	vld.idx.msk [tilespmem:v18+s13+$0x0], $0xffff  }
0x148: {  	v17 =	vadd.s32 s29, v2;
	[tilespmem:s20+$0x0] =	vst v10;
	v11 =	vld.idx.msk [tilespmem:v11+s13+$0x0], $0xffff  }
0x149: {  	v20 =	vadd.s32 s26, v3;
	v18 =	vld.idx.msk [tilespmem:v23+s13+$0x0], $0xffff;
	[tilespmem:s24+$0x60] =	vst v13  }
0x14a: {  	v10 =	vadd.s32 s29, v0;
	v13 =	vadd.s32 s28, v7;
	[tilespmem:s30+$0x30] =	vst v15;
	v14 =	vld.idx.msk [tilespmem:v14+s13+$0x0], $0xffff  }
0x14b: {  	v15 =	vld.idx.msk [tilespmem:v22+s13+$0x0], $0xffff;
	v22 =	vadd.s32 s22, v2;
	[tilespmem:s25+$0x70] =	vst v19;
	s25 =	smov.u32 s30;
	s30 =	smov.u32 s20  }
0x14c: {  	[tilespmem:s4+$0xFFFFFFD0] =	vst v16;
	v21 =	vld.idx.msk [tilespmem:v21+s13+$0x0], $0xffff  }
0x14d: {  	v23 =	vadd.s32 s9, v7;
	v17 =	vld.idx.msk [tilespmem:v17+s13+$0x0], $0xffff;
	[tilespmem:s21+$0x30] =	vst v12;
	s21 =	smov.u32 s6;
	s6 =	smov.u32 s4  }
0x14e: {  	v25 =	vadd.s32 s10, v7;
	[tilespmem:s21+$0x0] =	vst v11;
	v26 =	vld.idx.msk [tilespmem:v20+s13+$0x0], $0xffff  }
0x14f: {  	v27 =	vadd.s32 s29, v1;
	s29 =	smov.u32 s9;
	v13 =	vld.idx.msk [tilespmem:v13+s13+$0x0], $0xffff;
	[tilespmem:s2+$0x0] =	vst v18  }
.Ltmp2:
0x150: {  	v19 =	vadd.s32 s26, v2;
	v11 =	vld.idx.msk [tilespmem:v22+s13+$0x0], $0xffff;
	[tilespmem:s24+$0x70] =	vst v14;
	s24 =	smov.u32 s3;
	s3 =	smov.u32 s2;
	(pc) =	sbr.rel @p0 .LBB2_6-.Ltmp2, $4  }
0x151: {  	v16 =	vadd.s32 s28, v4;
	[tilespmem:s11+$0x10] =	vst v15;
	v18 =	vld.idx.msk [tilespmem:v24+s13+$0x0], $0xffff  }
0x152: {  	v12 =	vadd.s32 s23, v2;
	v14 =	vld.idx.msk [tilespmem:v23+s13+$0x0], $0xffff;
	[tilespmem:s30+$0x10] =	vst v21  }
0x153: {  	v21 =	vadd.s32 s0, v7;
	v15 =	vld.idx.msk [tilespmem:v25+s13+$0x0], $0xffff;
	[tilespmem:s1+$0x50] =	vst v17  }
0x154: {  	v20 =	vadd.s32 s29, v4;
	v17 =	vld.idx.msk [tilespmem:v27+s13+$0x0], $0xffff;
	[tilespmem:s25+$0x40] =	vst v26  }
0x155: {  	_ =	sdelay $0x2  }
0x156: {  	[tilespmem:s3+$0x10] =	vst v18  }
0x157: {  	[tilespmem:s4+$0xFFFFFFE0] =	vst v13;
	v5 =	vld.idx.msk [tilespmem:v21+s13+$0x0], $0xffff  }
0x158: {  	v6 =	vld.idx.msk [tilespmem:v19+s13+$0x0], $0xffff;
	[tilespmem:s24+$0x40] =	vst v9;
	v4 =	vadd.s32 s0, v4  }
0x159: {  	[tilespmem:s11+$0x20] =	vst v14  }
0x15a: {  	v7 =	vld.idx.msk [tilespmem:v20+s13+$0x0], $0xffff;
	[tilespmem:s30+$0x20] =	vst v15  }
0x15b: {  	v9 =	vadd.s32 s29, v3;
	[tilespmem:s21+$0x10] =	vst v11;
	v8 =	vld.idx.msk [tilespmem:v8+s13+$0x0], $0xffff  }
0x15c: {  	v13 =	vld.idx.msk [tilespmem:v16+s13+$0x0], $0xffff;
	[tilespmem:s3+$0x20] =	vst v5;
	v5 =	vadd.s32 s10, v3  }
0x15d: {  	[tilespmem:s25+$0x50] =	vst v6;
	v6 =	vadd.s32 s28, v3;
	v4 =	vld.idx.msk [tilespmem:v4+s13+$0x0], $0xffff  }
0x15e: {  	v12 =	vld.idx.msk [tilespmem:v12+s13+$0x0], $0xffff;
	[tilespmem:s1+$0x60] =	vst v17;
	v3 =	vadd.s32 s0, v3  }
0x15f: {  	v11 =	vadd.s32 s26, v1;
	v10 =	vld.idx.msk [tilespmem:v10+s13+$0x0], $0xffff;
	[tilespmem:s11+$0x30] =	vst v7  }
0x160: {  	v7 =	vadd.s32 s22, v1;
	v9 =	vld.idx.msk [tilespmem:v9+s13+$0x0], $0xffff;
	[tilespmem:s30+$0x30] =	vst v8  }
0x161: {  	[tilespmem:s4+$0xFFFFFFF0] =	vst v13;
	v8 =	vadd.s32 s29, v2;
	v5 =	vld.idx.msk [tilespmem:v5+s13+$0x0], $0xffff  }
0x162: {  	[tilespmem:s3+$0x30] =	vst v4;
	v4 =	vld.idx.msk [tilespmem:v6+s13+$0x0], $0xffff;
	v6 =	vadd.s32 s10, v2  }
0x163: {  	[tilespmem:s24+$0x50] =	vst v12;
	v12 =	vadd.s32 s28, v2;
	v3 =	vld.idx.msk [tilespmem:v3+s13+$0x0], $0xffff  }
0x164: {  	v11 =	vld.idx.msk [tilespmem:v11+s13+$0x0], $0xffff;
	[tilespmem:s1+$0x70] =	vst v10;
	v2 =	vadd.s32 s0, v2  }
0x165: {  	v10 =	vadd.s32 s23, v1;
	v7 =	vld.idx.msk [tilespmem:v7+s13+$0x0], $0xffff;
	[tilespmem:s11+$0x40] =	vst v9  }
0x166: {  	v9 =	vadd.s32 s26, v0;
	v8 =	vld.idx.msk [tilespmem:v8+s13+$0x0], $0xffff;
	[tilespmem:s30+$0x40] =	vst v5  }
0x167: {  	[tilespmem:s6+$0x0] =	vst v4;
	v4 =	vadd.s32 s29, v1;
	v5 =	vld.idx.msk [tilespmem:v6+s13+$0x0], $0xffff  }
0x168: {  	v6 =	vld.idx.msk [tilespmem:v12+s13+$0x0], $0xffff;
	v12 =	vadd.s32 s10, v1;
	[tilespmem:s3+$0x40] =	vst v3  }
0x169: {  	[tilespmem:s25+$0x60] =	vst v11;
	v3 =	vadd.s32 s28, v1;
	v2 =	vld.idx.msk [tilespmem:v2+s13+$0x0], $0xffff  }
0x16a: {  	v10 =	vld.idx.msk [tilespmem:v10+s13+$0x0], $0xffff;
	[tilespmem:s21+$0x20] =	vst v7;
	v1 =	vadd.s32 s0, v1  }
0x16b: {  	v7 =	vadd.s32 s22, v0;
	v9 =	vld.idx.msk [tilespmem:v9+s13+$0x0], $0xffff;
	[tilespmem:s11+$0x50] =	vst v8  }
0x16c: {  	v8 =	vadd.s32 s23, v0;
	v4 =	vld.idx.msk [tilespmem:v4+s13+$0x0], $0xffff;
	[tilespmem:s30+$0x50] =	vst v5  }
0x16d: {  	v5 =	vadd.s32 s29, v0;
	[tilespmem:s6+$0x10] =	vst v6;
	v6 =	vld.idx.msk [tilespmem:v12+s13+$0x0], $0xffff  }
0x16e: {  	v11 =	vadd.s32 s10, v0;
	v3 =	vld.idx.msk [tilespmem:v3+s13+$0x0], $0xffff;
	[tilespmem:s3+$0x50] =	vst v2  }
0x16f: {  	[tilespmem:s24+$0x60] =	vst v10;
	v2 =	vadd.s32 s28, v0;
	v1 =	vld.idx.msk [tilespmem:v1+s13+$0x0], $0xffff  }
0x170: {  	v7 =	vld.idx.msk [tilespmem:v7+s13+$0x0], $0xffff;
	[tilespmem:s25+$0x70] =	vst v9;
	v0 =	vadd.s32 s0, v0  }
0x171: {  	v8 =	vld.idx.msk [tilespmem:v8+s13+$0x0], $0xffff;
	[tilespmem:s11+$0x60] =	vst v4  }
0x172: {  	v4 =	vld.idx.msk [tilespmem:v5+s13+$0x0], $0xffff;
	[tilespmem:s30+$0x60] =	vst v6  }
0x173: {  	[tilespmem:s6+$0x20] =	vst v3;
	v3 =	vld.idx.msk [tilespmem:v11+s13+$0x0], $0xffff  }
0x174: {  	v2 =	vld.idx.msk [tilespmem:v2+s13+$0x0], $0xffff;
	[tilespmem:s3+$0x60] =	vst v1  }
0x175: {  	[tilespmem:s21+$0x30] =	vst v7;
	v0 =	vld.idx.msk [tilespmem:v0+s13+$0x0], $0xffff  }
0x176: {  	[tilespmem:s24+$0x70] =	vst v8  }
0x177: {  	[tilespmem:s11+$0x70] =	vst v4  }
0x178: {  	[tilespmem:s30+$0x70] =	vst v3  }
0x179: {  	[tilespmem:s6+$0x30] =	vst v2  }
0x17a: {  	[tilespmem:s3+$0x70] =	vst v0  }
0x17b: {  	v5 =	vld [tilespmem:$0x180];
	_ =	sdelay $0x3  }
0x17c: {  	s5 =	simm.s32 $0x400  }
0x17d: {  	v6 =	vld [tilespmem:$0x190];
	v0 =	vadd.s32 s5, v5  }
0x17e: {  	s22 =	simm.s32 $0x0;
	v7 =	vld [tilespmem:$0x1A0]  }
0x17f: {  	v4 =	vld [tilespmem:$0x1B0];
	v8 =	vadd.s32 s22, v5  }
0x180: {  	s23 =	simm.s32 $0xC00;
	v3 =	vld [tilespmem:$0x1C0]  }
0x181: {  	s26 =	simm.s32 $0x800;
	v2 =	vld [tilespmem:$0x1D0];
	v9 =	vadd.s32 s23, v5  }
0x182: {  	v10 =	vadd.s32 s26, v5;
	v11 =	vld.idx.msk [tilespmem:v0+s13+$0x0], $0xffff  }
0x183: {  	s12 =	simm.s32 $0x0;
	v1 =	vld [tilespmem:$0x1E0];
	v12 =	vadd.s32 s5, v6  }
0x184: {  	s14 =	simm.s32 $0x80;
	s0 =	sand.u32 $0x1C00, s12;
	v8 =	vld.idx.msk [tilespmem:v8+s13+$0x0], $0xffff  }
0x185: {  	s1 =	sand.u32 $0x280, s14;
	s0 =	sadd.s32 $0x1A400, s0;
	v13 =	vadd.s32 s22, v6;
	v0 =	vld [tilespmem:$0x1F0]  }
0x186: {  	s1 =	sor.u32 s1, s0;
	v9 =	vld.idx.msk [tilespmem:v9+s13+$0x0], $0xffff  }
0x187: {  	v14 =	vadd.s32 s23, v6;
	v10 =	vld.idx.msk [tilespmem:v10+s13+$0x0], $0xffff;
	[tilespmem:s1+$0x2000] =	vst v11  }
0x188: {  	s2 =	simm.s32 $0x180;
	s21 =	simm.s32 $0x1C470;
	v11 =	vadd.s32 s26, v6;
	v12 =	vld.idx.msk [tilespmem:v12+s13+$0x0], $0xffff  }
0x189: {  	s15 =	simm.s32 $0x100;
	s2 =	sand.u32 $0x380, s2;
	[tilespmem:s21+$0xFFFFFF90] =	vst v8;
	v8 =	vadd.s32 s5, v7  }
0x18a: {  	s24 =	sor.u32 s2, s0;
	s3 =	sand.u32 $0x300, s15;
	v13 =	vld.idx.msk [tilespmem:v13+s13+$0x0], $0xffff  }
0x18b: {  	s29 =	simm.s32 $0x1400;
	s25 =	sor.u32 s3, s0;
	v15 =	vadd.s32 s22, v7;
	[tilespmem:s24+$0x2000] =	vst v9  }
0x18c: {  	v16 =	vadd.s32 s29, v5;
	[tilespmem:s25+$0x2000] =	vst v10;
	v9 =	vld.idx.msk [tilespmem:v14+s13+$0x0], $0xffff  }
0x18d: {  	v10 =	vld.idx.msk [tilespmem:v11+s13+$0x0], $0xffff;
	v11 =	vadd.s32 s23, v7;
	[tilespmem:s1+$0x2010] =	vst v12  }
0x18e: {  	v12 =	vadd.s32 s26, v7;
	v8 =	vld.idx.msk [tilespmem:v8+s13+$0x0], $0xffff  }
0x18f: {  	s10 =	simm.s32 $0x1800;
	[tilespmem:s21+$0xFFFFFFA0] =	vst v13;
	v13 =	vadd.s32 s5, v4  }
0x190: {  	s28 =	simm.s32 $0x1000;
	v17 =	vadd.s32 s10, v5;
	v14 =	vld.idx.msk [tilespmem:v15+s13+$0x0], $0xffff  }
0x191: {  	v16 =	vld.idx.msk [tilespmem:v16+s13+$0x0], $0xffff;
	[tilespmem:s24+$0x2010] =	vst v9;
	v9 =	vadd.s32 s28, v5  }
0x192: {  	v15 =	vadd.s32 s22, v4;
	[tilespmem:s25+$0x2010] =	vst v10;
	v10 =	vld.idx.msk [tilespmem:v11+s13+$0x0], $0xffff  }
0x193: {  	v11 =	vld.idx.msk [tilespmem:v12+s13+$0x0], $0xffff;
	[tilespmem:s1+$0x2020] =	vst v8;
	v8 =	vadd.s32 s23, v4  }
0x194: {  	v12 =	vadd.s32 s26, v4;
	v13 =	vld.idx.msk [tilespmem:v13+s13+$0x0], $0xffff  }
0x195: {  	v17 =	vld.idx.msk [tilespmem:v17+s13+$0x0], $0xffff;
	[tilespmem:s21+$0xFFFFFFB0] =	vst v14;
	v14 =	vadd.s32 s5, v3  }
0x196: {  	s16 =	simm.s32 $0x200;
	v9 =	vld.idx.msk [tilespmem:v9+s13+$0x0], $0xffff  }
0x197: {  	s17 =	simm.s32 $0x280;
	s2 =	sand.u32 $0x1C00, s16;
	v15 =	vld.idx.msk [tilespmem:v15+s13+$0x0], $0xffff;
	[tilespmem:s24+$0x2020] =	vst v10;
	v10 =	vadd.s32 s28, v6  }
0x198: {  	s2 =	sadd.s32 $0x1A400, s2;
	s3 =	sand.u32 $0x280, s17;
	v19 =	vadd.s32 s29, v6;
	[tilespmem:s25+$0x2020] =	vst v11;
	v8 =	vld.idx.msk [tilespmem:v8+s13+$0x0], $0xffff  }
0x199: {  	s19 =	simm.s32 $0x300;
	s11 =	sor.u32 s3, s2;
	v11 =	vld.idx.msk [tilespmem:v12+s13+$0x0], $0xffff;
	v12 =	vadd.s32 s23, v3;
	[tilespmem:s1+$0x2030] =	vst v13  }
0x19a: {  	s20 =	sand.u32 $0x300, s19;
	s4 =	simm.s32 $0x1C670;
	s0 =	simm.s32 $0x1C00;
	[tilespmem:s11+$0x2000] =	vst v16;
	v13 =	vld.idx.msk [tilespmem:v14+s13+$0x0], $0xffff;
	v14 =	vadd.s32 s22, v3  }
0x19b: {  	s30 =	sor.u32 s20, s2;
	v18 =	vadd.s32 s0, v5;
	[tilespmem:s4+$0xFFFFFF90] =	vst v9  }
0x19c: {  	v20 =	vadd.s32 s10, v6;
	[tilespmem:s30+$0x2000] =	vst v17;
	v10 =	vld.idx.msk [tilespmem:v10+s13+$0x0], $0xffff  }
0x19d: {  	v16 =	vadd.s32 s28, v7;
	v17 =	vld.idx.msk [tilespmem:v19+s13+$0x0], $0xffff;
	[tilespmem:s24+$0x2030] =	vst v8  }
0x19e: {  	[tilespmem:s21+$0xFFFFFFC0] =	vst v15;
	v8 =	vadd.s32 s5, v2;
	v9 =	vld.idx.msk [tilespmem:v12+s13+$0x0], $0xffff  }
0x19f: {  	v12 =	vld.idx.msk [tilespmem:v14+s13+$0x0], $0xffff;
	v14 =	vadd.s32 s26, v3  }
0x1a0: {  	v15 =	vld.idx.msk [tilespmem:v18+s13+$0x0], $0xffff;
	v18 =	vadd.s32 s22, v2  }
0x1a1: {  	v19 =	vadd.s32 s0, v6;
	v20 =	vld.idx.msk [tilespmem:v20+s13+$0x0], $0xffff;
	[tilespmem:s4+$0xFFFFFFA0] =	vst v10  }
0x1a2: {  	s8 =	simm.s32 $0x380;
	[tilespmem:s1+$0x2040] =	vst v13;
	v13 =	vld.idx.msk [tilespmem:v16+s13+$0x0], $0xffff  }
0x1a3: {  	s31 =	sand.u32 $0x380, s8;
	v23 =	vadd.s32 s10, v7;
	[tilespmem:s25+$0x2030] =	vst v11;
	v22 =	vld.idx.msk [tilespmem:v8+s13+$0x0], $0xffff  }
0x1a4: {  	s3 =	sor.u32 s31, s2;
	v21 =	vadd.s32 s29, v7;
	v24 =	vld.idx.msk [tilespmem:v14+s13+$0x0], $0xffff;
	[tilespmem:s21+$0xFFFFFFD0] =	vst v12  }
0x1a5: {  	v25 =	vadd.s32 s5, v1;
	[tilespmem:s3+$0x2000] =	vst v15;
	v11 =	vld.idx.msk [tilespmem:v18+s13+$0x0], $0xffff  }
0x1a6: {  	v18 =	vld.idx.msk [tilespmem:v19+s13+$0x0], $0xffff;
	v19 =	vadd.s32 s26, v2  }
0x1a7: {  	[tilespmem:s30+$0x2010] =	vst v20;
	v16 =	vadd.s32 s28, v4  }
0x1a8: {  	[tilespmem:s11+$0x2010] =	vst v17;
	v15 =	vld.idx.msk [tilespmem:v23+s13+$0x0], $0xffff;
	v12 =	vadd.s32 s23, v2  }
0x1a9: {  	v20 =	vadd.s32 s29, v4;
	v14 =	vld.idx.msk [tilespmem:v21+s13+$0x0], $0xffff;
	v21 =	vadd.s32 s0, v7;
	[tilespmem:s1+$0x2050] =	vst v22  }
0x1aa: {  	s6 =	simm.s32 $0x1C670;
	v10 =	vadd.s32 s5, v0;
	s5 =	simm.s32 $0x8;
	v8 =	vadd.s32 s10, v4;
	v17 =	vld.idx.msk [tilespmem:v25+s13+$0x0], $0xffff;
	[tilespmem:s25+$0x2040] =	vst v24  }
.LBB2_8:
0x1ab: {  	s12 =	sshll.u32 s5, $0xA;
	p0 =	slt.u32 s5, $0x3C;
	s5 =	sadd.s32 $0x4, s5;
	[tilespmem:s4+$0xFFFFFFB0] =	vst v13;
	v13 =	vld.idx.msk [tilespmem:v19+s13+$0x0], $0xffff  }
0x1ac: {  	v22 =	vadd.s32 s26, v1;
	v19 =	vadd.s32 s12, v5;
	s9 =	sadd.s32 $0x400, s12;
	s17 =	sadd.s32 $0x800, s12;
	s16 =	sadd.s32 $0xC00, s12;
	v16 =	vld.idx.msk [tilespmem:v16+s13+$0x0], $0xffff;
	[tilespmem:s24+$0x2040] =	vst v9  }
0x1ad: {  	v9 =	vadd.s32 s9, v5;
	v23 =	vadd.s32 s16, v5;
	[tilespmem:s3+$0x2010] =	vst v18;
	v12 =	vld.idx.msk [tilespmem:v12+s13+$0x0], $0xffff  }
0x1ae: {  	v18 =	vadd.s32 s17, v5;
	v24 =	vadd.s32 s17, v4;
	[tilespmem:s11+$0x2020] =	vst v14;
	v14 =	vld.idx.msk [tilespmem:v21+s13+$0x0], $0xffff;
	v21 =	vadd.s32 s22, v1  }
0x1af: {  	v20 =	vld.idx.msk [tilespmem:v20+s13+$0x0], $0xffff;
	[tilespmem:s30+$0x2020] =	vst v15  }
0x1b0: {  	v25 =	vadd.s32 s0, v4;
	v15 =	vld.idx.msk [tilespmem:v8+s13+$0x0], $0xffff;
	[tilespmem:s1+$0x2060] =	vst v17;
	v8 =	vmov v24  }
0x1b1: {  	v17 =	vadd.s32 s29, v3;
	v10 =	vld.idx.msk [tilespmem:v10+s13+$0x0], $0xffff;
	[tilespmem:s25+$0x2050] =	vst v13  }
0x1b2: {  	[tilespmem:s21+$0xFFFFFFE0] =	vst v11;
	v11 =	vld.idx.msk [tilespmem:v22+s13+$0x0], $0xffff  }
0x1b3: {  	s8 =	sadd.s32 $0x200, s8;
	v13 =	vld.idx.msk [tilespmem:v19+s13+$0x0], $0xffff;
	v19 =	vadd.s32 s12, v6;
	[tilespmem:s4+$0xFFFFFFC0] =	vst v16;
	v16 =	vadd.s32 s23, v1  }
0x1b4: {  	s2 =	sadd.s32 $0xFFFFFE80, s8;
	v22 =	vadd.s32 s9, v6;
	[tilespmem:s3+$0x2020] =	vst v14;
	v14 =	vld.idx.msk [tilespmem:v21+s13+$0x0], $0xffff  }
0x1b5: {  	s14 =	sadd.s32 $0xFFFFFF00, s8;
	s2 =	sand.u32 $0x1C00, s2;
	s4 =	sadd.s32 $0x200, s4;
	v21 =	vadd.s32 s17, v6;
	[tilespmem:s11+$0x2030] =	vst v20;
	v20 =	vld.idx.msk [tilespmem:v25+s13+$0x0], $0xffff  }
0x1b6: {  	s20 =	sadd.s32 $0xFFFFFF80, s8;
	s14 =	sand.u32 $0x280, s14;
	s2 =	sadd.s32 $0x1A400, s2;
	v24 =	vadd.s32 s16, v6;
	v25 =	vadd.s32 s26, v0;
	v17 =	vld.idx.msk [tilespmem:v17+s13+$0x0], $0xffff;
	[tilespmem:s24+$0x2050] =	vst v12  }
0x1b7: {  	s20 =	sand.u32 $0x300, s20;
	s14 =	sor.u32 s14, s2;
	s26 =	smov.u32 s10;
	v12 =	vld.idx.msk [tilespmem:v9+s13+$0x0], $0xffff;
	v9 =	vadd.s32 s0, v3;
	[tilespmem:s1+$0x2070] =	vst v10  }
0x1b8: {  	s20 =	sor.u32 s20, s2;
	s1 =	sand.u32 $0x380, s8;
	v10 =	vld.idx.msk [tilespmem:v18+s13+$0x0], $0xffff;
	v18 =	vadd.s32 s22, v0;
	[tilespmem:s25+$0x2060] =	vst v11;
	s22 =	smov.u32 s28  }
0x1b9: {  	s10 =	smov.u32 s17;
	s2 =	sor.u32 s1, s2;
	s28 =	smov.u32 s12;
	[tilespmem:s4+$0xFFFFFF90] =	vst v13;
	v11 =	vadd.s32 s22, v3;
	v13 =	vld.idx.msk [tilespmem:v16+s13+$0x0], $0xffff  }
0x1ba: {  	s1 =	smov.u32 s11;
	v16 =	vld.idx.msk [tilespmem:v19+s13+$0x0], $0xffff;
	[tilespmem:s21+$0xFFFFFFF0] =	vst v14;
	v14 =	vadd.s32 s23, v0;
	s23 =	smov.u32 s0;
	s0 =	smov.u32 s16  }
0x1bb: {  	s11 =	smov.u32 s14;
	[tilespmem:s3+$0x2030] =	vst v20;
	v19 =	vld.idx.msk [tilespmem:v25+s13+$0x0], $0xffff  }
0x1bc: {  	[tilespmem:s1+$0x2040] =	vst v17;
	v9 =	vld.idx.msk [tilespmem:v9+s13+$0x0], $0xffff  }
0x1bd: {  	[tilespmem:s11+$0x2000] =	vst v12;
	v12 =	vld.idx.msk [tilespmem:v18+s13+$0x0], $0xffff  }
0x1be: {  	v17 =	vadd.s32 s29, v2;
	[tilespmem:s20+$0x2000] =	vst v10;
	v11 =	vld.idx.msk [tilespmem:v11+s13+$0x0], $0xffff  }
0x1bf: {  	v20 =	vadd.s32 s26, v3;
	v18 =	vld.idx.msk [tilespmem:v23+s13+$0x0], $0xffff;
	[tilespmem:s24+$0x2060] =	vst v13  }
0x1c0: {  	v10 =	vadd.s32 s29, v0;
	v13 =	vadd.s32 s28, v7;
	[tilespmem:s30+$0x2030] =	vst v15;
	v14 =	vld.idx.msk [tilespmem:v14+s13+$0x0], $0xffff  }
0x1c1: {  	v15 =	vld.idx.msk [tilespmem:v22+s13+$0x0], $0xffff;
	v22 =	vadd.s32 s22, v2;
	[tilespmem:s25+$0x2070] =	vst v19;
	s25 =	smov.u32 s30;
	s30 =	smov.u32 s20  }
0x1c2: {  	[tilespmem:s4+$0xFFFFFFA0] =	vst v16;
	v21 =	vld.idx.msk [tilespmem:v21+s13+$0x0], $0xffff  }
0x1c3: {  	v23 =	vadd.s32 s9, v7;
	v17 =	vld.idx.msk [tilespmem:v17+s13+$0x0], $0xffff;
	[tilespmem:s21+$0x0] =	vst v12;
	s21 =	smov.u32 s6;
	s6 =	smov.u32 s4  }
0x1c4: {  	v25 =	vadd.s32 s10, v7;
	[tilespmem:s21+$0xFFFFFFD0] =	vst v11;
	v26 =	vld.idx.msk [tilespmem:v20+s13+$0x0], $0xffff  }
0x1c5: {  	v27 =	vadd.s32 s29, v1;
	s29 =	smov.u32 s9;
	v13 =	vld.idx.msk [tilespmem:v13+s13+$0x0], $0xffff;
	[tilespmem:s2+$0x2000] =	vst v18  }
.Ltmp3:
0x1c6: {  	v19 =	vadd.s32 s26, v2;
	v11 =	vld.idx.msk [tilespmem:v22+s13+$0x0], $0xffff;
	[tilespmem:s24+$0x2070] =	vst v14;
	s24 =	smov.u32 s3;
	s3 =	smov.u32 s2;
	(pc) =	sbr.rel @p0 .LBB2_8-.Ltmp3, $4  }
0x1c7: {  	v16 =	vadd.s32 s28, v4;
	[tilespmem:s11+$0x2010] =	vst v15;
	v18 =	vld.idx.msk [tilespmem:v24+s13+$0x0], $0xffff  }
0x1c8: {  	v12 =	vadd.s32 s23, v2;
	v14 =	vld.idx.msk [tilespmem:v23+s13+$0x0], $0xffff;
	[tilespmem:s30+$0x2010] =	vst v21  }
0x1c9: {  	v21 =	vadd.s32 s0, v7;
	v15 =	vld.idx.msk [tilespmem:v25+s13+$0x0], $0xffff;
	[tilespmem:s1+$0x2050] =	vst v17  }
0x1ca: {  	v20 =	vadd.s32 s29, v4;
	v17 =	vld.idx.msk [tilespmem:v27+s13+$0x0], $0xffff;
	[tilespmem:s25+$0x2040] =	vst v26  }
0x1cb: {  	_ =	sdelay $0x2  }
0x1cc: {  	[tilespmem:s3+$0x2010] =	vst v18  }
0x1cd: {  	[tilespmem:s4+$0xFFFFFFB0] =	vst v13;
	v5 =	vld.idx.msk [tilespmem:v21+s13+$0x0], $0xffff  }
0x1ce: {  	[tilespmem:s24+$0x2040] =	vst v9;
	v4 =	vadd.s32 s0, v4  }
0x1cf: {  	v6 =	vld.idx.msk [tilespmem:v19+s13+$0x0], $0xffff;
	[tilespmem:s21+$0xFFFFFFE0] =	vst v11  }
0x1d0: {  	v13 =	vld.idx.msk [tilespmem:v16+s13+$0x0], $0xffff;
	[tilespmem:s11+$0x2020] =	vst v14  }
0x1d1: {  	v40 =	vadd.s32 s28, v3;
	v7 =	vld.idx.msk [tilespmem:v20+s13+$0x0], $0xffff;
	[tilespmem:s30+$0x2020] =	vst v15  }
0x1d2: {  	v38 =	vadd.s32 s29, v3;
	v8 =	vld.idx.msk [tilespmem:v8+s13+$0x0], $0xffff;
	[tilespmem:s3+$0x2020] =	vst v5  }
0x1d3: {  	v39 =	vadd.s32 s10, v3;
	[tilespmem:s1+$0x2060] =	vst v17;
	v4 =	vld.idx.msk [tilespmem:v4+s13+$0x0], $0xffff  }
0x1d4: {  	v41 =	vadd.s32 s0, v3;
	v12 =	vld.idx.msk [tilespmem:v12+s13+$0x0], $0xffff;
	[tilespmem:s25+$0x2050] =	vst v6  }
0x1d5: {  	v42 =	vadd.s32 s26, v1;
	v10 =	vld.idx.msk [tilespmem:v10+s13+$0x0], $0xffff;
	[tilespmem:s4+$0xFFFFFFC0] =	vst v13  }
0x1d6: {  	v43 =	vadd.s32 s22, v1;
	v45 =	vld.idx.msk [tilespmem:v40+s13+$0x0], $0xffff;
	[tilespmem:s11+$0x2030] =	vst v7  }
0x1d7: {  	v47 =	vadd.s32 s28, v2;
	v9 =	vld.idx.msk [tilespmem:v38+s13+$0x0], $0xffff;
	[tilespmem:s30+$0x2030] =	vst v8  }
0x1d8: {  	v44 =	vadd.s32 s29, v2;
	v5 =	vld.idx.msk [tilespmem:v39+s13+$0x0], $0xffff;
	[tilespmem:s3+$0x2030] =	vst v4  }
0x1d9: {  	v46 =	vadd.s32 s10, v2;
	[tilespmem:s24+$0x2050] =	vst v12;
	v3 =	vld.idx.msk [tilespmem:v41+s13+$0x0], $0xffff  }
0x1da: {  	v48 =	vadd.s32 s0, v2;
	v11 =	vld.idx.msk [tilespmem:v42+s13+$0x0], $0xffff;
	[tilespmem:s1+$0x2070] =	vst v10  }
0x1db: {  	v49 =	vadd.s32 s23, v1;
	v7 =	vld.idx.msk [tilespmem:v43+s13+$0x0], $0xffff;
	[tilespmem:s6+$0xFFFFFFD0] =	vst v45  }
0x1dc: {  	v50 =	vadd.s32 s26, v0;
	v52 =	vld.idx.msk [tilespmem:v47+s13+$0x0], $0xffff;
	[tilespmem:s11+$0x2040] =	vst v9  }
0x1dd: {  	v54 =	vadd.s32 s28, v1;
	v8 =	vld.idx.msk [tilespmem:v44+s13+$0x0], $0xffff;
	[tilespmem:s30+$0x2040] =	vst v5  }
0x1de: {  	v51 =	vadd.s32 s29, v1;
	v5 =	vld.idx.msk [tilespmem:v46+s13+$0x0], $0xffff;
	[tilespmem:s3+$0x2040] =	vst v3  }
0x1df: {  	v53 =	vadd.s32 s10, v1;
	[tilespmem:s25+$0x2060] =	vst v11;
	v2 =	vld.idx.msk [tilespmem:v48+s13+$0x0], $0xffff  }
0x1e0: {  	v55 =	vadd.s32 s0, v1;
	v10 =	vld.idx.msk [tilespmem:v49+s13+$0x0], $0xffff;
	[tilespmem:s21+$0xFFFFFFF0] =	vst v7  }
0x1e1: {  	v56 =	vadd.s32 s22, v0;
	v9 =	vld.idx.msk [tilespmem:v50+s13+$0x0], $0xffff;
	[tilespmem:s6+$0xFFFFFFE0] =	vst v52  }
0x1e2: {  	v57 =	vadd.s32 s23, v0;
	v3 =	vld.idx.msk [tilespmem:v54+s13+$0x0], $0xffff;
	[tilespmem:s11+$0x2050] =	vst v8  }
0x1e3: {  	v61 =	vadd.s32 s28, v0;
	v4 =	vld.idx.msk [tilespmem:v51+s13+$0x0], $0xffff;
	[tilespmem:s30+$0x2050] =	vst v5  }
0x1e4: {  	v58 =	vadd.s32 s29, v0;
	v59 =	vld.idx.msk [tilespmem:v53+s13+$0x0], $0xffff;
	[tilespmem:s3+$0x2050] =	vst v2  }
0x1e5: {  	v60 =	vadd.s32 s10, v0;
	[tilespmem:s24+$0x2060] =	vst v10;
	v1 =	vld.idx.msk [tilespmem:v55+s13+$0x0], $0xffff  }
0x1e6: {  	v62 =	vadd.s32 s0, v0;
	v7 =	vld.idx.msk [tilespmem:v56+s13+$0x0], $0xffff;
	[tilespmem:s25+$0x2070] =	vst v9  }
0x1e7: {  	v8 =	vld.idx.msk [tilespmem:v57+s13+$0x0], $0xffff;
	[tilespmem:s6+$0xFFFFFFF0] =	vst v3  }
0x1e8: {  	v2 =	vld.idx.msk [tilespmem:v61+s13+$0x0], $0xffff;
	[tilespmem:s11+$0x2060] =	vst v4  }
0x1e9: {  	v4 =	vld.idx.msk [tilespmem:v58+s13+$0x0], $0xffff;
	[tilespmem:s30+$0x2060] =	vst v59  }
0x1ea: {  	v63 =	vld.idx.msk [tilespmem:v60+s13+$0x0], $0xffff;
	[tilespmem:s3+$0x2060] =	vst v1  }
0x1eb: {  	[tilespmem:s21+$0x0] =	vst v7;
	v0 =	vld.idx.msk [tilespmem:v62+s13+$0x0], $0xffff  }
0x1ec: {  	[tilespmem:s24+$0x2070] =	vst v8  }
0x1ed: {  	[tilespmem:s6+$0x0] =	vst v2  }
0x1ee: {  	[tilespmem:s11+$0x2070] =	vst v4  }
0x1ef: {  	[tilespmem:s30+$0x2070] =	vst v63  }
0x1f0: {  	s2 =	simm.s32 $0x8000;
	s31 =	simm.s32 $0x1A400;
	[tilespmem:s3+$0x2070] =	vst v0  }
0x1f1: {  	s21 =	simm.s32 $0x1;
	s30 =	simm.s32 $0x400;
	s29 =	rddreg [dreg:$0x6]  }
0x1f2: {  	[hbm4b:s29+s30] =	stream.strided.scatter [tilespmem:s31], [sflag:$0x2], $0x4000, s2, s30, $0x38;
	[tilespmem:$0x1E400] =	vst v63  }
.LBB2_10:
0x1f3: {  	s1 =	simm.s32 $0x1  }
0x1f4: {  	_ =	swait.ge [sflag:s1], $0x4000  }
0x1f5: {  	s0 =	sshll.u32 s21, $0x9;
	[sflag:s1] =	ssyncset.done $0x0  }
0x1f6: {  	s22 =	sand.u32 $0x3FFFFE00, s0;
	[sflag:s1] =	ssyncadd.s32 $0xFFFFC000  }
0x1f7: {  	v5 =	vld [tilespmem:s22+$0x0];
	_ =	sdelay $0x3  }
0x1f8: {  	s5 =	simm.s32 $0x400  }
0x1f9: {  	v6 =	vld [tilespmem:s22+$0x10];
	v0 =	vadd.s32 s5, v5  }
0x1fa: {  	s24 =	simm.s32 $0x0;
	v7 =	vld [tilespmem:s22+$0x20]  }
0x1fb: {  	v4 =	vld [tilespmem:s22+$0x30];
	v8 =	vadd.s32 s24, v5  }
0x1fc: {  	s25 =	simm.s32 $0xC00;
	v3 =	vld [tilespmem:s22+$0x40]  }
0x1fd: {  	s29 =	simm.s32 $0x800;
	v2 =	vld [tilespmem:s22+$0x50];
	v9 =	vadd.s32 s25, v5  }
0x1fe: {  	v10 =	vadd.s32 s29, v5;
	v11 =	vld.idx.msk [tilespmem:v0+s13+$0x0], $0xffff  }
0x1ff: {  	s14 =	simm.s32 $0x0;
	v1 =	vld [tilespmem:s22+$0x60];
	v12 =	vadd.s32 s5, v6  }
0x200: {  	s15 =	simm.s32 $0x80;
	s0 =	sand.u32 $0x1C00, s14;
	v8 =	vld.idx.msk [tilespmem:v8+s13+$0x0], $0xffff  }
0x201: {  	s0 =	sadd.s32 $0x16400, s0;
	s1 =	sand.u32 $0x280, s15;
	v13 =	vadd.s32 s24, v6;
	v0 =	vld [tilespmem:s22+$0x70]  }
0x202: {  	s1 =	sor.u32 s1, s0;
	v9 =	vld.idx.msk [tilespmem:v9+s13+$0x0], $0xffff  }
0x203: {  	v14 =	vadd.s32 s25, v6;
	v10 =	vld.idx.msk [tilespmem:v10+s13+$0x0], $0xffff;
	[tilespmem:s1+$0x0] =	vst v11  }
0x204: {  	s2 =	simm.s32 $0x180;
	s23 =	simm.s32 $0x16440;
	v11 =	vadd.s32 s29, v6;
	v12 =	vld.idx.msk [tilespmem:v12+s13+$0x0], $0xffff  }
0x205: {  	s3 =	simm.s32 $0x100;
	s2 =	sand.u32 $0x380, s2;
	[tilespmem:s23+$0xFFFFFFC0] =	vst v8;
	v8 =	vadd.s32 s5, v7  }
0x206: {  	s3 =	sand.u32 $0x300, s3;
	s26 =	sor.u32 s2, s0;
	v13 =	vld.idx.msk [tilespmem:v13+s13+$0x0], $0xffff  }
0x207: {  	s31 =	simm.s32 $0x1400;
	s28 =	sor.u32 s3, s0;
	v15 =	vadd.s32 s24, v7;
	[tilespmem:s26+$0x0] =	vst v9  }
0x208: {  	v16 =	vadd.s32 s31, v5;
	[tilespmem:s28+$0x0] =	vst v10;
	v9 =	vld.idx.msk [tilespmem:v14+s13+$0x0], $0xffff  }
0x209: {  	v10 =	vld.idx.msk [tilespmem:v11+s13+$0x0], $0xffff;
	v11 =	vadd.s32 s25, v7;
	[tilespmem:s1+$0x10] =	vst v12  }
0x20a: {  	v12 =	vadd.s32 s29, v7;
	v8 =	vld.idx.msk [tilespmem:v8+s13+$0x0], $0xffff  }
0x20b: {  	s10 =	simm.s32 $0x1800;
	[tilespmem:s23+$0xFFFFFFD0] =	vst v13;
	v13 =	vadd.s32 s5, v4  }
0x20c: {  	s30 =	simm.s32 $0x1000;
	v17 =	vadd.s32 s10, v5;
	v14 =	vld.idx.msk [tilespmem:v15+s13+$0x0], $0xffff  }
0x20d: {  	v16 =	vld.idx.msk [tilespmem:v16+s13+$0x0], $0xffff;
	[tilespmem:s26+$0x10] =	vst v9;
	v9 =	vadd.s32 s30, v5  }
0x20e: {  	v15 =	vadd.s32 s24, v4;
	[tilespmem:s28+$0x10] =	vst v10;
	v10 =	vld.idx.msk [tilespmem:v11+s13+$0x0], $0xffff  }
0x20f: {  	v11 =	vld.idx.msk [tilespmem:v12+s13+$0x0], $0xffff;
	[tilespmem:s1+$0x20] =	vst v8;
	v8 =	vadd.s32 s25, v4  }
0x210: {  	v12 =	vadd.s32 s29, v4;
	v13 =	vld.idx.msk [tilespmem:v13+s13+$0x0], $0xffff  }
0x211: {  	v17 =	vld.idx.msk [tilespmem:v17+s13+$0x0], $0xffff;
	[tilespmem:s23+$0xFFFFFFE0] =	vst v14;
	v14 =	vadd.s32 s5, v3  }
0x212: {  	s16 =	simm.s32 $0x200;
	v9 =	vld.idx.msk [tilespmem:v9+s13+$0x0], $0xffff  }
0x213: {  	s17 =	simm.s32 $0x280;
	s2 =	sand.u32 $0x1C00, s16;
	v15 =	vld.idx.msk [tilespmem:v15+s13+$0x0], $0xffff;
	[tilespmem:s26+$0x20] =	vst v10;
	v10 =	vadd.s32 s30, v6  }
0x214: {  	s3 =	sand.u32 $0x280, s17;
	s2 =	sadd.s32 $0x16400, s2;
	v19 =	vadd.s32 s31, v6;
	[tilespmem:s28+$0x20] =	vst v11;
	v8 =	vld.idx.msk [tilespmem:v8+s13+$0x0], $0xffff  }
0x215: {  	s4 =	simm.s32 $0x300;
	s11 =	sor.u32 s3, s2;
	v11 =	vld.idx.msk [tilespmem:v12+s13+$0x0], $0xffff;
	v12 =	vadd.s32 s25, v3;
	[tilespmem:s1+$0x30] =	vst v13  }
0x216: {  	s6 =	simm.s32 $0x16640;
	s19 =	sand.u32 $0x300, s4;
	s0 =	simm.s32 $0x1C00;
	[tilespmem:s11+$0x0] =	vst v16;
	v13 =	vld.idx.msk [tilespmem:v14+s13+$0x0], $0xffff;
	v14 =	vadd.s32 s24, v3  }
0x217: {  	s3 =	sor.u32 s19, s2;
	v18 =	vadd.s32 s0, v5;
	[tilespmem:s6+$0xFFFFFFC0] =	vst v9  }
0x218: {  	v20 =	vadd.s32 s10, v6;
	[tilespmem:s3+$0x0] =	vst v17;
	v10 =	vld.idx.msk [tilespmem:v10+s13+$0x0], $0xffff  }
0x219: {  	v16 =	vadd.s32 s30, v7;
	v17 =	vld.idx.msk [tilespmem:v19+s13+$0x0], $0xffff;
	[tilespmem:s26+$0x30] =	vst v8  }
0x21a: {  	[tilespmem:s23+$0xFFFFFFF0] =	vst v15;
	v8 =	vadd.s32 s5, v2;
	v9 =	vld.idx.msk [tilespmem:v12+s13+$0x0], $0xffff  }
0x21b: {  	v12 =	vld.idx.msk [tilespmem:v14+s13+$0x0], $0xffff;
	v14 =	vadd.s32 s29, v3  }
0x21c: {  	v15 =	vld.idx.msk [tilespmem:v18+s13+$0x0], $0xffff;
	v18 =	vadd.s32 s24, v2  }
0x21d: {  	v19 =	vadd.s32 s0, v6;
	v20 =	vld.idx.msk [tilespmem:v20+s13+$0x0], $0xffff;
	[tilespmem:s6+$0xFFFFFFD0] =	vst v10  }
0x21e: {  	s9 =	simm.s32 $0x380;
	[tilespmem:s1+$0x40] =	vst v13;
	v13 =	vld.idx.msk [tilespmem:v16+s13+$0x0], $0xffff  }
0x21f: {  	s20 =	sand.u32 $0x380, s9;
	v23 =	vadd.s32 s10, v7;
	[tilespmem:s28+$0x30] =	vst v11;
	v22 =	vld.idx.msk [tilespmem:v8+s13+$0x0], $0xffff  }
0x220: {  	s4 =	sor.u32 s20, s2;
	v21 =	vadd.s32 s31, v7;
	v24 =	vld.idx.msk [tilespmem:v14+s13+$0x0], $0xffff;
	[tilespmem:s23+$0x0] =	vst v12  }
0x221: {  	v25 =	vadd.s32 s5, v1;
	[tilespmem:s4+$0x0] =	vst v15;
	v11 =	vld.idx.msk [tilespmem:v18+s13+$0x0], $0xffff  }
0x222: {  	v18 =	vld.idx.msk [tilespmem:v19+s13+$0x0], $0xffff;
	v19 =	vadd.s32 s29, v2  }
0x223: {  	[tilespmem:s3+$0x10] =	vst v20;
	v16 =	vadd.s32 s30, v4  }
0x224: {  	[tilespmem:s11+$0x10] =	vst v17;
	v15 =	vld.idx.msk [tilespmem:v23+s13+$0x0], $0xffff;
	v12 =	vadd.s32 s25, v2  }
0x225: {  	v20 =	vadd.s32 s31, v4;
	v14 =	vld.idx.msk [tilespmem:v21+s13+$0x0], $0xffff;
	v21 =	vadd.s32 s0, v7;
	[tilespmem:s1+$0x50] =	vst v22  }
0x226: {  	s8 =	simm.s32 $0x16640;
	v10 =	vadd.s32 s5, v0;
	s5 =	simm.s32 $0x8;
	v8 =	vadd.s32 s10, v4;
	v17 =	vld.idx.msk [tilespmem:v25+s13+$0x0], $0xffff;
	[tilespmem:s28+$0x40] =	vst v24  }
.LBB2_11:
0x227: {  	s20 =	sshll.u32 s5, $0xA;
	p0 =	slt.u32 s5, $0x3C;
	s5 =	sadd.s32 $0x4, s5;
	[tilespmem:s6+$0xFFFFFFE0] =	vst v13;
	v13 =	vld.idx.msk [tilespmem:v19+s13+$0x0], $0xffff  }
0x228: {  	v22 =	vadd.s32 s29, v1;
	v19 =	vadd.s32 s20, v5;
	s12 =	sadd.s32 $0x400, s20;
	s17 =	sadd.s32 $0x800, s20;
	s16 =	sadd.s32 $0xC00, s20;
	v16 =	vld.idx.msk [tilespmem:v16+s13+$0x0], $0xffff;
	[tilespmem:s26+$0x40] =	vst v9  }
0x229: {  	v9 =	vadd.s32 s12, v5;
	v23 =	vadd.s32 s16, v5;
	[tilespmem:s4+$0x10] =	vst v18;
	v12 =	vld.idx.msk [tilespmem:v12+s13+$0x0], $0xffff  }
0x22a: {  	v18 =	vadd.s32 s17, v5;
	v24 =	vadd.s32 s17, v4;
	[tilespmem:s11+$0x20] =	vst v14;
	v14 =	vld.idx.msk [tilespmem:v21+s13+$0x0], $0xffff;
	v21 =	vadd.s32 s24, v1  }
0x22b: {  	v20 =	vld.idx.msk [tilespmem:v20+s13+$0x0], $0xffff;
	[tilespmem:s3+$0x20] =	vst v15  }
0x22c: {  	v25 =	vadd.s32 s0, v4;
	v15 =	vld.idx.msk [tilespmem:v8+s13+$0x0], $0xffff;
	[tilespmem:s1+$0x60] =	vst v17;
	v8 =	vmov v24  }
0x22d: {  	v17 =	vadd.s32 s31, v3;
	v10 =	vld.idx.msk [tilespmem:v10+s13+$0x0], $0xffff;
	[tilespmem:s28+$0x50] =	vst v13  }
0x22e: {  	[tilespmem:s23+$0x10] =	vst v11;
	v11 =	vld.idx.msk [tilespmem:v22+s13+$0x0], $0xffff  }
0x22f: {  	s9 =	sadd.s32 $0x200, s9;
	v13 =	vld.idx.msk [tilespmem:v19+s13+$0x0], $0xffff;
	v19 =	vadd.s32 s20, v6;
	[tilespmem:s6+$0xFFFFFFF0] =	vst v16;
	v16 =	vadd.s32 s25, v1  }
0x230: {  	s2 =	sadd.s32 $0xFFFFFE80, s9;
	v22 =	vadd.s32 s12, v6;
	[tilespmem:s4+$0x20] =	vst v14;
	v14 =	vld.idx.msk [tilespmem:v21+s13+$0x0], $0xffff  }
0x231: {  	s14 =	sadd.s32 $0xFFFFFF00, s9;
	s2 =	sand.u32 $0x1C00, s2;
	s6 =	sadd.s32 $0x200, s6;
	v21 =	vadd.s32 s17, v6;
	[tilespmem:s11+$0x30] =	vst v20;
	v20 =	vld.idx.msk [tilespmem:v25+s13+$0x0], $0xffff  }
0x232: {  	s15 =	sadd.s32 $0xFFFFFF80, s9;
	s14 =	sand.u32 $0x280, s14;
	s2 =	sadd.s32 $0x16400, s2;
	v24 =	vadd.s32 s16, v6;
	v25 =	vadd.s32 s29, v0;
	v17 =	vld.idx.msk [tilespmem:v17+s13+$0x0], $0xffff;
	[tilespmem:s26+$0x50] =	vst v12  }
0x233: {  	s15 =	sand.u32 $0x300, s15;
	s14 =	sor.u32 s14, s2;
	s29 =	smov.u32 s10;
	v12 =	vld.idx.msk [tilespmem:v9+s13+$0x0], $0xffff;
	v9 =	vadd.s32 s0, v3;
	[tilespmem:s1+$0x70] =	vst v10  }
0x234: {  	s15 =	sor.u32 s15, s2;
	s1 =	sand.u32 $0x380, s9;
	v10 =	vld.idx.msk [tilespmem:v18+s13+$0x0], $0xffff;
	v18 =	vadd.s32 s24, v0;
	[tilespmem:s28+$0x60] =	vst v11;
	s24 =	smov.u32 s30  }
0x235: {  	s10 =	smov.u32 s17;
	s2 =	sor.u32 s1, s2;
	s30 =	smov.u32 s20;
	[tilespmem:s6+$0xFFFFFFC0] =	vst v13;
	v11 =	vadd.s32 s24, v3;
	v13 =	vld.idx.msk [tilespmem:v16+s13+$0x0], $0xffff  }
0x236: {  	s1 =	smov.u32 s11;
	v16 =	vld.idx.msk [tilespmem:v19+s13+$0x0], $0xffff;
	[tilespmem:s23+$0x20] =	vst v14;
	v14 =	vadd.s32 s25, v0;
	s25 =	smov.u32 s0;
	s0 =	smov.u32 s16  }
0x237: {  	s11 =	smov.u32 s14;
	[tilespmem:s4+$0x30] =	vst v20;
	v19 =	vld.idx.msk [tilespmem:v25+s13+$0x0], $0xffff  }
0x238: {  	[tilespmem:s1+$0x40] =	vst v17;
	v9 =	vld.idx.msk [tilespmem:v9+s13+$0x0], $0xffff  }
0x239: {  	[tilespmem:s11+$0x0] =	vst v12;
	v12 =	vld.idx.msk [tilespmem:v18+s13+$0x0], $0xffff  }
0x23a: {  	v17 =	vadd.s32 s31, v2;
	[tilespmem:s15+$0x0] =	vst v10;
	v11 =	vld.idx.msk [tilespmem:v11+s13+$0x0], $0xffff  }
0x23b: {  	v20 =	vadd.s32 s29, v3;
	v18 =	vld.idx.msk [tilespmem:v23+s13+$0x0], $0xffff;
	[tilespmem:s26+$0x60] =	vst v13  }
0x23c: {  	v10 =	vadd.s32 s31, v0;
	v13 =	vadd.s32 s30, v7;
	[tilespmem:s3+$0x30] =	vst v15;
	v14 =	vld.idx.msk [tilespmem:v14+s13+$0x0], $0xffff  }
0x23d: {  	v15 =	vld.idx.msk [tilespmem:v22+s13+$0x0], $0xffff;
	v22 =	vadd.s32 s24, v2;
	[tilespmem:s28+$0x70] =	vst v19;
	s28 =	smov.u32 s3;
	s3 =	smov.u32 s15  }
0x23e: {  	[tilespmem:s6+$0xFFFFFFD0] =	vst v16;
	v21 =	vld.idx.msk [tilespmem:v21+s13+$0x0], $0xffff  }
0x23f: {  	v23 =	vadd.s32 s12, v7;
	v17 =	vld.idx.msk [tilespmem:v17+s13+$0x0], $0xffff;
	[tilespmem:s23+$0x30] =	vst v12;
	s23 =	smov.u32 s8;
	s8 =	smov.u32 s6  }
0x240: {  	v25 =	vadd.s32 s10, v7;
	[tilespmem:s23+$0x0] =	vst v11;
	v26 =	vld.idx.msk [tilespmem:v20+s13+$0x0], $0xffff  }
0x241: {  	v27 =	vadd.s32 s31, v1;
	s31 =	smov.u32 s12;
	v13 =	vld.idx.msk [tilespmem:v13+s13+$0x0], $0xffff;
	[tilespmem:s2+$0x0] =	vst v18  }
.Ltmp4:
0x242: {  	v19 =	vadd.s32 s29, v2;
	v11 =	vld.idx.msk [tilespmem:v22+s13+$0x0], $0xffff;
	[tilespmem:s26+$0x70] =	vst v14;
	s26 =	smov.u32 s4;
	s4 =	smov.u32 s2;
	(pc) =	sbr.rel @p0 .LBB2_11-.Ltmp4, $4  }
0x243: {  	v16 =	vadd.s32 s30, v4;
	[tilespmem:s11+$0x10] =	vst v15;
	v18 =	vld.idx.msk [tilespmem:v24+s13+$0x0], $0xffff  }
0x244: {  	v12 =	vadd.s32 s25, v2;
	v14 =	vld.idx.msk [tilespmem:v23+s13+$0x0], $0xffff;
	[tilespmem:s3+$0x10] =	vst v21  }
0x245: {  	v21 =	vadd.s32 s0, v7;
	v15 =	vld.idx.msk [tilespmem:v25+s13+$0x0], $0xffff;
	[tilespmem:s1+$0x50] =	vst v17  }
0x246: {  	v20 =	vadd.s32 s31, v4;
	v17 =	vld.idx.msk [tilespmem:v27+s13+$0x0], $0xffff;
	[tilespmem:s28+$0x40] =	vst v26  }
0x247: {  	_ =	sdelay $0x2  }
0x248: {  	[tilespmem:s4+$0x10] =	vst v18  }
0x249: {  	[tilespmem:s6+$0xFFFFFFE0] =	vst v13;
	v5 =	vld.idx.msk [tilespmem:v21+s13+$0x0], $0xffff  }
0x24a: {  	v6 =	vld.idx.msk [tilespmem:v19+s13+$0x0], $0xffff;
	[tilespmem:s26+$0x40] =	vst v9;
	v4 =	vadd.s32 s0, v4  }
0x24b: {  	[tilespmem:s11+$0x20] =	vst v14  }
0x24c: {  	v7 =	vld.idx.msk [tilespmem:v20+s13+$0x0], $0xffff;
	[tilespmem:s3+$0x20] =	vst v15  }
0x24d: {  	v9 =	vadd.s32 s31, v3;
	[tilespmem:s23+$0x10] =	vst v11;
	v8 =	vld.idx.msk [tilespmem:v8+s13+$0x0], $0xffff  }
0x24e: {  	v13 =	vld.idx.msk [tilespmem:v16+s13+$0x0], $0xffff;
	[tilespmem:s4+$0x20] =	vst v5;
	v5 =	vadd.s32 s10, v3  }
0x24f: {  	[tilespmem:s28+$0x50] =	vst v6;
	v6 =	vadd.s32 s30, v3;
	v4 =	vld.idx.msk [tilespmem:v4+s13+$0x0], $0xffff  }
0x250: {  	v12 =	vld.idx.msk [tilespmem:v12+s13+$0x0], $0xffff;
	[tilespmem:s1+$0x60] =	vst v17;
	v3 =	vadd.s32 s0, v3  }
0x251: {  	v11 =	vadd.s32 s29, v1;
	v10 =	vld.idx.msk [tilespmem:v10+s13+$0x0], $0xffff;
	[tilespmem:s11+$0x30] =	vst v7  }
0x252: {  	v7 =	vadd.s32 s24, v1;
	v9 =	vld.idx.msk [tilespmem:v9+s13+$0x0], $0xffff;
	[tilespmem:s3+$0x30] =	vst v8  }
0x253: {  	[tilespmem:s6+$0xFFFFFFF0] =	vst v13;
	v8 =	vadd.s32 s31, v2;
	v5 =	vld.idx.msk [tilespmem:v5+s13+$0x0], $0xffff  }
0x254: {  	[tilespmem:s4+$0x30] =	vst v4;
	v4 =	vld.idx.msk [tilespmem:v6+s13+$0x0], $0xffff;
	v6 =	vadd.s32 s10, v2  }
0x255: {  	[tilespmem:s26+$0x50] =	vst v12;
	v12 =	vadd.s32 s30, v2;
	v3 =	vld.idx.msk [tilespmem:v3+s13+$0x0], $0xffff  }
0x256: {  	v11 =	vld.idx.msk [tilespmem:v11+s13+$0x0], $0xffff;
	[tilespmem:s1+$0x70] =	vst v10;
	v2 =	vadd.s32 s0, v2  }
0x257: {  	v10 =	vadd.s32 s25, v1;
	v7 =	vld.idx.msk [tilespmem:v7+s13+$0x0], $0xffff;
	[tilespmem:s11+$0x40] =	vst v9  }
0x258: {  	v9 =	vadd.s32 s29, v0;
	v8 =	vld.idx.msk [tilespmem:v8+s13+$0x0], $0xffff;
	[tilespmem:s3+$0x40] =	vst v5  }
0x259: {  	[tilespmem:s8+$0x0] =	vst v4;
	v4 =	vadd.s32 s31, v1;
	v5 =	vld.idx.msk [tilespmem:v6+s13+$0x0], $0xffff  }
0x25a: {  	v6 =	vld.idx.msk [tilespmem:v12+s13+$0x0], $0xffff;
	v12 =	vadd.s32 s10, v1;
	[tilespmem:s4+$0x40] =	vst v3  }
0x25b: {  	[tilespmem:s28+$0x60] =	vst v11;
	v3 =	vadd.s32 s30, v1;
	v2 =	vld.idx.msk [tilespmem:v2+s13+$0x0], $0xffff  }
0x25c: {  	v10 =	vld.idx.msk [tilespmem:v10+s13+$0x0], $0xffff;
	[tilespmem:s23+$0x20] =	vst v7;
	v1 =	vadd.s32 s0, v1  }
0x25d: {  	v7 =	vadd.s32 s24, v0;
	v9 =	vld.idx.msk [tilespmem:v9+s13+$0x0], $0xffff;
	[tilespmem:s11+$0x50] =	vst v8  }
0x25e: {  	v8 =	vadd.s32 s25, v0;
	v4 =	vld.idx.msk [tilespmem:v4+s13+$0x0], $0xffff;
	[tilespmem:s3+$0x50] =	vst v5  }
0x25f: {  	v5 =	vadd.s32 s31, v0;
	[tilespmem:s8+$0x10] =	vst v6;
	v6 =	vld.idx.msk [tilespmem:v12+s13+$0x0], $0xffff  }
0x260: {  	v11 =	vadd.s32 s10, v0;
	v3 =	vld.idx.msk [tilespmem:v3+s13+$0x0], $0xffff;
	[tilespmem:s4+$0x50] =	vst v2  }
0x261: {  	[tilespmem:s26+$0x60] =	vst v10;
	v2 =	vadd.s32 s30, v0;
	v1 =	vld.idx.msk [tilespmem:v1+s13+$0x0], $0xffff  }
0x262: {  	v7 =	vld.idx.msk [tilespmem:v7+s13+$0x0], $0xffff;
	[tilespmem:s28+$0x70] =	vst v9;
	v0 =	vadd.s32 s0, v0  }
0x263: {  	v8 =	vld.idx.msk [tilespmem:v8+s13+$0x0], $0xffff;
	[tilespmem:s11+$0x60] =	vst v4  }
0x264: {  	v4 =	vld.idx.msk [tilespmem:v5+s13+$0x0], $0xffff;
	[tilespmem:s3+$0x60] =	vst v6  }
0x265: {  	[tilespmem:s8+$0x20] =	vst v3;
	v3 =	vld.idx.msk [tilespmem:v11+s13+$0x0], $0xffff  }
0x266: {  	v2 =	vld.idx.msk [tilespmem:v2+s13+$0x0], $0xffff;
	[tilespmem:s4+$0x60] =	vst v1  }
0x267: {  	[tilespmem:s23+$0x30] =	vst v7;
	v0 =	vld.idx.msk [tilespmem:v0+s13+$0x0], $0xffff  }
0x268: {  	[tilespmem:s26+$0x70] =	vst v8  }
0x269: {  	[tilespmem:s11+$0x70] =	vst v4  }
0x26a: {  	[tilespmem:s3+$0x70] =	vst v3  }
0x26b: {  	[tilespmem:s8+$0x30] =	vst v2  }
0x26c: {  	[tilespmem:s4+$0x70] =	vst v0  }
0x26d: {  	v5 =	vld [tilespmem:s22+$0x80];
	_ =	sdelay $0x3  }
0x26e: {  	s5 =	simm.s32 $0x400  }
0x26f: {  	v6 =	vld [tilespmem:s22+$0x90];
	v0 =	vadd.s32 s5, v5  }
0x270: {  	s24 =	simm.s32 $0x0;
	v7 =	vld [tilespmem:s22+$0xA0]  }
0x271: {  	v4 =	vld [tilespmem:s22+$0xB0];
	v8 =	vadd.s32 s24, v5  }
0x272: {  	s25 =	simm.s32 $0xC00;
	v3 =	vld [tilespmem:s22+$0xC0]  }
0x273: {  	s29 =	simm.s32 $0x800;
	v2 =	vld [tilespmem:s22+$0xD0];
	v9 =	vadd.s32 s25, v5  }
0x274: {  	v10 =	vadd.s32 s29, v5;
	v11 =	vld.idx.msk [tilespmem:v0+s13+$0x0], $0xffff  }
0x275: {  	s12 =	simm.s32 $0x0;
	v1 =	vld [tilespmem:s22+$0xE0];
	v12 =	vadd.s32 s5, v6  }
0x276: {  	s14 =	simm.s32 $0x80;
	s0 =	sand.u32 $0x1C00, s12;
	v8 =	vld.idx.msk [tilespmem:v8+s13+$0x0], $0xffff  }
0x277: {  	s1 =	sand.u32 $0x280, s14;
	s0 =	sadd.s32 $0x16400, s0;
	v13 =	vadd.s32 s24, v6;
	v0 =	vld [tilespmem:s22+$0xF0]  }
0x278: {  	s1 =	sor.u32 s1, s0;
	v9 =	vld.idx.msk [tilespmem:v9+s13+$0x0], $0xffff  }
0x279: {  	v14 =	vadd.s32 s25, v6;
	v10 =	vld.idx.msk [tilespmem:v10+s13+$0x0], $0xffff;
	[tilespmem:s1+$0x2000] =	vst v11  }
0x27a: {  	s2 =	simm.s32 $0x180;
	s23 =	simm.s32 $0x18470;
	v11 =	vadd.s32 s29, v6;
	v12 =	vld.idx.msk [tilespmem:v12+s13+$0x0], $0xffff  }
0x27b: {  	s15 =	simm.s32 $0x100;
	s2 =	sand.u32 $0x380, s2;
	[tilespmem:s23+$0xFFFFFF90] =	vst v8;
	v8 =	vadd.s32 s5, v7  }
0x27c: {  	s26 =	sor.u32 s2, s0;
	s3 =	sand.u32 $0x300, s15;
	v13 =	vld.idx.msk [tilespmem:v13+s13+$0x0], $0xffff  }
0x27d: {  	s31 =	simm.s32 $0x1400;
	s28 =	sor.u32 s3, s0;
	v15 =	vadd.s32 s24, v7;
	[tilespmem:s26+$0x2000] =	vst v9  }
0x27e: {  	v16 =	vadd.s32 s31, v5;
	[tilespmem:s28+$0x2000] =	vst v10;
	v9 =	vld.idx.msk [tilespmem:v14+s13+$0x0], $0xffff  }
0x27f: {  	v10 =	vld.idx.msk [tilespmem:v11+s13+$0x0], $0xffff;
	v11 =	vadd.s32 s25, v7;
	[tilespmem:s1+$0x2010] =	vst v12  }
0x280: {  	v12 =	vadd.s32 s29, v7;
	v8 =	vld.idx.msk [tilespmem:v8+s13+$0x0], $0xffff  }
0x281: {  	s10 =	simm.s32 $0x1800;
	[tilespmem:s23+$0xFFFFFFA0] =	vst v13;
	v13 =	vadd.s32 s5, v4  }
0x282: {  	s30 =	simm.s32 $0x1000;
	v17 =	vadd.s32 s10, v5;
	v14 =	vld.idx.msk [tilespmem:v15+s13+$0x0], $0xffff  }
0x283: {  	v16 =	vld.idx.msk [tilespmem:v16+s13+$0x0], $0xffff;
	[tilespmem:s26+$0x2010] =	vst v9;
	v9 =	vadd.s32 s30, v5  }
0x284: {  	v15 =	vadd.s32 s24, v4;
	[tilespmem:s28+$0x2010] =	vst v10;
	v10 =	vld.idx.msk [tilespmem:v11+s13+$0x0], $0xffff  }
0x285: {  	v11 =	vld.idx.msk [tilespmem:v12+s13+$0x0], $0xffff;
	[tilespmem:s1+$0x2020] =	vst v8;
	v8 =	vadd.s32 s25, v4  }
0x286: {  	v12 =	vadd.s32 s29, v4;
	v13 =	vld.idx.msk [tilespmem:v13+s13+$0x0], $0xffff  }
0x287: {  	v17 =	vld.idx.msk [tilespmem:v17+s13+$0x0], $0xffff;
	[tilespmem:s23+$0xFFFFFFB0] =	vst v14;
	v14 =	vadd.s32 s5, v3  }
0x288: {  	s16 =	simm.s32 $0x200;
	v9 =	vld.idx.msk [tilespmem:v9+s13+$0x0], $0xffff  }
0x289: {  	s17 =	simm.s32 $0x280;
	s2 =	sand.u32 $0x1C00, s16;
	v15 =	vld.idx.msk [tilespmem:v15+s13+$0x0], $0xffff;
	[tilespmem:s26+$0x2020] =	vst v10;
	v10 =	vadd.s32 s30, v6  }
0x28a: {  	s2 =	sadd.s32 $0x16400, s2;
	s3 =	sand.u32 $0x280, s17;
	v19 =	vadd.s32 s31, v6;
	[tilespmem:s28+$0x2020] =	vst v11;
	v8 =	vld.idx.msk [tilespmem:v8+s13+$0x0], $0xffff  }
0x28b: {  	s19 =	simm.s32 $0x300;
	s3 =	sor.u32 s3, s2;
	v11 =	vld.idx.msk [tilespmem:v12+s13+$0x0], $0xffff;
	v12 =	vadd.s32 s25, v3;
	[tilespmem:s1+$0x2030] =	vst v13  }
0x28c: {  	s0 =	simm.s32 $0x1C00;
	s8 =	simm.s32 $0x18670;
	s4 =	sand.u32 $0x300, s19;
	[tilespmem:s3+$0x2000] =	vst v16;
	v13 =	vld.idx.msk [tilespmem:v14+s13+$0x0], $0xffff;
	v14 =	vadd.s32 s24, v3  }
0x28d: {  	s11 =	sor.u32 s4, s2;
	v18 =	vadd.s32 s0, v5;
	[tilespmem:s8+$0xFFFFFF90] =	vst v9  }
0x28e: {  	v20 =	vadd.s32 s10, v6;
	[tilespmem:s11+$0x2000] =	vst v17;
	v10 =	vld.idx.msk [tilespmem:v10+s13+$0x0], $0xffff  }
0x28f: {  	v16 =	vadd.s32 s30, v7;
	v17 =	vld.idx.msk [tilespmem:v19+s13+$0x0], $0xffff;
	[tilespmem:s26+$0x2030] =	vst v8  }
0x290: {  	[tilespmem:s23+$0xFFFFFFC0] =	vst v15;
	v8 =	vadd.s32 s5, v2;
	v9 =	vld.idx.msk [tilespmem:v12+s13+$0x0], $0xffff  }
0x291: {  	v12 =	vld.idx.msk [tilespmem:v14+s13+$0x0], $0xffff;
	v14 =	vadd.s32 s29, v3  }
0x292: {  	v15 =	vld.idx.msk [tilespmem:v18+s13+$0x0], $0xffff;
	v18 =	vadd.s32 s24, v2  }
0x293: {  	v19 =	vadd.s32 s0, v6;
	v20 =	vld.idx.msk [tilespmem:v20+s13+$0x0], $0xffff;
	[tilespmem:s8+$0xFFFFFFA0] =	vst v10  }
0x294: {  	s9 =	simm.s32 $0x380;
	[tilespmem:s1+$0x2040] =	vst v13;
	v13 =	vld.idx.msk [tilespmem:v16+s13+$0x0], $0xffff  }
0x295: {  	s20 =	sand.u32 $0x380, s9;
	v23 =	vadd.s32 s10, v7;
	[tilespmem:s28+$0x2030] =	vst v11;
	v22 =	vld.idx.msk [tilespmem:v8+s13+$0x0], $0xffff  }
0x296: {  	s4 =	sor.u32 s20, s2;
	v21 =	vadd.s32 s31, v7;
	v24 =	vld.idx.msk [tilespmem:v14+s13+$0x0], $0xffff;
	[tilespmem:s23+$0xFFFFFFD0] =	vst v12  }
0x297: {  	v25 =	vadd.s32 s5, v1;
	[tilespmem:s4+$0x2000] =	vst v15;
	v11 =	vld.idx.msk [tilespmem:v18+s13+$0x0], $0xffff  }
0x298: {  	v18 =	vld.idx.msk [tilespmem:v19+s13+$0x0], $0xffff;
	v19 =	vadd.s32 s29, v2  }
0x299: {  	[tilespmem:s11+$0x2010] =	vst v20;
	v16 =	vadd.s32 s30, v4  }
0x29a: {  	[tilespmem:s3+$0x2010] =	vst v17;
	v15 =	vld.idx.msk [tilespmem:v23+s13+$0x0], $0xffff;
	v12 =	vadd.s32 s25, v2  }
0x29b: {  	v20 =	vadd.s32 s31, v4;
	v14 =	vld.idx.msk [tilespmem:v21+s13+$0x0], $0xffff;
	v21 =	vadd.s32 s0, v7;
	[tilespmem:s1+$0x2050] =	vst v22  }
0x29c: {  	s6 =	simm.s32 $0x18670;
	v10 =	vadd.s32 s5, v0;
	s5 =	simm.s32 $0x8;
	v8 =	vadd.s32 s10, v4;
	v17 =	vld.idx.msk [tilespmem:v25+s13+$0x0], $0xffff;
	[tilespmem:s28+$0x2040] =	vst v24  }
.LBB2_13:
0x29d: {  	s20 =	sshll.u32 s5, $0xA;
	p0 =	slt.u32 s5, $0x3C;
	s5 =	sadd.s32 $0x4, s5;
	[tilespmem:s8+$0xFFFFFFB0] =	vst v13;
	v13 =	vld.idx.msk [tilespmem:v19+s13+$0x0], $0xffff  }
0x29e: {  	v22 =	vadd.s32 s29, v1;
	v19 =	vadd.s32 s20, v5;
	s12 =	sadd.s32 $0x400, s20;
	s17 =	sadd.s32 $0x800, s20;
	s16 =	sadd.s32 $0xC00, s20;
	v16 =	vld.idx.msk [tilespmem:v16+s13+$0x0], $0xffff;
	[tilespmem:s26+$0x2040] =	vst v9  }
0x29f: {  	v9 =	vadd.s32 s12, v5;
	v23 =	vadd.s32 s16, v5;
	[tilespmem:s4+$0x2010] =	vst v18;
	v12 =	vld.idx.msk [tilespmem:v12+s13+$0x0], $0xffff  }
0x2a0: {  	v18 =	vadd.s32 s17, v5;
	v24 =	vadd.s32 s17, v4;
	[tilespmem:s3+$0x2020] =	vst v14;
	v14 =	vld.idx.msk [tilespmem:v21+s13+$0x0], $0xffff;
	v21 =	vadd.s32 s24, v1  }
0x2a1: {  	v20 =	vld.idx.msk [tilespmem:v20+s13+$0x0], $0xffff;
	[tilespmem:s11+$0x2020] =	vst v15  }
0x2a2: {  	v25 =	vadd.s32 s0, v4;
	v15 =	vld.idx.msk [tilespmem:v8+s13+$0x0], $0xffff;
	[tilespmem:s1+$0x2060] =	vst v17;
	v8 =	vmov v24  }
0x2a3: {  	v17 =	vadd.s32 s31, v3;
	v10 =	vld.idx.msk [tilespmem:v10+s13+$0x0], $0xffff;
	[tilespmem:s28+$0x2050] =	vst v13  }
0x2a4: {  	[tilespmem:s23+$0xFFFFFFE0] =	vst v11;
	v11 =	vld.idx.msk [tilespmem:v22+s13+$0x0], $0xffff  }
0x2a5: {  	s9 =	sadd.s32 $0x200, s9;
	v13 =	vld.idx.msk [tilespmem:v19+s13+$0x0], $0xffff;
	v19 =	vadd.s32 s20, v6;
	[tilespmem:s8+$0xFFFFFFC0] =	vst v16;
	v16 =	vadd.s32 s25, v1  }
0x2a6: {  	s2 =	sadd.s32 $0xFFFFFE80, s9;
	v22 =	vadd.s32 s12, v6;
	[tilespmem:s4+$0x2020] =	vst v14;
	v14 =	vld.idx.msk [tilespmem:v21+s13+$0x0], $0xffff  }
0x2a7: {  	s14 =	sadd.s32 $0xFFFFFF00, s9;
	s2 =	sand.u32 $0x1C00, s2;
	s8 =	sadd.s32 $0x200, s8;
	v21 =	vadd.s32 s17, v6;
	[tilespmem:s3+$0x2030] =	vst v20;
	v20 =	vld.idx.msk [tilespmem:v25+s13+$0x0], $0xffff  }
0x2a8: {  	s15 =	sadd.s32 $0xFFFFFF80, s9;
	s14 =	sand.u32 $0x280, s14;
	s2 =	sadd.s32 $0x16400, s2;
	v24 =	vadd.s32 s16, v6;
	v25 =	vadd.s32 s29, v0;
	v17 =	vld.idx.msk [tilespmem:v17+s13+$0x0], $0xffff;
	[tilespmem:s26+$0x2050] =	vst v12  }
0x2a9: {  	s15 =	sand.u32 $0x300, s15;
	s14 =	sor.u32 s14, s2;
	s29 =	smov.u32 s10;
	v12 =	vld.idx.msk [tilespmem:v9+s13+$0x0], $0xffff;
	v9 =	vadd.s32 s0, v3;
	[tilespmem:s1+$0x2070] =	vst v10  }
0x2aa: {  	s15 =	sor.u32 s15, s2;
	s1 =	sand.u32 $0x380, s9;
	v10 =	vld.idx.msk [tilespmem:v18+s13+$0x0], $0xffff;
	v18 =	vadd.s32 s24, v0;
	[tilespmem:s28+$0x2060] =	vst v11;
	s24 =	smov.u32 s30  }
0x2ab: {  	s10 =	smov.u32 s17;
	s2 =	sor.u32 s1, s2;
	s30 =	smov.u32 s20;
	[tilespmem:s8+$0xFFFFFF90] =	vst v13;
	v11 =	vadd.s32 s24, v3;
	v13 =	vld.idx.msk [tilespmem:v16+s13+$0x0], $0xffff  }
0x2ac: {  	s1 =	smov.u32 s3;
	v16 =	vld.idx.msk [tilespmem:v19+s13+$0x0], $0xffff;
	[tilespmem:s23+$0xFFFFFFF0] =	vst v14;
	v14 =	vadd.s32 s25, v0;
	s25 =	smov.u32 s0;
	s0 =	smov.u32 s16  }
0x2ad: {  	s3 =	smov.u32 s14;
	[tilespmem:s4+$0x2030] =	vst v20;
	v19 =	vld.idx.msk [tilespmem:v25+s13+$0x0], $0xffff  }
0x2ae: {  	[tilespmem:s1+$0x2040] =	vst v17;
	v9 =	vld.idx.msk [tilespmem:v9+s13+$0x0], $0xffff  }
0x2af: {  	[tilespmem:s3+$0x2000] =	vst v12;
	v12 =	vld.idx.msk [tilespmem:v18+s13+$0x0], $0xffff  }
0x2b0: {  	v17 =	vadd.s32 s31, v2;
	[tilespmem:s15+$0x2000] =	vst v10;
	v11 =	vld.idx.msk [tilespmem:v11+s13+$0x0], $0xffff  }
0x2b1: {  	v20 =	vadd.s32 s29, v3;
	v18 =	vld.idx.msk [tilespmem:v23+s13+$0x0], $0xffff;
	[tilespmem:s26+$0x2060] =	vst v13  }
0x2b2: {  	v10 =	vadd.s32 s31, v0;
	v13 =	vadd.s32 s30, v7;
	[tilespmem:s11+$0x2030] =	vst v15;
	v14 =	vld.idx.msk [tilespmem:v14+s13+$0x0], $0xffff  }
0x2b3: {  	v15 =	vld.idx.msk [tilespmem:v22+s13+$0x0], $0xffff;
	v22 =	vadd.s32 s24, v2;
	[tilespmem:s28+$0x2070] =	vst v19;
	s28 =	smov.u32 s11;
	s11 =	smov.u32 s15  }
0x2b4: {  	[tilespmem:s8+$0xFFFFFFA0] =	vst v16;
	v21 =	vld.idx.msk [tilespmem:v21+s13+$0x0], $0xffff  }
0x2b5: {  	v23 =	vadd.s32 s12, v7;
	v17 =	vld.idx.msk [tilespmem:v17+s13+$0x0], $0xffff;
	[tilespmem:s23+$0x0] =	vst v12;
	s23 =	smov.u32 s6;
	s6 =	smov.u32 s8  }
0x2b6: {  	v25 =	vadd.s32 s10, v7;
	[tilespmem:s23+$0xFFFFFFD0] =	vst v11;
	v26 =	vld.idx.msk [tilespmem:v20+s13+$0x0], $0xffff  }
0x2b7: {  	v27 =	vadd.s32 s31, v1;
	s31 =	smov.u32 s12;
	v13 =	vld.idx.msk [tilespmem:v13+s13+$0x0], $0xffff;
	[tilespmem:s2+$0x2000] =	vst v18  }
.Ltmp5:
0x2b8: {  	v19 =	vadd.s32 s29, v2;
	v11 =	vld.idx.msk [tilespmem:v22+s13+$0x0], $0xffff;
	[tilespmem:s26+$0x2070] =	vst v14;
	s26 =	smov.u32 s4;
	s4 =	smov.u32 s2;
	(pc) =	sbr.rel @p0 .LBB2_13-.Ltmp5, $4  }
0x2b9: {  	v16 =	vadd.s32 s30, v4;
	[tilespmem:s3+$0x2010] =	vst v15;
	v18 =	vld.idx.msk [tilespmem:v24+s13+$0x0], $0xffff  }
0x2ba: {  	v12 =	vadd.s32 s25, v2;
	v14 =	vld.idx.msk [tilespmem:v23+s13+$0x0], $0xffff;
	[tilespmem:s11+$0x2010] =	vst v21  }
0x2bb: {  	v21 =	vadd.s32 s0, v7;
	v15 =	vld.idx.msk [tilespmem:v25+s13+$0x0], $0xffff;
	[tilespmem:s1+$0x2050] =	vst v17  }
0x2bc: {  	v20 =	vadd.s32 s31, v4;
	v17 =	vld.idx.msk [tilespmem:v27+s13+$0x0], $0xffff;
	[tilespmem:s28+$0x2040] =	vst v26  }
0x2bd: {  	_ =	sdelay $0x2  }
0x2be: {  	[tilespmem:s4+$0x2010] =	vst v18  }
0x2bf: {  	[tilespmem:s8+$0xFFFFFFB0] =	vst v13;
	v5 =	vld.idx.msk [tilespmem:v21+s13+$0x0], $0xffff  }
0x2c0: {  	v6 =	vld.idx.msk [tilespmem:v19+s13+$0x0], $0xffff;
	[tilespmem:s26+$0x2040] =	vst v9;
	v4 =	vadd.s32 s0, v4  }
0x2c1: {  	[tilespmem:s3+$0x2020] =	vst v14  }
0x2c2: {  	v7 =	vld.idx.msk [tilespmem:v20+s13+$0x0], $0xffff;
	[tilespmem:s11+$0x2020] =	vst v15  }
0x2c3: {  	v9 =	vadd.s32 s31, v3;
	[tilespmem:s23+$0xFFFFFFE0] =	vst v11;
	v8 =	vld.idx.msk [tilespmem:v8+s13+$0x0], $0xffff  }
0x2c4: {  	v13 =	vld.idx.msk [tilespmem:v16+s13+$0x0], $0xffff;
	[tilespmem:s4+$0x2020] =	vst v5;
	v5 =	vadd.s32 s10, v3  }
0x2c5: {  	[tilespmem:s28+$0x2050] =	vst v6;
	v6 =	vadd.s32 s30, v3;
	v4 =	vld.idx.msk [tilespmem:v4+s13+$0x0], $0xffff  }
0x2c6: {  	v12 =	vld.idx.msk [tilespmem:v12+s13+$0x0], $0xffff;
	[tilespmem:s1+$0x2060] =	vst v17;
	v3 =	vadd.s32 s0, v3  }
0x2c7: {  	v11 =	vadd.s32 s29, v1;
	v10 =	vld.idx.msk [tilespmem:v10+s13+$0x0], $0xffff;
	[tilespmem:s3+$0x2030] =	vst v7  }
0x2c8: {  	v7 =	vadd.s32 s24, v1;
	v9 =	vld.idx.msk [tilespmem:v9+s13+$0x0], $0xffff;
	[tilespmem:s11+$0x2030] =	vst v8  }
0x2c9: {  	[tilespmem:s8+$0xFFFFFFC0] =	vst v13;
	v8 =	vadd.s32 s31, v2;
	v5 =	vld.idx.msk [tilespmem:v5+s13+$0x0], $0xffff  }
0x2ca: {  	[tilespmem:s4+$0x2030] =	vst v4;
	v4 =	vld.idx.msk [tilespmem:v6+s13+$0x0], $0xffff;
	v6 =	vadd.s32 s10, v2  }
0x2cb: {  	[tilespmem:s26+$0x2050] =	vst v12;
	v12 =	vadd.s32 s30, v2;
	v3 =	vld.idx.msk [tilespmem:v3+s13+$0x0], $0xffff  }
0x2cc: {  	v11 =	vld.idx.msk [tilespmem:v11+s13+$0x0], $0xffff;
	[tilespmem:s1+$0x2070] =	vst v10;
	v2 =	vadd.s32 s0, v2  }
0x2cd: {  	v10 =	vadd.s32 s25, v1;
	v7 =	vld.idx.msk [tilespmem:v7+s13+$0x0], $0xffff;
	[tilespmem:s3+$0x2040] =	vst v9  }
0x2ce: {  	v9 =	vadd.s32 s29, v0;
	v8 =	vld.idx.msk [tilespmem:v8+s13+$0x0], $0xffff;
	[tilespmem:s11+$0x2040] =	vst v5  }
0x2cf: {  	[tilespmem:s6+$0xFFFFFFD0] =	vst v4;
	v4 =	vadd.s32 s31, v1;
	v5 =	vld.idx.msk [tilespmem:v6+s13+$0x0], $0xffff  }
0x2d0: {  	v6 =	vld.idx.msk [tilespmem:v12+s13+$0x0], $0xffff;
	v12 =	vadd.s32 s10, v1;
	[tilespmem:s4+$0x2040] =	vst v3  }
0x2d1: {  	[tilespmem:s28+$0x2060] =	vst v11;
	v3 =	vadd.s32 s30, v1;
	v2 =	vld.idx.msk [tilespmem:v2+s13+$0x0], $0xffff  }
0x2d2: {  	v10 =	vld.idx.msk [tilespmem:v10+s13+$0x0], $0xffff;
	[tilespmem:s23+$0xFFFFFFF0] =	vst v7;
	v1 =	vadd.s32 s0, v1  }
0x2d3: {  	v7 =	vadd.s32 s24, v0;
	v9 =	vld.idx.msk [tilespmem:v9+s13+$0x0], $0xffff;
	[tilespmem:s3+$0x2050] =	vst v8  }
0x2d4: {  	v8 =	vadd.s32 s25, v0;
	v4 =	vld.idx.msk [tilespmem:v4+s13+$0x0], $0xffff;
	[tilespmem:s11+$0x2050] =	vst v5  }
0x2d5: {  	v5 =	vadd.s32 s31, v0;
	[tilespmem:s6+$0xFFFFFFE0] =	vst v6;
	v6 =	vld.idx.msk [tilespmem:v12+s13+$0x0], $0xffff  }
0x2d6: {  	v11 =	vadd.s32 s10, v0;
	v3 =	vld.idx.msk [tilespmem:v3+s13+$0x0], $0xffff;
	[tilespmem:s4+$0x2050] =	vst v2  }
0x2d7: {  	[tilespmem:s26+$0x2060] =	vst v10;
	v2 =	vadd.s32 s30, v0;
	v1 =	vld.idx.msk [tilespmem:v1+s13+$0x0], $0xffff  }
0x2d8: {  	v7 =	vld.idx.msk [tilespmem:v7+s13+$0x0], $0xffff;
	[tilespmem:s28+$0x2070] =	vst v9;
	v0 =	vadd.s32 s0, v0  }
0x2d9: {  	v8 =	vld.idx.msk [tilespmem:v8+s13+$0x0], $0xffff;
	[tilespmem:s3+$0x2060] =	vst v4  }
0x2da: {  	v4 =	vld.idx.msk [tilespmem:v5+s13+$0x0], $0xffff;
	[tilespmem:s11+$0x2060] =	vst v6  }
0x2db: {  	[tilespmem:s6+$0xFFFFFFF0] =	vst v3;
	v3 =	vld.idx.msk [tilespmem:v11+s13+$0x0], $0xffff  }
0x2dc: {  	v2 =	vld.idx.msk [tilespmem:v2+s13+$0x0], $0xffff;
	[tilespmem:s4+$0x2060] =	vst v1  }
0x2dd: {  	[tilespmem:s23+$0x0] =	vst v7;
	v0 =	vld.idx.msk [tilespmem:v0+s13+$0x0], $0xffff  }
0x2de: {  	[tilespmem:s26+$0x2070] =	vst v8  }
0x2df: {  	s25 =	sshll.u32 s21, $0x14;
	[tilespmem:s3+$0x2070] =	vst v4  }
0x2e0: {  	s2 =	simm.s32 $0x400;
	s0 =	sor.u32 s7, s25;
	[tilespmem:s11+$0x2070] =	vst v3  }
0x2e1: {  	s5 =	simm.s32 $0x8000;
	s8 =	simm.s32 $0x2;
	s0 =	sshrl.u32 s0, $0x3;
	[tilespmem:s6+$0x0] =	vst v2  }
0x2e2: {  	s0 =	sadd.s32 s18, s0;
	s26 =	sshll.u32 s21, $0x2;
	s6 =	simm.s32 $0x16400;
	[tilespmem:s4+$0x2070] =	vst v0  }
0x2e3: {  	[hbm4b:s0+s2] =	stream.strided.scatter [tilespmem:s6], [sflag:$0x1], $0x4000, s5, s2, $0x38;
	[tilespmem:$0x1E400] =	vst v63  }
0x2e4: {  	s23 =	sor.u32 $0x2, s26;
	_ =	swait.ge [sflag:s8], $0x4000  }
0x2e5: {  	s9 =	sshll.u32 s23, $0x7;
	[sflag:s8] =	ssyncset.done $0x0  }
0x2e6: {  	s0 =	sand.u32 $0x3FFFFF00, s9;
	[sflag:s8] =	ssyncadd.s32 $0xFFFFC000  }
0x2e7: {  	v5 =	vld [tilespmem:s0+$0x0];
	_ =	sdelay $0x3  }
0x2e8: {  	s9 =	simm.s32 $0x400  }
0x2e9: {  	v6 =	vld [tilespmem:s0+$0x10];
	v0 =	vadd.s32 s9, v5  }
0x2ea: {  	s25 =	simm.s32 $0x0;
	v7 =	vld [tilespmem:s0+$0x20]  }
0x2eb: {  	v4 =	vld [tilespmem:s0+$0x30];
	v8 =	vadd.s32 s25, v5  }
0x2ec: {  	s26 =	simm.s32 $0xC00;
	v3 =	vld [tilespmem:s0+$0x40]  }
0x2ed: {  	s30 =	simm.s32 $0x800;
	v2 =	vld [tilespmem:s0+$0x50];
	v9 =	vadd.s32 s26, v5  }
0x2ee: {  	v10 =	vadd.s32 s30, v5;
	v11 =	vld.idx.msk [tilespmem:v0+s13+$0x0], $0xffff  }
0x2ef: {  	s10 =	simm.s32 $0x0;
	v1 =	vld [tilespmem:s0+$0x60];
	v12 =	vadd.s32 s9, v6  }
0x2f0: {  	s1 =	sand.u32 $0x1C00, s10;
	s11 =	simm.s32 $0x80;
	v8 =	vld.idx.msk [tilespmem:v8+s13+$0x0], $0xffff  }
0x2f1: {  	s1 =	sadd.s32 $0x1A400, s1;
	s12 =	sand.u32 $0x280, s11;
	v13 =	vadd.s32 s25, v6;
	v0 =	vld [tilespmem:s0+$0x70]  }
0x2f2: {  	s10 =	sor.u32 s12, s1;
	v9 =	vld.idx.msk [tilespmem:v9+s13+$0x0], $0xffff  }
0x2f3: {  	v14 =	vadd.s32 s26, v6;
	v10 =	vld.idx.msk [tilespmem:v10+s13+$0x0], $0xffff;
	[tilespmem:s10+$0x0] =	vst v11  }
0x2f4: {  	s14 =	simm.s32 $0x180;
	s24 =	simm.s32 $0x1A440;
	v11 =	vadd.s32 s30, v6;
	v12 =	vld.idx.msk [tilespmem:v12+s13+$0x0], $0xffff  }
0x2f5: {  	s15 =	simm.s32 $0x100;
	s0 =	sand.u32 $0x380, s14;
	[tilespmem:s24+$0xFFFFFFC0] =	vst v8;
	v8 =	vadd.s32 s9, v7  }
0x2f6: {  	s2 =	sand.u32 $0x300, s15;
	s28 =	sor.u32 s0, s1;
	v13 =	vld.idx.msk [tilespmem:v13+s13+$0x0], $0xffff  }
0x2f7: {  	s11 =	simm.s32 $0x1800;
	s29 =	sor.u32 s2, s1;
	v15 =	vadd.s32 s25, v7;
	[tilespmem:s28+$0x0] =	vst v9  }
0x2f8: {  	v17 =	vadd.s32 s11, v5;
	[tilespmem:s29+$0x0] =	vst v10;
	v9 =	vld.idx.msk [tilespmem:v14+s13+$0x0], $0xffff  }
0x2f9: {  	v10 =	vld.idx.msk [tilespmem:v11+s13+$0x0], $0xffff;
	v11 =	vadd.s32 s26, v7;
	[tilespmem:s10+$0x10] =	vst v12  }
0x2fa: {  	v12 =	vadd.s32 s30, v7;
	v8 =	vld.idx.msk [tilespmem:v8+s13+$0x0], $0xffff  }
0x2fb: {  	s0 =	simm.s32 $0x1400;
	[tilespmem:s24+$0xFFFFFFD0] =	vst v13;
	v13 =	vadd.s32 s9, v4  }
0x2fc: {  	s31 =	simm.s32 $0x1000;
	v16 =	vadd.s32 s0, v5;
	v14 =	vld.idx.msk [tilespmem:v15+s13+$0x0], $0xffff  }
0x2fd: {  	v17 =	vld.idx.msk [tilespmem:v17+s13+$0x0], $0xffff;
	[tilespmem:s28+$0x10] =	vst v9;
	v9 =	vadd.s32 s31, v5  }
0x2fe: {  	v15 =	vadd.s32 s25, v4;
	[tilespmem:s29+$0x10] =	vst v10;
	v10 =	vld.idx.msk [tilespmem:v11+s13+$0x0], $0xffff  }
0x2ff: {  	v11 =	vld.idx.msk [tilespmem:v12+s13+$0x0], $0xffff;
	[tilespmem:s10+$0x20] =	vst v8;
	v8 =	vadd.s32 s26, v4  }
0x300: {  	v12 =	vadd.s32 s30, v4;
	v13 =	vld.idx.msk [tilespmem:v13+s13+$0x0], $0xffff  }
0x301: {  	v16 =	vld.idx.msk [tilespmem:v16+s13+$0x0], $0xffff;
	[tilespmem:s24+$0xFFFFFFE0] =	vst v14;
	v14 =	vadd.s32 s9, v3  }
0x302: {  	s16 =	simm.s32 $0x200;
	v9 =	vld.idx.msk [tilespmem:v9+s13+$0x0], $0xffff  }
0x303: {  	s19 =	smov.u32 s18;
	s18 =	simm.s32 $0x300;
	s2 =	sand.u32 $0x1C00, s16;
	v15 =	vld.idx.msk [tilespmem:v15+s13+$0x0], $0xffff;
	[tilespmem:s28+$0x20] =	vst v10;
	v10 =	vadd.s32 s31, v6  }
0x304: {  	s4 =	sand.u32 $0x300, s18;
	s2 =	sadd.s32 $0x1A400, s2;
	v20 =	vadd.s32 s11, v6;
	[tilespmem:s29+$0x20] =	vst v11;
	v8 =	vld.idx.msk [tilespmem:v8+s13+$0x0], $0xffff  }
0x305: {  	s17 =	simm.s32 $0x280;
	s4 =	sor.u32 s4, s2;
	v11 =	vld.idx.msk [tilespmem:v12+s13+$0x0], $0xffff;
	v12 =	vadd.s32 s26, v3;
	[tilespmem:s10+$0x30] =	vst v13  }
0x306: {  	s3 =	sand.u32 $0x280, s17;
	s8 =	simm.s32 $0x1A640;
	s1 =	simm.s32 $0x1C00;
	[tilespmem:s4+$0x0] =	vst v17;
	v13 =	vld.idx.msk [tilespmem:v14+s13+$0x0], $0xffff;
	v14 =	vadd.s32 s25, v3  }
0x307: {  	s3 =	sor.u32 s3, s2;
	v18 =	vadd.s32 s1, v5;
	[tilespmem:s8+$0xFFFFFFC0] =	vst v9  }
0x308: {  	v19 =	vadd.s32 s0, v6;
	[tilespmem:s3+$0x0] =	vst v16;
	v10 =	vld.idx.msk [tilespmem:v10+s13+$0x0], $0xffff  }
0x309: {  	v20 =	vld.idx.msk [tilespmem:v20+s13+$0x0], $0xffff;
	v16 =	vadd.s32 s31, v7;
	[tilespmem:s28+$0x30] =	vst v8  }
0x30a: {  	[tilespmem:s24+$0xFFFFFFF0] =	vst v15;
	v8 =	vadd.s32 s9, v2;
	v9 =	vld.idx.msk [tilespmem:v12+s13+$0x0], $0xffff  }
0x30b: {  	v12 =	vld.idx.msk [tilespmem:v14+s13+$0x0], $0xffff;
	v14 =	vadd.s32 s30, v3  }
0x30c: {  	v15 =	vld.idx.msk [tilespmem:v18+s13+$0x0], $0xffff;
	v18 =	vadd.s32 s25, v2  }
0x30d: {  	v17 =	vld.idx.msk [tilespmem:v19+s13+$0x0], $0xffff;
	v19 =	vadd.s32 s1, v6;
	[tilespmem:s8+$0xFFFFFFD0] =	vst v10  }
0x30e: {  	s5 =	simm.s32 $0x380;
	[tilespmem:s10+$0x40] =	vst v13;
	v13 =	vld.idx.msk [tilespmem:v16+s13+$0x0], $0xffff  }
0x30f: {  	s20 =	sand.u32 $0x380, s5;
	v23 =	vadd.s32 s11, v7;
	[tilespmem:s29+$0x30] =	vst v11;
	v22 =	vld.idx.msk [tilespmem:v8+s13+$0x0], $0xffff  }
0x310: {  	s6 =	sor.u32 s20, s2;
	v21 =	vadd.s32 s0, v7;
	v24 =	vld.idx.msk [tilespmem:v14+s13+$0x0], $0xffff;
	[tilespmem:s24+$0x0] =	vst v12  }
0x311: {  	v25 =	vadd.s32 s9, v1;
	[tilespmem:s6+$0x0] =	vst v15;
	v11 =	vld.idx.msk [tilespmem:v18+s13+$0x0], $0xffff  }
0x312: {  	v18 =	vld.idx.msk [tilespmem:v19+s13+$0x0], $0xffff;
	v19 =	vadd.s32 s30, v2  }
0x313: {  	[tilespmem:s4+$0x10] =	vst v20;
	v16 =	vadd.s32 s31, v4  }
0x314: {  	[tilespmem:s3+$0x10] =	vst v17;
	v15 =	vld.idx.msk [tilespmem:v23+s13+$0x0], $0xffff;
	v12 =	vadd.s32 s26, v2  }
0x315: {  	v20 =	vadd.s32 s0, v4;
	v14 =	vld.idx.msk [tilespmem:v21+s13+$0x0], $0xffff;
	v21 =	vadd.s32 s1, v7;
	[tilespmem:s10+$0x50] =	vst v22  }
0x316: {  	s12 =	simm.s32 $0x8;
	v10 =	vadd.s32 s9, v0;
	s9 =	simm.s32 $0x1A640;
	v8 =	vadd.s32 s11, v4;
	v17 =	vld.idx.msk [tilespmem:v25+s13+$0x0], $0xffff;
	[tilespmem:s29+$0x40] =	vst v24  }
.LBB2_15:
0x317: {  	s16 =	sshll.u32 s12, $0xA;
	p0 =	slt.u32 s12, $0x3C;
	s12 =	sadd.s32 $0x4, s12;
	[tilespmem:s8+$0xFFFFFFE0] =	vst v13;
	v13 =	vld.idx.msk [tilespmem:v19+s13+$0x0], $0xffff  }
0x318: {  	v22 =	vadd.s32 s30, v1;
	v19 =	vadd.s32 s16, v5;
	s20 =	sadd.s32 $0x400, s16;
	s2 =	sadd.s32 $0x800, s16;
	s17 =	sadd.s32 $0xC00, s16;
	v16 =	vld.idx.msk [tilespmem:v16+s13+$0x0], $0xffff;
	[tilespmem:s28+$0x40] =	vst v9  }
0x319: {  	v9 =	vadd.s32 s20, v5;
	v23 =	vadd.s32 s17, v5;
	[tilespmem:s6+$0x10] =	vst v18;
	v12 =	vld.idx.msk [tilespmem:v12+s13+$0x0], $0xffff  }
0x31a: {  	v18 =	vadd.s32 s2, v5;
	v24 =	vadd.s32 s2, v4;
	[tilespmem:s3+$0x20] =	vst v14;
	v14 =	vld.idx.msk [tilespmem:v21+s13+$0x0], $0xffff;
	v21 =	vadd.s32 s25, v1  }
0x31b: {  	v20 =	vld.idx.msk [tilespmem:v20+s13+$0x0], $0xffff;
	[tilespmem:s4+$0x20] =	vst v15  }
0x31c: {  	v25 =	vadd.s32 s1, v4;
	v15 =	vld.idx.msk [tilespmem:v8+s13+$0x0], $0xffff;
	[tilespmem:s10+$0x60] =	vst v17;
	v8 =	vmov v24  }
0x31d: {  	v17 =	vadd.s32 s0, v3;
	v10 =	vld.idx.msk [tilespmem:v10+s13+$0x0], $0xffff;
	[tilespmem:s29+$0x50] =	vst v13  }
0x31e: {  	[tilespmem:s24+$0x10] =	vst v11;
	v11 =	vld.idx.msk [tilespmem:v22+s13+$0x0], $0xffff  }
0x31f: {  	s5 =	sadd.s32 $0x200, s5;
	v13 =	vld.idx.msk [tilespmem:v19+s13+$0x0], $0xffff;
	v19 =	vadd.s32 s16, v6;
	[tilespmem:s8+$0xFFFFFFF0] =	vst v16;
	v16 =	vadd.s32 s26, v1  }
0x320: {  	s14 =	sadd.s32 $0xFFFFFE80, s5;
	v22 =	vadd.s32 s20, v6;
	[tilespmem:s6+$0x20] =	vst v14;
	v14 =	vld.idx.msk [tilespmem:v21+s13+$0x0], $0xffff  }
0x321: {  	s15 =	sadd.s32 $0xFFFFFF00, s5;
	s14 =	sand.u32 $0x1C00, s14;
	s8 =	sadd.s32 $0x200, s8;
	v21 =	vadd.s32 s2, v6;
	[tilespmem:s3+$0x30] =	vst v20;
	v20 =	vld.idx.msk [tilespmem:v25+s13+$0x0], $0xffff  }
0x322: {  	s18 =	sadd.s32 $0xFFFFFF80, s5;
	s15 =	sand.u32 $0x280, s15;
	s14 =	sadd.s32 $0x1A400, s14;
	v24 =	vadd.s32 s17, v6;
	v25 =	vadd.s32 s30, v0;
	v17 =	vld.idx.msk [tilespmem:v17+s13+$0x0], $0xffff;
	[tilespmem:s28+$0x50] =	vst v12  }
0x323: {  	s18 =	sand.u32 $0x300, s18;
	s15 =	sor.u32 s15, s14;
	s30 =	smov.u32 s11;
	v12 =	vld.idx.msk [tilespmem:v9+s13+$0x0], $0xffff;
	v9 =	vadd.s32 s1, v3;
	[tilespmem:s10+$0x70] =	vst v10  }
0x324: {  	s18 =	sor.u32 s18, s14;
	s10 =	sand.u32 $0x380, s5;
	v10 =	vld.idx.msk [tilespmem:v18+s13+$0x0], $0xffff;
	v18 =	vadd.s32 s25, v0;
	[tilespmem:s29+$0x60] =	vst v11;
	s25 =	smov.u32 s31  }
0x325: {  	s11 =	smov.u32 s2;
	s14 =	sor.u32 s10, s14;
	s31 =	smov.u32 s16;
	[tilespmem:s8+$0xFFFFFFC0] =	vst v13;
	v11 =	vadd.s32 s25, v3;
	v13 =	vld.idx.msk [tilespmem:v16+s13+$0x0], $0xffff  }
0x326: {  	s10 =	smov.u32 s3;
	v16 =	vld.idx.msk [tilespmem:v19+s13+$0x0], $0xffff;
	[tilespmem:s24+$0x20] =	vst v14;
	v14 =	vadd.s32 s26, v0;
	s26 =	smov.u32 s1;
	s1 =	smov.u32 s17  }
0x327: {  	s3 =	smov.u32 s15;
	[tilespmem:s6+$0x30] =	vst v20;
	v19 =	vld.idx.msk [tilespmem:v25+s13+$0x0], $0xffff  }
0x328: {  	[tilespmem:s10+$0x40] =	vst v17;
	v9 =	vld.idx.msk [tilespmem:v9+s13+$0x0], $0xffff  }
0x329: {  	[tilespmem:s3+$0x0] =	vst v12;
	v12 =	vld.idx.msk [tilespmem:v18+s13+$0x0], $0xffff  }
0x32a: {  	v17 =	vadd.s32 s0, v2;
	[tilespmem:s18+$0x0] =	vst v10;
	v11 =	vld.idx.msk [tilespmem:v11+s13+$0x0], $0xffff  }
0x32b: {  	v20 =	vadd.s32 s30, v3;
	v18 =	vld.idx.msk [tilespmem:v23+s13+$0x0], $0xffff;
	[tilespmem:s28+$0x60] =	vst v13  }
0x32c: {  	v10 =	vadd.s32 s0, v0;
	v13 =	vadd.s32 s31, v7;
	[tilespmem:s4+$0x30] =	vst v15;
	v14 =	vld.idx.msk [tilespmem:v14+s13+$0x0], $0xffff  }
0x32d: {  	v15 =	vld.idx.msk [tilespmem:v22+s13+$0x0], $0xffff;
	v22 =	vadd.s32 s25, v2;
	[tilespmem:s29+$0x70] =	vst v19;
	s29 =	smov.u32 s4;
	s4 =	smov.u32 s18  }
0x32e: {  	[tilespmem:s8+$0xFFFFFFD0] =	vst v16;
	v21 =	vld.idx.msk [tilespmem:v21+s13+$0x0], $0xffff  }
0x32f: {  	v23 =	vadd.s32 s20, v7;
	v17 =	vld.idx.msk [tilespmem:v17+s13+$0x0], $0xffff;
	[tilespmem:s24+$0x30] =	vst v12;
	s24 =	smov.u32 s9;
	s9 =	smov.u32 s8  }
0x330: {  	v25 =	vadd.s32 s11, v7;
	[tilespmem:s24+$0x0] =	vst v11;
	v26 =	vld.idx.msk [tilespmem:v20+s13+$0x0], $0xffff  }
0x331: {  	v27 =	vadd.s32 s0, v1;
	s0 =	smov.u32 s20;
	v13 =	vld.idx.msk [tilespmem:v13+s13+$0x0], $0xffff;
	[tilespmem:s14+$0x0] =	vst v18  }
.Ltmp6:
0x332: {  	v19 =	vadd.s32 s30, v2;
	v11 =	vld.idx.msk [tilespmem:v22+s13+$0x0], $0xffff;
	[tilespmem:s28+$0x70] =	vst v14;
	s28 =	smov.u32 s6;
	s6 =	smov.u32 s14;
	(pc) =	sbr.rel @p0 .LBB2_15-.Ltmp6, $4  }
0x333: {  	v16 =	vadd.s32 s31, v4;
	[tilespmem:s3+$0x10] =	vst v15;
	v18 =	vld.idx.msk [tilespmem:v24+s13+$0x0], $0xffff  }
0x334: {  	v12 =	vadd.s32 s26, v2;
	v14 =	vld.idx.msk [tilespmem:v23+s13+$0x0], $0xffff;
	[tilespmem:s4+$0x10] =	vst v21  }
0x335: {  	v21 =	vadd.s32 s1, v7;
	v15 =	vld.idx.msk [tilespmem:v25+s13+$0x0], $0xffff;
	[tilespmem:s10+$0x50] =	vst v17  }
0x336: {  	v20 =	vadd.s32 s0, v4;
	v17 =	vld.idx.msk [tilespmem:v27+s13+$0x0], $0xffff;
	[tilespmem:s29+$0x40] =	vst v26  }
0x337: {  	_ =	sdelay $0x2  }
0x338: {  	[tilespmem:s6+$0x10] =	vst v18  }
0x339: {  	[tilespmem:s8+$0xFFFFFFE0] =	vst v13;
	v5 =	vld.idx.msk [tilespmem:v21+s13+$0x0], $0xffff  }
0x33a: {  	v6 =	vld.idx.msk [tilespmem:v19+s13+$0x0], $0xffff;
	[tilespmem:s28+$0x40] =	vst v9;
	v4 =	vadd.s32 s1, v4  }
0x33b: {  	[tilespmem:s3+$0x20] =	vst v14  }
0x33c: {  	v7 =	vld.idx.msk [tilespmem:v20+s13+$0x0], $0xffff;
	[tilespmem:s4+$0x20] =	vst v15  }
0x33d: {  	v9 =	vadd.s32 s0, v3;
	[tilespmem:s24+$0x10] =	vst v11;
	v8 =	vld.idx.msk [tilespmem:v8+s13+$0x0], $0xffff  }
0x33e: {  	v13 =	vld.idx.msk [tilespmem:v16+s13+$0x0], $0xffff;
	[tilespmem:s6+$0x20] =	vst v5;
	v5 =	vadd.s32 s11, v3  }
0x33f: {  	[tilespmem:s29+$0x50] =	vst v6;
	v6 =	vadd.s32 s31, v3;
	v4 =	vld.idx.msk [tilespmem:v4+s13+$0x0], $0xffff  }
0x340: {  	v12 =	vld.idx.msk [tilespmem:v12+s13+$0x0], $0xffff;
	[tilespmem:s10+$0x60] =	vst v17;
	v3 =	vadd.s32 s1, v3  }
0x341: {  	v11 =	vadd.s32 s30, v1;
	v10 =	vld.idx.msk [tilespmem:v10+s13+$0x0], $0xffff;
	[tilespmem:s3+$0x30] =	vst v7  }
0x342: {  	v7 =	vadd.s32 s25, v1;
	v9 =	vld.idx.msk [tilespmem:v9+s13+$0x0], $0xffff;
	[tilespmem:s4+$0x30] =	vst v8  }
0x343: {  	[tilespmem:s8+$0xFFFFFFF0] =	vst v13;
	v8 =	vadd.s32 s0, v2;
	v5 =	vld.idx.msk [tilespmem:v5+s13+$0x0], $0xffff  }
0x344: {  	[tilespmem:s6+$0x30] =	vst v4;
	v4 =	vld.idx.msk [tilespmem:v6+s13+$0x0], $0xffff;
	v6 =	vadd.s32 s11, v2  }
0x345: {  	[tilespmem:s28+$0x50] =	vst v12;
	v12 =	vadd.s32 s31, v2;
	v3 =	vld.idx.msk [tilespmem:v3+s13+$0x0], $0xffff  }
0x346: {  	v11 =	vld.idx.msk [tilespmem:v11+s13+$0x0], $0xffff;
	[tilespmem:s10+$0x70] =	vst v10;
	v2 =	vadd.s32 s1, v2  }
0x347: {  	v10 =	vadd.s32 s26, v1;
	v7 =	vld.idx.msk [tilespmem:v7+s13+$0x0], $0xffff;
	[tilespmem:s3+$0x40] =	vst v9  }
0x348: {  	v9 =	vadd.s32 s30, v0;
	v8 =	vld.idx.msk [tilespmem:v8+s13+$0x0], $0xffff;
	[tilespmem:s4+$0x40] =	vst v5  }
0x349: {  	[tilespmem:s9+$0x0] =	vst v4;
	v4 =	vadd.s32 s0, v1;
	v5 =	vld.idx.msk [tilespmem:v6+s13+$0x0], $0xffff  }
0x34a: {  	v6 =	vld.idx.msk [tilespmem:v12+s13+$0x0], $0xffff;
	v12 =	vadd.s32 s11, v1;
	[tilespmem:s6+$0x40] =	vst v3  }
0x34b: {  	[tilespmem:s29+$0x60] =	vst v11;
	v3 =	vadd.s32 s31, v1;
	v2 =	vld.idx.msk [tilespmem:v2+s13+$0x0], $0xffff  }
0x34c: {  	v10 =	vld.idx.msk [tilespmem:v10+s13+$0x0], $0xffff;
	[tilespmem:s24+$0x20] =	vst v7;
	v1 =	vadd.s32 s1, v1  }
0x34d: {  	v7 =	vadd.s32 s25, v0;
	v9 =	vld.idx.msk [tilespmem:v9+s13+$0x0], $0xffff;
	[tilespmem:s3+$0x50] =	vst v8  }
0x34e: {  	v8 =	vadd.s32 s26, v0;
	v4 =	vld.idx.msk [tilespmem:v4+s13+$0x0], $0xffff;
	[tilespmem:s4+$0x50] =	vst v5  }
0x34f: {  	v5 =	vadd.s32 s0, v0;
	[tilespmem:s9+$0x10] =	vst v6;
	v6 =	vld.idx.msk [tilespmem:v12+s13+$0x0], $0xffff  }
0x350: {  	v11 =	vadd.s32 s11, v0;
	v3 =	vld.idx.msk [tilespmem:v3+s13+$0x0], $0xffff;
	[tilespmem:s6+$0x50] =	vst v2  }
0x351: {  	[tilespmem:s28+$0x60] =	vst v10;
	v2 =	vadd.s32 s31, v0;
	v1 =	vld.idx.msk [tilespmem:v1+s13+$0x0], $0xffff  }
0x352: {  	v7 =	vld.idx.msk [tilespmem:v7+s13+$0x0], $0xffff;
	[tilespmem:s29+$0x70] =	vst v9;
	v0 =	vadd.s32 s1, v0  }
0x353: {  	v8 =	vld.idx.msk [tilespmem:v8+s13+$0x0], $0xffff;
	[tilespmem:s3+$0x60] =	vst v4  }
0x354: {  	v4 =	vld.idx.msk [tilespmem:v5+s13+$0x0], $0xffff;
	[tilespmem:s4+$0x60] =	vst v6  }
0x355: {  	[tilespmem:s9+$0x20] =	vst v3;
	v3 =	vld.idx.msk [tilespmem:v11+s13+$0x0], $0xffff  }
0x356: {  	v2 =	vld.idx.msk [tilespmem:v2+s13+$0x0], $0xffff;
	[tilespmem:s6+$0x60] =	vst v1  }
0x357: {  	[tilespmem:s24+$0x30] =	vst v7;
	v0 =	vld.idx.msk [tilespmem:v0+s13+$0x0], $0xffff  }
0x358: {  	[tilespmem:s28+$0x70] =	vst v8  }
0x359: {  	[tilespmem:s3+$0x70] =	vst v4  }
0x35a: {  	[tilespmem:s4+$0x70] =	vst v3  }
0x35b: {  	[tilespmem:s9+$0x30] =	vst v2  }
0x35c: {  	[tilespmem:s6+$0x70] =	vst v0  }
0x35d: {  	v5 =	vld [tilespmem:s22+$0x180];
	_ =	sdelay $0x3  }
0x35e: {  	s9 =	simm.s32 $0x400  }
0x35f: {  	v6 =	vld [tilespmem:s22+$0x190];
	v0 =	vadd.s32 s9, v5  }
0x360: {  	s24 =	simm.s32 $0x0;
	v7 =	vld [tilespmem:s22+$0x1A0]  }
0x361: {  	v4 =	vld [tilespmem:s22+$0x1B0];
	v8 =	vadd.s32 s24, v5  }
0x362: {  	s25 =	simm.s32 $0xC00;
	v3 =	vld [tilespmem:s22+$0x1C0]  }
0x363: {  	s29 =	simm.s32 $0x800;
	v2 =	vld [tilespmem:s22+$0x1D0];
	v9 =	vadd.s32 s25, v5  }
0x364: {  	v10 =	vadd.s32 s29, v5;
	v11 =	vld.idx.msk [tilespmem:v0+s13+$0x0], $0xffff  }
0x365: {  	s12 =	simm.s32 $0x0;
	v1 =	vld [tilespmem:s22+$0x1E0];
	v12 =	vadd.s32 s9, v6  }
0x366: {  	s14 =	simm.s32 $0x80;
	s0 =	sand.u32 $0x1C00, s12;
	v8 =	vld.idx.msk [tilespmem:v8+s13+$0x0], $0xffff  }
0x367: {  	s0 =	sadd.s32 $0x1A400, s0;
	s1 =	sand.u32 $0x280, s14;
	v13 =	vadd.s32 s24, v6;
	v0 =	vld [tilespmem:s22+$0x1F0]  }
0x368: {  	s10 =	sor.u32 s1, s0;
	v9 =	vld.idx.msk [tilespmem:v9+s13+$0x0], $0xffff  }
0x369: {  	v14 =	vadd.s32 s25, v6;
	v10 =	vld.idx.msk [tilespmem:v10+s13+$0x0], $0xffff;
	[tilespmem:s10+$0x2000] =	vst v11  }
0x36a: {  	s15 =	simm.s32 $0x180;
	s22 =	simm.s32 $0x1C470;
	v11 =	vadd.s32 s29, v6;
	v12 =	vld.idx.msk [tilespmem:v12+s13+$0x0], $0xffff  }
0x36b: {  	s2 =	simm.s32 $0x100;
	s1 =	sand.u32 $0x380, s15;
	[tilespmem:s22+$0xFFFFFF90] =	vst v8;
	v8 =	vadd.s32 s9, v7  }
0x36c: {  	s2 =	sand.u32 $0x300, s2;
	s26 =	sor.u32 s1, s0;
	v13 =	vld.idx.msk [tilespmem:v13+s13+$0x0], $0xffff  }
0x36d: {  	s28 =	sor.u32 s2, s0;
	s0 =	simm.s32 $0x1400;
	v15 =	vadd.s32 s24, v7;
	[tilespmem:s26+$0x2000] =	vst v9  }
0x36e: {  	v16 =	vadd.s32 s0, v5;
	[tilespmem:s28+$0x2000] =	vst v10;
	v9 =	vld.idx.msk [tilespmem:v14+s13+$0x0], $0xffff  }
0x36f: {  	v10 =	vld.idx.msk [tilespmem:v11+s13+$0x0], $0xffff;
	v11 =	vadd.s32 s25, v7;
	[tilespmem:s10+$0x2010] =	vst v12  }
0x370: {  	v12 =	vadd.s32 s29, v7;
	v8 =	vld.idx.msk [tilespmem:v8+s13+$0x0], $0xffff  }
0x371: {  	s11 =	simm.s32 $0x1800;
	[tilespmem:s22+$0xFFFFFFA0] =	vst v13;
	v13 =	vadd.s32 s9, v4  }
0x372: {  	s30 =	simm.s32 $0x1000;
	v17 =	vadd.s32 s11, v5;
	v14 =	vld.idx.msk [tilespmem:v15+s13+$0x0], $0xffff  }
0x373: {  	v16 =	vld.idx.msk [tilespmem:v16+s13+$0x0], $0xffff;
	[tilespmem:s26+$0x2010] =	vst v9;
	v9 =	vadd.s32 s30, v5  }
0x374: {  	v15 =	vadd.s32 s24, v4;
	[tilespmem:s28+$0x2010] =	vst v10;
	v10 =	vld.idx.msk [tilespmem:v11+s13+$0x0], $0xffff  }
0x375: {  	v11 =	vld.idx.msk [tilespmem:v12+s13+$0x0], $0xffff;
	[tilespmem:s10+$0x2020] =	vst v8;
	v8 =	vadd.s32 s25, v4  }
0x376: {  	v12 =	vadd.s32 s29, v4;
	v13 =	vld.idx.msk [tilespmem:v13+s13+$0x0], $0xffff  }
0x377: {  	v17 =	vld.idx.msk [tilespmem:v17+s13+$0x0], $0xffff;
	[tilespmem:s22+$0xFFFFFFB0] =	vst v14;
	v14 =	vadd.s32 s9, v3  }
0x378: {  	s16 =	simm.s32 $0x200;
	v9 =	vld.idx.msk [tilespmem:v9+s13+$0x0], $0xffff  }
0x379: {  	s17 =	simm.s32 $0x280;
	s2 =	sand.u32 $0x1C00, s16;
	v15 =	vld.idx.msk [tilespmem:v15+s13+$0x0], $0xffff;
	[tilespmem:s26+$0x2020] =	vst v10;
	v10 =	vadd.s32 s30, v6  }
0x37a: {  	s2 =	sadd.s32 $0x1A400, s2;
	s3 =	sand.u32 $0x280, s17;
	v19 =	vadd.s32 s0, v6;
	[tilespmem:s28+$0x2020] =	vst v11;
	v8 =	vld.idx.msk [tilespmem:v8+s13+$0x0], $0xffff  }
0x37b: {  	s18 =	simm.s32 $0x300;
	s3 =	sor.u32 s3, s2;
	v11 =	vld.idx.msk [tilespmem:v12+s13+$0x0], $0xffff;
	v12 =	vadd.s32 s25, v3;
	[tilespmem:s10+$0x2030] =	vst v13  }
0x37c: {  	s8 =	simm.s32 $0x1C670;
	s1 =	simm.s32 $0x1C00;
	s4 =	sand.u32 $0x300, s18;
	[tilespmem:s3+$0x2000] =	vst v16;
	v13 =	vld.idx.msk [tilespmem:v14+s13+$0x0], $0xffff;
	v14 =	vadd.s32 s24, v3  }
0x37d: {  	s31 =	sor.u32 s4, s2;
	v18 =	vadd.s32 s1, v5;
	[tilespmem:s8+$0xFFFFFF90] =	vst v9  }
0x37e: {  	v20 =	vadd.s32 s11, v6;
	[tilespmem:s31+$0x2000] =	vst v17;
	v10 =	vld.idx.msk [tilespmem:v10+s13+$0x0], $0xffff  }
0x37f: {  	v16 =	vadd.s32 s30, v7;
	v17 =	vld.idx.msk [tilespmem:v19+s13+$0x0], $0xffff;
	[tilespmem:s26+$0x2030] =	vst v8  }
0x380: {  	[tilespmem:s22+$0xFFFFFFC0] =	vst v15;
	v8 =	vadd.s32 s9, v2;
	v9 =	vld.idx.msk [tilespmem:v12+s13+$0x0], $0xffff  }
0x381: {  	v12 =	vld.idx.msk [tilespmem:v14+s13+$0x0], $0xffff;
	v14 =	vadd.s32 s29, v3  }
0x382: {  	v15 =	vld.idx.msk [tilespmem:v18+s13+$0x0], $0xffff;
	v18 =	vadd.s32 s24, v2  }
0x383: {  	v19 =	vadd.s32 s1, v6;
	v20 =	vld.idx.msk [tilespmem:v20+s13+$0x0], $0xffff;
	[tilespmem:s8+$0xFFFFFFA0] =	vst v10  }
0x384: {  	s5 =	simm.s32 $0x380;
	[tilespmem:s10+$0x2040] =	vst v13;
	v13 =	vld.idx.msk [tilespmem:v16+s13+$0x0], $0xffff  }
0x385: {  	s20 =	sand.u32 $0x380, s5;
	v23 =	vadd.s32 s11, v7;
	[tilespmem:s28+$0x2030] =	vst v11;
	v22 =	vld.idx.msk [tilespmem:v8+s13+$0x0], $0xffff  }
0x386: {  	s4 =	sor.u32 s20, s2;
	v21 =	vadd.s32 s0, v7;
	v24 =	vld.idx.msk [tilespmem:v14+s13+$0x0], $0xffff;
	[tilespmem:s22+$0xFFFFFFD0] =	vst v12  }
0x387: {  	v25 =	vadd.s32 s9, v1;
	[tilespmem:s4+$0x2000] =	vst v15;
	v11 =	vld.idx.msk [tilespmem:v18+s13+$0x0], $0xffff  }
0x388: {  	v18 =	vld.idx.msk [tilespmem:v19+s13+$0x0], $0xffff;
	v19 =	vadd.s32 s29, v2  }
0x389: {  	[tilespmem:s31+$0x2010] =	vst v20;
	v16 =	vadd.s32 s30, v4  }
0x38a: {  	[tilespmem:s3+$0x2010] =	vst v17;
	v15 =	vld.idx.msk [tilespmem:v23+s13+$0x0], $0xffff;
	v12 =	vadd.s32 s25, v2  }
0x38b: {  	v20 =	vadd.s32 s0, v4;
	v14 =	vld.idx.msk [tilespmem:v21+s13+$0x0], $0xffff;
	v21 =	vadd.s32 s1, v7;
	[tilespmem:s10+$0x2050] =	vst v22  }
0x38c: {  	s6 =	simm.s32 $0x1C670;
	v10 =	vadd.s32 s9, v0;
	s9 =	simm.s32 $0x8;
	v8 =	vadd.s32 s11, v4;
	v17 =	vld.idx.msk [tilespmem:v25+s13+$0x0], $0xffff;
	[tilespmem:s28+$0x2040] =	vst v24  }
.LBB2_17:
0x38d: {  	s16 =	sshll.u32 s9, $0xA;
	p0 =	slt.u32 s9, $0x3C;
	s9 =	sadd.s32 $0x4, s9;
	[tilespmem:s8+$0xFFFFFFB0] =	vst v13;
	v13 =	vld.idx.msk [tilespmem:v19+s13+$0x0], $0xffff  }
0x38e: {  	v22 =	vadd.s32 s29, v1;
	v19 =	vadd.s32 s16, v5;
	s12 =	sadd.s32 $0x400, s16;
	s2 =	sadd.s32 $0x800, s16;
	s17 =	sadd.s32 $0xC00, s16;
	v16 =	vld.idx.msk [tilespmem:v16+s13+$0x0], $0xffff;
	[tilespmem:s26+$0x2040] =	vst v9  }
0x38f: {  	v9 =	vadd.s32 s12, v5;
	v23 =	vadd.s32 s17, v5;
	[tilespmem:s4+$0x2010] =	vst v18;
	v12 =	vld.idx.msk [tilespmem:v12+s13+$0x0], $0xffff  }
0x390: {  	v18 =	vadd.s32 s2, v5;
	v24 =	vadd.s32 s2, v4;
	[tilespmem:s3+$0x2020] =	vst v14;
	v14 =	vld.idx.msk [tilespmem:v21+s13+$0x0], $0xffff;
	v21 =	vadd.s32 s24, v1  }
0x391: {  	v20 =	vld.idx.msk [tilespmem:v20+s13+$0x0], $0xffff;
	[tilespmem:s31+$0x2020] =	vst v15  }
0x392: {  	v25 =	vadd.s32 s1, v4;
	v15 =	vld.idx.msk [tilespmem:v8+s13+$0x0], $0xffff;
	[tilespmem:s10+$0x2060] =	vst v17;
	v8 =	vmov v24  }
0x393: {  	v17 =	vadd.s32 s0, v3;
	v10 =	vld.idx.msk [tilespmem:v10+s13+$0x0], $0xffff;
	[tilespmem:s28+$0x2050] =	vst v13  }
0x394: {  	[tilespmem:s22+$0xFFFFFFE0] =	vst v11;
	v11 =	vld.idx.msk [tilespmem:v22+s13+$0x0], $0xffff  }
0x395: {  	s5 =	sadd.s32 $0x200, s5;
	v13 =	vld.idx.msk [tilespmem:v19+s13+$0x0], $0xffff;
	v19 =	vadd.s32 s16, v6;
	[tilespmem:s8+$0xFFFFFFC0] =	vst v16;
	v16 =	vadd.s32 s25, v1  }
0x396: {  	s14 =	sadd.s32 $0xFFFFFE80, s5;
	v22 =	vadd.s32 s12, v6;
	[tilespmem:s4+$0x2020] =	vst v14;
	v14 =	vld.idx.msk [tilespmem:v21+s13+$0x0], $0xffff  }
0x397: {  	s15 =	sadd.s32 $0xFFFFFF00, s5;
	s14 =	sand.u32 $0x1C00, s14;
	s8 =	sadd.s32 $0x200, s8;
	v21 =	vadd.s32 s2, v6;
	[tilespmem:s3+$0x2030] =	vst v20;
	v20 =	vld.idx.msk [tilespmem:v25+s13+$0x0], $0xffff  }
0x398: {  	s18 =	sadd.s32 $0xFFFFFF80, s5;
	s15 =	sand.u32 $0x280, s15;
	s14 =	sadd.s32 $0x1A400, s14;
	v24 =	vadd.s32 s17, v6;
	v25 =	vadd.s32 s29, v0;
	v17 =	vld.idx.msk [tilespmem:v17+s13+$0x0], $0xffff;
	[tilespmem:s26+$0x2050] =	vst v12  }
0x399: {  	s18 =	sand.u32 $0x300, s18;
	s15 =	sor.u32 s15, s14;
	s29 =	smov.u32 s11;
	v12 =	vld.idx.msk [tilespmem:v9+s13+$0x0], $0xffff;
	v9 =	vadd.s32 s1, v3;
	[tilespmem:s10+$0x2070] =	vst v10  }
0x39a: {  	s18 =	sor.u32 s18, s14;
	s10 =	sand.u32 $0x380, s5;
	v10 =	vld.idx.msk [tilespmem:v18+s13+$0x0], $0xffff;
	v18 =	vadd.s32 s24, v0;
	[tilespmem:s28+$0x2060] =	vst v11;
	s24 =	smov.u32 s30  }
0x39b: {  	s11 =	smov.u32 s2;
	s14 =	sor.u32 s10, s14;
	s30 =	smov.u32 s16;
	[tilespmem:s8+$0xFFFFFF90] =	vst v13;
	v11 =	vadd.s32 s24, v3;
	v13 =	vld.idx.msk [tilespmem:v16+s13+$0x0], $0xffff  }
0x39c: {  	s10 =	smov.u32 s3;
	v16 =	vld.idx.msk [tilespmem:v19+s13+$0x0], $0xffff;
	[tilespmem:s22+$0xFFFFFFF0] =	vst v14;
	v14 =	vadd.s32 s25, v0;
	s25 =	smov.u32 s1;
	s1 =	smov.u32 s17  }
0x39d: {  	s3 =	smov.u32 s15;
	[tilespmem:s4+$0x2030] =	vst v20;
	v19 =	vld.idx.msk [tilespmem:v25+s13+$0x0], $0xffff  }
0x39e: {  	[tilespmem:s10+$0x2040] =	vst v17;
	v9 =	vld.idx.msk [tilespmem:v9+s13+$0x0], $0xffff  }
0x39f: {  	[tilespmem:s3+$0x2000] =	vst v12;
	v12 =	vld.idx.msk [tilespmem:v18+s13+$0x0], $0xffff  }
0x3a0: {  	v17 =	vadd.s32 s0, v2;
	[tilespmem:s18+$0x2000] =	vst v10;
	v11 =	vld.idx.msk [tilespmem:v11+s13+$0x0], $0xffff  }
0x3a1: {  	v20 =	vadd.s32 s29, v3;
	v18 =	vld.idx.msk [tilespmem:v23+s13+$0x0], $0xffff;
	[tilespmem:s26+$0x2060] =	vst v13  }
0x3a2: {  	v10 =	vadd.s32 s0, v0;
	v13 =	vadd.s32 s30, v7;
	[tilespmem:s31+$0x2030] =	vst v15;
	v14 =	vld.idx.msk [tilespmem:v14+s13+$0x0], $0xffff  }
0x3a3: {  	v15 =	vld.idx.msk [tilespmem:v22+s13+$0x0], $0xffff;
	v22 =	vadd.s32 s24, v2;
	[tilespmem:s28+$0x2070] =	vst v19;
	s28 =	smov.u32 s31;
	s31 =	smov.u32 s18  }
0x3a4: {  	[tilespmem:s8+$0xFFFFFFA0] =	vst v16;
	v21 =	vld.idx.msk [tilespmem:v21+s13+$0x0], $0xffff  }
0x3a5: {  	v23 =	vadd.s32 s12, v7;
	v17 =	vld.idx.msk [tilespmem:v17+s13+$0x0], $0xffff;
	[tilespmem:s22+$0x0] =	vst v12;
	s22 =	smov.u32 s6;
	s6 =	smov.u32 s8  }
0x3a6: {  	v25 =	vadd.s32 s11, v7;
	[tilespmem:s22+$0xFFFFFFD0] =	vst v11;
	v26 =	vld.idx.msk [tilespmem:v20+s13+$0x0], $0xffff  }
0x3a7: {  	v27 =	vadd.s32 s0, v1;
	s0 =	smov.u32 s12;
	v13 =	vld.idx.msk [tilespmem:v13+s13+$0x0], $0xffff;
	[tilespmem:s14+$0x2000] =	vst v18  }
.Ltmp7:
0x3a8: {  	v19 =	vadd.s32 s29, v2;
	v11 =	vld.idx.msk [tilespmem:v22+s13+$0x0], $0xffff;
	[tilespmem:s26+$0x2070] =	vst v14;
	s26 =	smov.u32 s4;
	s4 =	smov.u32 s14;
	(pc) =	sbr.rel @p0 .LBB2_17-.Ltmp7, $4  }
0x3a9: {  	v16 =	vadd.s32 s30, v4;
	[tilespmem:s3+$0x2010] =	vst v15;
	v18 =	vld.idx.msk [tilespmem:v24+s13+$0x0], $0xffff  }
0x3aa: {  	v12 =	vadd.s32 s25, v2;
	v14 =	vld.idx.msk [tilespmem:v23+s13+$0x0], $0xffff;
	[tilespmem:s31+$0x2010] =	vst v21  }
0x3ab: {  	v21 =	vadd.s32 s1, v7;
	v15 =	vld.idx.msk [tilespmem:v25+s13+$0x0], $0xffff;
	[tilespmem:s10+$0x2050] =	vst v17  }
0x3ac: {  	v20 =	vadd.s32 s0, v4;
	v17 =	vld.idx.msk [tilespmem:v27+s13+$0x0], $0xffff;
	[tilespmem:s28+$0x2040] =	vst v26  }
0x3ad: {  	_ =	sdelay $0x2  }
0x3ae: {  	[tilespmem:s4+$0x2010] =	vst v18  }
0x3af: {  	[tilespmem:s8+$0xFFFFFFB0] =	vst v13;
	v5 =	vld.idx.msk [tilespmem:v21+s13+$0x0], $0xffff  }
0x3b0: {  	[tilespmem:s26+$0x2040] =	vst v9;
	v4 =	vadd.s32 s1, v4  }
0x3b1: {  	v6 =	vld.idx.msk [tilespmem:v19+s13+$0x0], $0xffff;
	[tilespmem:s22+$0xFFFFFFE0] =	vst v11  }
0x3b2: {  	v13 =	vld.idx.msk [tilespmem:v16+s13+$0x0], $0xffff;
	[tilespmem:s3+$0x2020] =	vst v14  }
0x3b3: {  	v40 =	vadd.s32 s30, v3;
	v7 =	vld.idx.msk [tilespmem:v20+s13+$0x0], $0xffff;
	[tilespmem:s31+$0x2020] =	vst v15  }
0x3b4: {  	v38 =	vadd.s32 s0, v3;
	v8 =	vld.idx.msk [tilespmem:v8+s13+$0x0], $0xffff;
	[tilespmem:s4+$0x2020] =	vst v5  }
0x3b5: {  	v39 =	vadd.s32 s11, v3;
	[tilespmem:s10+$0x2060] =	vst v17;
	v4 =	vld.idx.msk [tilespmem:v4+s13+$0x0], $0xffff  }
0x3b6: {  	v41 =	vadd.s32 s1, v3;
	v12 =	vld.idx.msk [tilespmem:v12+s13+$0x0], $0xffff;
	[tilespmem:s28+$0x2050] =	vst v6  }
0x3b7: {  	v42 =	vadd.s32 s29, v1;
	v10 =	vld.idx.msk [tilespmem:v10+s13+$0x0], $0xffff;
	[tilespmem:s8+$0xFFFFFFC0] =	vst v13  }
0x3b8: {  	v43 =	vadd.s32 s24, v1;
	v45 =	vld.idx.msk [tilespmem:v40+s13+$0x0], $0xffff;
	[tilespmem:s3+$0x2030] =	vst v7  }
0x3b9: {  	v47 =	vadd.s32 s30, v2;
	v9 =	vld.idx.msk [tilespmem:v38+s13+$0x0], $0xffff;
	[tilespmem:s31+$0x2030] =	vst v8  }
0x3ba: {  	v44 =	vadd.s32 s0, v2;
	v5 =	vld.idx.msk [tilespmem:v39+s13+$0x0], $0xffff;
	[tilespmem:s4+$0x2030] =	vst v4  }
0x3bb: {  	v46 =	vadd.s32 s11, v2;
	[tilespmem:s26+$0x2050] =	vst v12;
	v3 =	vld.idx.msk [tilespmem:v41+s13+$0x0], $0xffff  }
0x3bc: {  	v48 =	vadd.s32 s1, v2;
	v11 =	vld.idx.msk [tilespmem:v42+s13+$0x0], $0xffff;
	[tilespmem:s10+$0x2070] =	vst v10  }
0x3bd: {  	v49 =	vadd.s32 s25, v1;
	v7 =	vld.idx.msk [tilespmem:v43+s13+$0x0], $0xffff;
	[tilespmem:s6+$0xFFFFFFD0] =	vst v45  }
0x3be: {  	v50 =	vadd.s32 s29, v0;
	v52 =	vld.idx.msk [tilespmem:v47+s13+$0x0], $0xffff;
	[tilespmem:s3+$0x2040] =	vst v9  }
0x3bf: {  	v54 =	vadd.s32 s30, v1;
	v8 =	vld.idx.msk [tilespmem:v44+s13+$0x0], $0xffff;
	[tilespmem:s31+$0x2040] =	vst v5  }
0x3c0: {  	v51 =	vadd.s32 s0, v1;
	v5 =	vld.idx.msk [tilespmem:v46+s13+$0x0], $0xffff;
	[tilespmem:s4+$0x2040] =	vst v3  }
0x3c1: {  	v53 =	vadd.s32 s11, v1;
	[tilespmem:s28+$0x2060] =	vst v11;
	v2 =	vld.idx.msk [tilespmem:v48+s13+$0x0], $0xffff  }
0x3c2: {  	v55 =	vadd.s32 s1, v1;
	v10 =	vld.idx.msk [tilespmem:v49+s13+$0x0], $0xffff;
	[tilespmem:s22+$0xFFFFFFF0] =	vst v7  }
0x3c3: {  	v56 =	vadd.s32 s24, v0;
	v9 =	vld.idx.msk [tilespmem:v50+s13+$0x0], $0xffff;
	[tilespmem:s6+$0xFFFFFFE0] =	vst v52  }
0x3c4: {  	v57 =	vadd.s32 s25, v0;
	v3 =	vld.idx.msk [tilespmem:v54+s13+$0x0], $0xffff;
	[tilespmem:s3+$0x2050] =	vst v8  }
0x3c5: {  	v61 =	vadd.s32 s30, v0;
	v4 =	vld.idx.msk [tilespmem:v51+s13+$0x0], $0xffff;
	[tilespmem:s31+$0x2050] =	vst v5  }
0x3c6: {  	v58 =	vadd.s32 s0, v0;
	v59 =	vld.idx.msk [tilespmem:v53+s13+$0x0], $0xffff;
	[tilespmem:s4+$0x2050] =	vst v2  }
0x3c7: {  	v60 =	vadd.s32 s11, v0;
	[tilespmem:s26+$0x2060] =	vst v10;
	v1 =	vld.idx.msk [tilespmem:v55+s13+$0x0], $0xffff  }
0x3c8: {  	v62 =	vadd.s32 s1, v0;
	v7 =	vld.idx.msk [tilespmem:v56+s13+$0x0], $0xffff;
	[tilespmem:s28+$0x2070] =	vst v9  }
0x3c9: {  	v8 =	vld.idx.msk [tilespmem:v57+s13+$0x0], $0xffff;
	[tilespmem:s6+$0xFFFFFFF0] =	vst v3  }
0x3ca: {  	v2 =	vld.idx.msk [tilespmem:v61+s13+$0x0], $0xffff;
	[tilespmem:s3+$0x2060] =	vst v4  }
0x3cb: {  	v4 =	vld.idx.msk [tilespmem:v58+s13+$0x0], $0xffff;
	[tilespmem:s31+$0x2060] =	vst v59  }
0x3cc: {  	v63 =	vld.idx.msk [tilespmem:v60+s13+$0x0], $0xffff;
	[tilespmem:s4+$0x2060] =	vst v1  }
0x3cd: {  	s21 =	sadd.s32 $0x1, s21;
	[tilespmem:s22+$0x0] =	vst v7;
	v0 =	vld.idx.msk [tilespmem:v62+s13+$0x0], $0xffff  }
0x3ce: {  	p0 =	sne.s32 s21, $0x32;
	[tilespmem:s26+$0x2070] =	vst v8  }
.Ltmp8:
0x3cf: {  	s29 =	sshll.u32 s23, $0x12;
	[tilespmem:s6+$0x0] =	vst v2;
	(pc) =	sbr.rel @p0 .LBB2_10-.Ltmp8, $4  }
0x3d0: {  	s0 =	sor.u32 s7, s29;
	[tilespmem:s3+$0x2070] =	vst v4  }
0x3d1: {  	s18 =	smov.u32 s19;
	s30 =	simm.s32 $0x400;
	s0 =	sshrl.u32 s0, $0x3;
	[tilespmem:s31+$0x2070] =	vst v63  }
0x3d2: {  	s2 =	simm.s32 $0x8000;
	s0 =	sadd.s32 s19, s0;
	s31 =	simm.s32 $0x1A400;
	[tilespmem:s4+$0x2070] =	vst v0  }
0x3d3: {  	[hbm4b:s0+s30] =	stream.strided.scatter [tilespmem:s31], [sflag:$0x2], $0x4000, s2, s30, $0x38;
	[tilespmem:$0x1E400] =	vst v63  }
0x3d4: {  	s0 =	simm.s32 $0x1  }
0x3d5: {  	_ =	swait.ge [sflag:s0], $0x4000  }
0x3d6: {  	[sflag:s0] =	ssyncset.done $0x0  }
0x3d7: {  	s1 =	simm.s32 $0x2;
	[sflag:s0] =	ssyncadd.s32 $0xFFFFC000  }
0x3d8: {  	_ =	swait.ge [sflag:s1], $0x4000  }
0x3d9: {  	s2 =	rddreg [dreg:$0x8]  }
0x3da: {  	s31 =	rddreg [dreg:$0x7];
	s2 =	sadd.s32 $0x1, s2  }
0x3db: {  	p0 =	sne.s32 s2, s31  }
.Ltmp9:
0x3dc: {  	_ = 	snop;
	(pc) =	sbr.rel @p0 .LBB2_1-.Ltmp9, $3  }
0x3dd: {  	_ =	sdelay $0x1  }
0x3de: {  	[sflag:s1] =	ssyncset.done $0x0  }
0x3df: {  	[sflag:s1] =	ssyncadd.s32 $0xFFFFC000  }
0x3e0: {  	_ =	sfence.sel $0x180000  }
0x3e1: {  	[bflag:$0x0] =	sbarrier.arrive $0xFFFF  }
0x3e2: {  	_ =	strace $0x90000047  }
0x3e3: {  	s0 =	stileid.u32;
	[bflag:$0x2] =	sbarrier.arrive $0xFFFF  }
0x3e4: {  	p0 =	sne.s32 s0, $0x0;
	s0 =	rddreg [dreg:$0x2]  }
0x3e5: {  	s0 =	sadd.s32 @!p0 $0x100000, s0  }
0x3e6: {  	[sflag:s0] =	ssyncadd.tile.s32 @!p0 $0x1;
	_ =	shalt  }
.Lfunc_end2:
_tile_overlayer_lowered:
.L_overlay_start_2:
0x3e7: {  	(tag) =	ssettag $0x2  }
0x3e8: {  	s0 =	rddreg [dreg:$0x0];
	s2 =	stileid.u32  }
0x3e9: {  	s1 =	rddreg [dreg:$0x1];
	p0 =	sne.s32 s2, $0x0  }
0x3ea: {  	s3 =	rddreg [dreg:$0x2];
	[bflag:$0x3] =	sbarrier.arrive $0xFFFF;
	s2 =	simm.s32 @!p0 $0x1C03  }
0x3eb: {  	[timem:s3], [sflag:s2] =	dma.local @!p0 [hbm:s0], s1  }
0x3ec: {  	s0 =	simm.s32 @!p0 $0x3  }
0x3ed: {  	_ =	swait.ge @!p0 [sflag:s0], s1  }
0x3ee: {  	s1 =	ssub.s32 @!p0 $0x0, s1;
	[sflag:s0] =	ssyncset.done @!p0 $0x0  }
0x3ef: {  	[sflag:s0] =	ssyncadd.s32 @!p0 s1  }
0x3f0: {  	[bflag:$0x3] =	sbarrier.arrive $0xFFFF  }
0x3f1: {  	_ =	shalt  }

</sc_bundles>
